<compile_context>
chip_gen: v7x
topology: tpu7x:2x2x1
jax: 0.10.2.dev20260603
libtpu: 0.0.44.dev20260713+nightly
codegen_flags: <defaults>
</compile_context>

<pallas_src>
import functools
import math

import jax
import jax.numpy as jnp
from jax import lax
from jax.experimental import pallas as pl
from jax.experimental.pallas import tpu as pltpu
from jax.experimental.pallas import tpu_sc as plsc

N = 50000
E = 800000
IN = 128
H = 64
OUT = 64
L = 4
ALPHA = 0.1
THETA = 0.5

NC = 2
NS = 16
CHUNK = 128
EDGES_PER_TILE = -(-E // (NS * CHUNK)) * CHUNK
E_PAD = EDGES_PER_TILE * NS
N_CHUNKS = EDGES_PER_TILE // CHUNK
GRP = 8

SPLIT = 25024
HALF0 = SPLIT
HALF1 = N - SPLIT
ACC_ROWS = 25088
S0_BIG, S0_LAST = 1568, HALF0 - 15 * 1568
S1_BIG, S1_LAST = 1560, HALF1 - 15 * 1560
ZROWS = ACC_ROWS // NS

ROWBLK = 1000


def _sc_mesh():
    return plsc.VectorSubcoreMesh(core_axis_name="c", subcore_axis_name="s")


def _copy_out(c, s, acc, out_hbm):
    @pl.when(c == 0)
    def _():
        @pl.when(s < NS - 1)
        def _():
            pltpu.sync_copy(acc.at[pl.ds(s * S0_BIG, S0_BIG)],
                            out_hbm.at[pl.ds(s * S0_BIG, S0_BIG)])

        @pl.when(s == NS - 1)
        def _():
            pltpu.sync_copy(acc.at[pl.ds(15 * S0_BIG, S0_LAST)],
                            out_hbm.at[pl.ds(15 * S0_BIG, S0_LAST)])

    @pl.when(c == 1)
    def _():
        @pl.when(s < NS - 1)
        def _():
            pltpu.sync_copy(acc.at[pl.ds(s * S1_BIG, S1_BIG)],
                            out_hbm.at[pl.ds(SPLIT + s * S1_BIG, S1_BIG)])

        @pl.when(s == NS - 1)
        def _():
            pltpu.sync_copy(acc.at[pl.ds(15 * S1_BIG, S1_LAST)],
                            out_hbm.at[pl.ds(SPLIT + 15 * S1_BIG, S1_LAST)])


def _sc_deg_body(col_hbm, ones_hbm, zeros_hbm, deg_hbm, colv, lvv, onesv, acc):
    c = lax.axis_index("c")
    s = lax.axis_index("s")
    pltpu.sync_copy(zeros_hbm, acc.at[pl.ds(s * ZROWS, ZROWS)])
    pltpu.sync_copy(ones_hbm, onesv)
    plsc.subcore_barrier()

    half = jnp.where(c == 0, SPLIT, N - SPLIT)
    base_node = c * SPLIT

    def step(k, carry):
        base = s * EDGES_PER_TILE + k * CHUNK
        pltpu.sync_copy(col_hbm.at[pl.ds(base, CHUNK)], colv)
        for j in range(CHUNK // 16):
            v = colv[pl.ds(j * 16, 16)] - base_node
            ok = (v >= 0) & (v < half)
            lvv[pl.ds(j * 16, 16)] = jnp.where(ok, v, SPLIT)
        pltpu.sync_copy(onesv, acc.at[lvv], add=True)
        return carry

    lax.fori_loop(0, N_CHUNKS, step, 0)
    plsc.subcore_barrier()

    _copy_out(c, s, acc, deg_hbm)


_sc_deg = pl.kernel(
    _sc_deg_body,
    out_type=jax.ShapeDtypeStruct((N, 16), jnp.float32),
    mesh=_sc_mesh(),
    compiler_params=pltpu.CompilerParams(use_tc_tiling_on_sc=False),
    scratch_types=[
        pltpu.VMEM((CHUNK,), jnp.int32),
        pltpu.VMEM((CHUNK,), jnp.int32),
        pltpu.VMEM((CHUNK, 16), jnp.float32),
        pltpu.VMEM_SHARED((ACC_ROWS, 16), jnp.float32),
    ],
)


def _sc_agg_body(hs_hbm, row_hbm, col_hbm, zeros_hbm, s_hbm,
                 colv, rowv, lvv, rows_a, acc, sem_a):
    c = lax.axis_index("c")
    s = lax.axis_index("s")
    for z in range(4):
        pltpu.sync_copy(zeros_hbm,
                        acc.at[pl.ds(s * ZROWS + z * (ZROWS // 4), ZROWS // 4)])
    plsc.subcore_barrier()

    half = jnp.where(c == 0, SPLIT, N - SPLIT)
    base_node = c * SPLIT
    tile_base = s * EDGES_PER_TILE

    def step(k, carry):
        base = tile_base + k * CHUNK
        pltpu.sync_copy(row_hbm.at[pl.ds(base, CHUNK)], rowv)
        d = pltpu.async_copy(hs_hbm.at[rowv], rows_a, sem_a)
        pltpu.sync_copy(col_hbm.at[pl.ds(base, CHUNK)], colv)
        for j in range(CHUNK // 16):
            v = colv[pl.ds(j * 16, 16)] - base_node
            ok = (v >= 0) & (v < half)
            lvv[pl.ds(j * 16, 16)] = jnp.where(ok, v, SPLIT)
        d.wait()
        pltpu.sync_copy(rows_a, acc.at[lvv], add=True)
        return carry

    lax.fori_loop(0, N_CHUNKS, step, 0)
    plsc.subcore_barrier()

    _copy_out(c, s, acc, s_hbm)


_sc_agg = pl.kernel(
    _sc_agg_body,
    out_type=jax.ShapeDtypeStruct((N, H), jnp.float32),
    mesh=_sc_mesh(),
    compiler_params=pltpu.CompilerParams(use_tc_tiling_on_sc=False),
    scratch_types=[
        pltpu.VMEM((CHUNK,), jnp.int32),
        pltpu.VMEM((CHUNK,), jnp.int32),
        pltpu.VMEM((CHUNK,), jnp.int32),
        pltpu.VMEM((CHUNK, H), jnp.float32),
        pltpu.VMEM_SHARED((ACC_ROWS, H), jnp.float32),
        pltpu.SemaphoreType.DMA,
    ],
)


def _tc_in_body(x_ref, w_ref, b_ref, deg_ref, h_ref, hs_ref):
    h = jnp.dot(x_ref[...], w_ref[...],
                preferred_element_type=jnp.float32,
                precision=lax.Precision.HIGHEST)
    h = jnp.maximum(h + b_ref[...], 0.0)
    dinv = lax.rsqrt(deg_ref[:, 0:1] + 1.0)
    h_ref[...] = h
    hs_ref[...] = h * dinv


def _tc_in(x, w0, b0, deg):
    grid = (N // ROWBLK,)
    return pl.pallas_call(
        _tc_in_body,
        grid=grid,
        in_specs=[
            pl.BlockSpec((ROWBLK, IN), lambda i: (i, 0)),
            pl.BlockSpec((IN, H), lambda i: (0, 0)),
            pl.BlockSpec((1, H), lambda i: (0, 0)),
            pl.BlockSpec((ROWBLK, 16), lambda i: (i, 0)),
        ],
        out_specs=[
            pl.BlockSpec((ROWBLK, H), lambda i: (i, 0)),
            pl.BlockSpec((ROWBLK, H), lambda i: (i, 0)),
        ],
        out_shape=[
            jax.ShapeDtypeStruct((N, H), jnp.float32),
            jax.ShapeDtypeStruct((N, H), jnp.float32),
        ],
    )(x, w0, b0.reshape(1, H), deg)


def _tc_layer_body(beta, s_ref, hs_ref, x0_ref, deg_ref, w_ref,
                   gam_ref, bet_ref, mu_ref, var_ref, h_ref, hsn_ref):
    dinv = lax.rsqrt(deg_ref[:, 0:1] + 1.0)
    agg = dinv * (s_ref[...] + hs_ref[...])
    out = (1.0 - ALPHA) * agg + ALPHA * x0_ref[...]
    t = (1.0 - beta) * out + beta * jnp.dot(
        out, w_ref[...], preferred_element_type=jnp.float32,
        precision=lax.Precision.HIGHEST)
    scale = gam_ref[...] * lax.rsqrt(var_ref[...] + 1e-5)
    t = (t - mu_ref[...]) * scale + bet_ref[...]
    h = jnp.maximum(t, 0.0)
    h_ref[...] = h
    hsn_ref[...] = h * dinv


def _tc_layer(beta, s, hs, x0, deg, w, gam, bet, mu, var):
    grid = (N // ROWBLK,)
    rb = lambda i: (i, 0)
    z = lambda i: (0, 0)
    return pl.pallas_call(
        functools.partial(_tc_layer_body, beta),
        grid=grid,
        in_specs=[
            pl.BlockSpec((ROWBLK, H), rb),
            pl.BlockSpec((ROWBLK, H), rb),
            pl.BlockSpec((ROWBLK, H), rb),
            pl.BlockSpec((ROWBLK, 16), rb),
            pl.BlockSpec((H, H), z),
            pl.BlockSpec((1, H), z),
            pl.BlockSpec((1, H), z),
            pl.BlockSpec((1, H), z),
            pl.BlockSpec((1, H), z),
        ],
        out_specs=[
            pl.BlockSpec((ROWBLK, H), rb),
            pl.BlockSpec((ROWBLK, H), rb),
        ],
        out_shape=[
            jax.ShapeDtypeStruct((N, H), jnp.float32),
            jax.ShapeDtypeStruct((N, H), jnp.float32),
        ],
    )(s, hs, x0, deg, w, gam.reshape(1, H), bet.reshape(1, H),
      mu.reshape(1, H), var.reshape(1, H))


def _tc_out_body(h_ref, w_ref, b_ref, y_ref):
    y_ref[...] = jnp.dot(h_ref[...], w_ref[...],
                         preferred_element_type=jnp.float32,
                         precision=lax.Precision.HIGHEST) + b_ref[...]


def _tc_out(h, w, b):
    grid = (N // ROWBLK,)
    return pl.pallas_call(
        _tc_out_body,
        grid=grid,
        in_specs=[
            pl.BlockSpec((ROWBLK, H), lambda i: (i, 0)),
            pl.BlockSpec((H, OUT), lambda i: (0, 0)),
            pl.BlockSpec((1, OUT), lambda i: (0, 0)),
        ],
        out_specs=pl.BlockSpec((ROWBLK, OUT), lambda i: (i, 0)),
        out_shape=jax.ShapeDtypeStruct((N, OUT), jnp.float32),
    )(h, w, b.reshape(1, OUT))


def kernel(x, edge_index, W0, b0, Wl, bn_gamma, bn_beta, bn_mean, bn_var,
           W_out, b_out):
    row = edge_index[0]
    col = edge_index[1]
    row_pad = jnp.concatenate(
        [row, jnp.zeros((E_PAD - E,), jnp.int32)])
    col_pad = jnp.concatenate(
        [col, jnp.full((E_PAD - E,), -1, jnp.int32)])

    ones16 = jnp.ones((CHUNK, 16), jnp.float32)
    zeros16 = jnp.zeros((ZROWS, 16), jnp.float32)
    zeros64 = jnp.zeros((ZROWS // 4, H), jnp.float32)

    deg = _sc_deg(col_pad, ones16, zeros16)
    h, hs = _tc_in(x, W0, b0, deg)
    x0 = h

    for i in range(L):
        beta = float(math.log(THETA / (i + 1) + 1.0))
        s = _sc_agg(hs, row_pad, col_pad, zeros64)
        h, hs = _tc_layer(beta, s, hs, x0, deg, Wl[i], bn_gamma[i],
                          bn_beta[i], bn_mean[i], bn_var[i])

    return _tc_out(h, W_out, b_out)

# --- scband reference (transcript-rebuilt; emitter-appended) ---
"""Pipeline reference for scband-gcnii-33217277067913 (READ-ONLY COPY).

The authoritative reference and input builder live on the scoring server;
editing this copy changes nothing except your own understanding.
"""

import jax, jax.numpy as jnp
import numpy as np

N = 50000
E = 800000
IN = 128
H = 64
OUT = 64
L = 4
ALPHA = 0.1
THETA = 0.5


def setup_inputs(seed: int = 0) -> dict:
    key = jax.random.key(seed)
    ks = jax.random.split(key, 8)
    x = jax.random.normal(ks[0], (N, IN), dtype=jnp.float32)
    edge_index = jax.random.randint(ks[1], (2, E), 0, N, dtype=jnp.int32)
    s_in = 1.0 / np.sqrt(IN)
    s_h = 1.0 / np.sqrt(H)
    W0 = jax.random.uniform(ks[2], (IN, H), jnp.float32, -s_in, s_in)
    b0 = jax.random.uniform(ks[3], (H,), jnp.float32, -s_in, s_in)
    Wl = jax.random.normal(ks[4], (L, H, H), dtype=jnp.float32) * s_h
    bn_gamma = jnp.ones((L, H), jnp.float32)
    bn_beta = jnp.zeros((L, H), jnp.float32)
    bn_mean = jnp.zeros((L, H), jnp.float32)
    bn_var = jnp.ones((L, H), jnp.float32)
    W_out = jax.random.uniform(ks[5], (H, OUT), jnp.float32, -s_h, s_h)
    b_out = jax.random.uniform(ks[6], (OUT,), jnp.float32, -s_h, s_h)
    return {"x": x, "edge_index": edge_index, "W0": W0, "b0": b0, "Wl": Wl,
            "bn_gamma": bn_gamma, "bn_beta": bn_beta, "bn_mean": bn_mean,
            "bn_var": bn_var, "W_out": W_out, "b_out": b_out}


def reference(x, edge_index, W0, b0, Wl, bn_gamma, bn_beta, bn_mean, bn_var, W_out, b_out):
    n = x.shape[0]
    # gcn_norm with add_self_loops=True (PyG default in this call)
    loop = jnp.arange(n, dtype=edge_index.dtype)
    row = jnp.concatenate([edge_index[0], loop])
    col = jnp.concatenate([edge_index[1], loop])
    w = jnp.ones(row.shape[0], dtype=x.dtype)
    deg = jax.ops.segment_sum(w, col, num_segments=n)
    dinv = jnp.where(deg > 0, 1.0 / jnp.sqrt(deg), 0.0)
    norm = dinv[row] * w * dinv[col]
    # eval mode: dropout = identity
    h = jax.nn.relu(x @ W0 + b0)
    x0 = h
    for i in range(L):
        # adj_t @ h: out[dst] = sum_{e: col[e]=dst} norm[e] * h[row[e]]
        agg = jax.ops.segment_sum(norm[:, None] * h[row], col, num_segments=n)
        out = (1.0 - ALPHA) * agg + ALPHA * x0
        beta = float(np.log(THETA / (i + 1) + 1.0))
        h2 = (1.0 - beta) * out + beta * (out @ Wl[i])
        # BatchNorm1d eval with running stats
        h2 = (h2 - bn_mean[i]) / jnp.sqrt(bn_var[i] + 1e-5) * bn_gamma[i] + bn_beta[i]
        h = jax.nn.relu(h2)
    return h @ W_out + b_out

if __name__ == "__main__":
    import jax
    _d = setup_inputs()
    print(jax.jit(kernel)(*tuple(_d.values())))

</pallas_src>

<mosaic_0001>
#map = affine_map<(d0, d1) -> (0)>
#map1 = affine_map<(d0, d1) -> (0, 0)>
module attributes {stable_mosaic.version = 14 : i64} {
  func.func @_sc_deg_body(%arg0: i32, %arg1: i32, %arg2: memref<800768xi32, #tpu.memory_space<hbm>>, %arg3: memref<128x16xf32, #tpu.memory_space<hbm>>, %arg4: memref<1568x16xf32, #tpu.memory_space<hbm>>, %arg5: memref<50000x16xf32, #tpu.memory_space<hbm>>, %arg6: memref<128xi32, #tpu.memory_space<vmem>>, %arg7: memref<128xi32, #tpu.memory_space<vmem>>, %arg8: memref<128x16xf32, #tpu.memory_space<vmem>>, %arg9: memref<25088x16xf32, #tpu.memory_space<vmem_shared>>) attributes {dimension_semantics = [#tpu.dimension_semantics<core_parallel>, #tpu.dimension_semantics<subcore_parallel>], iteration_bounds = array<i64: 2, 16>, scalar_prefetch = 0 : i64, scratch_operands = 4 : i64, tpu.core_type = #tpu.core_type<sc_vector_subcore>, window_params = [{transform_indices = #map}, {transform_indices = #map1}, {transform_indices = #map1}, {transform_indices = #map1}]} {
    %mul3A = arith.constant 1568 : i32
    %mul3A_0 = arith.muli %arg1, %mul3A : i32
    "tpu.region"() ({
      %run_scoped3A = tpu.sem_alloc : memref<!tpu.dma_semaphore, #tpu.memory_space<semaphore_mem>>
      %dma_start3A = arith.constant 0 : i32
      %dma_start3A_19 = tpu.memref_slice %arg9[%mul3A_0, %dma_start3A] : memref<25088x16xf32, #tpu.memory_space<vmem_shared>> -> memref<1568x16xf32, #tpu.memory_space<vmem_shared>>
      tpu.enqueue_dma source(%arg4 : memref<1568x16xf32, #tpu.memory_space<hbm>>) target(%dma_start3A_19 : memref<1568x16xf32, #tpu.memory_space<vmem_shared>>) target_semaphore(%run_scoped3A : memref<!tpu.dma_semaphore, #tpu.memory_space<semaphore_mem>>)
      %dma_wait3A = arith.constant 0 : i32
      %dma_wait3A_20 = tpu.memref_slice %arg9[%mul3A_0, %dma_wait3A] : memref<25088x16xf32, #tpu.memory_space<vmem_shared>> -> memref<1568x16xf32, #tpu.memory_space<vmem_shared>>
      tpu.wait_dma2 semaphore(%run_scoped3A : memref<!tpu.dma_semaphore, #tpu.memory_space<semaphore_mem>>) src(%arg4 : memref<1568x16xf32, #tpu.memory_space<hbm>>) dst(%dma_wait3A_20 : memref<1568x16xf32, #tpu.memory_space<vmem_shared>>)
      tpu.yield
    }) : () -> ()
    "tpu.region"() ({
      %run_scoped3A = tpu.sem_alloc : memref<!tpu.dma_semaphore, #tpu.memory_space<semaphore_mem>>
      tpu.enqueue_dma source(%arg3 : memref<128x16xf32, #tpu.memory_space<hbm>>) target(%arg8 : memref<128x16xf32, #tpu.memory_space<vmem>>) target_semaphore(%run_scoped3A : memref<!tpu.dma_semaphore, #tpu.memory_space<semaphore_mem>>)
      tpu.wait_dma2 semaphore(%run_scoped3A : memref<!tpu.dma_semaphore, #tpu.memory_space<semaphore_mem>>) src(%arg3 : memref<128x16xf32, #tpu.memory_space<hbm>>) dst(%arg8 : memref<128x16xf32, #tpu.memory_space<vmem>>)
      tpu.yield
    }) : () -> ()
    %barrier3A = arith.constant 0 : index
    tpu.barrier barrier_id(%barrier3A)
    %eq3A = arith.constant 0 : i32
    %eq3A_1 = arith.cmpi eq, %arg0, %eq3A : i32
    %jit3A = arith.constant 25024 : i32
    %jit3A_2 = arith.constant 24976 : i32
    %select_n3A = arith.select %eq3A_1, %jit3A, %jit3A_2 : i32
    %mul3A_3 = arith.constant 25024 : i32
    %mul3A_4 = arith.muli %arg0, %mul3A_3 : i32
    %scan3A = arith.constant 0 : i32
    %scan3A_5 = arith.constant 0 : i32
    %scan3A_6 = arith.constant 391 : i32
    %scan3A_7 = arith.addi %scan3A_5, %scan3A_6 : i32
    %scan3A_8 = arith.constant 1 : i32
    scf.for %scan3A_19 = %scan3A_5 to %scan3A_7 step %scan3A_8  : i32 {
      %mul3A_20 = arith.constant 50048 : i32
      %mul3A_21 = arith.muli %arg1, %mul3A_20 : i32
      %mul3A_22 = arith.constant 128 : i32
      %mul3A_23 = arith.muli %scan3A_19, %mul3A_22 : i32
      %add3A = arith.addi %mul3A_21, %mul3A_23 : i32
      "tpu.region"() ({
        %run_scoped3A = tpu.sem_alloc : memref<!tpu.dma_semaphore, #tpu.memory_space<semaphore_mem>>
        %dma_start3A = tpu.memref_slice %arg2[%add3A] : memref<800768xi32, #tpu.memory_space<hbm>> -> memref<128xi32, #tpu.memory_space<hbm>>
        %dma_start3A_161 = tpu.memref_slice %arg2[%add3A] : memref<800768xi32, #tpu.memory_space<hbm>> -> memref<128xi32, #tpu.memory_space<hbm>>
        tpu.enqueue_dma source(%dma_start3A_161 : memref<128xi32, #tpu.memory_space<hbm>>) target(%arg6 : memref<128xi32, #tpu.memory_space<vmem>>) target_semaphore(%run_scoped3A : memref<!tpu.dma_semaphore, #tpu.memory_space<semaphore_mem>>)
        %dma_wait3A = tpu.memref_slice %arg2[%add3A] : memref<800768xi32, #tpu.memory_space<hbm>> -> memref<128xi32, #tpu.memory_space<hbm>>
        %dma_wait3A_162 = tpu.memref_slice %arg2[%add3A] : memref<800768xi32, #tpu.memory_space<hbm>> -> memref<128xi32, #tpu.memory_space<hbm>>
        tpu.wait_dma2 semaphore(%run_scoped3A : memref<!tpu.dma_semaphore, #tpu.memory_space<semaphore_mem>>) src(%dma_wait3A_162 : memref<128xi32, #tpu.memory_space<hbm>>) dst(%arg6 : memref<128xi32, #tpu.memory_space<vmem>>)
        tpu.yield
      }) : () -> ()
      %get3A = arith.constant 0 : index
      %get3A_24 = tpu.vector_load %arg6[%get3A] {strides = array<i32>} : memref<128xi32, #tpu.memory_space<vmem>>, vector<16xi32>,
      %get3A_25 = vector.shape_cast %get3A_24 : vector<16xi32> to vector<16xi32>
      %sub3A = vector.broadcast %mul3A_4 : i32 to vector<16xi32>
      %sub3A_26 = arith.subi %get3A_25, %sub3A : vector<16xi32>
      %ge3A = arith.constant 0 : i32
      %ge3A_27 = vector.broadcast %ge3A : i32 to vector<16xi32>
      %ge3A_28 = arith.cmpi sge, %sub3A_26, %ge3A_27 : vector<16xi32>
      %lt3A = vector.broadcast %select_n3A : i32 to vector<16xi32>
      %lt3A_29 = arith.cmpi slt, %sub3A_26, %lt3A : vector<16xi32>
      %and3A = arith.andi %ge3A_28, %lt3A_29 : vector<16xi1>
      %jit3A_30 = arith.constant 25024 : i32
      %broadcast_in_dim3A = vector.broadcast %jit3A_30 : i32 to vector<16xi32>
      %select_n3A_31 = arith.select %and3A, %sub3A_26, %broadcast_in_dim3A : vector<16xi1>, vector<16xi32>
      %swap3A = arith.constant 0 : index
      %swap3A_32 = tpu.vector_load %arg7[%swap3A] {strides = array<i32>} : memref<128xi32, #tpu.memory_space<vmem>>, vector<16xi32>,
      %swap3A_33 = vector.shape_cast %swap3A_32 : vector<16xi32> to vector<16xi32>
      %swap3A_34 = vector.shape_cast %select_n3A_31 : vector<16xi32> to vector<16xi32>
      tpu.vector_store %arg7[%swap3A], %swap3A_34 {strides = array<i32>} : memref<128xi32, #tpu.memory_space<vmem>>, vector<16xi32>,
      %get3A_35 = arith.constant 16 : index
      %get3A_36 = tpu.vector_load %arg6[%get3A_35] {strides = array<i32>} : memref<128xi32, #tpu.memory_space<vmem>>, vector<16xi32>,
      %get3A_37 = vector.shape_cast %get3A_36 : vector<16xi32> to vector<16xi32>
      %sub3A_38 = vector.broadcast %mul3A_4 : i32 to vector<16xi32>
      %sub3A_39 = arith.subi %get3A_37, %sub3A_38 : vector<16xi32>
      %ge3A_40 = arith.constant 0 : i32
      %ge3A_41 = vector.broadcast %ge3A_40 : i32 to vector<16xi32>
      %ge3A_42 = arith.cmpi sge, %sub3A_39, %ge3A_41 : vector<16xi32>
      %lt3A_43 = vector.broadcast %select_n3A : i32 to vector<16xi32>
      %lt3A_44 = arith.cmpi slt, %sub3A_39, %lt3A_43 : vector<16xi32>
      %and3A_45 = arith.andi %ge3A_42, %lt3A_44 : vector<16xi1>
      %jit3A_46 = arith.constant 25024 : i32
      %broadcast_in_dim3A_47 = vector.broadcast %jit3A_46 : i32 to vector<16xi32>
      %select_n3A_48 = arith.select %and3A_45, %sub3A_39, %broadcast_in_dim3A_47 : vector<16xi1>, vector<16xi32>
      %swap3A_49 = arith.constant 16 : index
      %swap3A_50 = tpu.vector_load %arg7[%swap3A_49] {strides = array<i32>} : memref<128xi32, #tpu.memory_space<vmem>>, vector<16xi32>,
      %swap3A_51 = vector.shape_cast %swap3A_50 : vector<16xi32> to vector<16xi32>
      %swap3A_52 = vector.shape_cast %select_n3A_48 : vector<16xi32> to vector<16xi32>
      tpu.vector_store %arg7[%swap3A_49], %swap3A_52 {strides = array<i32>} : memref<128xi32, #tpu.memory_space<vmem>>, vector<16xi32>,
      %get3A_53 = arith.constant 32 : index
      %get3A_54 = tpu.vector_load %arg6[%get3A_53] {strides = array<i32>} : memref<128xi32, #tpu.memory_space<vmem>>, vector<16xi32>,
      %get3A_55 = vector.shape_cast %get3A_54 : vector<16xi32> to vector<16xi32>
      %sub3A_56 = vector.broadcast %mul3A_4 : i32 to vector<16xi32>
      %sub3A_57 = arith.subi %get3A_55, %sub3A_56 : vector<16xi32>
      %ge3A_58 = arith.constant 0 : i32
      %ge3A_59 = vector.broadcast %ge3A_58 : i32 to vector<16xi32>
      %ge3A_60 = arith.cmpi sge, %sub3A_57, %ge3A_59 : vector<16xi32>
      %lt3A_61 = vector.broadcast %select_n3A : i32 to vector<16xi32>
      %lt3A_62 = arith.cmpi slt, %sub3A_57, %lt3A_61 : vector<16xi32>
      %and3A_63 = arith.andi %ge3A_60, %lt3A_62 : vector<16xi1>
      %jit3A_64 = arith.constant 25024 : i32
      %broadcast_in_dim3A_65 = vector.broadcast %jit3A_64 : i32 to vector<16xi32>
      %select_n3A_66 = arith.select %and3A_63, %sub3A_57, %broadcast_in_dim3A_65 : vector<16xi1>, vector<16xi32>
      %swap3A_67 = arith.constant 32 : index
      %swap3A_68 = tpu.vector_load %arg7[%swap3A_67] {strides = array<i32>} : memref<128xi32, #tpu.memory_space<vmem>>, vector<16xi32>,
      %swap3A_69 = vector.shape_cast %swap3A_68 : vector<16xi32> to vector<16xi32>
      %swap3A_70 = vector.shape_cast %select_n3A_66 : vector<16xi32> to vector<16xi32>
      tpu.vector_store %arg7[%swap3A_67], %swap3A_70 {strides = array<i32>} : memref<128xi32, #tpu.memory_space<vmem>>, vector<16xi32>,
      %get3A_71 = arith.constant 48 : index
      %get3A_72 = tpu.vector_load %arg6[%get3A_71] {strides = array<i32>} : memref<128xi32, #tpu.memory_space<vmem>>, vector<16xi32>,
      %get3A_73 = vector.shape_cast %get3A_72 : vector<16xi32> to vector<16xi32>
      %sub3A_74 = vector.broadcast %mul3A_4 : i32 to vector<16xi32>
      %sub3A_75 = arith.subi %get3A_73, %sub3A_74 : vector<16xi32>
      %ge3A_76 = arith.constant 0 : i32
      %ge3A_77 = vector.broadcast %ge3A_76 : i32 to vector<16xi32>
      %ge3A_78 = arith.cmpi sge, %sub3A_75, %ge3A_77 : vector<16xi32>
      %lt3A_79 = vector.broadcast %select_n3A : i32 to vector<16xi32>
      %lt3A_80 = arith.cmpi slt, %sub3A_75, %lt3A_79 : vector<16xi32>
      %and3A_81 = arith.andi %ge3A_78, %lt3A_80 : vector<16xi1>
      %jit3A_82 = arith.constant 25024 : i32
      %broadcast_in_dim3A_83 = vector.broadcast %jit3A_82 : i32 to vector<16xi32>
      %select_n3A_84 = arith.select %and3A_81, %sub3A_75, %broadcast_in_dim3A_83 : vector<16xi1>, vector<16xi32>
      %swap3A_85 = arith.constant 48 : index
      %swap3A_86 = tpu.vector_load %arg7[%swap3A_85] {strides = array<i32>} : memref<128xi32, #tpu.memory_space<vmem>>, vector<16xi32>,
      %swap3A_87 = vector.shape_cast %swap3A_86 : vector<16xi32> to vector<16xi32>
      %swap3A_88 = vector.shape_cast %select_n3A_84 : vector<16xi32> to vector<16xi32>
      tpu.vector_store %arg7[%swap3A_85], %swap3A_88 {strides = array<i32>} : memref<128xi32, #tpu.memory_space<vmem>>, vector<16xi32>,
      %get3A_89 = arith.constant 64 : index
      %get3A_90 = tpu.vector_load %arg6[%get3A_89] {strides = array<i32>} : memref<128xi32, #tpu.memory_space<vmem>>, vector<16xi32>,
      %get3A_91 = vector.shape_cast %get3A_90 : vector<16xi32> to vector<16xi32>
      %sub3A_92 = vector.broadcast %mul3A_4 : i32 to vector<16xi32>
      %sub3A_93 = arith.subi %get3A_91, %sub3A_92 : vector<16xi32>
      %ge3A_94 = arith.constant 0 : i32
      %ge3A_95 = vector.broadcast %ge3A_94 : i32 to vector<16xi32>
      %ge3A_96 = arith.cmpi sge, %sub3A_93, %ge3A_95 : vector<16xi32>
      %lt3A_97 = vector.broadcast %select_n3A : i32 to vector<16xi32>
      %lt3A_98 = arith.cmpi slt, %sub3A_93, %lt3A_97 : vector<16xi32>
      %and3A_99 = arith.andi %ge3A_96, %lt3A_98 : vector<16xi1>
      %jit3A_100 = arith.constant 25024 : i32
      %broadcast_in_dim3A_101 = vector.broadcast %jit3A_100 : i32 to vector<16xi32>
      %select_n3A_102 = arith.select %and3A_99, %sub3A_93, %broadcast_in_dim3A_101 : vector<16xi1>, vector<16xi32>
      %swap3A_103 = arith.constant 64 : index
      %swap3A_104 = tpu.vector_load %arg7[%swap3A_103] {strides = array<i32>} : memref<128xi32, #tpu.memory_space<vmem>>, vector<16xi32>,
      %swap3A_105 = vector.shape_cast %swap3A_104 : vector<16xi32> to vector<16xi32>
      %swap3A_106 = vector.shape_cast %select_n3A_102 : vector<16xi32> to vector<16xi32>
      tpu.vector_store %arg7[%swap3A_103], %swap3A_106 {strides = array<i32>} : memref<128xi32, #tpu.memory_space<vmem>>, vector<16xi32>,
      %get3A_107 = arith.constant 80 : index
      %get3A_108 = tpu.vector_load %arg6[%get3A_107] {strides = array<i32>} : memref<128xi32, #tpu.memory_space<vmem>>, vector<16xi32>,
      %get3A_109 = vector.shape_cast %get3A_108 : vector<16xi32> to vector<16xi32>
      %sub3A_110 = vector.broadcast %mul3A_4 : i32 to vector<16xi32>
      %sub3A_111 = arith.subi %get3A_109, %sub3A_110 : vector<16xi32>
      %ge3A_112 = arith.constant 0 : i32
      %ge3A_113 = vector.broadcast %ge3A_112 : i32 to vector<16xi32>
      %ge3A_114 = arith.cmpi sge, %sub3A_111, %ge3A_113 : vector<16xi32>
      %lt3A_115 = vector.broadcast %select_n3A : i32 to vector<16xi32>
      %lt3A_116 = arith.cmpi slt, %sub3A_111, %lt3A_115 : vector<16xi32>
      %and3A_117 = arith.andi %ge3A_114, %lt3A_116 : vector<16xi1>
      %jit3A_118 = arith.constant 25024 : i32
      %broadcast_in_dim3A_119 = vector.broadcast %jit3A_118 : i32 to vector<16xi32>
      %select_n3A_120 = arith.select %and3A_117, %sub3A_111, %broadcast_in_dim3A_119 : vector<16xi1>, vector<16xi32>
      %swap3A_121 = arith.constant 80 : index
      %swap3A_122 = tpu.vector_load %arg7[%swap3A_121] {strides = array<i32>} : memref<128xi32, #tpu.memory_space<vmem>>, vector<16xi32>,
      %swap3A_123 = vector.shape_cast %swap3A_122 : vector<16xi32> to vector<16xi32>
      %swap3A_124 = vector.shape_cast %select_n3A_120 : vector<16xi32> to vector<16xi32>
      tpu.vector_store %arg7[%swap3A_121], %swap3A_124 {strides = array<i32>} : memref<128xi32, #tpu.memory_space<vmem>>, vector<16xi32>,
      %get3A_125 = arith.constant 96 : index
      %get3A_126 = tpu.vector_load %arg6[%get3A_125] {strides = array<i32>} : memref<128xi32, #tpu.memory_space<vmem>>, vector<16xi32>,
      %get3A_127 = vector.shape_cast %get3A_126 : vector<16xi32> to vector<16xi32>
      %sub3A_128 = vector.broadcast %mul3A_4 : i32 to vector<16xi32>
      %sub3A_129 = arith.subi %get3A_127, %sub3A_128 : vector<16xi32>
      %ge3A_130 = arith.constant 0 : i32
      %ge3A_131 = vector.broadcast %ge3A_130 : i32 to vector<16xi32>
      %ge3A_132 = arith.cmpi sge, %sub3A_129, %ge3A_131 : vector<16xi32>
      %lt3A_133 = vector.broadcast %select_n3A : i32 to vector<16xi32>
      %lt3A_134 = arith.cmpi slt, %sub3A_129, %lt3A_133 : vector<16xi32>
      %and3A_135 = arith.andi %ge3A_132, %lt3A_134 : vector<16xi1>
      %jit3A_136 = arith.constant 25024 : i32
      %broadcast_in_dim3A_137 = vector.broadcast %jit3A_136 : i32 to vector<16xi32>
      %select_n3A_138 = arith.select %and3A_135, %sub3A_129, %broadcast_in_dim3A_137 : vector<16xi1>, vector<16xi32>
      %swap3A_139 = arith.constant 96 : index
      %swap3A_140 = tpu.vector_load %arg7[%swap3A_139] {strides = array<i32>} : memref<128xi32, #tpu.memory_space<vmem>>, vector<16xi32>,
      %swap3A_141 = vector.shape_cast %swap3A_140 : vector<16xi32> to vector<16xi32>
      %swap3A_142 = vector.shape_cast %select_n3A_138 : vector<16xi32> to vector<16xi32>
      tpu.vector_store %arg7[%swap3A_139], %swap3A_142 {strides = array<i32>} : memref<128xi32, #tpu.memory_space<vmem>>, vector<16xi32>,
      %get3A_143 = arith.constant 112 : index
      %get3A_144 = tpu.vector_load %arg6[%get3A_143] {strides = array<i32>} : memref<128xi32, #tpu.memory_space<vmem>>, vector<16xi32>,
      %get3A_145 = vector.shape_cast %get3A_144 : vector<16xi32> to vector<16xi32>
      %sub3A_146 = vector.broadcast %mul3A_4 : i32 to vector<16xi32>
      %sub3A_147 = arith.subi %get3A_145, %sub3A_146 : vector<16xi32>
      %ge3A_148 = arith.constant 0 : i32
      %ge3A_149 = vector.broadcast %ge3A_148 : i32 to vector<16xi32>
      %ge3A_150 = arith.cmpi sge, %sub3A_147, %ge3A_149 : vector<16xi32>
      %lt3A_151 = vector.broadcast %select_n3A : i32 to vector<16xi32>
      %lt3A_152 = arith.cmpi slt, %sub3A_147, %lt3A_151 : vector<16xi32>
      %and3A_153 = arith.andi %ge3A_150, %lt3A_152 : vector<16xi1>
      %jit3A_154 = arith.constant 25024 : i32
      %broadcast_in_dim3A_155 = vector.broadcast %jit3A_154 : i32 to vector<16xi32>
      %select_n3A_156 = arith.select %and3A_153, %sub3A_147, %broadcast_in_dim3A_155 : vector<16xi1>, vector<16xi32>
      %swap3A_157 = arith.constant 112 : index
      %swap3A_158 = tpu.vector_load %arg7[%swap3A_157] {strides = array<i32>} : memref<128xi32, #tpu.memory_space<vmem>>, vector<16xi32>,
      %swap3A_159 = vector.shape_cast %swap3A_158 : vector<16xi32> to vector<16xi32>
      %swap3A_160 = vector.shape_cast %select_n3A_156 : vector<16xi32> to vector<16xi32>
      tpu.vector_store %arg7[%swap3A_157], %swap3A_160 {strides = array<i32>} : memref<128xi32, #tpu.memory_space<vmem>>, vector<16xi32>,
      "tpu.region"() ({
        %run_scoped3A = tpu.sem_alloc : memref<!tpu.dma_semaphore, #tpu.memory_space<semaphore_mem>>
        %dma_start3A = arith.constant 0 : i32
        %dma_start3A_161 = arith.constant 0 : i32
        %dma_start3A_162 = tpu.memref_slice %arg9[%dma_start3A, %dma_start3A_161] : memref<25088x16xf32, #tpu.memory_space<vmem_shared>> -> memref<25088x16xf32, #tpu.memory_space<vmem_shared>>
        tpu.enqueue_indirect_dma source(%arg8 : memref<128x16xf32, #tpu.memory_space<vmem>>) target(%dma_start3A_162 : memref<25088x16xf32, #tpu.memory_space<vmem_shared>>) offsets(%arg7 : memref<128xi32, #tpu.memory_space<vmem>>) semaphore(%run_scoped3A : memref<!tpu.dma_semaphore, #tpu.memory_space<semaphore_mem>>) {add = true}
        %dma_wait3A = arith.constant 0 : i32
        %dma_wait3A_163 = arith.constant 0 : i32
        %dma_wait3A_164 = tpu.memref_slice %arg9[%dma_wait3A, %dma_wait3A_163] : memref<25088x16xf32, #tpu.memory_space<vmem_shared>> -> memref<25088x16xf32, #tpu.memory_space<vmem_shared>>
        tpu.wait_indirect_dma semaphore(%run_scoped3A : memref<!tpu.dma_semaphore, #tpu.memory_space<semaphore_mem>>) src(%arg8 : memref<128x16xf32, #tpu.memory_space<vmem>>) dst(%dma_wait3A_164 : memref<25088x16xf32, #tpu.memory_space<vmem_shared>>)
        tpu.yield
      }) : () -> ()
    }
    %scan3A_9 = arith.constant 391 : i32
    %barrier3A_10 = arith.constant 0 : index
    tpu.barrier barrier_id(%barrier3A_10)
    %eq3A_11 = arith.constant 0 : i32
    %eq3A_12 = arith.cmpi eq, %arg0, %eq3A_11 : i32
    %convert_element_type3A = arith.extui %eq3A_12 : i1 to i32
    %cond3A = arith.constant 0 : i32
    %cond3A_13 = arith.cmpi ne, %convert_element_type3A, %cond3A : i32
    scf.if %cond3A_13 {
      %lt3A = arith.constant 15 : i32
      %lt3A_19 = arith.cmpi slt, %arg1, %lt3A : i32
      %convert_element_type3A_20 = arith.extui %lt3A_19 : i1 to i32
      %cond3A_21 = arith.constant 0 : i32
      %cond3A_22 = arith.cmpi ne, %convert_element_type3A_20, %cond3A_21 : i32
      scf.if %cond3A_22 {
        %mul3A_28 = arith.constant 1568 : i32
        %mul3A_29 = arith.muli %arg1, %mul3A_28 : i32
        %mul3A_30 = arith.constant 1568 : i32
        %mul3A_31 = arith.muli %arg1, %mul3A_30 : i32
        "tpu.region"() ({
          %run_scoped3A = tpu.sem_alloc : memref<!tpu.dma_semaphore, #tpu.memory_space<semaphore_mem>>
          %dma_start3A = arith.constant 0 : i32
          %dma_start3A_32 = tpu.memref_slice %arg5[%mul3A_31, %dma_start3A] : memref<50000x16xf32, #tpu.memory_space<hbm>> -> memref<1568x16xf32, #tpu.memory_space<hbm>>
          %dma_start3A_33 = arith.constant 0 : i32
          %dma_start3A_34 = tpu.memref_slice %arg9[%mul3A_29, %dma_start3A_33] : memref<25088x16xf32, #tpu.memory_space<vmem_shared>> -> memref<1568x16xf32, #tpu.memory_space<vmem_shared>>
          tpu.enqueue_dma source(%dma_start3A_34 : memref<1568x16xf32, #tpu.memory_space<vmem_shared>>) target(%dma_start3A_32 : memref<1568x16xf32, #tpu.memory_space<hbm>>) target_semaphore(%run_scoped3A : memref<!tpu.dma_semaphore, #tpu.memory_space<semaphore_mem>>)
          %dma_wait3A = arith.constant 0 : i32
          %dma_wait3A_35 = tpu.memref_slice %arg5[%mul3A_31, %dma_wait3A] : memref<50000x16xf32, #tpu.memory_space<hbm>> -> memref<1568x16xf32, #tpu.memory_space<hbm>>
          %dma_wait3A_36 = arith.constant 0 : i32
          %dma_wait3A_37 = tpu.memref_slice %arg9[%mul3A_29, %dma_wait3A_36] : memref<25088x16xf32, #tpu.memory_space<vmem_shared>> -> memref<1568x16xf32, #tpu.memory_space<vmem_shared>>
          tpu.wait_dma2 semaphore(%run_scoped3A : memref<!tpu.dma_semaphore, #tpu.memory_space<semaphore_mem>>) src(%dma_wait3A_37 : memref<1568x16xf32, #tpu.memory_space<vmem_shared>>) dst(%dma_wait3A_35 : memref<1568x16xf32, #tpu.memory_space<hbm>>)
          tpu.yield
        }) : () -> ()
      } else {
      }
      %eq3A_23 = arith.constant 15 : i32
      %eq3A_24 = arith.cmpi eq, %arg1, %eq3A_23 : i32
      %convert_element_type3A_25 = arith.extui %eq3A_24 : i1 to i32
      %cond3A_26 = arith.constant 0 : i32
      %cond3A_27 = arith.cmpi ne, %convert_element_type3A_25, %cond3A_26 : i32
      scf.if %cond3A_27 {
        "tpu.region"() ({
          %run_scoped3A = tpu.sem_alloc : memref<!tpu.dma_semaphore, #tpu.memory_space<semaphore_mem>>
          %dma_start3A = arith.constant 23520 : i32
          %dma_start3A_28 = arith.constant 0 : i32
          %dma_start3A_29 = tpu.memref_slice %arg5[%dma_start3A, %dma_start3A_28] : memref<50000x16xf32, #tpu.memory_space<hbm>> -> memref<1504x16xf32, #tpu.memory_space<hbm>>
          %dma_start3A_30 = arith.constant 23520 : i32
          %dma_start3A_31 = arith.constant 0 : i32
          %dma_start3A_32 = tpu.memref_slice %arg9[%dma_start3A_30, %dma_start3A_31] : memref<25088x16xf32, #tpu.memory_space<vmem_shared>> -> memref<1504x16xf32, #tpu.memory_space<vmem_shared>>
          tpu.enqueue_dma source(%dma_start3A_32 : memref<1504x16xf32, #tpu.memory_space<vmem_shared>>) target(%dma_start3A_29 : memref<1504x16xf32, #tpu.memory_space<hbm>>) target_semaphore(%run_scoped3A : memref<!tpu.dma_semaphore, #tpu.memory_space<semaphore_mem>>)
          %dma_wait3A = arith.constant 23520 : i32
          %dma_wait3A_33 = arith.constant 0 : i32
          %dma_wait3A_34 = tpu.memref_slice %arg5[%dma_wait3A, %dma_wait3A_33] : memref<50000x16xf32, #tpu.memory_space<hbm>> -> memref<1504x16xf32, #tpu.memory_space<hbm>>
          %dma_wait3A_35 = arith.constant 23520 : i32
          %dma_wait3A_36 = arith.constant 0 : i32
          %dma_wait3A_37 = tpu.memref_slice %arg9[%dma_wait3A_35, %dma_wait3A_36] : memref<25088x16xf32, #tpu.memory_space<vmem_shared>> -> memref<1504x16xf32, #tpu.memory_space<vmem_shared>>
          tpu.wait_dma2 semaphore(%run_scoped3A : memref<!tpu.dma_semaphore, #tpu.memory_space<semaphore_mem>>) src(%dma_wait3A_37 : memref<1504x16xf32, #tpu.memory_space<vmem_shared>>) dst(%dma_wait3A_34 : memref<1504x16xf32, #tpu.memory_space<hbm>>)
          tpu.yield
        }) : () -> ()
      } else {
      }
    } else {
    }
    %eq3A_14 = arith.constant 1 : i32
    %eq3A_15 = arith.cmpi eq, %arg0, %eq3A_14 : i32
    %convert_element_type3A_16 = arith.extui %eq3A_15 : i1 to i32
    %cond3A_17 = arith.constant 0 : i32
    %cond3A_18 = arith.cmpi ne, %convert_element_type3A_16, %cond3A_17 : i32
    scf.if %cond3A_18 {
      %lt3A = arith.constant 15 : i32
      %lt3A_19 = arith.cmpi slt, %arg1, %lt3A : i32
      %convert_element_type3A_20 = arith.extui %lt3A_19 : i1 to i32
      %cond3A_21 = arith.constant 0 : i32
      %cond3A_22 = arith.cmpi ne, %convert_element_type3A_20, %cond3A_21 : i32
      scf.if %cond3A_22 {
        %mul3A_28 = arith.constant 1560 : i32
        %mul3A_29 = arith.muli %arg1, %mul3A_28 : i32
        %mul3A_30 = arith.constant 1560 : i32
        %mul3A_31 = arith.muli %arg1, %mul3A_30 : i32
        %add3A = arith.constant 25024 : i32
        %add3A_32 = arith.addi %add3A, %mul3A_31 : i32
        "tpu.region"() ({
          %run_scoped3A = tpu.sem_alloc : memref<!tpu.dma_semaphore, #tpu.memory_space<semaphore_mem>>
          %dma_start3A = arith.constant 0 : i32
          %dma_start3A_33 = tpu.memref_slice %arg5[%add3A_32, %dma_start3A] : memref<50000x16xf32, #tpu.memory_space<hbm>> -> memref<1560x16xf32, #tpu.memory_space<hbm>>
          %dma_start3A_34 = arith.constant 0 : i32
          %dma_start3A_35 = tpu.memref_slice %arg9[%mul3A_29, %dma_start3A_34] : memref<25088x16xf32, #tpu.memory_space<vmem_shared>> -> memref<1560x16xf32, #tpu.memory_space<vmem_shared>>
          tpu.enqueue_dma source(%dma_start3A_35 : memref<1560x16xf32, #tpu.memory_space<vmem_shared>>) target(%dma_start3A_33 : memref<1560x16xf32, #tpu.memory_space<hbm>>) target_semaphore(%run_scoped3A : memref<!tpu.dma_semaphore, #tpu.memory_space<semaphore_mem>>)
          %dma_wait3A = arith.constant 0 : i32
          %dma_wait3A_36 = tpu.memref_slice %arg5[%add3A_32, %dma_wait3A] : memref<50000x16xf32, #tpu.memory_space<hbm>> -> memref<1560x16xf32, #tpu.memory_space<hbm>>
          %dma_wait3A_37 = arith.constant 0 : i32
          %dma_wait3A_38 = tpu.memref_slice %arg9[%mul3A_29, %dma_wait3A_37] : memref<25088x16xf32, #tpu.memory_space<vmem_shared>> -> memref<1560x16xf32, #tpu.memory_space<vmem_shared>>
          tpu.wait_dma2 semaphore(%run_scoped3A : memref<!tpu.dma_semaphore, #tpu.memory_space<semaphore_mem>>) src(%dma_wait3A_38 : memref<1560x16xf32, #tpu.memory_space<vmem_shared>>) dst(%dma_wait3A_36 : memref<1560x16xf32, #tpu.memory_space<hbm>>)
          tpu.yield
        }) : () -> ()
      } else {
      }
      %eq3A_23 = arith.constant 15 : i32
      %eq3A_24 = arith.cmpi eq, %arg1, %eq3A_23 : i32
      %convert_element_type3A_25 = arith.extui %eq3A_24 : i1 to i32
      %cond3A_26 = arith.constant 0 : i32
      %cond3A_27 = arith.cmpi ne, %convert_element_type3A_25, %cond3A_26 : i32
      scf.if %cond3A_27 {
        "tpu.region"() ({
          %run_scoped3A = tpu.sem_alloc : memref<!tpu.dma_semaphore, #tpu.memory_space<semaphore_mem>>
          %dma_start3A = arith.constant 48424 : i32
          %dma_start3A_28 = arith.constant 0 : i32
          %dma_start3A_29 = tpu.memref_slice %arg5[%dma_start3A, %dma_start3A_28] : memref<50000x16xf32, #tpu.memory_space<hbm>> -> memref<1576x16xf32, #tpu.memory_space<hbm>>
          %dma_start3A_30 = arith.constant 23400 : i32
          %dma_start3A_31 = arith.constant 0 : i32
          %dma_start3A_32 = tpu.memref_slice %arg9[%dma_start3A_30, %dma_start3A_31] : memref<25088x16xf32, #tpu.memory_space<vmem_shared>> -> memref<1576x16xf32, #tpu.memory_space<vmem_shared>>
          tpu.enqueue_dma source(%dma_start3A_32 : memref<1576x16xf32, #tpu.memory_space<vmem_shared>>) target(%dma_start3A_29 : memref<1576x16xf32, #tpu.memory_space<hbm>>) target_semaphore(%run_scoped3A : memref<!tpu.dma_semaphore, #tpu.memory_space<semaphore_mem>>)
          %dma_wait3A = arith.constant 48424 : i32
          %dma_wait3A_33 = arith.constant 0 : i32
          %dma_wait3A_34 = tpu.memref_slice %arg5[%dma_wait3A, %dma_wait3A_33] : memref<50000x16xf32, #tpu.memory_space<hbm>> -> memref<1576x16xf32, #tpu.memory_space<hbm>>
          %dma_wait3A_35 = arith.constant 23400 : i32
          %dma_wait3A_36 = arith.constant 0 : i32
          %dma_wait3A_37 = tpu.memref_slice %arg9[%dma_wait3A_35, %dma_wait3A_36] : memref<25088x16xf32, #tpu.memory_space<vmem_shared>> -> memref<1576x16xf32, #tpu.memory_space<vmem_shared>>
          tpu.wait_dma2 semaphore(%run_scoped3A : memref<!tpu.dma_semaphore, #tpu.memory_space<semaphore_mem>>) src(%dma_wait3A_37 : memref<1576x16xf32, #tpu.memory_space<vmem_shared>>) dst(%dma_wait3A_34 : memref<1576x16xf32, #tpu.memory_space<hbm>>)
          tpu.yield
        }) : () -> ()
      } else {
      }
    } else {
    }
    return
  }
}

#map = affine_map<(d0, d1) -> (0, 0)>
#map1 = affine_map<(d0, d1) -> (0)>
module attributes {stable_mosaic.version = 14 : i64} {
  func.func @_sc_agg_body(%arg0: i32, %arg1: i32, %arg2: memref<50000x64xf32, #tpu.memory_space<hbm>>, %arg3: memref<800768xi32, #tpu.memory_space<hbm>>, %arg4: memref<800768xi32, #tpu.memory_space<hbm>>, %arg5: memref<392x64xf32, #tpu.memory_space<hbm>>, %arg6: memref<50000x64xf32, #tpu.memory_space<hbm>>, %arg7: memref<128xi32, #tpu.memory_space<vmem>>, %arg8: memref<128xi32, #tpu.memory_space<vmem>>, %arg9: memref<128xi32, #tpu.memory_space<vmem>>, %arg10: memref<128x64xf32, #tpu.memory_space<vmem>>, %arg11: memref<25088x64xf32, #tpu.memory_space<vmem_shared>>, %arg12: memref<!tpu.dma_semaphore, #tpu.memory_space<semaphore_mem>>) attributes {dimension_semantics = [#tpu.dimension_semantics<core_parallel>, #tpu.dimension_semantics<subcore_parallel>], iteration_bounds = array<i64: 2, 16>, scalar_prefetch = 0 : i64, scratch_operands = 6 : i64, tpu.core_type = #tpu.core_type<sc_vector_subcore>, window_params = [{transform_indices = #map}, {transform_indices = #map1}, {transform_indices = #map1}, {transform_indices = #map}, {transform_indices = #map}]} {
    %mul3A = arith.constant 1568 : i32
    %mul3A_0 = arith.muli %arg1, %mul3A : i32
    %add3A = arith.constant 0 : i32
    %add3A_1 = arith.addi %mul3A_0, %add3A : i32
    "tpu.region"() ({
      %run_scoped3A = tpu.sem_alloc : memref<!tpu.dma_semaphore, #tpu.memory_space<semaphore_mem>>
      %dma_start3A = arith.constant 0 : i32
      %dma_start3A_34 = tpu.memref_slice %arg11[%add3A_1, %dma_start3A] : memref<25088x64xf32, #tpu.memory_space<vmem_shared>> -> memref<392x64xf32, #tpu.memory_space<vmem_shared>>
      tpu.enqueue_dma source(%arg5 : memref<392x64xf32, #tpu.memory_space<hbm>>) target(%dma_start3A_34 : memref<392x64xf32, #tpu.memory_space<vmem_shared>>) target_semaphore(%run_scoped3A : memref<!tpu.dma_semaphore, #tpu.memory_space<semaphore_mem>>)
      %dma_wait3A = arith.constant 0 : i32
      %dma_wait3A_35 = tpu.memref_slice %arg11[%add3A_1, %dma_wait3A] : memref<25088x64xf32, #tpu.memory_space<vmem_shared>> -> memref<392x64xf32, #tpu.memory_space<vmem_shared>>
      tpu.wait_dma2 semaphore(%run_scoped3A : memref<!tpu.dma_semaphore, #tpu.memory_space<semaphore_mem>>) src(%arg5 : memref<392x64xf32, #tpu.memory_space<hbm>>) dst(%dma_wait3A_35 : memref<392x64xf32, #tpu.memory_space<vmem_shared>>)
      tpu.yield
    }) : () -> ()
    %mul3A_2 = arith.constant 1568 : i32
    %mul3A_3 = arith.muli %arg1, %mul3A_2 : i32
    %add3A_4 = arith.constant 392 : i32
    %add3A_5 = arith.addi %mul3A_3, %add3A_4 : i32
    "tpu.region"() ({
      %run_scoped3A = tpu.sem_alloc : memref<!tpu.dma_semaphore, #tpu.memory_space<semaphore_mem>>
      %dma_start3A = arith.constant 0 : i32
      %dma_start3A_34 = tpu.memref_slice %arg11[%add3A_5, %dma_start3A] : memref<25088x64xf32, #tpu.memory_space<vmem_shared>> -> memref<392x64xf32, #tpu.memory_space<vmem_shared>>
      tpu.enqueue_dma source(%arg5 : memref<392x64xf32, #tpu.memory_space<hbm>>) target(%dma_start3A_34 : memref<392x64xf32, #tpu.memory_space<vmem_shared>>) target_semaphore(%run_scoped3A : memref<!tpu.dma_semaphore, #tpu.memory_space<semaphore_mem>>)
      %dma_wait3A = arith.constant 0 : i32
      %dma_wait3A_35 = tpu.memref_slice %arg11[%add3A_5, %dma_wait3A] : memref<25088x64xf32, #tpu.memory_space<vmem_shared>> -> memref<392x64xf32, #tpu.memory_space<vmem_shared>>
      tpu.wait_dma2 semaphore(%run_scoped3A : memref<!tpu.dma_semaphore, #tpu.memory_space<semaphore_mem>>) src(%arg5 : memref<392x64xf32, #tpu.memory_space<hbm>>) dst(%dma_wait3A_35 : memref<392x64xf32, #tpu.memory_space<vmem_shared>>)
      tpu.yield
    }) : () -> ()
    %mul3A_6 = arith.constant 1568 : i32
    %mul3A_7 = arith.muli %arg1, %mul3A_6 : i32
    %add3A_8 = arith.constant 784 : i32
    %add3A_9 = arith.addi %mul3A_7, %add3A_8 : i32
    "tpu.region"() ({
      %run_scoped3A = tpu.sem_alloc : memref<!tpu.dma_semaphore, #tpu.memory_space<semaphore_mem>>
      %dma_start3A = arith.constant 0 : i32
      %dma_start3A_34 = tpu.memref_slice %arg11[%add3A_9, %dma_start3A] : memref<25088x64xf32, #tpu.memory_space<vmem_shared>> -> memref<392x64xf32, #tpu.memory_space<vmem_shared>>
      tpu.enqueue_dma source(%arg5 : memref<392x64xf32, #tpu.memory_space<hbm>>) target(%dma_start3A_34 : memref<392x64xf32, #tpu.memory_space<vmem_shared>>) target_semaphore(%run_scoped3A : memref<!tpu.dma_semaphore, #tpu.memory_space<semaphore_mem>>)
      %dma_wait3A = arith.constant 0 : i32
      %dma_wait3A_35 = tpu.memref_slice %arg11[%add3A_9, %dma_wait3A] : memref<25088x64xf32, #tpu.memory_space<vmem_shared>> -> memref<392x64xf32, #tpu.memory_space<vmem_shared>>
      tpu.wait_dma2 semaphore(%run_scoped3A : memref<!tpu.dma_semaphore, #tpu.memory_space<semaphore_mem>>) src(%arg5 : memref<392x64xf32, #tpu.memory_space<hbm>>) dst(%dma_wait3A_35 : memref<392x64xf32, #tpu.memory_space<vmem_shared>>)
      tpu.yield
    }) : () -> ()
    %mul3A_10 = arith.constant 1568 : i32
    %mul3A_11 = arith.muli %arg1, %mul3A_10 : i32
    %add3A_12 = arith.constant 1176 : i32
    %add3A_13 = arith.addi %mul3A_11, %add3A_12 : i32
    "tpu.region"() ({
      %run_scoped3A = tpu.sem_alloc : memref<!tpu.dma_semaphore, #tpu.memory_space<semaphore_mem>>
      %dma_start3A = arith.constant 0 : i32
      %dma_start3A_34 = tpu.memref_slice %arg11[%add3A_13, %dma_start3A] : memref<25088x64xf32, #tpu.memory_space<vmem_shared>> -> memref<392x64xf32, #tpu.memory_space<vmem_shared>>
      tpu.enqueue_dma source(%arg5 : memref<392x64xf32, #tpu.memory_space<hbm>>) target(%dma_start3A_34 : memref<392x64xf32, #tpu.memory_space<vmem_shared>>) target_semaphore(%run_scoped3A : memref<!tpu.dma_semaphore, #tpu.memory_space<semaphore_mem>>)
      %dma_wait3A = arith.constant 0 : i32
      %dma_wait3A_35 = tpu.memref_slice %arg11[%add3A_13, %dma_wait3A] : memref<25088x64xf32, #tpu.memory_space<vmem_shared>> -> memref<392x64xf32, #tpu.memory_space<vmem_shared>>
      tpu.wait_dma2 semaphore(%run_scoped3A : memref<!tpu.dma_semaphore, #tpu.memory_space<semaphore_mem>>) src(%arg5 : memref<392x64xf32, #tpu.memory_space<hbm>>) dst(%dma_wait3A_35 : memref<392x64xf32, #tpu.memory_space<vmem_shared>>)
      tpu.yield
    }) : () -> ()
    %barrier3A = arith.constant 0 : index
    tpu.barrier barrier_id(%barrier3A)
    %eq3A = arith.constant 0 : i32
    %eq3A_14 = arith.cmpi eq, %arg0, %eq3A : i32
    %jit3A = arith.constant 25024 : i32
    %jit3A_15 = arith.constant 24976 : i32
    %select_n3A = arith.select %eq3A_14, %jit3A, %jit3A_15 : i32
    %mul3A_16 = arith.constant 25024 : i32
    %mul3A_17 = arith.muli %arg0, %mul3A_16 : i32
    %mul3A_18 = arith.constant 50048 : i32
    %mul3A_19 = arith.muli %arg1, %mul3A_18 : i32
    %scan3A = arith.constant 0 : i32
    %scan3A_20 = arith.constant 0 : i32
    %scan3A_21 = arith.constant 391 : i32
    %scan3A_22 = arith.addi %scan3A_20, %scan3A_21 : i32
    %scan3A_23 = arith.constant 1 : i32
    scf.for %scan3A_34 = %scan3A_20 to %scan3A_22 step %scan3A_23  : i32 {
      %mul3A_35 = arith.constant 128 : i32
      %mul3A_36 = arith.muli %scan3A_34, %mul3A_35 : i32
      %add3A_37 = arith.addi %mul3A_19, %mul3A_36 : i32
      "tpu.region"() ({
        %run_scoped3A = tpu.sem_alloc : memref<!tpu.dma_semaphore, #tpu.memory_space<semaphore_mem>>
        %dma_start3A_179 = tpu.memref_slice %arg3[%add3A_37] : memref<800768xi32, #tpu.memory_space<hbm>> -> memref<128xi32, #tpu.memory_space<hbm>>
        %dma_start3A_180 = tpu.memref_slice %arg3[%add3A_37] : memref<800768xi32, #tpu.memory_space<hbm>> -> memref<128xi32, #tpu.memory_space<hbm>>
        tpu.enqueue_dma source(%dma_start3A_180 : memref<128xi32, #tpu.memory_space<hbm>>) target(%arg8 : memref<128xi32, #tpu.memory_space<vmem>>) target_semaphore(%run_scoped3A : memref<!tpu.dma_semaphore, #tpu.memory_space<semaphore_mem>>)
        %dma_wait3A_181 = tpu.memref_slice %arg3[%add3A_37] : memref<800768xi32, #tpu.memory_space<hbm>> -> memref<128xi32, #tpu.memory_space<hbm>>
        %dma_wait3A_182 = tpu.memref_slice %arg3[%add3A_37] : memref<800768xi32, #tpu.memory_space<hbm>> -> memref<128xi32, #tpu.memory_space<hbm>>
        tpu.wait_dma2 semaphore(%run_scoped3A : memref<!tpu.dma_semaphore, #tpu.memory_space<semaphore_mem>>) src(%dma_wait3A_182 : memref<128xi32, #tpu.memory_space<hbm>>) dst(%arg8 : memref<128xi32, #tpu.memory_space<vmem>>)
        tpu.yield
      }) : () -> ()
      %dma_start3A = arith.constant 0 : i32
      %dma_start3A_38 = arith.constant 0 : i32
      %dma_start3A_39 = tpu.memref_slice %arg2[%dma_start3A, %dma_start3A_38] : memref<50000x64xf32, #tpu.memory_space<hbm>> -> memref<50000x64xf32, #tpu.memory_space<hbm>>
      tpu.enqueue_indirect_dma source(%dma_start3A_39 : memref<50000x64xf32, #tpu.memory_space<hbm>>) target(%arg10 : memref<128x64xf32, #tpu.memory_space<vmem>>) offsets(%arg8 : memref<128xi32, #tpu.memory_space<vmem>>) semaphore(%arg12 : memref<!tpu.dma_semaphore, #tpu.memory_space<semaphore_mem>>)
      "tpu.region"() ({
        %run_scoped3A = tpu.sem_alloc : memref<!tpu.dma_semaphore, #tpu.memory_space<semaphore_mem>>
        %dma_start3A_179 = tpu.memref_slice %arg4[%add3A_37] : memref<800768xi32, #tpu.memory_space<hbm>> -> memref<128xi32, #tpu.memory_space<hbm>>
        %dma_start3A_180 = tpu.memref_slice %arg4[%add3A_37] : memref<800768xi32, #tpu.memory_space<hbm>> -> memref<128xi32, #tpu.memory_space<hbm>>
        tpu.enqueue_dma source(%dma_start3A_180 : memref<128xi32, #tpu.memory_space<hbm>>) target(%arg7 : memref<128xi32, #tpu.memory_space<vmem>>) target_semaphore(%run_scoped3A : memref<!tpu.dma_semaphore, #tpu.memory_space<semaphore_mem>>)
        %dma_wait3A_181 = tpu.memref_slice %arg4[%add3A_37] : memref<800768xi32, #tpu.memory_space<hbm>> -> memref<128xi32, #tpu.memory_space<hbm>>
        %dma_wait3A_182 = tpu.memref_slice %arg4[%add3A_37] : memref<800768xi32, #tpu.memory_space<hbm>> -> memref<128xi32, #tpu.memory_space<hbm>>
        tpu.wait_dma2 semaphore(%run_scoped3A : memref<!tpu.dma_semaphore, #tpu.memory_space<semaphore_mem>>) src(%dma_wait3A_182 : memref<128xi32, #tpu.memory_space<hbm>>) dst(%arg7 : memref<128xi32, #tpu.memory_space<vmem>>)
        tpu.yield
      }) : () -> ()
      %get3A = arith.constant 0 : index
      %get3A_40 = tpu.vector_load %arg7[%get3A] {strides = array<i32>} : memref<128xi32, #tpu.memory_space<vmem>>, vector<16xi32>,
      %get3A_41 = vector.shape_cast %get3A_40 : vector<16xi32> to vector<16xi32>
      %sub3A = vector.broadcast %mul3A_17 : i32 to vector<16xi32>
      %sub3A_42 = arith.subi %get3A_41, %sub3A : vector<16xi32>
      %ge3A = arith.constant 0 : i32
      %ge3A_43 = vector.broadcast %ge3A : i32 to vector<16xi32>
      %ge3A_44 = arith.cmpi sge, %sub3A_42, %ge3A_43 : vector<16xi32>
      %lt3A = vector.broadcast %select_n3A : i32 to vector<16xi32>
      %lt3A_45 = arith.cmpi slt, %sub3A_42, %lt3A : vector<16xi32>
      %and3A = arith.andi %ge3A_44, %lt3A_45 : vector<16xi1>
      %jit3A_46 = arith.constant 25024 : i32
      %broadcast_in_dim3A = vector.broadcast %jit3A_46 : i32 to vector<16xi32>
      %select_n3A_47 = arith.select %and3A, %sub3A_42, %broadcast_in_dim3A : vector<16xi1>, vector<16xi32>
      %swap3A = arith.constant 0 : index
      %swap3A_48 = tpu.vector_load %arg9[%swap3A] {strides = array<i32>} : memref<128xi32, #tpu.memory_space<vmem>>, vector<16xi32>,
      %swap3A_49 = vector.shape_cast %swap3A_48 : vector<16xi32> to vector<16xi32>
      %swap3A_50 = vector.shape_cast %select_n3A_47 : vector<16xi32> to vector<16xi32>
      tpu.vector_store %arg9[%swap3A], %swap3A_50 {strides = array<i32>} : memref<128xi32, #tpu.memory_space<vmem>>, vector<16xi32>,
      %get3A_51 = arith.constant 16 : index
      %get3A_52 = tpu.vector_load %arg7[%get3A_51] {strides = array<i32>} : memref<128xi32, #tpu.memory_space<vmem>>, vector<16xi32>,
      %get3A_53 = vector.shape_cast %get3A_52 : vector<16xi32> to vector<16xi32>
      %sub3A_54 = vector.broadcast %mul3A_17 : i32 to vector<16xi32>
      %sub3A_55 = arith.subi %get3A_53, %sub3A_54 : vector<16xi32>
      %ge3A_56 = arith.constant 0 : i32
      %ge3A_57 = vector.broadcast %ge3A_56 : i32 to vector<16xi32>
      %ge3A_58 = arith.cmpi sge, %sub3A_55, %ge3A_57 : vector<16xi32>
      %lt3A_59 = vector.broadcast %select_n3A : i32 to vector<16xi32>
      %lt3A_60 = arith.cmpi slt, %sub3A_55, %lt3A_59 : vector<16xi32>
      %and3A_61 = arith.andi %ge3A_58, %lt3A_60 : vector<16xi1>
      %jit3A_62 = arith.constant 25024 : i32
      %broadcast_in_dim3A_63 = vector.broadcast %jit3A_62 : i32 to vector<16xi32>
      %select_n3A_64 = arith.select %and3A_61, %sub3A_55, %broadcast_in_dim3A_63 : vector<16xi1>, vector<16xi32>
      %swap3A_65 = arith.constant 16 : index
      %swap3A_66 = tpu.vector_load %arg9[%swap3A_65] {strides = array<i32>} : memref<128xi32, #tpu.memory_space<vmem>>, vector<16xi32>,
      %swap3A_67 = vector.shape_cast %swap3A_66 : vector<16xi32> to vector<16xi32>
      %swap3A_68 = vector.shape_cast %select_n3A_64 : vector<16xi32> to vector<16xi32>
      tpu.vector_store %arg9[%swap3A_65], %swap3A_68 {strides = array<i32>} : memref<128xi32, #tpu.memory_space<vmem>>, vector<16xi32>,
      %get3A_69 = arith.constant 32 : index
      %get3A_70 = tpu.vector_load %arg7[%get3A_69] {strides = array<i32>} : memref<128xi32, #tpu.memory_space<vmem>>, vector<16xi32>,
      %get3A_71 = vector.shape_cast %get3A_70 : vector<16xi32> to vector<16xi32>
      %sub3A_72 = vector.broadcast %mul3A_17 : i32 to vector<16xi32>
      %sub3A_73 = arith.subi %get3A_71, %sub3A_72 : vector<16xi32>
      %ge3A_74 = arith.constant 0 : i32
      %ge3A_75 = vector.broadcast %ge3A_74 : i32 to vector<16xi32>
      %ge3A_76 = arith.cmpi sge, %sub3A_73, %ge3A_75 : vector<16xi32>
      %lt3A_77 = vector.broadcast %select_n3A : i32 to vector<16xi32>
      %lt3A_78 = arith.cmpi slt, %sub3A_73, %lt3A_77 : vector<16xi32>
      %and3A_79 = arith.andi %ge3A_76, %lt3A_78 : vector<16xi1>
      %jit3A_80 = arith.constant 25024 : i32
      %broadcast_in_dim3A_81 = vector.broadcast %jit3A_80 : i32 to vector<16xi32>
      %select_n3A_82 = arith.select %and3A_79, %sub3A_73, %broadcast_in_dim3A_81 : vector<16xi1>, vector<16xi32>
      %swap3A_83 = arith.constant 32 : index
      %swap3A_84 = tpu.vector_load %arg9[%swap3A_83] {strides = array<i32>} : memref<128xi32, #tpu.memory_space<vmem>>, vector<16xi32>,
      %swap3A_85 = vector.shape_cast %swap3A_84 : vector<16xi32> to vector<16xi32>
      %swap3A_86 = vector.shape_cast %select_n3A_82 : vector<16xi32> to vector<16xi32>
      tpu.vector_store %arg9[%swap3A_83], %swap3A_86 {strides = array<i32>} : memref<128xi32, #tpu.memory_space<vmem>>, vector<16xi32>,
      %get3A_87 = arith.constant 48 : index
      %get3A_88 = tpu.vector_load %arg7[%get3A_87] {strides = array<i32>} : memref<128xi32, #tpu.memory_space<vmem>>, vector<16xi32>,
      %get3A_89 = vector.shape_cast %get3A_88 : vector<16xi32> to vector<16xi32>
      %sub3A_90 = vector.broadcast %mul3A_17 : i32 to vector<16xi32>
      %sub3A_91 = arith.subi %get3A_89, %sub3A_90 : vector<16xi32>
      %ge3A_92 = arith.constant 0 : i32
      %ge3A_93 = vector.broadcast %ge3A_92 : i32 to vector<16xi32>
      %ge3A_94 = arith.cmpi sge, %sub3A_91, %ge3A_93 : vector<16xi32>
      %lt3A_95 = vector.broadcast %select_n3A : i32 to vector<16xi32>
      %lt3A_96 = arith.cmpi slt, %sub3A_91, %lt3A_95 : vector<16xi32>
      %and3A_97 = arith.andi %ge3A_94, %lt3A_96 : vector<16xi1>
      %jit3A_98 = arith.constant 25024 : i32
      %broadcast_in_dim3A_99 = vector.broadcast %jit3A_98 : i32 to vector<16xi32>
      %select_n3A_100 = arith.select %and3A_97, %sub3A_91, %broadcast_in_dim3A_99 : vector<16xi1>, vector<16xi32>
      %swap3A_101 = arith.constant 48 : index
      %swap3A_102 = tpu.vector_load %arg9[%swap3A_101] {strides = array<i32>} : memref<128xi32, #tpu.memory_space<vmem>>, vector<16xi32>,
      %swap3A_103 = vector.shape_cast %swap3A_102 : vector<16xi32> to vector<16xi32>
      %swap3A_104 = vector.shape_cast %select_n3A_100 : vector<16xi32> to vector<16xi32>
      tpu.vector_store %arg9[%swap3A_101], %swap3A_104 {strides = array<i32>} : memref<128xi32, #tpu.memory_space<vmem>>, vector<16xi32>,
      %get3A_105 = arith.constant 64 : index
      %get3A_106 = tpu.vector_load %arg7[%get3A_105] {strides = array<i32>} : memref<128xi32, #tpu.memory_space<vmem>>, vector<16xi32>,
      %get3A_107 = vector.shape_cast %get3A_106 : vector<16xi32> to vector<16xi32>
      %sub3A_108 = vector.broadcast %mul3A_17 : i32 to vector<16xi32>
      %sub3A_109 = arith.subi %get3A_107, %sub3A_108 : vector<16xi32>
      %ge3A_110 = arith.constant 0 : i32
      %ge3A_111 = vector.broadcast %ge3A_110 : i32 to vector<16xi32>
      %ge3A_112 = arith.cmpi sge, %sub3A_109, %ge3A_111 : vector<16xi32>
      %lt3A_113 = vector.broadcast %select_n3A : i32 to vector<16xi32>
      %lt3A_114 = arith.cmpi slt, %sub3A_109, %lt3A_113 : vector<16xi32>
      %and3A_115 = arith.andi %ge3A_112, %lt3A_114 : vector<16xi1>
      %jit3A_116 = arith.constant 25024 : i32
      %broadcast_in_dim3A_117 = vector.broadcast %jit3A_116 : i32 to vector<16xi32>
      %select_n3A_118 = arith.select %and3A_115, %sub3A_109, %broadcast_in_dim3A_117 : vector<16xi1>, vector<16xi32>
      %swap3A_119 = arith.constant 64 : index
      %swap3A_120 = tpu.vector_load %arg9[%swap3A_119] {strides = array<i32>} : memref<128xi32, #tpu.memory_space<vmem>>, vector<16xi32>,
      %swap3A_121 = vector.shape_cast %swap3A_120 : vector<16xi32> to vector<16xi32>
      %swap3A_122 = vector.shape_cast %select_n3A_118 : vector<16xi32> to vector<16xi32>
      tpu.vector_store %arg9[%swap3A_119], %swap3A_122 {strides = array<i32>} : memref<128xi32, #tpu.memory_space<vmem>>, vector<16xi32>,
      %get3A_123 = arith.constant 80 : index
      %get3A_124 = tpu.vector_load %arg7[%get3A_123] {strides = array<i32>} : memref<128xi32, #tpu.memory_space<vmem>>, vector<16xi32>,
      %get3A_125 = vector.shape_cast %get3A_124 : vector<16xi32> to vector<16xi32>
      %sub3A_126 = vector.broadcast %mul3A_17 : i32 to vector<16xi32>
      %sub3A_127 = arith.subi %get3A_125, %sub3A_126 : vector<16xi32>
      %ge3A_128 = arith.constant 0 : i32
      %ge3A_129 = vector.broadcast %ge3A_128 : i32 to vector<16xi32>
      %ge3A_130 = arith.cmpi sge, %sub3A_127, %ge3A_129 : vector<16xi32>
      %lt3A_131 = vector.broadcast %select_n3A : i32 to vector<16xi32>
      %lt3A_132 = arith.cmpi slt, %sub3A_127, %lt3A_131 : vector<16xi32>
      %and3A_133 = arith.andi %ge3A_130, %lt3A_132 : vector<16xi1>
      %jit3A_134 = arith.constant 25024 : i32
      %broadcast_in_dim3A_135 = vector.broadcast %jit3A_134 : i32 to vector<16xi32>
      %select_n3A_136 = arith.select %and3A_133, %sub3A_127, %broadcast_in_dim3A_135 : vector<16xi1>, vector<16xi32>
      %swap3A_137 = arith.constant 80 : index
      %swap3A_138 = tpu.vector_load %arg9[%swap3A_137] {strides = array<i32>} : memref<128xi32, #tpu.memory_space<vmem>>, vector<16xi32>,
      %swap3A_139 = vector.shape_cast %swap3A_138 : vector<16xi32> to vector<16xi32>
      %swap3A_140 = vector.shape_cast %select_n3A_136 : vector<16xi32> to vector<16xi32>
      tpu.vector_store %arg9[%swap3A_137], %swap3A_140 {strides = array<i32>} : memref<128xi32, #tpu.memory_space<vmem>>, vector<16xi32>,
      %get3A_141 = arith.constant 96 : index
      %get3A_142 = tpu.vector_load %arg7[%get3A_141] {strides = array<i32>} : memref<128xi32, #tpu.memory_space<vmem>>, vector<16xi32>,
      %get3A_143 = vector.shape_cast %get3A_142 : vector<16xi32> to vector<16xi32>
      %sub3A_144 = vector.broadcast %mul3A_17 : i32 to vector<16xi32>
      %sub3A_145 = arith.subi %get3A_143, %sub3A_144 : vector<16xi32>
      %ge3A_146 = arith.constant 0 : i32
      %ge3A_147 = vector.broadcast %ge3A_146 : i32 to vector<16xi32>
      %ge3A_148 = arith.cmpi sge, %sub3A_145, %ge3A_147 : vector<16xi32>
      %lt3A_149 = vector.broadcast %select_n3A : i32 to vector<16xi32>
      %lt3A_150 = arith.cmpi slt, %sub3A_145, %lt3A_149 : vector<16xi32>
      %and3A_151 = arith.andi %ge3A_148, %lt3A_150 : vector<16xi1>
      %jit3A_152 = arith.constant 25024 : i32
      %broadcast_in_dim3A_153 = vector.broadcast %jit3A_152 : i32 to vector<16xi32>
      %select_n3A_154 = arith.select %and3A_151, %sub3A_145, %broadcast_in_dim3A_153 : vector<16xi1>, vector<16xi32>
      %swap3A_155 = arith.constant 96 : index
      %swap3A_156 = tpu.vector_load %arg9[%swap3A_155] {strides = array<i32>} : memref<128xi32, #tpu.memory_space<vmem>>, vector<16xi32>,
      %swap3A_157 = vector.shape_cast %swap3A_156 : vector<16xi32> to vector<16xi32>
      %swap3A_158 = vector.shape_cast %select_n3A_154 : vector<16xi32> to vector<16xi32>
      tpu.vector_store %arg9[%swap3A_155], %swap3A_158 {strides = array<i32>} : memref<128xi32, #tpu.memory_space<vmem>>, vector<16xi32>,
      %get3A_159 = arith.constant 112 : index
      %get3A_160 = tpu.vector_load %arg7[%get3A_159] {strides = array<i32>} : memref<128xi32, #tpu.memory_space<vmem>>, vector<16xi32>,
      %get3A_161 = vector.shape_cast %get3A_160 : vector<16xi32> to vector<16xi32>
      %sub3A_162 = vector.broadcast %mul3A_17 : i32 to vector<16xi32>
      %sub3A_163 = arith.subi %get3A_161, %sub3A_162 : vector<16xi32>
      %ge3A_164 = arith.constant 0 : i32
      %ge3A_165 = vector.broadcast %ge3A_164 : i32 to vector<16xi32>
      %ge3A_166 = arith.cmpi sge, %sub3A_163, %ge3A_165 : vector<16xi32>
      %lt3A_167 = vector.broadcast %select_n3A : i32 to vector<16xi32>
      %lt3A_168 = arith.cmpi slt, %sub3A_163, %lt3A_167 : vector<16xi32>
      %and3A_169 = arith.andi %ge3A_166, %lt3A_168 : vector<16xi1>
      %jit3A_170 = arith.constant 25024 : i32
      %broadcast_in_dim3A_171 = vector.broadcast %jit3A_170 : i32 to vector<16xi32>
      %select_n3A_172 = arith.select %and3A_169, %sub3A_163, %broadcast_in_dim3A_171 : vector<16xi1>, vector<16xi32>
      %swap3A_173 = arith.constant 112 : index
      %swap3A_174 = tpu.vector_load %arg9[%swap3A_173] {strides = array<i32>} : memref<128xi32, #tpu.memory_space<vmem>>, vector<16xi32>,
      %swap3A_175 = vector.shape_cast %swap3A_174 : vector<16xi32> to vector<16xi32>
      %swap3A_176 = vector.shape_cast %select_n3A_172 : vector<16xi32> to vector<16xi32>
      tpu.vector_store %arg9[%swap3A_173], %swap3A_176 {strides = array<i32>} : memref<128xi32, #tpu.memory_space<vmem>>, vector<16xi32>,
      %dma_wait3A = arith.constant 0 : i32
      %dma_wait3A_177 = arith.constant 0 : i32
      %dma_wait3A_178 = tpu.memref_slice %arg2[%dma_wait3A, %dma_wait3A_177] : memref<50000x64xf32, #tpu.memory_space<hbm>> -> memref<50000x64xf32, #tpu.memory_space<hbm>>
      tpu.wait_indirect_dma semaphore(%arg12 : memref<!tpu.dma_semaphore, #tpu.memory_space<semaphore_mem>>) src(%dma_wait3A_178 : memref<50000x64xf32, #tpu.memory_space<hbm>>) dst(%arg10 : memref<128x64xf32, #tpu.memory_space<vmem>>)
      "tpu.region"() ({
        %run_scoped3A = tpu.sem_alloc : memref<!tpu.dma_semaphore, #tpu.memory_space<semaphore_mem>>
        %dma_start3A_179 = arith.constant 0 : i32
        %dma_start3A_180 = arith.constant 0 : i32
        %dma_start3A_181 = tpu.memref_slice %arg11[%dma_start3A_179, %dma_start3A_180] : memref<25088x64xf32, #tpu.memory_space<vmem_shared>> -> memref<25088x64xf32, #tpu.memory_space<vmem_shared>>
        tpu.enqueue_indirect_dma source(%arg10 : memref<128x64xf32, #tpu.memory_space<vmem>>) target(%dma_start3A_181 : memref<25088x64xf32, #tpu.memory_space<vmem_shared>>) offsets(%arg9 : memref<128xi32, #tpu.memory_space<vmem>>) semaphore(%run_scoped3A : memref<!tpu.dma_semaphore, #tpu.memory_space<semaphore_mem>>) {add = true}
        %dma_wait3A_182 = arith.constant 0 : i32
        %dma_wait3A_183 = arith.constant 0 : i32
        %dma_wait3A_184 = tpu.memref_slice %arg11[%dma_wait3A_182, %dma_wait3A_183] : memref<25088x64xf32, #tpu.memory_space<vmem_shared>> -> memref<25088x64xf32, #tpu.memory_space<vmem_shared>>
        tpu.wait_indirect_dma semaphore(%run_scoped3A : memref<!tpu.dma_semaphore, #tpu.memory_space<semaphore_mem>>) src(%arg10 : memref<128x64xf32, #tpu.memory_space<vmem>>) dst(%dma_wait3A_184 : memref<25088x64xf32, #tpu.memory_space<vmem_shared>>)
        tpu.yield
      }) : () -> ()
    }
    %scan3A_24 = arith.constant 391 : i32
    %barrier3A_25 = arith.constant 0 : index
    tpu.barrier barrier_id(%barrier3A_25)
    %eq3A_26 = arith.constant 0 : i32
    %eq3A_27 = arith.cmpi eq, %arg0, %eq3A_26 : i32
    %convert_element_type3A = arith.extui %eq3A_27 : i1 to i32
    %cond3A = arith.constant 0 : i32
    %cond3A_28 = arith.cmpi ne, %convert_element_type3A, %cond3A : i32
    scf.if %cond3A_28 {
      %lt3A = arith.constant 15 : i32
      %lt3A_34 = arith.cmpi slt, %arg1, %lt3A : i32
      %convert_element_type3A_35 = arith.extui %lt3A_34 : i1 to i32
      %cond3A_36 = arith.constant 0 : i32
      %cond3A_37 = arith.cmpi ne, %convert_element_type3A_35, %cond3A_36 : i32
      scf.if %cond3A_37 {
        %mul3A_43 = arith.constant 1568 : i32
        %mul3A_44 = arith.muli %arg1, %mul3A_43 : i32
        %mul3A_45 = arith.constant 1568 : i32
        %mul3A_46 = arith.muli %arg1, %mul3A_45 : i32
        "tpu.region"() ({
          %run_scoped3A = tpu.sem_alloc : memref<!tpu.dma_semaphore, #tpu.memory_space<semaphore_mem>>
          %dma_start3A = arith.constant 0 : i32
          %dma_start3A_47 = tpu.memref_slice %arg6[%mul3A_46, %dma_start3A] : memref<50000x64xf32, #tpu.memory_space<hbm>> -> memref<1568x64xf32, #tpu.memory_space<hbm>>
          %dma_start3A_48 = arith.constant 0 : i32
          %dma_start3A_49 = tpu.memref_slice %arg11[%mul3A_44, %dma_start3A_48] : memref<25088x64xf32, #tpu.memory_space<vmem_shared>> -> memref<1568x64xf32, #tpu.memory_space<vmem_shared>>
          tpu.enqueue_dma source(%dma_start3A_49 : memref<1568x64xf32, #tpu.memory_space<vmem_shared>>) target(%dma_start3A_47 : memref<1568x64xf32, #tpu.memory_space<hbm>>) target_semaphore(%run_scoped3A : memref<!tpu.dma_semaphore, #tpu.memory_space<semaphore_mem>>)
          %dma_wait3A = arith.constant 0 : i32
          %dma_wait3A_50 = tpu.memref_slice %arg6[%mul3A_46, %dma_wait3A] : memref<50000x64xf32, #tpu.memory_space<hbm>> -> memref<1568x64xf32, #tpu.memory_space<hbm>>
          %dma_wait3A_51 = arith.constant 0 : i32
          %dma_wait3A_52 = tpu.memref_slice %arg11[%mul3A_44, %dma_wait3A_51] : memref<25088x64xf32, #tpu.memory_space<vmem_shared>> -> memref<1568x64xf32, #tpu.memory_space<vmem_shared>>
          tpu.wait_dma2 semaphore(%run_scoped3A : memref<!tpu.dma_semaphore, #tpu.memory_space<semaphore_mem>>) src(%dma_wait3A_52 : memref<1568x64xf32, #tpu.memory_space<vmem_shared>>) dst(%dma_wait3A_50 : memref<1568x64xf32, #tpu.memory_space<hbm>>)
          tpu.yield
        }) : () -> ()
      } else {
      }
      %eq3A_38 = arith.constant 15 : i32
      %eq3A_39 = arith.cmpi eq, %arg1, %eq3A_38 : i32
      %convert_element_type3A_40 = arith.extui %eq3A_39 : i1 to i32
      %cond3A_41 = arith.constant 0 : i32
      %cond3A_42 = arith.cmpi ne, %convert_element_type3A_40, %cond3A_41 : i32
      scf.if %cond3A_42 {
        "tpu.region"() ({
          %run_scoped3A = tpu.sem_alloc : memref<!tpu.dma_semaphore, #tpu.memory_space<semaphore_mem>>
          %dma_start3A = arith.constant 23520 : i32
          %dma_start3A_43 = arith.constant 0 : i32
          %dma_start3A_44 = tpu.memref_slice %arg6[%dma_start3A, %dma_start3A_43] : memref<50000x64xf32, #tpu.memory_space<hbm>> -> memref<1504x64xf32, #tpu.memory_space<hbm>>
          %dma_start3A_45 = arith.constant 23520 : i32
          %dma_start3A_46 = arith.constant 0 : i32
          %dma_start3A_47 = tpu.memref_slice %arg11[%dma_start3A_45, %dma_start3A_46] : memref<25088x64xf32, #tpu.memory_space<vmem_shared>> -> memref<1504x64xf32, #tpu.memory_space<vmem_shared>>
          tpu.enqueue_dma source(%dma_start3A_47 : memref<1504x64xf32, #tpu.memory_space<vmem_shared>>) target(%dma_start3A_44 : memref<1504x64xf32, #tpu.memory_space<hbm>>) target_semaphore(%run_scoped3A : memref<!tpu.dma_semaphore, #tpu.memory_space<semaphore_mem>>)
          %dma_wait3A = arith.constant 23520 : i32
          %dma_wait3A_48 = arith.constant 0 : i32
          %dma_wait3A_49 = tpu.memref_slice %arg6[%dma_wait3A, %dma_wait3A_48] : memref<50000x64xf32, #tpu.memory_space<hbm>> -> memref<1504x64xf32, #tpu.memory_space<hbm>>
          %dma_wait3A_50 = arith.constant 23520 : i32
          %dma_wait3A_51 = arith.constant 0 : i32
          %dma_wait3A_52 = tpu.memref_slice %arg11[%dma_wait3A_50, %dma_wait3A_51] : memref<25088x64xf32, #tpu.memory_space<vmem_shared>> -> memref<1504x64xf32, #tpu.memory_space<vmem_shared>>
          tpu.wait_dma2 semaphore(%run_scoped3A : memref<!tpu.dma_semaphore, #tpu.memory_space<semaphore_mem>>) src(%dma_wait3A_52 : memref<1504x64xf32, #tpu.memory_space<vmem_shared>>) dst(%dma_wait3A_49 : memref<1504x64xf32, #tpu.memory_space<hbm>>)
          tpu.yield
        }) : () -> ()
      } else {
      }
    } else {
    }
    %eq3A_29 = arith.constant 1 : i32
    %eq3A_30 = arith.cmpi eq, %arg0, %eq3A_29 : i32
    %convert_element_type3A_31 = arith.extui %eq3A_30 : i1 to i32
    %cond3A_32 = arith.constant 0 : i32
    %cond3A_33 = arith.cmpi ne, %convert_element_type3A_31, %cond3A_32 : i32
    scf.if %cond3A_33 {
      %lt3A = arith.constant 15 : i32
      %lt3A_34 = arith.cmpi slt, %arg1, %lt3A : i32
      %convert_element_type3A_35 = arith.extui %lt3A_34 : i1 to i32
      %cond3A_36 = arith.constant 0 : i32
      %cond3A_37 = arith.cmpi ne, %convert_element_type3A_35, %cond3A_36 : i32
      scf.if %cond3A_37 {
        %mul3A_43 = arith.constant 1560 : i32
        %mul3A_44 = arith.muli %arg1, %mul3A_43 : i32
        %mul3A_45 = arith.constant 1560 : i32
        %mul3A_46 = arith.muli %arg1, %mul3A_45 : i32
        %add3A_47 = arith.constant 25024 : i32
        %add3A_48 = arith.addi %add3A_47, %mul3A_46 : i32
        "tpu.region"() ({
          %run_scoped3A = tpu.sem_alloc : memref<!tpu.dma_semaphore, #tpu.memory_space<semaphore_mem>>
          %dma_start3A = arith.constant 0 : i32
          %dma_start3A_49 = tpu.memref_slice %arg6[%add3A_48, %dma_start3A] : memref<50000x64xf32, #tpu.memory_space<hbm>> -> memref<1560x64xf32, #tpu.memory_space<hbm>>
          %dma_start3A_50 = arith.constant 0 : i32
          %dma_start3A_51 = tpu.memref_slice %arg11[%mul3A_44, %dma_start3A_50] : memref<25088x64xf32, #tpu.memory_space<vmem_shared>> -> memref<1560x64xf32, #tpu.memory_space<vmem_shared>>
          tpu.enqueue_dma source(%dma_start3A_51 : memref<1560x64xf32, #tpu.memory_space<vmem_shared>>) target(%dma_start3A_49 : memref<1560x64xf32, #tpu.memory_space<hbm>>) target_semaphore(%run_scoped3A : memref<!tpu.dma_semaphore, #tpu.memory_space<semaphore_mem>>)
          %dma_wait3A = arith.constant 0 : i32
          %dma_wait3A_52 = tpu.memref_slice %arg6[%add3A_48, %dma_wait3A] : memref<50000x64xf32, #tpu.memory_space<hbm>> -> memref<1560x64xf32, #tpu.memory_space<hbm>>
          %dma_wait3A_53 = arith.constant 0 : i32
          %dma_wait3A_54 = tpu.memref_slice %arg11[%mul3A_44, %dma_wait3A_53] : memref<25088x64xf32, #tpu.memory_space<vmem_shared>> -> memref<1560x64xf32, #tpu.memory_space<vmem_shared>>
          tpu.wait_dma2 semaphore(%run_scoped3A : memref<!tpu.dma_semaphore, #tpu.memory_space<semaphore_mem>>) src(%dma_wait3A_54 : memref<1560x64xf32, #tpu.memory_space<vmem_shared>>) dst(%dma_wait3A_52 : memref<1560x64xf32, #tpu.memory_space<hbm>>)
          tpu.yield
        }) : () -> ()
      } else {
      }
      %eq3A_38 = arith.constant 15 : i32
      %eq3A_39 = arith.cmpi eq, %arg1, %eq3A_38 : i32
      %convert_element_type3A_40 = arith.extui %eq3A_39 : i1 to i32
      %cond3A_41 = arith.constant 0 : i32
      %cond3A_42 = arith.cmpi ne, %convert_element_type3A_40, %cond3A_41 : i32
      scf.if %cond3A_42 {
        "tpu.region"() ({
          %run_scoped3A = tpu.sem_alloc : memref<!tpu.dma_semaphore, #tpu.memory_space<semaphore_mem>>
          %dma_start3A = arith.constant 48424 : i32
          %dma_start3A_43 = arith.constant 0 : i32
          %dma_start3A_44 = tpu.memref_slice %arg6[%dma_start3A, %dma_start3A_43] : memref<50000x64xf32, #tpu.memory_space<hbm>> -> memref<1576x64xf32, #tpu.memory_space<hbm>>
          %dma_start3A_45 = arith.constant 23400 : i32
          %dma_start3A_46 = arith.constant 0 : i32
          %dma_start3A_47 = tpu.memref_slice %arg11[%dma_start3A_45, %dma_start3A_46] : memref<25088x64xf32, #tpu.memory_space<vmem_shared>> -> memref<1576x64xf32, #tpu.memory_space<vmem_shared>>
          tpu.enqueue_dma source(%dma_start3A_47 : memref<1576x64xf32, #tpu.memory_space<vmem_shared>>) target(%dma_start3A_44 : memref<1576x64xf32, #tpu.memory_space<hbm>>) target_semaphore(%run_scoped3A : memref<!tpu.dma_semaphore, #tpu.memory_space<semaphore_mem>>)
          %dma_wait3A = arith.constant 48424 : i32
          %dma_wait3A_48 = arith.constant 0 : i32
          %dma_wait3A_49 = tpu.memref_slice %arg6[%dma_wait3A, %dma_wait3A_48] : memref<50000x64xf32, #tpu.memory_space<hbm>> -> memref<1576x64xf32, #tpu.memory_space<hbm>>
          %dma_wait3A_50 = arith.constant 23400 : i32
          %dma_wait3A_51 = arith.constant 0 : i32
          %dma_wait3A_52 = tpu.memref_slice %arg11[%dma_wait3A_50, %dma_wait3A_51] : memref<25088x64xf32, #tpu.memory_space<vmem_shared>> -> memref<1576x64xf32, #tpu.memory_space<vmem_shared>>
          tpu.wait_dma2 semaphore(%run_scoped3A : memref<!tpu.dma_semaphore, #tpu.memory_space<semaphore_mem>>) src(%dma_wait3A_52 : memref<1576x64xf32, #tpu.memory_space<vmem_shared>>) dst(%dma_wait3A_49 : memref<1576x64xf32, #tpu.memory_space<hbm>>)
          tpu.yield
        }) : () -> ()
      } else {
      }
    } else {
    }
    return
  }
}

#map = affine_map<(d0, d1) -> (0, 0)>
#map1 = affine_map<(d0, d1) -> (0)>
module attributes {stable_mosaic.version = 14 : i64} {
  func.func @_sc_agg_body(%arg0: i32, %arg1: i32, %arg2: memref<50000x64xf32, #tpu.memory_space<hbm>>, %arg3: memref<800768xi32, #tpu.memory_space<hbm>>, %arg4: memref<800768xi32, #tpu.memory_space<hbm>>, %arg5: memref<392x64xf32, #tpu.memory_space<hbm>>, %arg6: memref<50000x64xf32, #tpu.memory_space<hbm>>, %arg7: memref<128xi32, #tpu.memory_space<vmem>>, %arg8: memref<128xi32, #tpu.memory_space<vmem>>, %arg9: memref<128xi32, #tpu.memory_space<vmem>>, %arg10: memref<128x64xf32, #tpu.memory_space<vmem>>, %arg11: memref<25088x64xf32, #tpu.memory_space<vmem_shared>>, %arg12: memref<!tpu.dma_semaphore, #tpu.memory_space<semaphore_mem>>) attributes {dimension_semantics = [#tpu.dimension_semantics<core_parallel>, #tpu.dimension_semantics<subcore_parallel>], iteration_bounds = array<i64: 2, 16>, scalar_prefetch = 0 : i64, scratch_operands = 6 : i64, tpu.core_type = #tpu.core_type<sc_vector_subcore>, window_params = [{transform_indices = #map}, {transform_indices = #map1}, {transform_indices = #map1}, {transform_indices = #map}, {transform_indices = #map}]} {
    %mul3A = arith.constant 1568 : i32
    %mul3A_0 = arith.muli %arg1, %mul3A : i32
    %add3A = arith.constant 0 : i32
    %add3A_1 = arith.addi %mul3A_0, %add3A : i32
    "tpu.region"() ({
      %run_scoped3A = tpu.sem_alloc : memref<!tpu.dma_semaphore, #tpu.memory_space<semaphore_mem>>
      %dma_start3A = arith.constant 0 : i32
      %dma_start3A_34 = tpu.memref_slice %arg11[%add3A_1, %dma_start3A] : memref<25088x64xf32, #tpu.memory_space<vmem_shared>> -> memref<392x64xf32, #tpu.memory_space<vmem_shared>>
      tpu.enqueue_dma source(%arg5 : memref<392x64xf32, #tpu.memory_space<hbm>>) target(%dma_start3A_34 : memref<392x64xf32, #tpu.memory_space<vmem_shared>>) target_semaphore(%run_scoped3A : memref<!tpu.dma_semaphore, #tpu.memory_space<semaphore_mem>>)
      %dma_wait3A = arith.constant 0 : i32
      %dma_wait3A_35 = tpu.memref_slice %arg11[%add3A_1, %dma_wait3A] : memref<25088x64xf32, #tpu.memory_space<vmem_shared>> -> memref<392x64xf32, #tpu.memory_space<vmem_shared>>
      tpu.wait_dma2 semaphore(%run_scoped3A : memref<!tpu.dma_semaphore, #tpu.memory_space<semaphore_mem>>) src(%arg5 : memref<392x64xf32, #tpu.memory_space<hbm>>) dst(%dma_wait3A_35 : memref<392x64xf32, #tpu.memory_space<vmem_shared>>)
      tpu.yield
    }) : () -> ()
    %mul3A_2 = arith.constant 1568 : i32
    %mul3A_3 = arith.muli %arg1, %mul3A_2 : i32
    %add3A_4 = arith.constant 392 : i32
    %add3A_5 = arith.addi %mul3A_3, %add3A_4 : i32
    "tpu.region"() ({
      %run_scoped3A = tpu.sem_alloc : memref<!tpu.dma_semaphore, #tpu.memory_space<semaphore_mem>>
      %dma_start3A = arith.constant 0 : i32
      %dma_start3A_34 = tpu.memref_slice %arg11[%add3A_5, %dma_start3A] : memref<25088x64xf32, #tpu.memory_space<vmem_shared>> -> memref<392x64xf32, #tpu.memory_space<vmem_shared>>
      tpu.enqueue_dma source(%arg5 : memref<392x64xf32, #tpu.memory_space<hbm>>) target(%dma_start3A_34 : memref<392x64xf32, #tpu.memory_space<vmem_shared>>) target_semaphore(%run_scoped3A : memref<!tpu.dma_semaphore, #tpu.memory_space<semaphore_mem>>)
      %dma_wait3A = arith.constant 0 : i32
      %dma_wait3A_35 = tpu.memref_slice %arg11[%add3A_5, %dma_wait3A] : memref<25088x64xf32, #tpu.memory_space<vmem_shared>> -> memref<392x64xf32, #tpu.memory_space<vmem_shared>>
      tpu.wait_dma2 semaphore(%run_scoped3A : memref<!tpu.dma_semaphore, #tpu.memory_space<semaphore_mem>>) src(%arg5 : memref<392x64xf32, #tpu.memory_space<hbm>>) dst(%dma_wait3A_35 : memref<392x64xf32, #tpu.memory_space<vmem_shared>>)
      tpu.yield
    }) : () -> ()
    %mul3A_6 = arith.constant 1568 : i32
    %mul3A_7 = arith.muli %arg1, %mul3A_6 : i32
    %add3A_8 = arith.constant 784 : i32
    %add3A_9 = arith.addi %mul3A_7, %add3A_8 : i32
    "tpu.region"() ({
      %run_scoped3A = tpu.sem_alloc : memref<!tpu.dma_semaphore, #tpu.memory_space<semaphore_mem>>
      %dma_start3A = arith.constant 0 : i32
      %dma_start3A_34 = tpu.memref_slice %arg11[%add3A_9, %dma_start3A] : memref<25088x64xf32, #tpu.memory_space<vmem_shared>> -> memref<392x64xf32, #tpu.memory_space<vmem_shared>>
      tpu.enqueue_dma source(%arg5 : memref<392x64xf32, #tpu.memory_space<hbm>>) target(%dma_start3A_34 : memref<392x64xf32, #tpu.memory_space<vmem_shared>>) target_semaphore(%run_scoped3A : memref<!tpu.dma_semaphore, #tpu.memory_space<semaphore_mem>>)
      %dma_wait3A = arith.constant 0 : i32
      %dma_wait3A_35 = tpu.memref_slice %arg11[%add3A_9, %dma_wait3A] : memref<25088x64xf32, #tpu.memory_space<vmem_shared>> -> memref<392x64xf32, #tpu.memory_space<vmem_shared>>
      tpu.wait_dma2 semaphore(%run_scoped3A : memref<!tpu.dma_semaphore, #tpu.memory_space<semaphore_mem>>) src(%arg5 : memref<392x64xf32, #tpu.memory_space<hbm>>) dst(%dma_wait3A_35 : memref<392x64xf32, #tpu.memory_space<vmem_shared>>)
      tpu.yield
    }) : () -> ()
    %mul3A_10 = arith.constant 1568 : i32
    %mul3A_11 = arith.muli %arg1, %mul3A_10 : i32
    %add3A_12 = arith.constant 1176 : i32
    %add3A_13 = arith.addi %mul3A_11, %add3A_12 : i32
    "tpu.region"() ({
      %run_scoped3A = tpu.sem_alloc : memref<!tpu.dma_semaphore, #tpu.memory_space<semaphore_mem>>
      %dma_start3A = arith.constant 0 : i32
      %dma_start3A_34 = tpu.memref_slice %arg11[%add3A_13, %dma_start3A] : memref<25088x64xf32, #tpu.memory_space<vmem_shared>> -> memref<392x64xf32, #tpu.memory_space<vmem_shared>>
      tpu.enqueue_dma source(%arg5 : memref<392x64xf32, #tpu.memory_space<hbm>>) target(%dma_start3A_34 : memref<392x64xf32, #tpu.memory_space<vmem_shared>>) target_semaphore(%run_scoped3A : memref<!tpu.dma_semaphore, #tpu.memory_space<semaphore_mem>>)
      %dma_wait3A = arith.constant 0 : i32
      %dma_wait3A_35 = tpu.memref_slice %arg11[%add3A_13, %dma_wait3A] : memref<25088x64xf32, #tpu.memory_space<vmem_shared>> -> memref<392x64xf32, #tpu.memory_space<vmem_shared>>
      tpu.wait_dma2 semaphore(%run_scoped3A : memref<!tpu.dma_semaphore, #tpu.memory_space<semaphore_mem>>) src(%arg5 : memref<392x64xf32, #tpu.memory_space<hbm>>) dst(%dma_wait3A_35 : memref<392x64xf32, #tpu.memory_space<vmem_shared>>)
      tpu.yield
    }) : () -> ()
    %barrier3A = arith.constant 0 : index
    tpu.barrier barrier_id(%barrier3A)
    %eq3A = arith.constant 0 : i32
    %eq3A_14 = arith.cmpi eq, %arg0, %eq3A : i32
    %jit3A = arith.constant 25024 : i32
    %jit3A_15 = arith.constant 24976 : i32
    %select_n3A = arith.select %eq3A_14, %jit3A, %jit3A_15 : i32
    %mul3A_16 = arith.constant 25024 : i32
    %mul3A_17 = arith.muli %arg0, %mul3A_16 : i32
    %mul3A_18 = arith.constant 50048 : i32
    %mul3A_19 = arith.muli %arg1, %mul3A_18 : i32
    %scan3A = arith.constant 0 : i32
    %scan3A_20 = arith.constant 0 : i32
    %scan3A_21 = arith.constant 391 : i32
    %scan3A_22 = arith.addi %scan3A_20, %scan3A_21 : i32
    %scan3A_23 = arith.constant 1 : i32
    scf.for %scan3A_34 = %scan3A_20 to %scan3A_22 step %scan3A_23  : i32 {
      %mul3A_35 = arith.constant 128 : i32
      %mul3A_36 = arith.muli %scan3A_34, %mul3A_35 : i32
      %add3A_37 = arith.addi %mul3A_19, %mul3A_36 : i32
      "tpu.region"() ({
        %run_scoped3A = tpu.sem_alloc : memref<!tpu.dma_semaphore, #tpu.memory_space<semaphore_mem>>
        %dma_start3A_179 = tpu.memref_slice %arg3[%add3A_37] : memref<800768xi32, #tpu.memory_space<hbm>> -> memref<128xi32, #tpu.memory_space<hbm>>
        %dma_start3A_180 = tpu.memref_slice %arg3[%add3A_37] : memref<800768xi32, #tpu.memory_space<hbm>> -> memref<128xi32, #tpu.memory_space<hbm>>
        tpu.enqueue_dma source(%dma_start3A_180 : memref<128xi32, #tpu.memory_space<hbm>>) target(%arg8 : memref<128xi32, #tpu.memory_space<vmem>>) target_semaphore(%run_scoped3A : memref<!tpu.dma_semaphore, #tpu.memory_space<semaphore_mem>>)
        %dma_wait3A_181 = tpu.memref_slice %arg3[%add3A_37] : memref<800768xi32, #tpu.memory_space<hbm>> -> memref<128xi32, #tpu.memory_space<hbm>>
        %dma_wait3A_182 = tpu.memref_slice %arg3[%add3A_37] : memref<800768xi32, #tpu.memory_space<hbm>> -> memref<128xi32, #tpu.memory_space<hbm>>
        tpu.wait_dma2 semaphore(%run_scoped3A : memref<!tpu.dma_semaphore, #tpu.memory_space<semaphore_mem>>) src(%dma_wait3A_182 : memref<128xi32, #tpu.memory_space<hbm>>) dst(%arg8 : memref<128xi32, #tpu.memory_space<vmem>>)
        tpu.yield
      }) : () -> ()
      %dma_start3A = arith.constant 0 : i32
      %dma_start3A_38 = arith.constant 0 : i32
      %dma_start3A_39 = tpu.memref_slice %arg2[%dma_start3A, %dma_start3A_38] : memref<50000x64xf32, #tpu.memory_space<hbm>> -> memref<50000x64xf32, #tpu.memory_space<hbm>>
      tpu.enqueue_indirect_dma source(%dma_start3A_39 : memref<50000x64xf32, #tpu.memory_space<hbm>>) target(%arg10 : memref<128x64xf32, #tpu.memory_space<vmem>>) offsets(%arg8 : memref<128xi32, #tpu.memory_space<vmem>>) semaphore(%arg12 : memref<!tpu.dma_semaphore, #tpu.memory_space<semaphore_mem>>)
      "tpu.region"() ({
        %run_scoped3A = tpu.sem_alloc : memref<!tpu.dma_semaphore, #tpu.memory_space<semaphore_mem>>
        %dma_start3A_179 = tpu.memref_slice %arg4[%add3A_37] : memref<800768xi32, #tpu.memory_space<hbm>> -> memref<128xi32, #tpu.memory_space<hbm>>
        %dma_start3A_180 = tpu.memref_slice %arg4[%add3A_37] : memref<800768xi32, #tpu.memory_space<hbm>> -> memref<128xi32, #tpu.memory_space<hbm>>
        tpu.enqueue_dma source(%dma_start3A_180 : memref<128xi32, #tpu.memory_space<hbm>>) target(%arg7 : memref<128xi32, #tpu.memory_space<vmem>>) target_semaphore(%run_scoped3A : memref<!tpu.dma_semaphore, #tpu.memory_space<semaphore_mem>>)
        %dma_wait3A_181 = tpu.memref_slice %arg4[%add3A_37] : memref<800768xi32, #tpu.memory_space<hbm>> -> memref<128xi32, #tpu.memory_space<hbm>>
        %dma_wait3A_182 = tpu.memref_slice %arg4[%add3A_37] : memref<800768xi32, #tpu.memory_space<hbm>> -> memref<128xi32, #tpu.memory_space<hbm>>
        tpu.wait_dma2 semaphore(%run_scoped3A : memref<!tpu.dma_semaphore, #tpu.memory_space<semaphore_mem>>) src(%dma_wait3A_182 : memref<128xi32, #tpu.memory_space<hbm>>) dst(%arg7 : memref<128xi32, #tpu.memory_space<vmem>>)
        tpu.yield
      }) : () -> ()
      %get3A = arith.constant 0 : index
      %get3A_40 = tpu.vector_load %arg7[%get3A] {strides = array<i32>} : memref<128xi32, #tpu.memory_space<vmem>>, vector<16xi32>,
      %get3A_41 = vector.shape_cast %get3A_40 : vector<16xi32> to vector<16xi32>
      %sub3A = vector.broadcast %mul3A_17 : i32 to vector<16xi32>
      %sub3A_42 = arith.subi %get3A_41, %sub3A : vector<16xi32>
      %ge3A = arith.constant 0 : i32
      %ge3A_43 = vector.broadcast %ge3A : i32 to vector<16xi32>
      %ge3A_44 = arith.cmpi sge, %sub3A_42, %ge3A_43 : vector<16xi32>
      %lt3A = vector.broadcast %select_n3A : i32 to vector<16xi32>
      %lt3A_45 = arith.cmpi slt, %sub3A_42, %lt3A : vector<16xi32>
      %and3A = arith.andi %ge3A_44, %lt3A_45 : vector<16xi1>
      %jit3A_46 = arith.constant 25024 : i32
      %broadcast_in_dim3A = vector.broadcast %jit3A_46 : i32 to vector<16xi32>
      %select_n3A_47 = arith.select %and3A, %sub3A_42, %broadcast_in_dim3A : vector<16xi1>, vector<16xi32>
      %swap3A = arith.constant 0 : index
      %swap3A_48 = tpu.vector_load %arg9[%swap3A] {strides = array<i32>} : memref<128xi32, #tpu.memory_space<vmem>>, vector<16xi32>,
      %swap3A_49 = vector.shape_cast %swap3A_48 : vector<16xi32> to vector<16xi32>
      %swap3A_50 = vector.shape_cast %select_n3A_47 : vector<16xi32> to vector<16xi32>
      tpu.vector_store %arg9[%swap3A], %swap3A_50 {strides = array<i32>} : memref<128xi32, #tpu.memory_space<vmem>>, vector<16xi32>,
      %get3A_51 = arith.constant 16 : index
      %get3A_52 = tpu.vector_load %arg7[%get3A_51] {strides = array<i32>} : memref<128xi32, #tpu.memory_space<vmem>>, vector<16xi32>,
      %get3A_53 = vector.shape_cast %get3A_52 : vector<16xi32> to vector<16xi32>
      %sub3A_54 = vector.broadcast %mul3A_17 : i32 to vector<16xi32>
      %sub3A_55 = arith.subi %get3A_53, %sub3A_54 : vector<16xi32>
      %ge3A_56 = arith.constant 0 : i32
      %ge3A_57 = vector.broadcast %ge3A_56 : i32 to vector<16xi32>
      %ge3A_58 = arith.cmpi sge, %sub3A_55, %ge3A_57 : vector<16xi32>
      %lt3A_59 = vector.broadcast %select_n3A : i32 to vector<16xi32>
      %lt3A_60 = arith.cmpi slt, %sub3A_55, %lt3A_59 : vector<16xi32>
      %and3A_61 = arith.andi %ge3A_58, %lt3A_60 : vector<16xi1>
      %jit3A_62 = arith.constant 25024 : i32
      %broadcast_in_dim3A_63 = vector.broadcast %jit3A_62 : i32 to vector<16xi32>
      %select_n3A_64 = arith.select %and3A_61, %sub3A_55, %broadcast_in_dim3A_63 : vector<16xi1>, vector<16xi32>
      %swap3A_65 = arith.constant 16 : index
      %swap3A_66 = tpu.vector_load %arg9[%swap3A_65] {strides = array<i32>} : memref<128xi32, #tpu.memory_space<vmem>>, vector<16xi32>,
      %swap3A_67 = vector.shape_cast %swap3A_66 : vector<16xi32> to vector<16xi32>
      %swap3A_68 = vector.shape_cast %select_n3A_64 : vector<16xi32> to vector<16xi32>
      tpu.vector_store %arg9[%swap3A_65], %swap3A_68 {strides = array<i32>} : memref<128xi32, #tpu.memory_space<vmem>>, vector<16xi32>,
      %get3A_69 = arith.constant 32 : index
      %get3A_70 = tpu.vector_load %arg7[%get3A_69] {strides = array<i32>} : memref<128xi32, #tpu.memory_space<vmem>>, vector<16xi32>,
      %get3A_71 = vector.shape_cast %get3A_70 : vector<16xi32> to vector<16xi32>
      %sub3A_72 = vector.broadcast %mul3A_17 : i32 to vector<16xi32>
      %sub3A_73 = arith.subi %get3A_71, %sub3A_72 : vector<16xi32>
      %ge3A_74 = arith.constant 0 : i32
      %ge3A_75 = vector.broadcast %ge3A_74 : i32 to vector<16xi32>
      %ge3A_76 = arith.cmpi sge, %sub3A_73, %ge3A_75 : vector<16xi32>
      %lt3A_77 = vector.broadcast %select_n3A : i32 to vector<16xi32>
      %lt3A_78 = arith.cmpi slt, %sub3A_73, %lt3A_77 : vector<16xi32>
      %and3A_79 = arith.andi %ge3A_76, %lt3A_78 : vector<16xi1>
      %jit3A_80 = arith.constant 25024 : i32
      %broadcast_in_dim3A_81 = vector.broadcast %jit3A_80 : i32 to vector<16xi32>
      %select_n3A_82 = arith.select %and3A_79, %sub3A_73, %broadcast_in_dim3A_81 : vector<16xi1>, vector<16xi32>
      %swap3A_83 = arith.constant 32 : index
      %swap3A_84 = tpu.vector_load %arg9[%swap3A_83] {strides = array<i32>} : memref<128xi32, #tpu.memory_space<vmem>>, vector<16xi32>,
      %swap3A_85 = vector.shape_cast %swap3A_84 : vector<16xi32> to vector<16xi32>
      %swap3A_86 = vector.shape_cast %select_n3A_82 : vector<16xi32> to vector<16xi32>
      tpu.vector_store %arg9[%swap3A_83], %swap3A_86 {strides = array<i32>} : memref<128xi32, #tpu.memory_space<vmem>>, vector<16xi32>,
      %get3A_87 = arith.constant 48 : index
      %get3A_88 = tpu.vector_load %arg7[%get3A_87] {strides = array<i32>} : memref<128xi32, #tpu.memory_space<vmem>>, vector<16xi32>,
      %get3A_89 = vector.shape_cast %get3A_88 : vector<16xi32> to vector<16xi32>
      %sub3A_90 = vector.broadcast %mul3A_17 : i32 to vector<16xi32>
      %sub3A_91 = arith.subi %get3A_89, %sub3A_90 : vector<16xi32>
      %ge3A_92 = arith.constant 0 : i32
      %ge3A_93 = vector.broadcast %ge3A_92 : i32 to vector<16xi32>
      %ge3A_94 = arith.cmpi sge, %sub3A_91, %ge3A_93 : vector<16xi32>
      %lt3A_95 = vector.broadcast %select_n3A : i32 to vector<16xi32>
      %lt3A_96 = arith.cmpi slt, %sub3A_91, %lt3A_95 : vector<16xi32>
      %and3A_97 = arith.andi %ge3A_94, %lt3A_96 : vector<16xi1>
      %jit3A_98 = arith.constant 25024 : i32
      %broadcast_in_dim3A_99 = vector.broadcast %jit3A_98 : i32 to vector<16xi32>
      %select_n3A_100 = arith.select %and3A_97, %sub3A_91, %broadcast_in_dim3A_99 : vector<16xi1>, vector<16xi32>
      %swap3A_101 = arith.constant 48 : index
      %swap3A_102 = tpu.vector_load %arg9[%swap3A_101] {strides = array<i32>} : memref<128xi32, #tpu.memory_space<vmem>>, vector<16xi32>,
      %swap3A_103 = vector.shape_cast %swap3A_102 : vector<16xi32> to vector<16xi32>
      %swap3A_104 = vector.shape_cast %select_n3A_100 : vector<16xi32> to vector<16xi32>
      tpu.vector_store %arg9[%swap3A_101], %swap3A_104 {strides = array<i32>} : memref<128xi32, #tpu.memory_space<vmem>>, vector<16xi32>,
      %get3A_105 = arith.constant 64 : index
      %get3A_106 = tpu.vector_load %arg7[%get3A_105] {strides = array<i32>} : memref<128xi32, #tpu.memory_space<vmem>>, vector<16xi32>,
      %get3A_107 = vector.shape_cast %get3A_106 : vector<16xi32> to vector<16xi32>
      %sub3A_108 = vector.broadcast %mul3A_17 : i32 to vector<16xi32>
      %sub3A_109 = arith.subi %get3A_107, %sub3A_108 : vector<16xi32>
      %ge3A_110 = arith.constant 0 : i32
      %ge3A_111 = vector.broadcast %ge3A_110 : i32 to vector<16xi32>
      %ge3A_112 = arith.cmpi sge, %sub3A_109, %ge3A_111 : vector<16xi32>
      %lt3A_113 = vector.broadcast %select_n3A : i32 to vector<16xi32>
      %lt3A_114 = arith.cmpi slt, %sub3A_109, %lt3A_113 : vector<16xi32>
      %and3A_115 = arith.andi %ge3A_112, %lt3A_114 : vector<16xi1>
      %jit3A_116 = arith.constant 25024 : i32
      %broadcast_in_dim3A_117 = vector.broadcast %jit3A_116 : i32 to vector<16xi32>
      %select_n3A_118 = arith.select %and3A_115, %sub3A_109, %broadcast_in_dim3A_117 : vector<16xi1>, vector<16xi32>
      %swap3A_119 = arith.constant 64 : index
      %swap3A_120 = tpu.vector_load %arg9[%swap3A_119] {strides = array<i32>} : memref<128xi32, #tpu.memory_space<vmem>>, vector<16xi32>,
      %swap3A_121 = vector.shape_cast %swap3A_120 : vector<16xi32> to vector<16xi32>
      %swap3A_122 = vector.shape_cast %select_n3A_118 : vector<16xi32> to vector<16xi32>
      tpu.vector_store %arg9[%swap3A_119], %swap3A_122 {strides = array<i32>} : memref<128xi32, #tpu.memory_space<vmem>>, vector<16xi32>,
      %get3A_123 = arith.constant 80 : index
      %get3A_124 = tpu.vector_load %arg7[%get3A_123] {strides = array<i32>} : memref<128xi32, #tpu.memory_space<vmem>>, vector<16xi32>,
      %get3A_125 = vector.shape_cast %get3A_124 : vector<16xi32> to vector<16xi32>
      %sub3A_126 = vector.broadcast %mul3A_17 : i32 to vector<16xi32>
      %sub3A_127 = arith.subi %get3A_125, %sub3A_126 : vector<16xi32>
      %ge3A_128 = arith.constant 0 : i32
      %ge3A_129 = vector.broadcast %ge3A_128 : i32 to vector<16xi32>
      %ge3A_130 = arith.cmpi sge, %sub3A_127, %ge3A_129 : vector<16xi32>
      %lt3A_131 = vector.broadcast %select_n3A : i32 to vector<16xi32>
      %lt3A_132 = arith.cmpi slt, %sub3A_127, %lt3A_131 : vector<16xi32>
      %and3A_133 = arith.andi %ge3A_130, %lt3A_132 : vector<16xi1>
      %jit3A_134 = arith.constant 25024 : i32
      %broadcast_in_dim3A_135 = vector.broadcast %jit3A_134 : i32 to vector<16xi32>
      %select_n3A_136 = arith.select %and3A_133, %sub3A_127, %broadcast_in_dim3A_135 : vector<16xi1>, vector<16xi32>
      %swap3A_137 = arith.constant 80 : index
      %swap3A_138 = tpu.vector_load %arg9[%swap3A_137] {strides = array<i32>} : memref<128xi32, #tpu.memory_space<vmem>>, vector<16xi32>,
      %swap3A_139 = vector.shape_cast %swap3A_138 : vector<16xi32> to vector<16xi32>
      %swap3A_140 = vector.shape_cast %select_n3A_136 : vector<16xi32> to vector<16xi32>
      tpu.vector_store %arg9[%swap3A_137], %swap3A_140 {strides = array<i32>} : memref<128xi32, #tpu.memory_space<vmem>>, vector<16xi32>,
      %get3A_141 = arith.constant 96 : index
      %get3A_142 = tpu.vector_load %arg7[%get3A_141] {strides = array<i32>} : memref<128xi32, #tpu.memory_space<vmem>>, vector<16xi32>,
      %get3A_143 = vector.shape_cast %get3A_142 : vector<16xi32> to vector<16xi32>
      %sub3A_144 = vector.broadcast %mul3A_17 : i32 to vector<16xi32>
      %sub3A_145 = arith.subi %get3A_143, %sub3A_144 : vector<16xi32>
      %ge3A_146 = arith.constant 0 : i32
      %ge3A_147 = vector.broadcast %ge3A_146 : i32 to vector<16xi32>
      %ge3A_148 = arith.cmpi sge, %sub3A_145, %ge3A_147 : vector<16xi32>
      %lt3A_149 = vector.broadcast %select_n3A : i32 to vector<16xi32>
      %lt3A_150 = arith.cmpi slt, %sub3A_145, %lt3A_149 : vector<16xi32>
      %and3A_151 = arith.andi %ge3A_148, %lt3A_150 : vector<16xi1>
      %jit3A_152 = arith.constant 25024 : i32
      %broadcast_in_dim3A_153 = vector.broadcast %jit3A_152 : i32 to vector<16xi32>
      %select_n3A_154 = arith.select %and3A_151, %sub3A_145, %broadcast_in_dim3A_153 : vector<16xi1>, vector<16xi32>
      %swap3A_155 = arith.constant 96 : index
      %swap3A_156 = tpu.vector_load %arg9[%swap3A_155] {strides = array<i32>} : memref<128xi32, #tpu.memory_space<vmem>>, vector<16xi32>,
      %swap3A_157 = vector.shape_cast %swap3A_156 : vector<16xi32> to vector<16xi32>
      %swap3A_158 = vector.shape_cast %select_n3A_154 : vector<16xi32> to vector<16xi32>
      tpu.vector_store %arg9[%swap3A_155], %swap3A_158 {strides = array<i32>} : memref<128xi32, #tpu.memory_space<vmem>>, vector<16xi32>,
      %get3A_159 = arith.constant 112 : index
      %get3A_160 = tpu.vector_load %arg7[%get3A_159] {strides = array<i32>} : memref<128xi32, #tpu.memory_space<vmem>>, vector<16xi32>,
      %get3A_161 = vector.shape_cast %get3A_160 : vector<16xi32> to vector<16xi32>
      %sub3A_162 = vector.broadcast %mul3A_17 : i32 to vector<16xi32>
      %sub3A_163 = arith.subi %get3A_161, %sub3A_162 : vector<16xi32>
      %ge3A_164 = arith.constant 0 : i32
      %ge3A_165 = vector.broadcast %ge3A_164 : i32 to vector<16xi32>
      %ge3A_166 = arith.cmpi sge, %sub3A_163, %ge3A_165 : vector<16xi32>
      %lt3A_167 = vector.broadcast %select_n3A : i32 to vector<16xi32>
      %lt3A_168 = arith.cmpi slt, %sub3A_163, %lt3A_167 : vector<16xi32>
      %and3A_169 = arith.andi %ge3A_166, %lt3A_168 : vector<16xi1>
      %jit3A_170 = arith.constant 25024 : i32
      %broadcast_in_dim3A_171 = vector.broadcast %jit3A_170 : i32 to vector<16xi32>
      %select_n3A_172 = arith.select %and3A_169, %sub3A_163, %broadcast_in_dim3A_171 : vector<16xi1>, vector<16xi32>
      %swap3A_173 = arith.constant 112 : index
      %swap3A_174 = tpu.vector_load %arg9[%swap3A_173] {strides = array<i32>} : memref<128xi32, #tpu.memory_space<vmem>>, vector<16xi32>,
      %swap3A_175 = vector.shape_cast %swap3A_174 : vector<16xi32> to vector<16xi32>
      %swap3A_176 = vector.shape_cast %select_n3A_172 : vector<16xi32> to vector<16xi32>
      tpu.vector_store %arg9[%swap3A_173], %swap3A_176 {strides = array<i32>} : memref<128xi32, #tpu.memory_space<vmem>>, vector<16xi32>,
      %dma_wait3A = arith.constant 0 : i32
      %dma_wait3A_177 = arith.constant 0 : i32
      %dma_wait3A_178 = tpu.memref_slice %arg2[%dma_wait3A, %dma_wait3A_177] : memref<50000x64xf32, #tpu.memory_space<hbm>> -> memref<50000x64xf32, #tpu.memory_space<hbm>>
      tpu.wait_indirect_dma semaphore(%arg12 : memref<!tpu.dma_semaphore, #tpu.memory_space<semaphore_mem>>) src(%dma_wait3A_178 : memref<50000x64xf32, #tpu.memory_space<hbm>>) dst(%arg10 : memref<128x64xf32, #tpu.memory_space<vmem>>)
      "tpu.region"() ({
        %run_scoped3A = tpu.sem_alloc : memref<!tpu.dma_semaphore, #tpu.memory_space<semaphore_mem>>
        %dma_start3A_179 = arith.constant 0 : i32
        %dma_start3A_180 = arith.constant 0 : i32
        %dma_start3A_181 = tpu.memref_slice %arg11[%dma_start3A_179, %dma_start3A_180] : memref<25088x64xf32, #tpu.memory_space<vmem_shared>> -> memref<25088x64xf32, #tpu.memory_space<vmem_shared>>
        tpu.enqueue_indirect_dma source(%arg10 : memref<128x64xf32, #tpu.memory_space<vmem>>) target(%dma_start3A_181 : memref<25088x64xf32, #tpu.memory_space<vmem_shared>>) offsets(%arg9 : memref<128xi32, #tpu.memory_space<vmem>>) semaphore(%run_scoped3A : memref<!tpu.dma_semaphore, #tpu.memory_space<semaphore_mem>>) {add = true}
        %dma_wait3A_182 = arith.constant 0 : i32
        %dma_wait3A_183 = arith.constant 0 : i32
        %dma_wait3A_184 = tpu.memref_slice %arg11[%dma_wait3A_182, %dma_wait3A_183] : memref<25088x64xf32, #tpu.memory_space<vmem_shared>> -> memref<25088x64xf32, #tpu.memory_space<vmem_shared>>
        tpu.wait_indirect_dma semaphore(%run_scoped3A : memref<!tpu.dma_semaphore, #tpu.memory_space<semaphore_mem>>) src(%arg10 : memref<128x64xf32, #tpu.memory_space<vmem>>) dst(%dma_wait3A_184 : memref<25088x64xf32, #tpu.memory_space<vmem_shared>>)
        tpu.yield
      }) : () -> ()
    }
    %scan3A_24 = arith.constant 391 : i32
    %barrier3A_25 = arith.constant 0 : index
    tpu.barrier barrier_id(%barrier3A_25)
    %eq3A_26 = arith.constant 0 : i32
    %eq3A_27 = arith.cmpi eq, %arg0, %eq3A_26 : i32
    %convert_element_type3A = arith.extui %eq3A_27 : i1 to i32
    %cond3A = arith.constant 0 : i32
    %cond3A_28 = arith.cmpi ne, %convert_element_type3A, %cond3A : i32
    scf.if %cond3A_28 {
      %lt3A = arith.constant 15 : i32
      %lt3A_34 = arith.cmpi slt, %arg1, %lt3A : i32
      %convert_element_type3A_35 = arith.extui %lt3A_34 : i1 to i32
      %cond3A_36 = arith.constant 0 : i32
      %cond3A_37 = arith.cmpi ne, %convert_element_type3A_35, %cond3A_36 : i32
      scf.if %cond3A_37 {
        %mul3A_43 = arith.constant 1568 : i32
        %mul3A_44 = arith.muli %arg1, %mul3A_43 : i32
        %mul3A_45 = arith.constant 1568 : i32
        %mul3A_46 = arith.muli %arg1, %mul3A_45 : i32
        "tpu.region"() ({
          %run_scoped3A = tpu.sem_alloc : memref<!tpu.dma_semaphore, #tpu.memory_space<semaphore_mem>>
          %dma_start3A = arith.constant 0 : i32
          %dma_start3A_47 = tpu.memref_slice %arg6[%mul3A_46, %dma_start3A] : memref<50000x64xf32, #tpu.memory_space<hbm>> -> memref<1568x64xf32, #tpu.memory_space<hbm>>
          %dma_start3A_48 = arith.constant 0 : i32
          %dma_start3A_49 = tpu.memref_slice %arg11[%mul3A_44, %dma_start3A_48] : memref<25088x64xf32, #tpu.memory_space<vmem_shared>> -> memref<1568x64xf32, #tpu.memory_space<vmem_shared>>
          tpu.enqueue_dma source(%dma_start3A_49 : memref<1568x64xf32, #tpu.memory_space<vmem_shared>>) target(%dma_start3A_47 : memref<1568x64xf32, #tpu.memory_space<hbm>>) target_semaphore(%run_scoped3A : memref<!tpu.dma_semaphore, #tpu.memory_space<semaphore_mem>>)
          %dma_wait3A = arith.constant 0 : i32
          %dma_wait3A_50 = tpu.memref_slice %arg6[%mul3A_46, %dma_wait3A] : memref<50000x64xf32, #tpu.memory_space<hbm>> -> memref<1568x64xf32, #tpu.memory_space<hbm>>
          %dma_wait3A_51 = arith.constant 0 : i32
          %dma_wait3A_52 = tpu.memref_slice %arg11[%mul3A_44, %dma_wait3A_51] : memref<25088x64xf32, #tpu.memory_space<vmem_shared>> -> memref<1568x64xf32, #tpu.memory_space<vmem_shared>>
          tpu.wait_dma2 semaphore(%run_scoped3A : memref<!tpu.dma_semaphore, #tpu.memory_space<semaphore_mem>>) src(%dma_wait3A_52 : memref<1568x64xf32, #tpu.memory_space<vmem_shared>>) dst(%dma_wait3A_50 : memref<1568x64xf32, #tpu.memory_space<hbm>>)
          tpu.yield
        }) : () -> ()
      } else {
      }
      %eq3A_38 = arith.constant 15 : i32
      %eq3A_39 = arith.cmpi eq, %arg1, %eq3A_38 : i32
      %convert_element_type3A_40 = arith.extui %eq3A_39 : i1 to i32
      %cond3A_41 = arith.constant 0 : i32
      %cond3A_42 = arith.cmpi ne, %convert_element_type3A_40, %cond3A_41 : i32
      scf.if %cond3A_42 {
        "tpu.region"() ({
          %run_scoped3A = tpu.sem_alloc : memref<!tpu.dma_semaphore, #tpu.memory_space<semaphore_mem>>
          %dma_start3A = arith.constant 23520 : i32
          %dma_start3A_43 = arith.constant 0 : i32
          %dma_start3A_44 = tpu.memref_slice %arg6[%dma_start3A, %dma_start3A_43] : memref<50000x64xf32, #tpu.memory_space<hbm>> -> memref<1504x64xf32, #tpu.memory_space<hbm>>
          %dma_start3A_45 = arith.constant 23520 : i32
          %dma_start3A_46 = arith.constant 0 : i32
          %dma_start3A_47 = tpu.memref_slice %arg11[%dma_start3A_45, %dma_start3A_46] : memref<25088x64xf32, #tpu.memory_space<vmem_shared>> -> memref<1504x64xf32, #tpu.memory_space<vmem_shared>>
          tpu.enqueue_dma source(%dma_start3A_47 : memref<1504x64xf32, #tpu.memory_space<vmem_shared>>) target(%dma_start3A_44 : memref<1504x64xf32, #tpu.memory_space<hbm>>) target_semaphore(%run_scoped3A : memref<!tpu.dma_semaphore, #tpu.memory_space<semaphore_mem>>)
          %dma_wait3A = arith.constant 23520 : i32
          %dma_wait3A_48 = arith.constant 0 : i32
          %dma_wait3A_49 = tpu.memref_slice %arg6[%dma_wait3A, %dma_wait3A_48] : memref<50000x64xf32, #tpu.memory_space<hbm>> -> memref<1504x64xf32, #tpu.memory_space<hbm>>
          %dma_wait3A_50 = arith.constant 23520 : i32
          %dma_wait3A_51 = arith.constant 0 : i32
          %dma_wait3A_52 = tpu.memref_slice %arg11[%dma_wait3A_50, %dma_wait3A_51] : memref<25088x64xf32, #tpu.memory_space<vmem_shared>> -> memref<1504x64xf32, #tpu.memory_space<vmem_shared>>
          tpu.wait_dma2 semaphore(%run_scoped3A : memref<!tpu.dma_semaphore, #tpu.memory_space<semaphore_mem>>) src(%dma_wait3A_52 : memref<1504x64xf32, #tpu.memory_space<vmem_shared>>) dst(%dma_wait3A_49 : memref<1504x64xf32, #tpu.memory_space<hbm>>)
          tpu.yield
        }) : () -> ()
      } else {
      }
    } else {
    }
    %eq3A_29 = arith.constant 1 : i32
    %eq3A_30 = arith.cmpi eq, %arg0, %eq3A_29 : i32
    %convert_element_type3A_31 = arith.extui %eq3A_30 : i1 to i32
    %cond3A_32 = arith.constant 0 : i32
    %cond3A_33 = arith.cmpi ne, %convert_element_type3A_31, %cond3A_32 : i32
    scf.if %cond3A_33 {
      %lt3A = arith.constant 15 : i32
      %lt3A_34 = arith.cmpi slt, %arg1, %lt3A : i32
      %convert_element_type3A_35 = arith.extui %lt3A_34 : i1 to i32
      %cond3A_36 = arith.constant 0 : i32
      %cond3A_37 = arith.cmpi ne, %convert_element_type3A_35, %cond3A_36 : i32
      scf.if %cond3A_37 {
        %mul3A_43 = arith.constant 1560 : i32
        %mul3A_44 = arith.muli %arg1, %mul3A_43 : i32
        %mul3A_45 = arith.constant 1560 : i32
        %mul3A_46 = arith.muli %arg1, %mul3A_45 : i32
        %add3A_47 = arith.constant 25024 : i32
        %add3A_48 = arith.addi %add3A_47, %mul3A_46 : i32
        "tpu.region"() ({
          %run_scoped3A = tpu.sem_alloc : memref<!tpu.dma_semaphore, #tpu.memory_space<semaphore_mem>>
          %dma_start3A = arith.constant 0 : i32
          %dma_start3A_49 = tpu.memref_slice %arg6[%add3A_48, %dma_start3A] : memref<50000x64xf32, #tpu.memory_space<hbm>> -> memref<1560x64xf32, #tpu.memory_space<hbm>>
          %dma_start3A_50 = arith.constant 0 : i32
          %dma_start3A_51 = tpu.memref_slice %arg11[%mul3A_44, %dma_start3A_50] : memref<25088x64xf32, #tpu.memory_space<vmem_shared>> -> memref<1560x64xf32, #tpu.memory_space<vmem_shared>>
          tpu.enqueue_dma source(%dma_start3A_51 : memref<1560x64xf32, #tpu.memory_space<vmem_shared>>) target(%dma_start3A_49 : memref<1560x64xf32, #tpu.memory_space<hbm>>) target_semaphore(%run_scoped3A : memref<!tpu.dma_semaphore, #tpu.memory_space<semaphore_mem>>)
          %dma_wait3A = arith.constant 0 : i32
          %dma_wait3A_52 = tpu.memref_slice %arg6[%add3A_48, %dma_wait3A] : memref<50000x64xf32, #tpu.memory_space<hbm>> -> memref<1560x64xf32, #tpu.memory_space<hbm>>
          %dma_wait3A_53 = arith.constant 0 : i32
          %dma_wait3A_54 = tpu.memref_slice %arg11[%mul3A_44, %dma_wait3A_53] : memref<25088x64xf32, #tpu.memory_space<vmem_shared>> -> memref<1560x64xf32, #tpu.memory_space<vmem_shared>>
          tpu.wait_dma2 semaphore(%run_scoped3A : memref<!tpu.dma_semaphore, #tpu.memory_space<semaphore_mem>>) src(%dma_wait3A_54 : memref<1560x64xf32, #tpu.memory_space<vmem_shared>>) dst(%dma_wait3A_52 : memref<1560x64xf32, #tpu.memory_space<hbm>>)
          tpu.yield
        }) : () -> ()
      } else {
      }
      %eq3A_38 = arith.constant 15 : i32
      %eq3A_39 = arith.cmpi eq, %arg1, %eq3A_38 : i32
      %convert_element_type3A_40 = arith.extui %eq3A_39 : i1 to i32
      %cond3A_41 = arith.constant 0 : i32
      %cond3A_42 = arith.cmpi ne, %convert_element_type3A_40, %cond3A_41 : i32
      scf.if %cond3A_42 {
        "tpu.region"() ({
          %run_scoped3A = tpu.sem_alloc : memref<!tpu.dma_semaphore, #tpu.memory_space<semaphore_mem>>
          %dma_start3A = arith.constant 48424 : i32
          %dma_start3A_43 = arith.constant 0 : i32
          %dma_start3A_44 = tpu.memref_slice %arg6[%dma_start3A, %dma_start3A_43] : memref<50000x64xf32, #tpu.memory_space<hbm>> -> memref<1576x64xf32, #tpu.memory_space<hbm>>
          %dma_start3A_45 = arith.constant 23400 : i32
          %dma_start3A_46 = arith.constant 0 : i32
          %dma_start3A_47 = tpu.memref_slice %arg11[%dma_start3A_45, %dma_start3A_46] : memref<25088x64xf32, #tpu.memory_space<vmem_shared>> -> memref<1576x64xf32, #tpu.memory_space<vmem_shared>>
          tpu.enqueue_dma source(%dma_start3A_47 : memref<1576x64xf32, #tpu.memory_space<vmem_shared>>) target(%dma_start3A_44 : memref<1576x64xf32, #tpu.memory_space<hbm>>) target_semaphore(%run_scoped3A : memref<!tpu.dma_semaphore, #tpu.memory_space<semaphore_mem>>)
          %dma_wait3A = arith.constant 48424 : i32
          %dma_wait3A_48 = arith.constant 0 : i32
          %dma_wait3A_49 = tpu.memref_slice %arg6[%dma_wait3A, %dma_wait3A_48] : memref<50000x64xf32, #tpu.memory_space<hbm>> -> memref<1576x64xf32, #tpu.memory_space<hbm>>
          %dma_wait3A_50 = arith.constant 23400 : i32
          %dma_wait3A_51 = arith.constant 0 : i32
          %dma_wait3A_52 = tpu.memref_slice %arg11[%dma_wait3A_50, %dma_wait3A_51] : memref<25088x64xf32, #tpu.memory_space<vmem_shared>> -> memref<1576x64xf32, #tpu.memory_space<vmem_shared>>
          tpu.wait_dma2 semaphore(%run_scoped3A : memref<!tpu.dma_semaphore, #tpu.memory_space<semaphore_mem>>) src(%dma_wait3A_52 : memref<1576x64xf32, #tpu.memory_space<vmem_shared>>) dst(%dma_wait3A_49 : memref<1576x64xf32, #tpu.memory_space<hbm>>)
          tpu.yield
        }) : () -> ()
      } else {
      }
    } else {
    }
    return
  }
}

#map = affine_map<(d0, d1) -> (0, 0)>
#map1 = affine_map<(d0, d1) -> (0)>
module attributes {stable_mosaic.version = 14 : i64} {
  func.func @_sc_agg_body(%arg0: i32, %arg1: i32, %arg2: memref<50000x64xf32, #tpu.memory_space<hbm>>, %arg3: memref<800768xi32, #tpu.memory_space<hbm>>, %arg4: memref<800768xi32, #tpu.memory_space<hbm>>, %arg5: memref<392x64xf32, #tpu.memory_space<hbm>>, %arg6: memref<50000x64xf32, #tpu.memory_space<hbm>>, %arg7: memref<128xi32, #tpu.memory_space<vmem>>, %arg8: memref<128xi32, #tpu.memory_space<vmem>>, %arg9: memref<128xi32, #tpu.memory_space<vmem>>, %arg10: memref<128x64xf32, #tpu.memory_space<vmem>>, %arg11: memref<25088x64xf32, #tpu.memory_space<vmem_shared>>, %arg12: memref<!tpu.dma_semaphore, #tpu.memory_space<semaphore_mem>>) attributes {dimension_semantics = [#tpu.dimension_semantics<core_parallel>, #tpu.dimension_semantics<subcore_parallel>], iteration_bounds = array<i64: 2, 16>, scalar_prefetch = 0 : i64, scratch_operands = 6 : i64, tpu.core_type = #tpu.core_type<sc_vector_subcore>, window_params = [{transform_indices = #map}, {transform_indices = #map1}, {transform_indices = #map1}, {transform_indices = #map}, {transform_indices = #map}]} {
    %mul3A = arith.constant 1568 : i32
    %mul3A_0 = arith.muli %arg1, %mul3A : i32
    %add3A = arith.constant 0 : i32
    %add3A_1 = arith.addi %mul3A_0, %add3A : i32
    "tpu.region"() ({
      %run_scoped3A = tpu.sem_alloc : memref<!tpu.dma_semaphore, #tpu.memory_space<semaphore_mem>>
      %dma_start3A = arith.constant 0 : i32
      %dma_start3A_34 = tpu.memref_slice %arg11[%add3A_1, %dma_start3A] : memref<25088x64xf32, #tpu.memory_space<vmem_shared>> -> memref<392x64xf32, #tpu.memory_space<vmem_shared>>
      tpu.enqueue_dma source(%arg5 : memref<392x64xf32, #tpu.memory_space<hbm>>) target(%dma_start3A_34 : memref<392x64xf32, #tpu.memory_space<vmem_shared>>) target_semaphore(%run_scoped3A : memref<!tpu.dma_semaphore, #tpu.memory_space<semaphore_mem>>)
      %dma_wait3A = arith.constant 0 : i32
      %dma_wait3A_35 = tpu.memref_slice %arg11[%add3A_1, %dma_wait3A] : memref<25088x64xf32, #tpu.memory_space<vmem_shared>> -> memref<392x64xf32, #tpu.memory_space<vmem_shared>>
      tpu.wait_dma2 semaphore(%run_scoped3A : memref<!tpu.dma_semaphore, #tpu.memory_space<semaphore_mem>>) src(%arg5 : memref<392x64xf32, #tpu.memory_space<hbm>>) dst(%dma_wait3A_35 : memref<392x64xf32, #tpu.memory_space<vmem_shared>>)
      tpu.yield
    }) : () -> ()
    %mul3A_2 = arith.constant 1568 : i32
    %mul3A_3 = arith.muli %arg1, %mul3A_2 : i32
    %add3A_4 = arith.constant 392 : i32
    %add3A_5 = arith.addi %mul3A_3, %add3A_4 : i32
    "tpu.region"() ({
      %run_scoped3A = tpu.sem_alloc : memref<!tpu.dma_semaphore, #tpu.memory_space<semaphore_mem>>
      %dma_start3A = arith.constant 0 : i32
      %dma_start3A_34 = tpu.memref_slice %arg11[%add3A_5, %dma_start3A] : memref<25088x64xf32, #tpu.memory_space<vmem_shared>> -> memref<392x64xf32, #tpu.memory_space<vmem_shared>>
      tpu.enqueue_dma source(%arg5 : memref<392x64xf32, #tpu.memory_space<hbm>>) target(%dma_start3A_34 : memref<392x64xf32, #tpu.memory_space<vmem_shared>>) target_semaphore(%run_scoped3A : memref<!tpu.dma_semaphore, #tpu.memory_space<semaphore_mem>>)
      %dma_wait3A = arith.constant 0 : i32
      %dma_wait3A_35 = tpu.memref_slice %arg11[%add3A_5, %dma_wait3A] : memref<25088x64xf32, #tpu.memory_space<vmem_shared>> -> memref<392x64xf32, #tpu.memory_space<vmem_shared>>
      tpu.wait_dma2 semaphore(%run_scoped3A : memref<!tpu.dma_semaphore, #tpu.memory_space<semaphore_mem>>) src(%arg5 : memref<392x64xf32, #tpu.memory_space<hbm>>) dst(%dma_wait3A_35 : memref<392x64xf32, #tpu.memory_space<vmem_shared>>)
      tpu.yield
    }) : () -> ()
    %mul3A_6 = arith.constant 1568 : i32
    %mul3A_7 = arith.muli %arg1, %mul3A_6 : i32
    %add3A_8 = arith.constant 784 : i32
    %add3A_9 = arith.addi %mul3A_7, %add3A_8 : i32
    "tpu.region"() ({
      %run_scoped3A = tpu.sem_alloc : memref<!tpu.dma_semaphore, #tpu.memory_space<semaphore_mem>>
      %dma_start3A = arith.constant 0 : i32
      %dma_start3A_34 = tpu.memref_slice %arg11[%add3A_9, %dma_start3A] : memref<25088x64xf32, #tpu.memory_space<vmem_shared>> -> memref<392x64xf32, #tpu.memory_space<vmem_shared>>
      tpu.enqueue_dma source(%arg5 : memref<392x64xf32, #tpu.memory_space<hbm>>) target(%dma_start3A_34 : memref<392x64xf32, #tpu.memory_space<vmem_shared>>) target_semaphore(%run_scoped3A : memref<!tpu.dma_semaphore, #tpu.memory_space<semaphore_mem>>)
      %dma_wait3A = arith.constant 0 : i32
      %dma_wait3A_35 = tpu.memref_slice %arg11[%add3A_9, %dma_wait3A] : memref<25088x64xf32, #tpu.memory_space<vmem_shared>> -> memref<392x64xf32, #tpu.memory_space<vmem_shared>>
      tpu.wait_dma2 semaphore(%run_scoped3A : memref<!tpu.dma_semaphore, #tpu.memory_space<semaphore_mem>>) src(%arg5 : memref<392x64xf32, #tpu.memory_space<hbm>>) dst(%dma_wait3A_35 : memref<392x64xf32, #tpu.memory_space<vmem_shared>>)
      tpu.yield
    }) : () -> ()
    %mul3A_10 = arith.constant 1568 : i32
    %mul3A_11 = arith.muli %arg1, %mul3A_10 : i32
    %add3A_12 = arith.constant 1176 : i32
    %add3A_13 = arith.addi %mul3A_11, %add3A_12 : i32
    "tpu.region"() ({
      %run_scoped3A = tpu.sem_alloc : memref<!tpu.dma_semaphore, #tpu.memory_space<semaphore_mem>>
      %dma_start3A = arith.constant 0 : i32
      %dma_start3A_34 = tpu.memref_slice %arg11[%add3A_13, %dma_start3A] : memref<25088x64xf32, #tpu.memory_space<vmem_shared>> -> memref<392x64xf32, #tpu.memory_space<vmem_shared>>
      tpu.enqueue_dma source(%arg5 : memref<392x64xf32, #tpu.memory_space<hbm>>) target(%dma_start3A_34 : memref<392x64xf32, #tpu.memory_space<vmem_shared>>) target_semaphore(%run_scoped3A : memref<!tpu.dma_semaphore, #tpu.memory_space<semaphore_mem>>)
      %dma_wait3A = arith.constant 0 : i32
      %dma_wait3A_35 = tpu.memref_slice %arg11[%add3A_13, %dma_wait3A] : memref<25088x64xf32, #tpu.memory_space<vmem_shared>> -> memref<392x64xf32, #tpu.memory_space<vmem_shared>>
      tpu.wait_dma2 semaphore(%run_scoped3A : memref<!tpu.dma_semaphore, #tpu.memory_space<semaphore_mem>>) src(%arg5 : memref<392x64xf32, #tpu.memory_space<hbm>>) dst(%dma_wait3A_35 : memref<392x64xf32, #tpu.memory_space<vmem_shared>>)
      tpu.yield
    }) : () -> ()
    %barrier3A = arith.constant 0 : index
    tpu.barrier barrier_id(%barrier3A)
    %eq3A = arith.constant 0 : i32
    %eq3A_14 = arith.cmpi eq, %arg0, %eq3A : i32
    %jit3A = arith.constant 25024 : i32
    %jit3A_15 = arith.constant 24976 : i32
    %select_n3A = arith.select %eq3A_14, %jit3A, %jit3A_15 : i32
    %mul3A_16 = arith.constant 25024 : i32
    %mul3A_17 = arith.muli %arg0, %mul3A_16 : i32
    %mul3A_18 = arith.constant 50048 : i32
    %mul3A_19 = arith.muli %arg1, %mul3A_18 : i32
    %scan3A = arith.constant 0 : i32
    %scan3A_20 = arith.constant 0 : i32
    %scan3A_21 = arith.constant 391 : i32
    %scan3A_22 = arith.addi %scan3A_20, %scan3A_21 : i32
    %scan3A_23 = arith.constant 1 : i32
    scf.for %scan3A_34 = %scan3A_20 to %scan3A_22 step %scan3A_23  : i32 {
      %mul3A_35 = arith.constant 128 : i32
      %mul3A_36 = arith.muli %scan3A_34, %mul3A_35 : i32
      %add3A_37 = arith.addi %mul3A_19, %mul3A_36 : i32
      "tpu.region"() ({
        %run_scoped3A = tpu.sem_alloc : memref<!tpu.dma_semaphore, #tpu.memory_space<semaphore_mem>>
        %dma_start3A_179 = tpu.memref_slice %arg3[%add3A_37] : memref<800768xi32, #tpu.memory_space<hbm>> -> memref<128xi32, #tpu.memory_space<hbm>>
        %dma_start3A_180 = tpu.memref_slice %arg3[%add3A_37] : memref<800768xi32, #tpu.memory_space<hbm>> -> memref<128xi32, #tpu.memory_space<hbm>>
        tpu.enqueue_dma source(%dma_start3A_180 : memref<128xi32, #tpu.memory_space<hbm>>) target(%arg8 : memref<128xi32, #tpu.memory_space<vmem>>) target_semaphore(%run_scoped3A : memref<!tpu.dma_semaphore, #tpu.memory_space<semaphore_mem>>)
        %dma_wait3A_181 = tpu.memref_slice %arg3[%add3A_37] : memref<800768xi32, #tpu.memory_space<hbm>> -> memref<128xi32, #tpu.memory_space<hbm>>
        %dma_wait3A_182 = tpu.memref_slice %arg3[%add3A_37] : memref<800768xi32, #tpu.memory_space<hbm>> -> memref<128xi32, #tpu.memory_space<hbm>>
        tpu.wait_dma2 semaphore(%run_scoped3A : memref<!tpu.dma_semaphore, #tpu.memory_space<semaphore_mem>>) src(%dma_wait3A_182 : memref<128xi32, #tpu.memory_space<hbm>>) dst(%arg8 : memref<128xi32, #tpu.memory_space<vmem>>)
        tpu.yield
      }) : () -> ()
      %dma_start3A = arith.constant 0 : i32
      %dma_start3A_38 = arith.constant 0 : i32
      %dma_start3A_39 = tpu.memref_slice %arg2[%dma_start3A, %dma_start3A_38] : memref<50000x64xf32, #tpu.memory_space<hbm>> -> memref<50000x64xf32, #tpu.memory_space<hbm>>
      tpu.enqueue_indirect_dma source(%dma_start3A_39 : memref<50000x64xf32, #tpu.memory_space<hbm>>) target(%arg10 : memref<128x64xf32, #tpu.memory_space<vmem>>) offsets(%arg8 : memref<128xi32, #tpu.memory_space<vmem>>) semaphore(%arg12 : memref<!tpu.dma_semaphore, #tpu.memory_space<semaphore_mem>>)
      "tpu.region"() ({
        %run_scoped3A = tpu.sem_alloc : memref<!tpu.dma_semaphore, #tpu.memory_space<semaphore_mem>>
        %dma_start3A_179 = tpu.memref_slice %arg4[%add3A_37] : memref<800768xi32, #tpu.memory_space<hbm>> -> memref<128xi32, #tpu.memory_space<hbm>>
        %dma_start3A_180 = tpu.memref_slice %arg4[%add3A_37] : memref<800768xi32, #tpu.memory_space<hbm>> -> memref<128xi32, #tpu.memory_space<hbm>>
        tpu.enqueue_dma source(%dma_start3A_180 : memref<128xi32, #tpu.memory_space<hbm>>) target(%arg7 : memref<128xi32, #tpu.memory_space<vmem>>) target_semaphore(%run_scoped3A : memref<!tpu.dma_semaphore, #tpu.memory_space<semaphore_mem>>)
        %dma_wait3A_181 = tpu.memref_slice %arg4[%add3A_37] : memref<800768xi32, #tpu.memory_space<hbm>> -> memref<128xi32, #tpu.memory_space<hbm>>
        %dma_wait3A_182 = tpu.memref_slice %arg4[%add3A_37] : memref<800768xi32, #tpu.memory_space<hbm>> -> memref<128xi32, #tpu.memory_space<hbm>>
        tpu.wait_dma2 semaphore(%run_scoped3A : memref<!tpu.dma_semaphore, #tpu.memory_space<semaphore_mem>>) src(%dma_wait3A_182 : memref<128xi32, #tpu.memory_space<hbm>>) dst(%arg7 : memref<128xi32, #tpu.memory_space<vmem>>)
        tpu.yield
      }) : () -> ()
      %get3A = arith.constant 0 : index
      %get3A_40 = tpu.vector_load %arg7[%get3A] {strides = array<i32>} : memref<128xi32, #tpu.memory_space<vmem>>, vector<16xi32>,
      %get3A_41 = vector.shape_cast %get3A_40 : vector<16xi32> to vector<16xi32>
      %sub3A = vector.broadcast %mul3A_17 : i32 to vector<16xi32>
      %sub3A_42 = arith.subi %get3A_41, %sub3A : vector<16xi32>
      %ge3A = arith.constant 0 : i32
      %ge3A_43 = vector.broadcast %ge3A : i32 to vector<16xi32>
      %ge3A_44 = arith.cmpi sge, %sub3A_42, %ge3A_43 : vector<16xi32>
      %lt3A = vector.broadcast %select_n3A : i32 to vector<16xi32>
      %lt3A_45 = arith.cmpi slt, %sub3A_42, %lt3A : vector<16xi32>
      %and3A = arith.andi %ge3A_44, %lt3A_45 : vector<16xi1>
      %jit3A_46 = arith.constant 25024 : i32
      %broadcast_in_dim3A = vector.broadcast %jit3A_46 : i32 to vector<16xi32>
      %select_n3A_47 = arith.select %and3A, %sub3A_42, %broadcast_in_dim3A : vector<16xi1>, vector<16xi32>
      %swap3A = arith.constant 0 : index
      %swap3A_48 = tpu.vector_load %arg9[%swap3A] {strides = array<i32>} : memref<128xi32, #tpu.memory_space<vmem>>, vector<16xi32>,
      %swap3A_49 = vector.shape_cast %swap3A_48 : vector<16xi32> to vector<16xi32>
      %swap3A_50 = vector.shape_cast %select_n3A_47 : vector<16xi32> to vector<16xi32>
      tpu.vector_store %arg9[%swap3A], %swap3A_50 {strides = array<i32>} : memref<128xi32, #tpu.memory_space<vmem>>, vector<16xi32>,
      %get3A_51 = arith.constant 16 : index
      %get3A_52 = tpu.vector_load %arg7[%get3A_51] {strides = array<i32>} : memref<128xi32, #tpu.memory_space<vmem>>, vector<16xi32>,
      %get3A_53 = vector.shape_cast %get3A_52 : vector<16xi32> to vector<16xi32>
      %sub3A_54 = vector.broadcast %mul3A_17 : i32 to vector<16xi32>
      %sub3A_55 = arith.subi %get3A_53, %sub3A_54 : vector<16xi32>
      %ge3A_56 = arith.constant 0 : i32
      %ge3A_57 = vector.broadcast %ge3A_56 : i32 to vector<16xi32>
      %ge3A_58 = arith.cmpi sge, %sub3A_55, %ge3A_57 : vector<16xi32>
      %lt3A_59 = vector.broadcast %select_n3A : i32 to vector<16xi32>
      %lt3A_60 = arith.cmpi slt, %sub3A_55, %lt3A_59 : vector<16xi32>
      %and3A_61 = arith.andi %ge3A_58, %lt3A_60 : vector<16xi1>
      %jit3A_62 = arith.constant 25024 : i32
      %broadcast_in_dim3A_63 = vector.broadcast %jit3A_62 : i32 to vector<16xi32>
      %select_n3A_64 = arith.select %and3A_61, %sub3A_55, %broadcast_in_dim3A_63 : vector<16xi1>, vector<16xi32>
      %swap3A_65 = arith.constant 16 : index
      %swap3A_66 = tpu.vector_load %arg9[%swap3A_65] {strides = array<i32>} : memref<128xi32, #tpu.memory_space<vmem>>, vector<16xi32>,
      %swap3A_67 = vector.shape_cast %swap3A_66 : vector<16xi32> to vector<16xi32>
      %swap3A_68 = vector.shape_cast %select_n3A_64 : vector<16xi32> to vector<16xi32>
      tpu.vector_store %arg9[%swap3A_65], %swap3A_68 {strides = array<i32>} : memref<128xi32, #tpu.memory_space<vmem>>, vector<16xi32>,
      %get3A_69 = arith.constant 32 : index
      %get3A_70 = tpu.vector_load %arg7[%get3A_69] {strides = array<i32>} : memref<128xi32, #tpu.memory_space<vmem>>, vector<16xi32>,
      %get3A_71 = vector.shape_cast %get3A_70 : vector<16xi32> to vector<16xi32>
      %sub3A_72 = vector.broadcast %mul3A_17 : i32 to vector<16xi32>
      %sub3A_73 = arith.subi %get3A_71, %sub3A_72 : vector<16xi32>
      %ge3A_74 = arith.constant 0 : i32
      %ge3A_75 = vector.broadcast %ge3A_74 : i32 to vector<16xi32>
      %ge3A_76 = arith.cmpi sge, %sub3A_73, %ge3A_75 : vector<16xi32>
      %lt3A_77 = vector.broadcast %select_n3A : i32 to vector<16xi32>
      %lt3A_78 = arith.cmpi slt, %sub3A_73, %lt3A_77 : vector<16xi32>
      %and3A_79 = arith.andi %ge3A_76, %lt3A_78 : vector<16xi1>
      %jit3A_80 = arith.constant 25024 : i32
      %broadcast_in_dim3A_81 = vector.broadcast %jit3A_80 : i32 to vector<16xi32>
      %select_n3A_82 = arith.select %and3A_79, %sub3A_73, %broadcast_in_dim3A_81 : vector<16xi1>, vector<16xi32>
      %swap3A_83 = arith.constant 32 : index
      %swap3A_84 = tpu.vector_load %arg9[%swap3A_83] {strides = array<i32>} : memref<128xi32, #tpu.memory_space<vmem>>, vector<16xi32>,
      %swap3A_85 = vector.shape_cast %swap3A_84 : vector<16xi32> to vector<16xi32>
      %swap3A_86 = vector.shape_cast %select_n3A_82 : vector<16xi32> to vector<16xi32>
      tpu.vector_store %arg9[%swap3A_83], %swap3A_86 {strides = array<i32>} : memref<128xi32, #tpu.memory_space<vmem>>, vector<16xi32>,
      %get3A_87 = arith.constant 48 : index
      %get3A_88 = tpu.vector_load %arg7[%get3A_87] {strides = array<i32>} : memref<128xi32, #tpu.memory_space<vmem>>, vector<16xi32>,
      %get3A_89 = vector.shape_cast %get3A_88 : vector<16xi32> to vector<16xi32>
      %sub3A_90 = vector.broadcast %mul3A_17 : i32 to vector<16xi32>
      %sub3A_91 = arith.subi %get3A_89, %sub3A_90 : vector<16xi32>
      %ge3A_92 = arith.constant 0 : i32
      %ge3A_93 = vector.broadcast %ge3A_92 : i32 to vector<16xi32>
      %ge3A_94 = arith.cmpi sge, %sub3A_91, %ge3A_93 : vector<16xi32>
      %lt3A_95 = vector.broadcast %select_n3A : i32 to vector<16xi32>
      %lt3A_96 = arith.cmpi slt, %sub3A_91, %lt3A_95 : vector<16xi32>
      %and3A_97 = arith.andi %ge3A_94, %lt3A_96 : vector<16xi1>
      %jit3A_98 = arith.constant 25024 : i32
      %broadcast_in_dim3A_99 = vector.broadcast %jit3A_98 : i32 to vector<16xi32>
      %select_n3A_100 = arith.select %and3A_97, %sub3A_91, %broadcast_in_dim3A_99 : vector<16xi1>, vector<16xi32>
      %swap3A_101 = arith.constant 48 : index
      %swap3A_102 = tpu.vector_load %arg9[%swap3A_101] {strides = array<i32>} : memref<128xi32, #tpu.memory_space<vmem>>, vector<16xi32>,
      %swap3A_103 = vector.shape_cast %swap3A_102 : vector<16xi32> to vector<16xi32>
      %swap3A_104 = vector.shape_cast %select_n3A_100 : vector<16xi32> to vector<16xi32>
      tpu.vector_store %arg9[%swap3A_101], %swap3A_104 {strides = array<i32>} : memref<128xi32, #tpu.memory_space<vmem>>, vector<16xi32>,
      %get3A_105 = arith.constant 64 : index
      %get3A_106 = tpu.vector_load %arg7[%get3A_105] {strides = array<i32>} : memref<128xi32, #tpu.memory_space<vmem>>, vector<16xi32>,
      %get3A_107 = vector.shape_cast %get3A_106 : vector<16xi32> to vector<16xi32>
      %sub3A_108 = vector.broadcast %mul3A_17 : i32 to vector<16xi32>
      %sub3A_109 = arith.subi %get3A_107, %sub3A_108 : vector<16xi32>
      %ge3A_110 = arith.constant 0 : i32
      %ge3A_111 = vector.broadcast %ge3A_110 : i32 to vector<16xi32>
      %ge3A_112 = arith.cmpi sge, %sub3A_109, %ge3A_111 : vector<16xi32>
      %lt3A_113 = vector.broadcast %select_n3A : i32 to vector<16xi32>
      %lt3A_114 = arith.cmpi slt, %sub3A_109, %lt3A_113 : vector<16xi32>
      %and3A_115 = arith.andi %ge3A_112, %lt3A_114 : vector<16xi1>
      %jit3A_116 = arith.constant 25024 : i32
      %broadcast_in_dim3A_117 = vector.broadcast %jit3A_116 : i32 to vector<16xi32>
      %select_n3A_118 = arith.select %and3A_115, %sub3A_109, %broadcast_in_dim3A_117 : vector<16xi1>, vector<16xi32>
      %swap3A_119 = arith.constant 64 : index
      %swap3A_120 = tpu.vector_load %arg9[%swap3A_119] {strides = array<i32>} : memref<128xi32, #tpu.memory_space<vmem>>, vector<16xi32>,
      %swap3A_121 = vector.shape_cast %swap3A_120 : vector<16xi32> to vector<16xi32>
      %swap3A_122 = vector.shape_cast %select_n3A_118 : vector<16xi32> to vector<16xi32>
      tpu.vector_store %arg9[%swap3A_119], %swap3A_122 {strides = array<i32>} : memref<128xi32, #tpu.memory_space<vmem>>, vector<16xi32>,
      %get3A_123 = arith.constant 80 : index
      %get3A_124 = tpu.vector_load %arg7[%get3A_123] {strides = array<i32>} : memref<128xi32, #tpu.memory_space<vmem>>, vector<16xi32>,
      %get3A_125 = vector.shape_cast %get3A_124 : vector<16xi32> to vector<16xi32>
      %sub3A_126 = vector.broadcast %mul3A_17 : i32 to vector<16xi32>
      %sub3A_127 = arith.subi %get3A_125, %sub3A_126 : vector<16xi32>
      %ge3A_128 = arith.constant 0 : i32
      %ge3A_129 = vector.broadcast %ge3A_128 : i32 to vector<16xi32>
      %ge3A_130 = arith.cmpi sge, %sub3A_127, %ge3A_129 : vector<16xi32>
      %lt3A_131 = vector.broadcast %select_n3A : i32 to vector<16xi32>
      %lt3A_132 = arith.cmpi slt, %sub3A_127, %lt3A_131 : vector<16xi32>
      %and3A_133 = arith.andi %ge3A_130, %lt3A_132 : vector<16xi1>
      %jit3A_134 = arith.constant 25024 : i32
      %broadcast_in_dim3A_135 = vector.broadcast %jit3A_134 : i32 to vector<16xi32>
      %select_n3A_136 = arith.select %and3A_133, %sub3A_127, %broadcast_in_dim3A_135 : vector<16xi1>, vector<16xi32>
      %swap3A_137 = arith.constant 80 : index
      %swap3A_138 = tpu.vector_load %arg9[%swap3A_137] {strides = array<i32>} : memref<128xi32, #tpu.memory_space<vmem>>, vector<16xi32>,
      %swap3A_139 = vector.shape_cast %swap3A_138 : vector<16xi32> to vector<16xi32>
      %swap3A_140 = vector.shape_cast %select_n3A_136 : vector<16xi32> to vector<16xi32>
      tpu.vector_store %arg9[%swap3A_137], %swap3A_140 {strides = array<i32>} : memref<128xi32, #tpu.memory_space<vmem>>, vector<16xi32>,
      %get3A_141 = arith.constant 96 : index
      %get3A_142 = tpu.vector_load %arg7[%get3A_141] {strides = array<i32>} : memref<128xi32, #tpu.memory_space<vmem>>, vector<16xi32>,
      %get3A_143 = vector.shape_cast %get3A_142 : vector<16xi32> to vector<16xi32>
      %sub3A_144 = vector.broadcast %mul3A_17 : i32 to vector<16xi32>
      %sub3A_145 = arith.subi %get3A_143, %sub3A_144 : vector<16xi32>
      %ge3A_146 = arith.constant 0 : i32
      %ge3A_147 = vector.broadcast %ge3A_146 : i32 to vector<16xi32>
      %ge3A_148 = arith.cmpi sge, %sub3A_145, %ge3A_147 : vector<16xi32>
      %lt3A_149 = vector.broadcast %select_n3A : i32 to vector<16xi32>
      %lt3A_150 = arith.cmpi slt, %sub3A_145, %lt3A_149 : vector<16xi32>
      %and3A_151 = arith.andi %ge3A_148, %lt3A_150 : vector<16xi1>
      %jit3A_152 = arith.constant 25024 : i32
      %broadcast_in_dim3A_153 = vector.broadcast %jit3A_152 : i32 to vector<16xi32>
      %select_n3A_154 = arith.select %and3A_151, %sub3A_145, %broadcast_in_dim3A_153 : vector<16xi1>, vector<16xi32>
      %swap3A_155 = arith.constant 96 : index
      %swap3A_156 = tpu.vector_load %arg9[%swap3A_155] {strides = array<i32>} : memref<128xi32, #tpu.memory_space<vmem>>, vector<16xi32>,
      %swap3A_157 = vector.shape_cast %swap3A_156 : vector<16xi32> to vector<16xi32>
      %swap3A_158 = vector.shape_cast %select_n3A_154 : vector<16xi32> to vector<16xi32>
      tpu.vector_store %arg9[%swap3A_155], %swap3A_158 {strides = array<i32>} : memref<128xi32, #tpu.memory_space<vmem>>, vector<16xi32>,
      %get3A_159 = arith.constant 112 : index
      %get3A_160 = tpu.vector_load %arg7[%get3A_159] {strides = array<i32>} : memref<128xi32, #tpu.memory_space<vmem>>, vector<16xi32>,
      %get3A_161 = vector.shape_cast %get3A_160 : vector<16xi32> to vector<16xi32>
      %sub3A_162 = vector.broadcast %mul3A_17 : i32 to vector<16xi32>
      %sub3A_163 = arith.subi %get3A_161, %sub3A_162 : vector<16xi32>
      %ge3A_164 = arith.constant 0 : i32
      %ge3A_165 = vector.broadcast %ge3A_164 : i32 to vector<16xi32>
      %ge3A_166 = arith.cmpi sge, %sub3A_163, %ge3A_165 : vector<16xi32>
      %lt3A_167 = vector.broadcast %select_n3A : i32 to vector<16xi32>
      %lt3A_168 = arith.cmpi slt, %sub3A_163, %lt3A_167 : vector<16xi32>
      %and3A_169 = arith.andi %ge3A_166, %lt3A_168 : vector<16xi1>
      %jit3A_170 = arith.constant 25024 : i32
      %broadcast_in_dim3A_171 = vector.broadcast %jit3A_170 : i32 to vector<16xi32>
      %select_n3A_172 = arith.select %and3A_169, %sub3A_163, %broadcast_in_dim3A_171 : vector<16xi1>, vector<16xi32>
      %swap3A_173 = arith.constant 112 : index
      %swap3A_174 = tpu.vector_load %arg9[%swap3A_173] {strides = array<i32>} : memref<128xi32, #tpu.memory_space<vmem>>, vector<16xi32>,
      %swap3A_175 = vector.shape_cast %swap3A_174 : vector<16xi32> to vector<16xi32>
      %swap3A_176 = vector.shape_cast %select_n3A_172 : vector<16xi32> to vector<16xi32>
      tpu.vector_store %arg9[%swap3A_173], %swap3A_176 {strides = array<i32>} : memref<128xi32, #tpu.memory_space<vmem>>, vector<16xi32>,
      %dma_wait3A = arith.constant 0 : i32
      %dma_wait3A_177 = arith.constant 0 : i32
      %dma_wait3A_178 = tpu.memref_slice %arg2[%dma_wait3A, %dma_wait3A_177] : memref<50000x64xf32, #tpu.memory_space<hbm>> -> memref<50000x64xf32, #tpu.memory_space<hbm>>
      tpu.wait_indirect_dma semaphore(%arg12 : memref<!tpu.dma_semaphore, #tpu.memory_space<semaphore_mem>>) src(%dma_wait3A_178 : memref<50000x64xf32, #tpu.memory_space<hbm>>) dst(%arg10 : memref<128x64xf32, #tpu.memory_space<vmem>>)
      "tpu.region"() ({
        %run_scoped3A = tpu.sem_alloc : memref<!tpu.dma_semaphore, #tpu.memory_space<semaphore_mem>>
        %dma_start3A_179 = arith.constant 0 : i32
        %dma_start3A_180 = arith.constant 0 : i32
        %dma_start3A_181 = tpu.memref_slice %arg11[%dma_start3A_179, %dma_start3A_180] : memref<25088x64xf32, #tpu.memory_space<vmem_shared>> -> memref<25088x64xf32, #tpu.memory_space<vmem_shared>>
        tpu.enqueue_indirect_dma source(%arg10 : memref<128x64xf32, #tpu.memory_space<vmem>>) target(%dma_start3A_181 : memref<25088x64xf32, #tpu.memory_space<vmem_shared>>) offsets(%arg9 : memref<128xi32, #tpu.memory_space<vmem>>) semaphore(%run_scoped3A : memref<!tpu.dma_semaphore, #tpu.memory_space<semaphore_mem>>) {add = true}
        %dma_wait3A_182 = arith.constant 0 : i32
        %dma_wait3A_183 = arith.constant 0 : i32
        %dma_wait3A_184 = tpu.memref_slice %arg11[%dma_wait3A_182, %dma_wait3A_183] : memref<25088x64xf32, #tpu.memory_space<vmem_shared>> -> memref<25088x64xf32, #tpu.memory_space<vmem_shared>>
        tpu.wait_indirect_dma semaphore(%run_scoped3A : memref<!tpu.dma_semaphore, #tpu.memory_space<semaphore_mem>>) src(%arg10 : memref<128x64xf32, #tpu.memory_space<vmem>>) dst(%dma_wait3A_184 : memref<25088x64xf32, #tpu.memory_space<vmem_shared>>)
        tpu.yield
      }) : () -> ()
    }
    %scan3A_24 = arith.constant 391 : i32
    %barrier3A_25 = arith.constant 0 : index
    tpu.barrier barrier_id(%barrier3A_25)
    %eq3A_26 = arith.constant 0 : i32
    %eq3A_27 = arith.cmpi eq, %arg0, %eq3A_26 : i32
    %convert_element_type3A = arith.extui %eq3A_27 : i1 to i32
    %cond3A = arith.constant 0 : i32
    %cond3A_28 = arith.cmpi ne, %convert_element_type3A, %cond3A : i32
    scf.if %cond3A_28 {
      %lt3A = arith.constant 15 : i32
      %lt3A_34 = arith.cmpi slt, %arg1, %lt3A : i32
      %convert_element_type3A_35 = arith.extui %lt3A_34 : i1 to i32
      %cond3A_36 = arith.constant 0 : i32
      %cond3A_37 = arith.cmpi ne, %convert_element_type3A_35, %cond3A_36 : i32
      scf.if %cond3A_37 {
        %mul3A_43 = arith.constant 1568 : i32
        %mul3A_44 = arith.muli %arg1, %mul3A_43 : i32
        %mul3A_45 = arith.constant 1568 : i32
        %mul3A_46 = arith.muli %arg1, %mul3A_45 : i32
        "tpu.region"() ({
          %run_scoped3A = tpu.sem_alloc : memref<!tpu.dma_semaphore, #tpu.memory_space<semaphore_mem>>
          %dma_start3A = arith.constant 0 : i32
          %dma_start3A_47 = tpu.memref_slice %arg6[%mul3A_46, %dma_start3A] : memref<50000x64xf32, #tpu.memory_space<hbm>> -> memref<1568x64xf32, #tpu.memory_space<hbm>>
          %dma_start3A_48 = arith.constant 0 : i32
          %dma_start3A_49 = tpu.memref_slice %arg11[%mul3A_44, %dma_start3A_48] : memref<25088x64xf32, #tpu.memory_space<vmem_shared>> -> memref<1568x64xf32, #tpu.memory_space<vmem_shared>>
          tpu.enqueue_dma source(%dma_start3A_49 : memref<1568x64xf32, #tpu.memory_space<vmem_shared>>) target(%dma_start3A_47 : memref<1568x64xf32, #tpu.memory_space<hbm>>) target_semaphore(%run_scoped3A : memref<!tpu.dma_semaphore, #tpu.memory_space<semaphore_mem>>)
          %dma_wait3A = arith.constant 0 : i32
          %dma_wait3A_50 = tpu.memref_slice %arg6[%mul3A_46, %dma_wait3A] : memref<50000x64xf32, #tpu.memory_space<hbm>> -> memref<1568x64xf32, #tpu.memory_space<hbm>>
          %dma_wait3A_51 = arith.constant 0 : i32
          %dma_wait3A_52 = tpu.memref_slice %arg11[%mul3A_44, %dma_wait3A_51] : memref<25088x64xf32, #tpu.memory_space<vmem_shared>> -> memref<1568x64xf32, #tpu.memory_space<vmem_shared>>
          tpu.wait_dma2 semaphore(%run_scoped3A : memref<!tpu.dma_semaphore, #tpu.memory_space<semaphore_mem>>) src(%dma_wait3A_52 : memref<1568x64xf32, #tpu.memory_space<vmem_shared>>) dst(%dma_wait3A_50 : memref<1568x64xf32, #tpu.memory_space<hbm>>)
          tpu.yield
        }) : () -> ()
      } else {
      }
      %eq3A_38 = arith.constant 15 : i32
      %eq3A_39 = arith.cmpi eq, %arg1, %eq3A_38 : i32
      %convert_element_type3A_40 = arith.extui %eq3A_39 : i1 to i32
      %cond3A_41 = arith.constant 0 : i32
      %cond3A_42 = arith.cmpi ne, %convert_element_type3A_40, %cond3A_41 : i32
      scf.if %cond3A_42 {
        "tpu.region"() ({
          %run_scoped3A = tpu.sem_alloc : memref<!tpu.dma_semaphore, #tpu.memory_space<semaphore_mem>>
          %dma_start3A = arith.constant 23520 : i32
          %dma_start3A_43 = arith.constant 0 : i32
          %dma_start3A_44 = tpu.memref_slice %arg6[%dma_start3A, %dma_start3A_43] : memref<50000x64xf32, #tpu.memory_space<hbm>> -> memref<1504x64xf32, #tpu.memory_space<hbm>>
          %dma_start3A_45 = arith.constant 23520 : i32
          %dma_start3A_46 = arith.constant 0 : i32
          %dma_start3A_47 = tpu.memref_slice %arg11[%dma_start3A_45, %dma_start3A_46] : memref<25088x64xf32, #tpu.memory_space<vmem_shared>> -> memref<1504x64xf32, #tpu.memory_space<vmem_shared>>
          tpu.enqueue_dma source(%dma_start3A_47 : memref<1504x64xf32, #tpu.memory_space<vmem_shared>>) target(%dma_start3A_44 : memref<1504x64xf32, #tpu.memory_space<hbm>>) target_semaphore(%run_scoped3A : memref<!tpu.dma_semaphore, #tpu.memory_space<semaphore_mem>>)
          %dma_wait3A = arith.constant 23520 : i32
          %dma_wait3A_48 = arith.constant 0 : i32
          %dma_wait3A_49 = tpu.memref_slice %arg6[%dma_wait3A, %dma_wait3A_48] : memref<50000x64xf32, #tpu.memory_space<hbm>> -> memref<1504x64xf32, #tpu.memory_space<hbm>>
          %dma_wait3A_50 = arith.constant 23520 : i32
          %dma_wait3A_51 = arith.constant 0 : i32
          %dma_wait3A_52 = tpu.memref_slice %arg11[%dma_wait3A_50, %dma_wait3A_51] : memref<25088x64xf32, #tpu.memory_space<vmem_shared>> -> memref<1504x64xf32, #tpu.memory_space<vmem_shared>>
          tpu.wait_dma2 semaphore(%run_scoped3A : memref<!tpu.dma_semaphore, #tpu.memory_space<semaphore_mem>>) src(%dma_wait3A_52 : memref<1504x64xf32, #tpu.memory_space<vmem_shared>>) dst(%dma_wait3A_49 : memref<1504x64xf32, #tpu.memory_space<hbm>>)
          tpu.yield
        }) : () -> ()
      } else {
      }
    } else {
    }
    %eq3A_29 = arith.constant 1 : i32
    %eq3A_30 = arith.cmpi eq, %arg0, %eq3A_29 : i32
    %convert_element_type3A_31 = arith.extui %eq3A_30 : i1 to i32
    %cond3A_32 = arith.constant 0 : i32
    %cond3A_33 = arith.cmpi ne, %convert_element_type3A_31, %cond3A_32 : i32
    scf.if %cond3A_33 {
      %lt3A = arith.constant 15 : i32
      %lt3A_34 = arith.cmpi slt, %arg1, %lt3A : i32
      %convert_element_type3A_35 = arith.extui %lt3A_34 : i1 to i32
      %cond3A_36 = arith.constant 0 : i32
      %cond3A_37 = arith.cmpi ne, %convert_element_type3A_35, %cond3A_36 : i32
      scf.if %cond3A_37 {
        %mul3A_43 = arith.constant 1560 : i32
        %mul3A_44 = arith.muli %arg1, %mul3A_43 : i32
        %mul3A_45 = arith.constant 1560 : i32
        %mul3A_46 = arith.muli %arg1, %mul3A_45 : i32
        %add3A_47 = arith.constant 25024 : i32
        %add3A_48 = arith.addi %add3A_47, %mul3A_46 : i32
        "tpu.region"() ({
          %run_scoped3A = tpu.sem_alloc : memref<!tpu.dma_semaphore, #tpu.memory_space<semaphore_mem>>
          %dma_start3A = arith.constant 0 : i32
          %dma_start3A_49 = tpu.memref_slice %arg6[%add3A_48, %dma_start3A] : memref<50000x64xf32, #tpu.memory_space<hbm>> -> memref<1560x64xf32, #tpu.memory_space<hbm>>
          %dma_start3A_50 = arith.constant 0 : i32
          %dma_start3A_51 = tpu.memref_slice %arg11[%mul3A_44, %dma_start3A_50] : memref<25088x64xf32, #tpu.memory_space<vmem_shared>> -> memref<1560x64xf32, #tpu.memory_space<vmem_shared>>
          tpu.enqueue_dma source(%dma_start3A_51 : memref<1560x64xf32, #tpu.memory_space<vmem_shared>>) target(%dma_start3A_49 : memref<1560x64xf32, #tpu.memory_space<hbm>>) target_semaphore(%run_scoped3A : memref<!tpu.dma_semaphore, #tpu.memory_space<semaphore_mem>>)
          %dma_wait3A = arith.constant 0 : i32
          %dma_wait3A_52 = tpu.memref_slice %arg6[%add3A_48, %dma_wait3A] : memref<50000x64xf32, #tpu.memory_space<hbm>> -> memref<1560x64xf32, #tpu.memory_space<hbm>>
          %dma_wait3A_53 = arith.constant 0 : i32
          %dma_wait3A_54 = tpu.memref_slice %arg11[%mul3A_44, %dma_wait3A_53] : memref<25088x64xf32, #tpu.memory_space<vmem_shared>> -> memref<1560x64xf32, #tpu.memory_space<vmem_shared>>
          tpu.wait_dma2 semaphore(%run_scoped3A : memref<!tpu.dma_semaphore, #tpu.memory_space<semaphore_mem>>) src(%dma_wait3A_54 : memref<1560x64xf32, #tpu.memory_space<vmem_shared>>) dst(%dma_wait3A_52 : memref<1560x64xf32, #tpu.memory_space<hbm>>)
          tpu.yield
        }) : () -> ()
      } else {
      }
      %eq3A_38 = arith.constant 15 : i32
      %eq3A_39 = arith.cmpi eq, %arg1, %eq3A_38 : i32
      %convert_element_type3A_40 = arith.extui %eq3A_39 : i1 to i32
      %cond3A_41 = arith.constant 0 : i32
      %cond3A_42 = arith.cmpi ne, %convert_element_type3A_40, %cond3A_41 : i32
      scf.if %cond3A_42 {
        "tpu.region"() ({
          %run_scoped3A = tpu.sem_alloc : memref<!tpu.dma_semaphore, #tpu.memory_space<semaphore_mem>>
          %dma_start3A = arith.constant 48424 : i32
          %dma_start3A_43 = arith.constant 0 : i32
          %dma_start3A_44 = tpu.memref_slice %arg6[%dma_start3A, %dma_start3A_43] : memref<50000x64xf32, #tpu.memory_space<hbm>> -> memref<1576x64xf32, #tpu.memory_space<hbm>>
          %dma_start3A_45 = arith.constant 23400 : i32
          %dma_start3A_46 = arith.constant 0 : i32
          %dma_start3A_47 = tpu.memref_slice %arg11[%dma_start3A_45, %dma_start3A_46] : memref<25088x64xf32, #tpu.memory_space<vmem_shared>> -> memref<1576x64xf32, #tpu.memory_space<vmem_shared>>
          tpu.enqueue_dma source(%dma_start3A_47 : memref<1576x64xf32, #tpu.memory_space<vmem_shared>>) target(%dma_start3A_44 : memref<1576x64xf32, #tpu.memory_space<hbm>>) target_semaphore(%run_scoped3A : memref<!tpu.dma_semaphore, #tpu.memory_space<semaphore_mem>>)
          %dma_wait3A = arith.constant 48424 : i32
          %dma_wait3A_48 = arith.constant 0 : i32
          %dma_wait3A_49 = tpu.memref_slice %arg6[%dma_wait3A, %dma_wait3A_48] : memref<50000x64xf32, #tpu.memory_space<hbm>> -> memref<1576x64xf32, #tpu.memory_space<hbm>>
          %dma_wait3A_50 = arith.constant 23400 : i32
          %dma_wait3A_51 = arith.constant 0 : i32
          %dma_wait3A_52 = tpu.memref_slice %arg11[%dma_wait3A_50, %dma_wait3A_51] : memref<25088x64xf32, #tpu.memory_space<vmem_shared>> -> memref<1576x64xf32, #tpu.memory_space<vmem_shared>>
          tpu.wait_dma2 semaphore(%run_scoped3A : memref<!tpu.dma_semaphore, #tpu.memory_space<semaphore_mem>>) src(%dma_wait3A_52 : memref<1576x64xf32, #tpu.memory_space<vmem_shared>>) dst(%dma_wait3A_49 : memref<1576x64xf32, #tpu.memory_space<hbm>>)
          tpu.yield
        }) : () -> ()
      } else {
      }
    } else {
    }
    return
  }
}

#map = affine_map<(d0, d1) -> (0, 0)>
#map1 = affine_map<(d0, d1) -> (0)>
module attributes {stable_mosaic.version = 14 : i64} {
  func.func @_sc_agg_body(%arg0: i32, %arg1: i32, %arg2: memref<50000x64xf32, #tpu.memory_space<hbm>>, %arg3: memref<800768xi32, #tpu.memory_space<hbm>>, %arg4: memref<800768xi32, #tpu.memory_space<hbm>>, %arg5: memref<392x64xf32, #tpu.memory_space<hbm>>, %arg6: memref<50000x64xf32, #tpu.memory_space<hbm>>, %arg7: memref<128xi32, #tpu.memory_space<vmem>>, %arg8: memref<128xi32, #tpu.memory_space<vmem>>, %arg9: memref<128xi32, #tpu.memory_space<vmem>>, %arg10: memref<128x64xf32, #tpu.memory_space<vmem>>, %arg11: memref<25088x64xf32, #tpu.memory_space<vmem_shared>>, %arg12: memref<!tpu.dma_semaphore, #tpu.memory_space<semaphore_mem>>) attributes {dimension_semantics = [#tpu.dimension_semantics<core_parallel>, #tpu.dimension_semantics<subcore_parallel>], iteration_bounds = array<i64: 2, 16>, scalar_prefetch = 0 : i64, scratch_operands = 6 : i64, tpu.core_type = #tpu.core_type<sc_vector_subcore>, window_params = [{transform_indices = #map}, {transform_indices = #map1}, {transform_indices = #map1}, {transform_indices = #map}, {transform_indices = #map}]} {
    %mul3A = arith.constant 1568 : i32
    %mul3A_0 = arith.muli %arg1, %mul3A : i32
    %add3A = arith.constant 0 : i32
    %add3A_1 = arith.addi %mul3A_0, %add3A : i32
    "tpu.region"() ({
      %run_scoped3A = tpu.sem_alloc : memref<!tpu.dma_semaphore, #tpu.memory_space<semaphore_mem>>
      %dma_start3A = arith.constant 0 : i32
      %dma_start3A_34 = tpu.memref_slice %arg11[%add3A_1, %dma_start3A] : memref<25088x64xf32, #tpu.memory_space<vmem_shared>> -> memref<392x64xf32, #tpu.memory_space<vmem_shared>>
      tpu.enqueue_dma source(%arg5 : memref<392x64xf32, #tpu.memory_space<hbm>>) target(%dma_start3A_34 : memref<392x64xf32, #tpu.memory_space<vmem_shared>>) target_semaphore(%run_scoped3A : memref<!tpu.dma_semaphore, #tpu.memory_space<semaphore_mem>>)
      %dma_wait3A = arith.constant 0 : i32
      %dma_wait3A_35 = tpu.memref_slice %arg11[%add3A_1, %dma_wait3A] : memref<25088x64xf32, #tpu.memory_space<vmem_shared>> -> memref<392x64xf32, #tpu.memory_space<vmem_shared>>
      tpu.wait_dma2 semaphore(%run_scoped3A : memref<!tpu.dma_semaphore, #tpu.memory_space<semaphore_mem>>) src(%arg5 : memref<392x64xf32, #tpu.memory_space<hbm>>) dst(%dma_wait3A_35 : memref<392x64xf32, #tpu.memory_space<vmem_shared>>)
      tpu.yield
    }) : () -> ()
    %mul3A_2 = arith.constant 1568 : i32
    %mul3A_3 = arith.muli %arg1, %mul3A_2 : i32
    %add3A_4 = arith.constant 392 : i32
    %add3A_5 = arith.addi %mul3A_3, %add3A_4 : i32
    "tpu.region"() ({
      %run_scoped3A = tpu.sem_alloc : memref<!tpu.dma_semaphore, #tpu.memory_space<semaphore_mem>>
      %dma_start3A = arith.constant 0 : i32
      %dma_start3A_34 = tpu.memref_slice %arg11[%add3A_5, %dma_start3A] : memref<25088x64xf32, #tpu.memory_space<vmem_shared>> -> memref<392x64xf32, #tpu.memory_space<vmem_shared>>
      tpu.enqueue_dma source(%arg5 : memref<392x64xf32, #tpu.memory_space<hbm>>) target(%dma_start3A_34 : memref<392x64xf32, #tpu.memory_space<vmem_shared>>) target_semaphore(%run_scoped3A : memref<!tpu.dma_semaphore, #tpu.memory_space<semaphore_mem>>)
      %dma_wait3A = arith.constant 0 : i32
      %dma_wait3A_35 = tpu.memref_slice %arg11[%add3A_5, %dma_wait3A] : memref<25088x64xf32, #tpu.memory_space<vmem_shared>> -> memref<392x64xf32, #tpu.memory_space<vmem_shared>>
      tpu.wait_dma2 semaphore(%run_scoped3A : memref<!tpu.dma_semaphore, #tpu.memory_space<semaphore_mem>>) src(%arg5 : memref<392x64xf32, #tpu.memory_space<hbm>>) dst(%dma_wait3A_35 : memref<392x64xf32, #tpu.memory_space<vmem_shared>>)
      tpu.yield
    }) : () -> ()
    %mul3A_6 = arith.constant 1568 : i32
    %mul3A_7 = arith.muli %arg1, %mul3A_6 : i32
    %add3A_8 = arith.constant 784 : i32
    %add3A_9 = arith.addi %mul3A_7, %add3A_8 : i32
    "tpu.region"() ({
      %run_scoped3A = tpu.sem_alloc : memref<!tpu.dma_semaphore, #tpu.memory_space<semaphore_mem>>
      %dma_start3A = arith.constant 0 : i32
      %dma_start3A_34 = tpu.memref_slice %arg11[%add3A_9, %dma_start3A] : memref<25088x64xf32, #tpu.memory_space<vmem_shared>> -> memref<392x64xf32, #tpu.memory_space<vmem_shared>>
      tpu.enqueue_dma source(%arg5 : memref<392x64xf32, #tpu.memory_space<hbm>>) target(%dma_start3A_34 : memref<392x64xf32, #tpu.memory_space<vmem_shared>>) target_semaphore(%run_scoped3A : memref<!tpu.dma_semaphore, #tpu.memory_space<semaphore_mem>>)
      %dma_wait3A = arith.constant 0 : i32
      %dma_wait3A_35 = tpu.memref_slice %arg11[%add3A_9, %dma_wait3A] : memref<25088x64xf32, #tpu.memory_space<vmem_shared>> -> memref<392x64xf32, #tpu.memory_space<vmem_shared>>
      tpu.wait_dma2 semaphore(%run_scoped3A : memref<!tpu.dma_semaphore, #tpu.memory_space<semaphore_mem>>) src(%arg5 : memref<392x64xf32, #tpu.memory_space<hbm>>) dst(%dma_wait3A_35 : memref<392x64xf32, #tpu.memory_space<vmem_shared>>)
      tpu.yield
    }) : () -> ()
    %mul3A_10 = arith.constant 1568 : i32
    %mul3A_11 = arith.muli %arg1, %mul3A_10 : i32
    %add3A_12 = arith.constant 1176 : i32
    %add3A_13 = arith.addi %mul3A_11, %add3A_12 : i32
    "tpu.region"() ({
      %run_scoped3A = tpu.sem_alloc : memref<!tpu.dma_semaphore, #tpu.memory_space<semaphore_mem>>
      %dma_start3A = arith.constant 0 : i32
      %dma_start3A_34 = tpu.memref_slice %arg11[%add3A_13, %dma_start3A] : memref<25088x64xf32, #tpu.memory_space<vmem_shared>> -> memref<392x64xf32, #tpu.memory_space<vmem_shared>>
      tpu.enqueue_dma source(%arg5 : memref<392x64xf32, #tpu.memory_space<hbm>>) target(%dma_start3A_34 : memref<392x64xf32, #tpu.memory_space<vmem_shared>>) target_semaphore(%run_scoped3A : memref<!tpu.dma_semaphore, #tpu.memory_space<semaphore_mem>>)
      %dma_wait3A = arith.constant 0 : i32
      %dma_wait3A_35 = tpu.memref_slice %arg11[%add3A_13, %dma_wait3A] : memref<25088x64xf32, #tpu.memory_space<vmem_shared>> -> memref<392x64xf32, #tpu.memory_space<vmem_shared>>
      tpu.wait_dma2 semaphore(%run_scoped3A : memref<!tpu.dma_semaphore, #tpu.memory_space<semaphore_mem>>) src(%arg5 : memref<392x64xf32, #tpu.memory_space<hbm>>) dst(%dma_wait3A_35 : memref<392x64xf32, #tpu.memory_space<vmem_shared>>)
      tpu.yield
    }) : () -> ()
    %barrier3A = arith.constant 0 : index
    tpu.barrier barrier_id(%barrier3A)
    %eq3A = arith.constant 0 : i32
    %eq3A_14 = arith.cmpi eq, %arg0, %eq3A : i32
    %jit3A = arith.constant 25024 : i32
    %jit3A_15 = arith.constant 24976 : i32
    %select_n3A = arith.select %eq3A_14, %jit3A, %jit3A_15 : i32
    %mul3A_16 = arith.constant 25024 : i32
    %mul3A_17 = arith.muli %arg0, %mul3A_16 : i32
    %mul3A_18 = arith.constant 50048 : i32
    %mul3A_19 = arith.muli %arg1, %mul3A_18 : i32
    %scan3A = arith.constant 0 : i32
    %scan3A_20 = arith.constant 0 : i32
    %scan3A_21 = arith.constant 391 : i32
    %scan3A_22 = arith.addi %scan3A_20, %scan3A_21 : i32
    %scan3A_23 = arith.constant 1 : i32
    scf.for %scan3A_34 = %scan3A_20 to %scan3A_22 step %scan3A_23  : i32 {
      %mul3A_35 = arith.constant 128 : i32
      %mul3A_36 = arith.muli %scan3A_34, %mul3A_35 : i32
      %add3A_37 = arith.addi %mul3A_19, %mul3A_36 : i32
      "tpu.region"() ({
        %run_scoped3A = tpu.sem_alloc : memref<!tpu.dma_semaphore, #tpu.memory_space<semaphore_mem>>
        %dma_start3A_179 = tpu.memref_slice %arg3[%add3A_37] : memref<800768xi32, #tpu.memory_space<hbm>> -> memref<128xi32, #tpu.memory_space<hbm>>
        %dma_start3A_180 = tpu.memref_slice %arg3[%add3A_37] : memref<800768xi32, #tpu.memory_space<hbm>> -> memref<128xi32, #tpu.memory_space<hbm>>
        tpu.enqueue_dma source(%dma_start3A_180 : memref<128xi32, #tpu.memory_space<hbm>>) target(%arg8 : memref<128xi32, #tpu.memory_space<vmem>>) target_semaphore(%run_scoped3A : memref<!tpu.dma_semaphore, #tpu.memory_space<semaphore_mem>>)
        %dma_wait3A_181 = tpu.memref_slice %arg3[%add3A_37] : memref<800768xi32, #tpu.memory_space<hbm>> -> memref<128xi32, #tpu.memory_space<hbm>>
        %dma_wait3A_182 = tpu.memref_slice %arg3[%add3A_37] : memref<800768xi32, #tpu.memory_space<hbm>> -> memref<128xi32, #tpu.memory_space<hbm>>
        tpu.wait_dma2 semaphore(%run_scoped3A : memref<!tpu.dma_semaphore, #tpu.memory_space<semaphore_mem>>) src(%dma_wait3A_182 : memref<128xi32, #tpu.memory_space<hbm>>) dst(%arg8 : memref<128xi32, #tpu.memory_space<vmem>>)
        tpu.yield
      }) : () -> ()
      %dma_start3A = arith.constant 0 : i32
      %dma_start3A_38 = arith.constant 0 : i32
      %dma_start3A_39 = tpu.memref_slice %arg2[%dma_start3A, %dma_start3A_38] : memref<50000x64xf32, #tpu.memory_space<hbm>> -> memref<50000x64xf32, #tpu.memory_space<hbm>>
      tpu.enqueue_indirect_dma source(%dma_start3A_39 : memref<50000x64xf32, #tpu.memory_space<hbm>>) target(%arg10 : memref<128x64xf32, #tpu.memory_space<vmem>>) offsets(%arg8 : memref<128xi32, #tpu.memory_space<vmem>>) semaphore(%arg12 : memref<!tpu.dma_semaphore, #tpu.memory_space<semaphore_mem>>)
      "tpu.region"() ({
        %run_scoped3A = tpu.sem_alloc : memref<!tpu.dma_semaphore, #tpu.memory_space<semaphore_mem>>
        %dma_start3A_179 = tpu.memref_slice %arg4[%add3A_37] : memref<800768xi32, #tpu.memory_space<hbm>> -> memref<128xi32, #tpu.memory_space<hbm>>
        %dma_start3A_180 = tpu.memref_slice %arg4[%add3A_37] : memref<800768xi32, #tpu.memory_space<hbm>> -> memref<128xi32, #tpu.memory_space<hbm>>
        tpu.enqueue_dma source(%dma_start3A_180 : memref<128xi32, #tpu.memory_space<hbm>>) target(%arg7 : memref<128xi32, #tpu.memory_space<vmem>>) target_semaphore(%run_scoped3A : memref<!tpu.dma_semaphore, #tpu.memory_space<semaphore_mem>>)
        %dma_wait3A_181 = tpu.memref_slice %arg4[%add3A_37] : memref<800768xi32, #tpu.memory_space<hbm>> -> memref<128xi32, #tpu.memory_space<hbm>>
        %dma_wait3A_182 = tpu.memref_slice %arg4[%add3A_37] : memref<800768xi32, #tpu.memory_space<hbm>> -> memref<128xi32, #tpu.memory_space<hbm>>
        tpu.wait_dma2 semaphore(%run_scoped3A : memref<!tpu.dma_semaphore, #tpu.memory_space<semaphore_mem>>) src(%dma_wait3A_182 : memref<128xi32, #tpu.memory_space<hbm>>) dst(%arg7 : memref<128xi32, #tpu.memory_space<vmem>>)
        tpu.yield
      }) : () -> ()
      %get3A = arith.constant 0 : index
      %get3A_40 = tpu.vector_load %arg7[%get3A] {strides = array<i32>} : memref<128xi32, #tpu.memory_space<vmem>>, vector<16xi32>,
      %get3A_41 = vector.shape_cast %get3A_40 : vector<16xi32> to vector<16xi32>
      %sub3A = vector.broadcast %mul3A_17 : i32 to vector<16xi32>
      %sub3A_42 = arith.subi %get3A_41, %sub3A : vector<16xi32>
      %ge3A = arith.constant 0 : i32
      %ge3A_43 = vector.broadcast %ge3A : i32 to vector<16xi32>
      %ge3A_44 = arith.cmpi sge, %sub3A_42, %ge3A_43 : vector<16xi32>
      %lt3A = vector.broadcast %select_n3A : i32 to vector<16xi32>
      %lt3A_45 = arith.cmpi slt, %sub3A_42, %lt3A : vector<16xi32>
      %and3A = arith.andi %ge3A_44, %lt3A_45 : vector<16xi1>
      %jit3A_46 = arith.constant 25024 : i32
      %broadcast_in_dim3A = vector.broadcast %jit3A_46 : i32 to vector<16xi32>
      %select_n3A_47 = arith.select %and3A, %sub3A_42, %broadcast_in_dim3A : vector<16xi1>, vector<16xi32>
      %swap3A = arith.constant 0 : index
      %swap3A_48 = tpu.vector_load %arg9[%swap3A] {strides = array<i32>} : memref<128xi32, #tpu.memory_space<vmem>>, vector<16xi32>,
      %swap3A_49 = vector.shape_cast %swap3A_48 : vector<16xi32> to vector<16xi32>
      %swap3A_50 = vector.shape_cast %select_n3A_47 : vector<16xi32> to vector<16xi32>
      tpu.vector_store %arg9[%swap3A], %swap3A_50 {strides = array<i32>} : memref<128xi32, #tpu.memory_space<vmem>>, vector<16xi32>,
      %get3A_51 = arith.constant 16 : index
      %get3A_52 = tpu.vector_load %arg7[%get3A_51] {strides = array<i32>} : memref<128xi32, #tpu.memory_space<vmem>>, vector<16xi32>,
      %get3A_53 = vector.shape_cast %get3A_52 : vector<16xi32> to vector<16xi32>
      %sub3A_54 = vector.broadcast %mul3A_17 : i32 to vector<16xi32>
      %sub3A_55 = arith.subi %get3A_53, %sub3A_54 : vector<16xi32>
      %ge3A_56 = arith.constant 0 : i32
      %ge3A_57 = vector.broadcast %ge3A_56 : i32 to vector<16xi32>
      %ge3A_58 = arith.cmpi sge, %sub3A_55, %ge3A_57 : vector<16xi32>
      %lt3A_59 = vector.broadcast %select_n3A : i32 to vector<16xi32>
      %lt3A_60 = arith.cmpi slt, %sub3A_55, %lt3A_59 : vector<16xi32>
      %and3A_61 = arith.andi %ge3A_58, %lt3A_60 : vector<16xi1>
      %jit3A_62 = arith.constant 25024 : i32
      %broadcast_in_dim3A_63 = vector.broadcast %jit3A_62 : i32 to vector<16xi32>
      %select_n3A_64 = arith.select %and3A_61, %sub3A_55, %broadcast_in_dim3A_63 : vector<16xi1>, vector<16xi32>
      %swap3A_65 = arith.constant 16 : index
      %swap3A_66 = tpu.vector_load %arg9[%swap3A_65] {strides = array<i32>} : memref<128xi32, #tpu.memory_space<vmem>>, vector<16xi32>,
      %swap3A_67 = vector.shape_cast %swap3A_66 : vector<16xi32> to vector<16xi32>
      %swap3A_68 = vector.shape_cast %select_n3A_64 : vector<16xi32> to vector<16xi32>
      tpu.vector_store %arg9[%swap3A_65], %swap3A_68 {strides = array<i32>} : memref<128xi32, #tpu.memory_space<vmem>>, vector<16xi32>,
      %get3A_69 = arith.constant 32 : index
      %get3A_70 = tpu.vector_load %arg7[%get3A_69] {strides = array<i32>} : memref<128xi32, #tpu.memory_space<vmem>>, vector<16xi32>,
      %get3A_71 = vector.shape_cast %get3A_70 : vector<16xi32> to vector<16xi32>
      %sub3A_72 = vector.broadcast %mul3A_17 : i32 to vector<16xi32>
      %sub3A_73 = arith.subi %get3A_71, %sub3A_72 : vector<16xi32>
      %ge3A_74 = arith.constant 0 : i32
      %ge3A_75 = vector.broadcast %ge3A_74 : i32 to vector<16xi32>
      %ge3A_76 = arith.cmpi sge, %sub3A_73, %ge3A_75 : vector<16xi32>
      %lt3A_77 = vector.broadcast %select_n3A : i32 to vector<16xi32>
      %lt3A_78 = arith.cmpi slt, %sub3A_73, %lt3A_77 : vector<16xi32>
      %and3A_79 = arith.andi %ge3A_76, %lt3A_78 : vector<16xi1>
      %jit3A_80 = arith.constant 25024 : i32
      %broadcast_in_dim3A_81 = vector.broadcast %jit3A_80 : i32 to vector<16xi32>
      %select_n3A_82 = arith.select %and3A_79, %sub3A_73, %broadcast_in_dim3A_81 : vector<16xi1>, vector<16xi32>
      %swap3A_83 = arith.constant 32 : index
      %swap3A_84 = tpu.vector_load %arg9[%swap3A_83] {strides = array<i32>} : memref<128xi32, #tpu.memory_space<vmem>>, vector<16xi32>,
      %swap3A_85 = vector.shape_cast %swap3A_84 : vector<16xi32> to vector<16xi32>
      %swap3A_86 = vector.shape_cast %select_n3A_82 : vector<16xi32> to vector<16xi32>
      tpu.vector_store %arg9[%swap3A_83], %swap3A_86 {strides = array<i32>} : memref<128xi32, #tpu.memory_space<vmem>>, vector<16xi32>,
      %get3A_87 = arith.constant 48 : index
      %get3A_88 = tpu.vector_load %arg7[%get3A_87] {strides = array<i32>} : memref<128xi32, #tpu.memory_space<vmem>>, vector<16xi32>,
      %get3A_89 = vector.shape_cast %get3A_88 : vector<16xi32> to vector<16xi32>
      %sub3A_90 = vector.broadcast %mul3A_17 : i32 to vector<16xi32>
      %sub3A_91 = arith.subi %get3A_89, %sub3A_90 : vector<16xi32>
      %ge3A_92 = arith.constant 0 : i32
      %ge3A_93 = vector.broadcast %ge3A_92 : i32 to vector<16xi32>
      %ge3A_94 = arith.cmpi sge, %sub3A_91, %ge3A_93 : vector<16xi32>
      %lt3A_95 = vector.broadcast %select_n3A : i32 to vector<16xi32>
      %lt3A_96 = arith.cmpi slt, %sub3A_91, %lt3A_95 : vector<16xi32>
      %and3A_97 = arith.andi %ge3A_94, %lt3A_96 : vector<16xi1>
      %jit3A_98 = arith.constant 25024 : i32
      %broadcast_in_dim3A_99 = vector.broadcast %jit3A_98 : i32 to vector<16xi32>
      %select_n3A_100 = arith.select %and3A_97, %sub3A_91, %broadcast_in_dim3A_99 : vector<16xi1>, vector<16xi32>
      %swap3A_101 = arith.constant 48 : index
      %swap3A_102 = tpu.vector_load %arg9[%swap3A_101] {strides = array<i32>} : memref<128xi32, #tpu.memory_space<vmem>>, vector<16xi32>,
      %swap3A_103 = vector.shape_cast %swap3A_102 : vector<16xi32> to vector<16xi32>
      %swap3A_104 = vector.shape_cast %select_n3A_100 : vector<16xi32> to vector<16xi32>
      tpu.vector_store %arg9[%swap3A_101], %swap3A_104 {strides = array<i32>} : memref<128xi32, #tpu.memory_space<vmem>>, vector<16xi32>,
      %get3A_105 = arith.constant 64 : index
      %get3A_106 = tpu.vector_load %arg7[%get3A_105] {strides = array<i32>} : memref<128xi32, #tpu.memory_space<vmem>>, vector<16xi32>,
      %get3A_107 = vector.shape_cast %get3A_106 : vector<16xi32> to vector<16xi32>
      %sub3A_108 = vector.broadcast %mul3A_17 : i32 to vector<16xi32>
      %sub3A_109 = arith.subi %get3A_107, %sub3A_108 : vector<16xi32>
      %ge3A_110 = arith.constant 0 : i32
      %ge3A_111 = vector.broadcast %ge3A_110 : i32 to vector<16xi32>
      %ge3A_112 = arith.cmpi sge, %sub3A_109, %ge3A_111 : vector<16xi32>
      %lt3A_113 = vector.broadcast %select_n3A : i32 to vector<16xi32>
      %lt3A_114 = arith.cmpi slt, %sub3A_109, %lt3A_113 : vector<16xi32>
      %and3A_115 = arith.andi %ge3A_112, %lt3A_114 : vector<16xi1>
      %jit3A_116 = arith.constant 25024 : i32
      %broadcast_in_dim3A_117 = vector.broadcast %jit3A_116 : i32 to vector<16xi32>
      %select_n3A_118 = arith.select %and3A_115, %sub3A_109, %broadcast_in_dim3A_117 : vector<16xi1>, vector<16xi32>
      %swap3A_119 = arith.constant 64 : index
      %swap3A_120 = tpu.vector_load %arg9[%swap3A_119] {strides = array<i32>} : memref<128xi32, #tpu.memory_space<vmem>>, vector<16xi32>,
      %swap3A_121 = vector.shape_cast %swap3A_120 : vector<16xi32> to vector<16xi32>
      %swap3A_122 = vector.shape_cast %select_n3A_118 : vector<16xi32> to vector<16xi32>
      tpu.vector_store %arg9[%swap3A_119], %swap3A_122 {strides = array<i32>} : memref<128xi32, #tpu.memory_space<vmem>>, vector<16xi32>,
      %get3A_123 = arith.constant 80 : index
      %get3A_124 = tpu.vector_load %arg7[%get3A_123] {strides = array<i32>} : memref<128xi32, #tpu.memory_space<vmem>>, vector<16xi32>,
      %get3A_125 = vector.shape_cast %get3A_124 : vector<16xi32> to vector<16xi32>
      %sub3A_126 = vector.broadcast %mul3A_17 : i32 to vector<16xi32>
      %sub3A_127 = arith.subi %get3A_125, %sub3A_126 : vector<16xi32>
      %ge3A_128 = arith.constant 0 : i32
      %ge3A_129 = vector.broadcast %ge3A_128 : i32 to vector<16xi32>
      %ge3A_130 = arith.cmpi sge, %sub3A_127, %ge3A_129 : vector<16xi32>
      %lt3A_131 = vector.broadcast %select_n3A : i32 to vector<16xi32>
      %lt3A_132 = arith.cmpi slt, %sub3A_127, %lt3A_131 : vector<16xi32>
      %and3A_133 = arith.andi %ge3A_130, %lt3A_132 : vector<16xi1>
      %jit3A_134 = arith.constant 25024 : i32
      %broadcast_in_dim3A_135 = vector.broadcast %jit3A_134 : i32 to vector<16xi32>
      %select_n3A_136 = arith.select %and3A_133, %sub3A_127, %broadcast_in_dim3A_135 : vector<16xi1>, vector<16xi32>
      %swap3A_137 = arith.constant 80 : index
      %swap3A_138 = tpu.vector_load %arg9[%swap3A_137] {strides = array<i32>} : memref<128xi32, #tpu.memory_space<vmem>>, vector<16xi32>,
      %swap3A_139 = vector.shape_cast %swap3A_138 : vector<16xi32> to vector<16xi32>
      %swap3A_140 = vector.shape_cast %select_n3A_136 : vector<16xi32> to vector<16xi32>
      tpu.vector_store %arg9[%swap3A_137], %swap3A_140 {strides = array<i32>} : memref<128xi32, #tpu.memory_space<vmem>>, vector<16xi32>,
      %get3A_141 = arith.constant 96 : index
      %get3A_142 = tpu.vector_load %arg7[%get3A_141] {strides = array<i32>} : memref<128xi32, #tpu.memory_space<vmem>>, vector<16xi32>,
      %get3A_143 = vector.shape_cast %get3A_142 : vector<16xi32> to vector<16xi32>
      %sub3A_144 = vector.broadcast %mul3A_17 : i32 to vector<16xi32>
      %sub3A_145 = arith.subi %get3A_143, %sub3A_144 : vector<16xi32>
      %ge3A_146 = arith.constant 0 : i32
      %ge3A_147 = vector.broadcast %ge3A_146 : i32 to vector<16xi32>
      %ge3A_148 = arith.cmpi sge, %sub3A_145, %ge3A_147 : vector<16xi32>
      %lt3A_149 = vector.broadcast %select_n3A : i32 to vector<16xi32>
      %lt3A_150 = arith.cmpi slt, %sub3A_145, %lt3A_149 : vector<16xi32>
      %and3A_151 = arith.andi %ge3A_148, %lt3A_150 : vector<16xi1>
      %jit3A_152 = arith.constant 25024 : i32
      %broadcast_in_dim3A_153 = vector.broadcast %jit3A_152 : i32 to vector<16xi32>
      %select_n3A_154 = arith.select %and3A_151, %sub3A_145, %broadcast_in_dim3A_153 : vector<16xi1>, vector<16xi32>
      %swap3A_155 = arith.constant 96 : index
      %swap3A_156 = tpu.vector_load %arg9[%swap3A_155] {strides = array<i32>} : memref<128xi32, #tpu.memory_space<vmem>>, vector<16xi32>,
      %swap3A_157 = vector.shape_cast %swap3A_156 : vector<16xi32> to vector<16xi32>
      %swap3A_158 = vector.shape_cast %select_n3A_154 : vector<16xi32> to vector<16xi32>
      tpu.vector_store %arg9[%swap3A_155], %swap3A_158 {strides = array<i32>} : memref<128xi32, #tpu.memory_space<vmem>>, vector<16xi32>,
      %get3A_159 = arith.constant 112 : index
      %get3A_160 = tpu.vector_load %arg7[%get3A_159] {strides = array<i32>} : memref<128xi32, #tpu.memory_space<vmem>>, vector<16xi32>,
      %get3A_161 = vector.shape_cast %get3A_160 : vector<16xi32> to vector<16xi32>
      %sub3A_162 = vector.broadcast %mul3A_17 : i32 to vector<16xi32>
      %sub3A_163 = arith.subi %get3A_161, %sub3A_162 : vector<16xi32>
      %ge3A_164 = arith.constant 0 : i32
      %ge3A_165 = vector.broadcast %ge3A_164 : i32 to vector<16xi32>
      %ge3A_166 = arith.cmpi sge, %sub3A_163, %ge3A_165 : vector<16xi32>
      %lt3A_167 = vector.broadcast %select_n3A : i32 to vector<16xi32>
      %lt3A_168 = arith.cmpi slt, %sub3A_163, %lt3A_167 : vector<16xi32>
      %and3A_169 = arith.andi %ge3A_166, %lt3A_168 : vector<16xi1>
      %jit3A_170 = arith.constant 25024 : i32
      %broadcast_in_dim3A_171 = vector.broadcast %jit3A_170 : i32 to vector<16xi32>
      %select_n3A_172 = arith.select %and3A_169, %sub3A_163, %broadcast_in_dim3A_171 : vector<16xi1>, vector<16xi32>
      %swap3A_173 = arith.constant 112 : index
      %swap3A_174 = tpu.vector_load %arg9[%swap3A_173] {strides = array<i32>} : memref<128xi32, #tpu.memory_space<vmem>>, vector<16xi32>,
      %swap3A_175 = vector.shape_cast %swap3A_174 : vector<16xi32> to vector<16xi32>
      %swap3A_176 = vector.shape_cast %select_n3A_172 : vector<16xi32> to vector<16xi32>
      tpu.vector_store %arg9[%swap3A_173], %swap3A_176 {strides = array<i32>} : memref<128xi32, #tpu.memory_space<vmem>>, vector<16xi32>,
      %dma_wait3A = arith.constant 0 : i32
      %dma_wait3A_177 = arith.constant 0 : i32
      %dma_wait3A_178 = tpu.memref_slice %arg2[%dma_wait3A, %dma_wait3A_177] : memref<50000x64xf32, #tpu.memory_space<hbm>> -> memref<50000x64xf32, #tpu.memory_space<hbm>>
      tpu.wait_indirect_dma semaphore(%arg12 : memref<!tpu.dma_semaphore, #tpu.memory_space<semaphore_mem>>) src(%dma_wait3A_178 : memref<50000x64xf32, #tpu.memory_space<hbm>>) dst(%arg10 : memref<128x64xf32, #tpu.memory_space<vmem>>)
      "tpu.region"() ({
        %run_scoped3A = tpu.sem_alloc : memref<!tpu.dma_semaphore, #tpu.memory_space<semaphore_mem>>
        %dma_start3A_179 = arith.constant 0 : i32
        %dma_start3A_180 = arith.constant 0 : i32
        %dma_start3A_181 = tpu.memref_slice %arg11[%dma_start3A_179, %dma_start3A_180] : memref<25088x64xf32, #tpu.memory_space<vmem_shared>> -> memref<25088x64xf32, #tpu.memory_space<vmem_shared>>
        tpu.enqueue_indirect_dma source(%arg10 : memref<128x64xf32, #tpu.memory_space<vmem>>) target(%dma_start3A_181 : memref<25088x64xf32, #tpu.memory_space<vmem_shared>>) offsets(%arg9 : memref<128xi32, #tpu.memory_space<vmem>>) semaphore(%run_scoped3A : memref<!tpu.dma_semaphore, #tpu.memory_space<semaphore_mem>>) {add = true}
        %dma_wait3A_182 = arith.constant 0 : i32
        %dma_wait3A_183 = arith.constant 0 : i32
        %dma_wait3A_184 = tpu.memref_slice %arg11[%dma_wait3A_182, %dma_wait3A_183] : memref<25088x64xf32, #tpu.memory_space<vmem_shared>> -> memref<25088x64xf32, #tpu.memory_space<vmem_shared>>
        tpu.wait_indirect_dma semaphore(%run_scoped3A : memref<!tpu.dma_semaphore, #tpu.memory_space<semaphore_mem>>) src(%arg10 : memref<128x64xf32, #tpu.memory_space<vmem>>) dst(%dma_wait3A_184 : memref<25088x64xf32, #tpu.memory_space<vmem_shared>>)
        tpu.yield
      }) : () -> ()
    }
    %scan3A_24 = arith.constant 391 : i32
    %barrier3A_25 = arith.constant 0 : index
    tpu.barrier barrier_id(%barrier3A_25)
    %eq3A_26 = arith.constant 0 : i32
    %eq3A_27 = arith.cmpi eq, %arg0, %eq3A_26 : i32
    %convert_element_type3A = arith.extui %eq3A_27 : i1 to i32
    %cond3A = arith.constant 0 : i32
    %cond3A_28 = arith.cmpi ne, %convert_element_type3A, %cond3A : i32
    scf.if %cond3A_28 {
      %lt3A = arith.constant 15 : i32
      %lt3A_34 = arith.cmpi slt, %arg1, %lt3A : i32
      %convert_element_type3A_35 = arith.extui %lt3A_34 : i1 to i32
      %cond3A_36 = arith.constant 0 : i32
      %cond3A_37 = arith.cmpi ne, %convert_element_type3A_35, %cond3A_36 : i32
      scf.if %cond3A_37 {
        %mul3A_43 = arith.constant 1568 : i32
        %mul3A_44 = arith.muli %arg1, %mul3A_43 : i32
        %mul3A_45 = arith.constant 1568 : i32
        %mul3A_46 = arith.muli %arg1, %mul3A_45 : i32
        "tpu.region"() ({
          %run_scoped3A = tpu.sem_alloc : memref<!tpu.dma_semaphore, #tpu.memory_space<semaphore_mem>>
          %dma_start3A = arith.constant 0 : i32
          %dma_start3A_47 = tpu.memref_slice %arg6[%mul3A_46, %dma_start3A] : memref<50000x64xf32, #tpu.memory_space<hbm>> -> memref<1568x64xf32, #tpu.memory_space<hbm>>
          %dma_start3A_48 = arith.constant 0 : i32
          %dma_start3A_49 = tpu.memref_slice %arg11[%mul3A_44, %dma_start3A_48] : memref<25088x64xf32, #tpu.memory_space<vmem_shared>> -> memref<1568x64xf32, #tpu.memory_space<vmem_shared>>
          tpu.enqueue_dma source(%dma_start3A_49 : memref<1568x64xf32, #tpu.memory_space<vmem_shared>>) target(%dma_start3A_47 : memref<1568x64xf32, #tpu.memory_space<hbm>>) target_semaphore(%run_scoped3A : memref<!tpu.dma_semaphore, #tpu.memory_space<semaphore_mem>>)
          %dma_wait3A = arith.constant 0 : i32
          %dma_wait3A_50 = tpu.memref_slice %arg6[%mul3A_46, %dma_wait3A] : memref<50000x64xf32, #tpu.memory_space<hbm>> -> memref<1568x64xf32, #tpu.memory_space<hbm>>
          %dma_wait3A_51 = arith.constant 0 : i32
          %dma_wait3A_52 = tpu.memref_slice %arg11[%mul3A_44, %dma_wait3A_51] : memref<25088x64xf32, #tpu.memory_space<vmem_shared>> -> memref<1568x64xf32, #tpu.memory_space<vmem_shared>>
          tpu.wait_dma2 semaphore(%run_scoped3A : memref<!tpu.dma_semaphore, #tpu.memory_space<semaphore_mem>>) src(%dma_wait3A_52 : memref<1568x64xf32, #tpu.memory_space<vmem_shared>>) dst(%dma_wait3A_50 : memref<1568x64xf32, #tpu.memory_space<hbm>>)
          tpu.yield
        }) : () -> ()
      } else {
      }
      %eq3A_38 = arith.constant 15 : i32
      %eq3A_39 = arith.cmpi eq, %arg1, %eq3A_38 : i32
      %convert_element_type3A_40 = arith.extui %eq3A_39 : i1 to i32
      %cond3A_41 = arith.constant 0 : i32
      %cond3A_42 = arith.cmpi ne, %convert_element_type3A_40, %cond3A_41 : i32
      scf.if %cond3A_42 {
        "tpu.region"() ({
          %run_scoped3A = tpu.sem_alloc : memref<!tpu.dma_semaphore, #tpu.memory_space<semaphore_mem>>
          %dma_start3A = arith.constant 23520 : i32
          %dma_start3A_43 = arith.constant 0 : i32
          %dma_start3A_44 = tpu.memref_slice %arg6[%dma_start3A, %dma_start3A_43] : memref<50000x64xf32, #tpu.memory_space<hbm>> -> memref<1504x64xf32, #tpu.memory_space<hbm>>
          %dma_start3A_45 = arith.constant 23520 : i32
          %dma_start3A_46 = arith.constant 0 : i32
          %dma_start3A_47 = tpu.memref_slice %arg11[%dma_start3A_45, %dma_start3A_46] : memref<25088x64xf32, #tpu.memory_space<vmem_shared>> -> memref<1504x64xf32, #tpu.memory_space<vmem_shared>>
          tpu.enqueue_dma source(%dma_start3A_47 : memref<1504x64xf32, #tpu.memory_space<vmem_shared>>) target(%dma_start3A_44 : memref<1504x64xf32, #tpu.memory_space<hbm>>) target_semaphore(%run_scoped3A : memref<!tpu.dma_semaphore, #tpu.memory_space<semaphore_mem>>)
          %dma_wait3A = arith.constant 23520 : i32
          %dma_wait3A_48 = arith.constant 0 : i32
          %dma_wait3A_49 = tpu.memref_slice %arg6[%dma_wait3A, %dma_wait3A_48] : memref<50000x64xf32, #tpu.memory_space<hbm>> -> memref<1504x64xf32, #tpu.memory_space<hbm>>
          %dma_wait3A_50 = arith.constant 23520 : i32
          %dma_wait3A_51 = arith.constant 0 : i32
          %dma_wait3A_52 = tpu.memref_slice %arg11[%dma_wait3A_50, %dma_wait3A_51] : memref<25088x64xf32, #tpu.memory_space<vmem_shared>> -> memref<1504x64xf32, #tpu.memory_space<vmem_shared>>
          tpu.wait_dma2 semaphore(%run_scoped3A : memref<!tpu.dma_semaphore, #tpu.memory_space<semaphore_mem>>) src(%dma_wait3A_52 : memref<1504x64xf32, #tpu.memory_space<vmem_shared>>) dst(%dma_wait3A_49 : memref<1504x64xf32, #tpu.memory_space<hbm>>)
          tpu.yield
        }) : () -> ()
      } else {
      }
    } else {
    }
    %eq3A_29 = arith.constant 1 : i32
    %eq3A_30 = arith.cmpi eq, %arg0, %eq3A_29 : i32
    %convert_element_type3A_31 = arith.extui %eq3A_30 : i1 to i32
    %cond3A_32 = arith.constant 0 : i32
    %cond3A_33 = arith.cmpi ne, %convert_element_type3A_31, %cond3A_32 : i32
    scf.if %cond3A_33 {
      %lt3A = arith.constant 15 : i32
      %lt3A_34 = arith.cmpi slt, %arg1, %lt3A : i32
      %convert_element_type3A_35 = arith.extui %lt3A_34 : i1 to i32
      %cond3A_36 = arith.constant 0 : i32
      %cond3A_37 = arith.cmpi ne, %convert_element_type3A_35, %cond3A_36 : i32
      scf.if %cond3A_37 {
        %mul3A_43 = arith.constant 1560 : i32
        %mul3A_44 = arith.muli %arg1, %mul3A_43 : i32
        %mul3A_45 = arith.constant 1560 : i32
        %mul3A_46 = arith.muli %arg1, %mul3A_45 : i32
        %add3A_47 = arith.constant 25024 : i32
        %add3A_48 = arith.addi %add3A_47, %mul3A_46 : i32
        "tpu.region"() ({
          %run_scoped3A = tpu.sem_alloc : memref<!tpu.dma_semaphore, #tpu.memory_space<semaphore_mem>>
          %dma_start3A = arith.constant 0 : i32
          %dma_start3A_49 = tpu.memref_slice %arg6[%add3A_48, %dma_start3A] : memref<50000x64xf32, #tpu.memory_space<hbm>> -> memref<1560x64xf32, #tpu.memory_space<hbm>>
          %dma_start3A_50 = arith.constant 0 : i32
          %dma_start3A_51 = tpu.memref_slice %arg11[%mul3A_44, %dma_start3A_50] : memref<25088x64xf32, #tpu.memory_space<vmem_shared>> -> memref<1560x64xf32, #tpu.memory_space<vmem_shared>>
          tpu.enqueue_dma source(%dma_start3A_51 : memref<1560x64xf32, #tpu.memory_space<vmem_shared>>) target(%dma_start3A_49 : memref<1560x64xf32, #tpu.memory_space<hbm>>) target_semaphore(%run_scoped3A : memref<!tpu.dma_semaphore, #tpu.memory_space<semaphore_mem>>)
          %dma_wait3A = arith.constant 0 : i32
          %dma_wait3A_52 = tpu.memref_slice %arg6[%add3A_48, %dma_wait3A] : memref<50000x64xf32, #tpu.memory_space<hbm>> -> memref<1560x64xf32, #tpu.memory_space<hbm>>
          %dma_wait3A_53 = arith.constant 0 : i32
          %dma_wait3A_54 = tpu.memref_slice %arg11[%mul3A_44, %dma_wait3A_53] : memref<25088x64xf32, #tpu.memory_space<vmem_shared>> -> memref<1560x64xf32, #tpu.memory_space<vmem_shared>>
          tpu.wait_dma2 semaphore(%run_scoped3A : memref<!tpu.dma_semaphore, #tpu.memory_space<semaphore_mem>>) src(%dma_wait3A_54 : memref<1560x64xf32, #tpu.memory_space<vmem_shared>>) dst(%dma_wait3A_52 : memref<1560x64xf32, #tpu.memory_space<hbm>>)
          tpu.yield
        }) : () -> ()
      } else {
      }
      %eq3A_38 = arith.constant 15 : i32
      %eq3A_39 = arith.cmpi eq, %arg1, %eq3A_38 : i32
      %convert_element_type3A_40 = arith.extui %eq3A_39 : i1 to i32
      %cond3A_41 = arith.constant 0 : i32
      %cond3A_42 = arith.cmpi ne, %convert_element_type3A_40, %cond3A_41 : i32
      scf.if %cond3A_42 {
        "tpu.region"() ({
          %run_scoped3A = tpu.sem_alloc : memref<!tpu.dma_semaphore, #tpu.memory_space<semaphore_mem>>
          %dma_start3A = arith.constant 48424 : i32
          %dma_start3A_43 = arith.constant 0 : i32
          %dma_start3A_44 = tpu.memref_slice %arg6[%dma_start3A, %dma_start3A_43] : memref<50000x64xf32, #tpu.memory_space<hbm>> -> memref<1576x64xf32, #tpu.memory_space<hbm>>
          %dma_start3A_45 = arith.constant 23400 : i32
          %dma_start3A_46 = arith.constant 0 : i32
          %dma_start3A_47 = tpu.memref_slice %arg11[%dma_start3A_45, %dma_start3A_46] : memref<25088x64xf32, #tpu.memory_space<vmem_shared>> -> memref<1576x64xf32, #tpu.memory_space<vmem_shared>>
          tpu.enqueue_dma source(%dma_start3A_47 : memref<1576x64xf32, #tpu.memory_space<vmem_shared>>) target(%dma_start3A_44 : memref<1576x64xf32, #tpu.memory_space<hbm>>) target_semaphore(%run_scoped3A : memref<!tpu.dma_semaphore, #tpu.memory_space<semaphore_mem>>)
          %dma_wait3A = arith.constant 48424 : i32
          %dma_wait3A_48 = arith.constant 0 : i32
          %dma_wait3A_49 = tpu.memref_slice %arg6[%dma_wait3A, %dma_wait3A_48] : memref<50000x64xf32, #tpu.memory_space<hbm>> -> memref<1576x64xf32, #tpu.memory_space<hbm>>
          %dma_wait3A_50 = arith.constant 23400 : i32
          %dma_wait3A_51 = arith.constant 0 : i32
          %dma_wait3A_52 = tpu.memref_slice %arg11[%dma_wait3A_50, %dma_wait3A_51] : memref<25088x64xf32, #tpu.memory_space<vmem_shared>> -> memref<1576x64xf32, #tpu.memory_space<vmem_shared>>
          tpu.wait_dma2 semaphore(%run_scoped3A : memref<!tpu.dma_semaphore, #tpu.memory_space<semaphore_mem>>) src(%dma_wait3A_52 : memref<1576x64xf32, #tpu.memory_space<vmem_shared>>) dst(%dma_wait3A_49 : memref<1576x64xf32, #tpu.memory_space<hbm>>)
          tpu.yield
        }) : () -> ()
      } else {
      }
    } else {
    }
    return
  }
}

module attributes {stable_mosaic.version = 14 : i64} {
  func.func @_tc_in_body(%arg0: i32, %arg1: memref<1000x128xf32, #tpu.memory_space<vmem>>, %arg2: memref<128x64xf32, #tpu.memory_space<vmem>>, %arg3: memref<1x64xf32, #tpu.memory_space<vmem>>, %arg4: memref<1000x16xf32, #tpu.memory_space<vmem>>, %arg5: memref<1000x64xf32, #tpu.memory_space<vmem>>, %arg6: memref<1000x64xf32, #tpu.memory_space<vmem>>) attributes {dimension_semantics = [#tpu.dimension_semantics<arbitrary>], iteration_bounds = array<i64: 50>, scalar_prefetch = 0 : i64, scratch_operands = 0 : i64, tpu.core_type = #tpu.core_type<tc>, window_params = [{transform_indices = @transform_0, window_bounds = array<i64: 1000, 128>}, {pipeline_mode = #tpu.pipeline_mode<synchronous>, transform_indices = @transform_1, window_bounds = array<i64: 128, 64>}, {pipeline_mode = #tpu.pipeline_mode<synchronous>, transform_indices = @transform_2, window_bounds = array<i64: 1, 64>}, {transform_indices = @transform_3, window_bounds = array<i64: 1000, 16>}, {transform_indices = @transform_4, window_bounds = array<i64: 1000, 64>}, {transform_indices = @transform_5, window_bounds = array<i64: 1000, 64>}]} {
    %get3A = arith.constant 0 : index
    %get3A_0 = arith.constant 0 : index
    %get3A_1 = vector.load %arg1[%get3A, %get3A_0] : memref<1000x128xf32, #tpu.memory_space<vmem>>, vector<1000x128xf32>
    %get3A_2 = arith.constant 0 : index
    %get3A_3 = arith.constant 0 : index
    %get3A_4 = vector.load %arg2[%get3A_2, %get3A_3] : memref<128x64xf32, #tpu.memory_space<vmem>>, vector<128x64xf32>
    %dot_general3A = arith.constant dense<0.000000e+00> : vector<1000x64xf32>
    %dot_general3A_5 = tpu.matmul %get3A_1, %get3A_4, %dot_general3A {dimension_numbers = #tpu.dot_dimension_numbers<[1], [0], [0], [1], [0, 0, 1, 1], [], []>, precision = #tpu.contract_precision<fp32>, transpose_lhs_hint = false} : vector<1000x128xf32>, vector<128x64xf32>, vector<1000x64xf32> -> vector<1000x64xf32>
    %get3A_6 = arith.constant 0 : index
    %get3A_7 = arith.constant 0 : index
    %get3A_8 = vector.load %arg3[%get3A_6, %get3A_7] : memref<1x64xf32, #tpu.memory_space<vmem>>, vector<1x64xf32>
    %add3A = vector.broadcast %get3A_8 : vector<1x64xf32> to vector<1000x64xf32>
    %add3A_9 = arith.addf %dot_general3A_5, %add3A : vector<1000x64xf32>
    %max3A = arith.constant 0.000000e+00 : f32
    %max3A_10 = vector.broadcast %max3A : f32 to vector<1000x64xf32>
    %max3A_11 = arith.maximumf %add3A_9, %max3A_10 : vector<1000x64xf32>
    %get3A_12 = arith.constant 0 : index
    %get3A_13 = arith.constant 0 : index
    %get3A_14 = vector.load %arg4[%get3A_12, %get3A_13] : memref<1000x16xf32, #tpu.memory_space<vmem>>, vector<1000x1xf32>
    %add3A_15 = arith.constant 1.000000e+00 : f32
    %add3A_16 = vector.broadcast %add3A_15 : f32 to vector<1000x1xf32>
    %add3A_17 = arith.addf %get3A_14, %add3A_16 : vector<1000x1xf32>
    %rsqrt3A = math.rsqrt %add3A_17 : vector<1000x1xf32>
    %swap3A = arith.constant 0 : index
    %swap3A_18 = arith.constant 0 : index
    %swap3A_19 = vector.load %arg5[%swap3A, %swap3A_18] : memref<1000x64xf32, #tpu.memory_space<vmem>>, vector<1000x64xf32>
    tpu.vector_store %arg5[%swap3A, %swap3A_18], %max3A_11 {strides = array<i32>} : memref<1000x64xf32, #tpu.memory_space<vmem>>, vector<1000x64xf32>,
    %mul3A = vector.broadcast %rsqrt3A : vector<1000x1xf32> to vector<1000x64xf32>
    %mul3A_20 = arith.mulf %max3A_11, %mul3A : vector<1000x64xf32>
    %swap3A_21 = arith.constant 0 : index
    %swap3A_22 = arith.constant 0 : index
    %swap3A_23 = vector.load %arg6[%swap3A_21, %swap3A_22] : memref<1000x64xf32, #tpu.memory_space<vmem>>, vector<1000x64xf32>
    tpu.vector_store %arg6[%swap3A_21, %swap3A_22], %mul3A_20 {strides = array<i32>} : memref<1000x64xf32, #tpu.memory_space<vmem>>, vector<1000x64xf32>,
    return
  }
  func.func @transform_0(%arg0: i32) -> (i32, i32) {
    %c0_i32 = arith.constant 0 : i32
    %c0_i32_0 = arith.constant 0 : i32
    return %arg0, %c0_i32 : i32, i32
  }
  func.func @transform_1(%arg0: i32) -> (i32, i32) {
    %c0_i32 = arith.constant 0 : i32
    %c0_i32_0 = arith.constant 0 : i32
    %c0_i32_1 = arith.constant 0 : i32
    return %c0_i32, %c0_i32_0 : i32, i32
  }
  func.func @transform_2(%arg0: i32) -> (i32, i32) {
    %c0_i32 = arith.constant 0 : i32
    %c0_i32_0 = arith.constant 0 : i32
    %c0_i32_1 = arith.constant 0 : i32
    return %c0_i32, %c0_i32_0 : i32, i32
  }
  func.func @transform_3(%arg0: i32) -> (i32, i32) {
    %c0_i32 = arith.constant 0 : i32
    %c0_i32_0 = arith.constant 0 : i32
    return %arg0, %c0_i32 : i32, i32
  }
  func.func @transform_4(%arg0: i32) -> (i32, i32) {
    %c0_i32 = arith.constant 0 : i32
    %c0_i32_0 = arith.constant 0 : i32
    return %arg0, %c0_i32 : i32, i32
  }
  func.func @transform_5(%arg0: i32) -> (i32, i32) {
    %c0_i32 = arith.constant 0 : i32
    %c0_i32_0 = arith.constant 0 : i32
    return %arg0, %c0_i32 : i32, i32
  }
}

module attributes {stable_mosaic.version = 14 : i64} {
  func.func @_tc_layer_body(%arg0: i32, %arg1: memref<1000x64xf32, #tpu.memory_space<vmem>>, %arg2: memref<1000x64xf32, #tpu.memory_space<vmem>>, %arg3: memref<1000x64xf32, #tpu.memory_space<vmem>>, %arg4: memref<1000x16xf32, #tpu.memory_space<vmem>>, %arg5: memref<64x64xf32, #tpu.memory_space<vmem>>, %arg6: memref<1x64xf32, #tpu.memory_space<vmem>>, %arg7: memref<1x64xf32, #tpu.memory_space<vmem>>, %arg8: memref<1x64xf32, #tpu.memory_space<vmem>>, %arg9: memref<1x64xf32, #tpu.memory_space<vmem>>, %arg10: memref<1000x64xf32, #tpu.memory_space<vmem>>, %arg11: memref<1000x64xf32, #tpu.memory_space<vmem>>) attributes {dimension_semantics = [#tpu.dimension_semantics<arbitrary>], iteration_bounds = array<i64: 50>, scalar_prefetch = 0 : i64, scratch_operands = 0 : i64, tpu.core_type = #tpu.core_type<tc>, window_params = [{transform_indices = @transform_0, window_bounds = array<i64: 1000, 64>}, {transform_indices = @transform_1, window_bounds = array<i64: 1000, 64>}, {transform_indices = @transform_2, window_bounds = array<i64: 1000, 64>}, {transform_indices = @transform_3, window_bounds = array<i64: 1000, 16>}, {pipeline_mode = #tpu.pipeline_mode<synchronous>, transform_indices = @transform_4, window_bounds = array<i64: 64, 64>}, {pipeline_mode = #tpu.pipeline_mode<synchronous>, transform_indices = @transform_5, window_bounds = array<i64: 1, 64>}, {pipeline_mode = #tpu.pipeline_mode<synchronous>, transform_indices = @transform_6, window_bounds = array<i64: 1, 64>}, {pipeline_mode = #tpu.pipeline_mode<synchronous>, transform_indices = @transform_7, window_bounds = array<i64: 1, 64>}, {pipeline_mode = #tpu.pipeline_mode<synchronous>, transform_indices = @transform_8, window_bounds = array<i64: 1, 64>}, {transform_indices = @transform_9, window_bounds = array<i64: 1000, 64>}, {transform_indices = @transform_10, window_bounds = array<i64: 1000, 64>}]} {
    %get3A = arith.constant 0 : index
    %get3A_0 = arith.constant 0 : index
    %get3A_1 = vector.load %arg4[%get3A, %get3A_0] : memref<1000x16xf32, #tpu.memory_space<vmem>>, vector<1000x1xf32>
    %add3A = arith.constant 1.000000e+00 : f32
    %add3A_2 = vector.broadcast %add3A : f32 to vector<1000x1xf32>
    %add3A_3 = arith.addf %get3A_1, %add3A_2 : vector<1000x1xf32>
    %rsqrt3A = math.rsqrt %add3A_3 : vector<1000x1xf32>
    %get3A_4 = arith.constant 0 : index
    %get3A_5 = arith.constant 0 : index
    %get3A_6 = vector.load %arg1[%get3A_4, %get3A_5] : memref<1000x64xf32, #tpu.memory_space<vmem>>, vector<1000x64xf32>
    %get3A_7 = arith.constant 0 : index
    %get3A_8 = arith.constant 0 : index
    %get3A_9 = vector.load %arg2[%get3A_7, %get3A_8] : memref<1000x64xf32, #tpu.memory_space<vmem>>, vector<1000x64xf32>
    %add3A_10 = arith.addf %get3A_6, %get3A_9 : vector<1000x64xf32>
    %mul3A = vector.broadcast %rsqrt3A : vector<1000x1xf32> to vector<1000x64xf32>
    %mul3A_11 = arith.mulf %mul3A, %add3A_10 : vector<1000x64xf32>
    %mul3A_12 = arith.constant 0.899999976 : f32
    %mul3A_13 = vector.broadcast %mul3A_12 : f32 to vector<1000x64xf32>
    %mul3A_14 = arith.mulf %mul3A_13, %mul3A_11 : vector<1000x64xf32>
    %get3A_15 = arith.constant 0 : index
    %get3A_16 = arith.constant 0 : index
    %get3A_17 = vector.load %arg3[%get3A_15, %get3A_16] : memref<1000x64xf32, #tpu.memory_space<vmem>>, vector<1000x64xf32>
    %mul3A_18 = arith.constant 1.000000e-01 : f32
    %mul3A_19 = vector.broadcast %mul3A_18 : f32 to vector<1000x64xf32>
    %mul3A_20 = arith.mulf %mul3A_19, %get3A_17 : vector<1000x64xf32>
    %add3A_21 = arith.addf %mul3A_14, %mul3A_20 : vector<1000x64xf32>
    %mul3A_22 = arith.constant 0.594534874 : f32
    %mul3A_23 = vector.broadcast %mul3A_22 : f32 to vector<1000x64xf32>
    %mul3A_24 = arith.mulf %mul3A_23, %add3A_21 : vector<1000x64xf32>
    %get3A_25 = arith.constant 0 : index
    %get3A_26 = arith.constant 0 : index
    %get3A_27 = vector.load %arg5[%get3A_25, %get3A_26] : memref<64x64xf32, #tpu.memory_space<vmem>>, vector<64x64xf32>
    %dot_general3A = arith.constant dense<0.000000e+00> : vector<1000x64xf32>
    %dot_general3A_28 = tpu.matmul %add3A_21, %get3A_27, %dot_general3A {dimension_numbers = #tpu.dot_dimension_numbers<[1], [0], [0], [1], [0, 0, 1, 1], [], []>, precision = #tpu.contract_precision<fp32>, transpose_lhs_hint = false} : vector<1000x64xf32>, vector<64x64xf32>, vector<1000x64xf32> -> vector<1000x64xf32>
    %mul3A_29 = arith.constant 0.405465096 : f32
    %mul3A_30 = vector.broadcast %mul3A_29 : f32 to vector<1000x64xf32>
    %mul3A_31 = arith.mulf %mul3A_30, %dot_general3A_28 : vector<1000x64xf32>
    %add3A_32 = arith.addf %mul3A_24, %mul3A_31 : vector<1000x64xf32>
    %get3A_33 = arith.constant 0 : index
    %get3A_34 = arith.constant 0 : index
    %get3A_35 = vector.load %arg6[%get3A_33, %get3A_34] : memref<1x64xf32, #tpu.memory_space<vmem>>, vector<1x64xf32>
    %get3A_36 = arith.constant 0 : index
    %get3A_37 = arith.constant 0 : index
    %get3A_38 = vector.load %arg9[%get3A_36, %get3A_37] : memref<1x64xf32, #tpu.memory_space<vmem>>, vector<1x64xf32>
    %add3A_39 = arith.constant 9.99999974E-6 : f32
    %add3A_40 = vector.broadcast %add3A_39 : f32 to vector<1x64xf32>
    %add3A_41 = arith.addf %get3A_38, %add3A_40 : vector<1x64xf32>
    %rsqrt3A_42 = math.rsqrt %add3A_41 : vector<1x64xf32>
    %mul3A_43 = arith.mulf %get3A_35, %rsqrt3A_42 : vector<1x64xf32>
    %get3A_44 = arith.constant 0 : index
    %get3A_45 = arith.constant 0 : index
    %get3A_46 = vector.load %arg8[%get3A_44, %get3A_45] : memref<1x64xf32, #tpu.memory_space<vmem>>, vector<1x64xf32>
    %sub3A = vector.broadcast %get3A_46 : vector<1x64xf32> to vector<1000x64xf32>
    %sub3A_47 = arith.subf %add3A_32, %sub3A : vector<1000x64xf32>
    %mul3A_48 = vector.broadcast %mul3A_43 : vector<1x64xf32> to vector<1000x64xf32>
    %mul3A_49 = arith.mulf %sub3A_47, %mul3A_48 : vector<1000x64xf32>
    %get3A_50 = arith.constant 0 : index
    %get3A_51 = arith.constant 0 : index
    %get3A_52 = vector.load %arg7[%get3A_50, %get3A_51] : memref<1x64xf32, #tpu.memory_space<vmem>>, vector<1x64xf32>
    %add3A_53 = vector.broadcast %get3A_52 : vector<1x64xf32> to vector<1000x64xf32>
    %add3A_54 = arith.addf %mul3A_49, %add3A_53 : vector<1000x64xf32>
    %max3A = arith.constant 0.000000e+00 : f32
    %max3A_55 = vector.broadcast %max3A : f32 to vector<1000x64xf32>
    %max3A_56 = arith.maximumf %add3A_54, %max3A_55 : vector<1000x64xf32>
    %swap3A = arith.constant 0 : index
    %swap3A_57 = arith.constant 0 : index
    %swap3A_58 = vector.load %arg10[%swap3A, %swap3A_57] : memref<1000x64xf32, #tpu.memory_space<vmem>>, vector<1000x64xf32>
    tpu.vector_store %arg10[%swap3A, %swap3A_57], %max3A_56 {strides = array<i32>} : memref<1000x64xf32, #tpu.memory_space<vmem>>, vector<1000x64xf32>,
    %mul3A_59 = vector.broadcast %rsqrt3A : vector<1000x1xf32> to vector<1000x64xf32>
    %mul3A_60 = arith.mulf %max3A_56, %mul3A_59 : vector<1000x64xf32>
    %swap3A_61 = arith.constant 0 : index
    %swap3A_62 = arith.constant 0 : index
    %swap3A_63 = vector.load %arg11[%swap3A_61, %swap3A_62] : memref<1000x64xf32, #tpu.memory_space<vmem>>, vector<1000x64xf32>
    tpu.vector_store %arg11[%swap3A_61, %swap3A_62], %mul3A_60 {strides = array<i32>} : memref<1000x64xf32, #tpu.memory_space<vmem>>, vector<1000x64xf32>,
    return
  }
  func.func @transform_0(%arg0: i32) -> (i32, i32) {
    %c0_i32 = arith.constant 0 : i32
    %c0_i32_0 = arith.constant 0 : i32
    return %arg0, %c0_i32 : i32, i32
  }
  func.func @transform_1(%arg0: i32) -> (i32, i32) {
    %c0_i32 = arith.constant 0 : i32
    %c0_i32_0 = arith.constant 0 : i32
    return %arg0, %c0_i32 : i32, i32
  }
  func.func @transform_2(%arg0: i32) -> (i32, i32) {
    %c0_i32 = arith.constant 0 : i32
    %c0_i32_0 = arith.constant 0 : i32
    return %arg0, %c0_i32 : i32, i32
  }
  func.func @transform_3(%arg0: i32) -> (i32, i32) {
    %c0_i32 = arith.constant 0 : i32
    %c0_i32_0 = arith.constant 0 : i32
    return %arg0, %c0_i32 : i32, i32
  }
  func.func @transform_4(%arg0: i32) -> (i32, i32) {
    %c0_i32 = arith.constant 0 : i32
    %c0_i32_0 = arith.constant 0 : i32
    %c0_i32_1 = arith.constant 0 : i32
    return %c0_i32, %c0_i32_0 : i32, i32
  }
  func.func @transform_5(%arg0: i32) -> (i32, i32) {
    %c0_i32 = arith.constant 0 : i32
    %c0_i32_0 = arith.constant 0 : i32
    %c0_i32_1 = arith.constant 0 : i32
    return %c0_i32, %c0_i32_0 : i32, i32
  }
  func.func @transform_6(%arg0: i32) -> (i32, i32) {
    %c0_i32 = arith.constant 0 : i32
    %c0_i32_0 = arith.constant 0 : i32
    %c0_i32_1 = arith.constant 0 : i32
    return %c0_i32, %c0_i32_0 : i32, i32
  }
  func.func @transform_7(%arg0: i32) -> (i32, i32) {
    %c0_i32 = arith.constant 0 : i32
    %c0_i32_0 = arith.constant 0 : i32
    %c0_i32_1 = arith.constant 0 : i32
    return %c0_i32, %c0_i32_0 : i32, i32
  }
  func.func @transform_8(%arg0: i32) -> (i32, i32) {
    %c0_i32 = arith.constant 0 : i32
    %c0_i32_0 = arith.constant 0 : i32
    %c0_i32_1 = arith.constant 0 : i32
    return %c0_i32, %c0_i32_0 : i32, i32
  }
  func.func @transform_9(%arg0: i32) -> (i32, i32) {
    %c0_i32 = arith.constant 0 : i32
    %c0_i32_0 = arith.constant 0 : i32
    return %arg0, %c0_i32 : i32, i32
  }
  func.func @transform_10(%arg0: i32) -> (i32, i32) {
    %c0_i32 = arith.constant 0 : i32
    %c0_i32_0 = arith.constant 0 : i32
    return %arg0, %c0_i32 : i32, i32
  }
}

module attributes {stable_mosaic.version = 14 : i64} {
  func.func @_tc_layer_body(%arg0: i32, %arg1: memref<1000x64xf32, #tpu.memory_space<vmem>>, %arg2: memref<1000x64xf32, #tpu.memory_space<vmem>>, %arg3: memref<1000x64xf32, #tpu.memory_space<vmem>>, %arg4: memref<1000x16xf32, #tpu.memory_space<vmem>>, %arg5: memref<64x64xf32, #tpu.memory_space<vmem>>, %arg6: memref<1x64xf32, #tpu.memory_space<vmem>>, %arg7: memref<1x64xf32, #tpu.memory_space<vmem>>, %arg8: memref<1x64xf32, #tpu.memory_space<vmem>>, %arg9: memref<1x64xf32, #tpu.memory_space<vmem>>, %arg10: memref<1000x64xf32, #tpu.memory_space<vmem>>, %arg11: memref<1000x64xf32, #tpu.memory_space<vmem>>) attributes {dimension_semantics = [#tpu.dimension_semantics<arbitrary>], iteration_bounds = array<i64: 50>, scalar_prefetch = 0 : i64, scratch_operands = 0 : i64, tpu.core_type = #tpu.core_type<tc>, window_params = [{transform_indices = @transform_0, window_bounds = array<i64: 1000, 64>}, {transform_indices = @transform_1, window_bounds = array<i64: 1000, 64>}, {transform_indices = @transform_2, window_bounds = array<i64: 1000, 64>}, {transform_indices = @transform_3, window_bounds = array<i64: 1000, 16>}, {pipeline_mode = #tpu.pipeline_mode<synchronous>, transform_indices = @transform_4, window_bounds = array<i64: 64, 64>}, {pipeline_mode = #tpu.pipeline_mode<synchronous>, transform_indices = @transform_5, window_bounds = array<i64: 1, 64>}, {pipeline_mode = #tpu.pipeline_mode<synchronous>, transform_indices = @transform_6, window_bounds = array<i64: 1, 64>}, {pipeline_mode = #tpu.pipeline_mode<synchronous>, transform_indices = @transform_7, window_bounds = array<i64: 1, 64>}, {pipeline_mode = #tpu.pipeline_mode<synchronous>, transform_indices = @transform_8, window_bounds = array<i64: 1, 64>}, {transform_indices = @transform_9, window_bounds = array<i64: 1000, 64>}, {transform_indices = @transform_10, window_bounds = array<i64: 1000, 64>}]} {
    %get3A = arith.constant 0 : index
    %get3A_0 = arith.constant 0 : index
    %get3A_1 = vector.load %arg4[%get3A, %get3A_0] : memref<1000x16xf32, #tpu.memory_space<vmem>>, vector<1000x1xf32>
    %add3A = arith.constant 1.000000e+00 : f32
    %add3A_2 = vector.broadcast %add3A : f32 to vector<1000x1xf32>
    %add3A_3 = arith.addf %get3A_1, %add3A_2 : vector<1000x1xf32>
    %rsqrt3A = math.rsqrt %add3A_3 : vector<1000x1xf32>
    %get3A_4 = arith.constant 0 : index
    %get3A_5 = arith.constant 0 : index
    %get3A_6 = vector.load %arg1[%get3A_4, %get3A_5] : memref<1000x64xf32, #tpu.memory_space<vmem>>, vector<1000x64xf32>
    %get3A_7 = arith.constant 0 : index
    %get3A_8 = arith.constant 0 : index
    %get3A_9 = vector.load %arg2[%get3A_7, %get3A_8] : memref<1000x64xf32, #tpu.memory_space<vmem>>, vector<1000x64xf32>
    %add3A_10 = arith.addf %get3A_6, %get3A_9 : vector<1000x64xf32>
    %mul3A = vector.broadcast %rsqrt3A : vector<1000x1xf32> to vector<1000x64xf32>
    %mul3A_11 = arith.mulf %mul3A, %add3A_10 : vector<1000x64xf32>
    %mul3A_12 = arith.constant 0.899999976 : f32
    %mul3A_13 = vector.broadcast %mul3A_12 : f32 to vector<1000x64xf32>
    %mul3A_14 = arith.mulf %mul3A_13, %mul3A_11 : vector<1000x64xf32>
    %get3A_15 = arith.constant 0 : index
    %get3A_16 = arith.constant 0 : index
    %get3A_17 = vector.load %arg3[%get3A_15, %get3A_16] : memref<1000x64xf32, #tpu.memory_space<vmem>>, vector<1000x64xf32>
    %mul3A_18 = arith.constant 1.000000e-01 : f32
    %mul3A_19 = vector.broadcast %mul3A_18 : f32 to vector<1000x64xf32>
    %mul3A_20 = arith.mulf %mul3A_19, %get3A_17 : vector<1000x64xf32>
    %add3A_21 = arith.addf %mul3A_14, %mul3A_20 : vector<1000x64xf32>
    %mul3A_22 = arith.constant 0.776856422 : f32
    %mul3A_23 = vector.broadcast %mul3A_22 : f32 to vector<1000x64xf32>
    %mul3A_24 = arith.mulf %mul3A_23, %add3A_21 : vector<1000x64xf32>
    %get3A_25 = arith.constant 0 : index
    %get3A_26 = arith.constant 0 : index
    %get3A_27 = vector.load %arg5[%get3A_25, %get3A_26] : memref<64x64xf32, #tpu.memory_space<vmem>>, vector<64x64xf32>
    %dot_general3A = arith.constant dense<0.000000e+00> : vector<1000x64xf32>
    %dot_general3A_28 = tpu.matmul %add3A_21, %get3A_27, %dot_general3A {dimension_numbers = #tpu.dot_dimension_numbers<[1], [0], [0], [1], [0, 0, 1, 1], [], []>, precision = #tpu.contract_precision<fp32>, transpose_lhs_hint = false} : vector<1000x64xf32>, vector<64x64xf32>, vector<1000x64xf32> -> vector<1000x64xf32>
    %mul3A_29 = arith.constant 0.223143548 : f32
    %mul3A_30 = vector.broadcast %mul3A_29 : f32 to vector<1000x64xf32>
    %mul3A_31 = arith.mulf %mul3A_30, %dot_general3A_28 : vector<1000x64xf32>
    %add3A_32 = arith.addf %mul3A_24, %mul3A_31 : vector<1000x64xf32>
    %get3A_33 = arith.constant 0 : index
    %get3A_34 = arith.constant 0 : index
    %get3A_35 = vector.load %arg6[%get3A_33, %get3A_34] : memref<1x64xf32, #tpu.memory_space<vmem>>, vector<1x64xf32>
    %get3A_36 = arith.constant 0 : index
    %get3A_37 = arith.constant 0 : index
    %get3A_38 = vector.load %arg9[%get3A_36, %get3A_37] : memref<1x64xf32, #tpu.memory_space<vmem>>, vector<1x64xf32>
    %add3A_39 = arith.constant 9.99999974E-6 : f32
    %add3A_40 = vector.broadcast %add3A_39 : f32 to vector<1x64xf32>
    %add3A_41 = arith.addf %get3A_38, %add3A_40 : vector<1x64xf32>
    %rsqrt3A_42 = math.rsqrt %add3A_41 : vector<1x64xf32>
    %mul3A_43 = arith.mulf %get3A_35, %rsqrt3A_42 : vector<1x64xf32>
    %get3A_44 = arith.constant 0 : index
    %get3A_45 = arith.constant 0 : index
    %get3A_46 = vector.load %arg8[%get3A_44, %get3A_45] : memref<1x64xf32, #tpu.memory_space<vmem>>, vector<1x64xf32>
    %sub3A = vector.broadcast %get3A_46 : vector<1x64xf32> to vector<1000x64xf32>
    %sub3A_47 = arith.subf %add3A_32, %sub3A : vector<1000x64xf32>
    %mul3A_48 = vector.broadcast %mul3A_43 : vector<1x64xf32> to vector<1000x64xf32>
    %mul3A_49 = arith.mulf %sub3A_47, %mul3A_48 : vector<1000x64xf32>
    %get3A_50 = arith.constant 0 : index
    %get3A_51 = arith.constant 0 : index
    %get3A_52 = vector.load %arg7[%get3A_50, %get3A_51] : memref<1x64xf32, #tpu.memory_space<vmem>>, vector<1x64xf32>
    %add3A_53 = vector.broadcast %get3A_52 : vector<1x64xf32> to vector<1000x64xf32>
    %add3A_54 = arith.addf %mul3A_49, %add3A_53 : vector<1000x64xf32>
    %max3A = arith.constant 0.000000e+00 : f32
    %max3A_55 = vector.broadcast %max3A : f32 to vector<1000x64xf32>
    %max3A_56 = arith.maximumf %add3A_54, %max3A_55 : vector<1000x64xf32>
    %swap3A = arith.constant 0 : index
    %swap3A_57 = arith.constant 0 : index
    %swap3A_58 = vector.load %arg10[%swap3A, %swap3A_57] : memref<1000x64xf32, #tpu.memory_space<vmem>>, vector<1000x64xf32>
    tpu.vector_store %arg10[%swap3A, %swap3A_57], %max3A_56 {strides = array<i32>} : memref<1000x64xf32, #tpu.memory_space<vmem>>, vector<1000x64xf32>,
    %mul3A_59 = vector.broadcast %rsqrt3A : vector<1000x1xf32> to vector<1000x64xf32>
    %mul3A_60 = arith.mulf %max3A_56, %mul3A_59 : vector<1000x64xf32>
    %swap3A_61 = arith.constant 0 : index
    %swap3A_62 = arith.constant 0 : index
    %swap3A_63 = vector.load %arg11[%swap3A_61, %swap3A_62] : memref<1000x64xf32, #tpu.memory_space<vmem>>, vector<1000x64xf32>
    tpu.vector_store %arg11[%swap3A_61, %swap3A_62], %mul3A_60 {strides = array<i32>} : memref<1000x64xf32, #tpu.memory_space<vmem>>, vector<1000x64xf32>,
    return
  }
  func.func @transform_0(%arg0: i32) -> (i32, i32) {
    %c0_i32 = arith.constant 0 : i32
    %c0_i32_0 = arith.constant 0 : i32
    return %arg0, %c0_i32 : i32, i32
  }
  func.func @transform_1(%arg0: i32) -> (i32, i32) {
    %c0_i32 = arith.constant 0 : i32
    %c0_i32_0 = arith.constant 0 : i32
    return %arg0, %c0_i32 : i32, i32
  }
  func.func @transform_2(%arg0: i32) -> (i32, i32) {
    %c0_i32 = arith.constant 0 : i32
    %c0_i32_0 = arith.constant 0 : i32
    return %arg0, %c0_i32 : i32, i32
  }
  func.func @transform_3(%arg0: i32) -> (i32, i32) {
    %c0_i32 = arith.constant 0 : i32
    %c0_i32_0 = arith.constant 0 : i32
    return %arg0, %c0_i32 : i32, i32
  }
  func.func @transform_4(%arg0: i32) -> (i32, i32) {
    %c0_i32 = arith.constant 0 : i32
    %c0_i32_0 = arith.constant 0 : i32
    %c0_i32_1 = arith.constant 0 : i32
    return %c0_i32, %c0_i32_0 : i32, i32
  }
  func.func @transform_5(%arg0: i32) -> (i32, i32) {
    %c0_i32 = arith.constant 0 : i32
    %c0_i32_0 = arith.constant 0 : i32
    %c0_i32_1 = arith.constant 0 : i32
    return %c0_i32, %c0_i32_0 : i32, i32
  }
  func.func @transform_6(%arg0: i32) -> (i32, i32) {
    %c0_i32 = arith.constant 0 : i32
    %c0_i32_0 = arith.constant 0 : i32
    %c0_i32_1 = arith.constant 0 : i32
    return %c0_i32, %c0_i32_0 : i32, i32
  }
  func.func @transform_7(%arg0: i32) -> (i32, i32) {
    %c0_i32 = arith.constant 0 : i32
    %c0_i32_0 = arith.constant 0 : i32
    %c0_i32_1 = arith.constant 0 : i32
    return %c0_i32, %c0_i32_0 : i32, i32
  }
  func.func @transform_8(%arg0: i32) -> (i32, i32) {
    %c0_i32 = arith.constant 0 : i32
    %c0_i32_0 = arith.constant 0 : i32
    %c0_i32_1 = arith.constant 0 : i32
    return %c0_i32, %c0_i32_0 : i32, i32
  }
  func.func @transform_9(%arg0: i32) -> (i32, i32) {
    %c0_i32 = arith.constant 0 : i32
    %c0_i32_0 = arith.constant 0 : i32
    return %arg0, %c0_i32 : i32, i32
  }
  func.func @transform_10(%arg0: i32) -> (i32, i32) {
    %c0_i32 = arith.constant 0 : i32
    %c0_i32_0 = arith.constant 0 : i32
    return %arg0, %c0_i32 : i32, i32
  }
}

module attributes {stable_mosaic.version = 14 : i64} {
  func.func @_tc_layer_body(%arg0: i32, %arg1: memref<1000x64xf32, #tpu.memory_space<vmem>>, %arg2: memref<1000x64xf32, #tpu.memory_space<vmem>>, %arg3: memref<1000x64xf32, #tpu.memory_space<vmem>>, %arg4: memref<1000x16xf32, #tpu.memory_space<vmem>>, %arg5: memref<64x64xf32, #tpu.memory_space<vmem>>, %arg6: memref<1x64xf32, #tpu.memory_space<vmem>>, %arg7: memref<1x64xf32, #tpu.memory_space<vmem>>, %arg8: memref<1x64xf32, #tpu.memory_space<vmem>>, %arg9: memref<1x64xf32, #tpu.memory_space<vmem>>, %arg10: memref<1000x64xf32, #tpu.memory_space<vmem>>, %arg11: memref<1000x64xf32, #tpu.memory_space<vmem>>) attributes {dimension_semantics = [#tpu.dimension_semantics<arbitrary>], iteration_bounds = array<i64: 50>, scalar_prefetch = 0 : i64, scratch_operands = 0 : i64, tpu.core_type = #tpu.core_type<tc>, window_params = [{transform_indices = @transform_0, window_bounds = array<i64: 1000, 64>}, {transform_indices = @transform_1, window_bounds = array<i64: 1000, 64>}, {transform_indices = @transform_2, window_bounds = array<i64: 1000, 64>}, {transform_indices = @transform_3, window_bounds = array<i64: 1000, 16>}, {pipeline_mode = #tpu.pipeline_mode<synchronous>, transform_indices = @transform_4, window_bounds = array<i64: 64, 64>}, {pipeline_mode = #tpu.pipeline_mode<synchronous>, transform_indices = @transform_5, window_bounds = array<i64: 1, 64>}, {pipeline_mode = #tpu.pipeline_mode<synchronous>, transform_indices = @transform_6, window_bounds = array<i64: 1, 64>}, {pipeline_mode = #tpu.pipeline_mode<synchronous>, transform_indices = @transform_7, window_bounds = array<i64: 1, 64>}, {pipeline_mode = #tpu.pipeline_mode<synchronous>, transform_indices = @transform_8, window_bounds = array<i64: 1, 64>}, {transform_indices = @transform_9, window_bounds = array<i64: 1000, 64>}, {transform_indices = @transform_10, window_bounds = array<i64: 1000, 64>}]} {
    %get3A = arith.constant 0 : index
    %get3A_0 = arith.constant 0 : index
    %get3A_1 = vector.load %arg4[%get3A, %get3A_0] : memref<1000x16xf32, #tpu.memory_space<vmem>>, vector<1000x1xf32>
    %add3A = arith.constant 1.000000e+00 : f32
    %add3A_2 = vector.broadcast %add3A : f32 to vector<1000x1xf32>
    %add3A_3 = arith.addf %get3A_1, %add3A_2 : vector<1000x1xf32>
    %rsqrt3A = math.rsqrt %add3A_3 : vector<1000x1xf32>
    %get3A_4 = arith.constant 0 : index
    %get3A_5 = arith.constant 0 : index
    %get3A_6 = vector.load %arg1[%get3A_4, %get3A_5] : memref<1000x64xf32, #tpu.memory_space<vmem>>, vector<1000x64xf32>
    %get3A_7 = arith.constant 0 : index
    %get3A_8 = arith.constant 0 : index
    %get3A_9 = vector.load %arg2[%get3A_7, %get3A_8] : memref<1000x64xf32, #tpu.memory_space<vmem>>, vector<1000x64xf32>
    %add3A_10 = arith.addf %get3A_6, %get3A_9 : vector<1000x64xf32>
    %mul3A = vector.broadcast %rsqrt3A : vector<1000x1xf32> to vector<1000x64xf32>
    %mul3A_11 = arith.mulf %mul3A, %add3A_10 : vector<1000x64xf32>
    %mul3A_12 = arith.constant 0.899999976 : f32
    %mul3A_13 = vector.broadcast %mul3A_12 : f32 to vector<1000x64xf32>
    %mul3A_14 = arith.mulf %mul3A_13, %mul3A_11 : vector<1000x64xf32>
    %get3A_15 = arith.constant 0 : index
    %get3A_16 = arith.constant 0 : index
    %get3A_17 = vector.load %arg3[%get3A_15, %get3A_16] : memref<1000x64xf32, #tpu.memory_space<vmem>>, vector<1000x64xf32>
    %mul3A_18 = arith.constant 1.000000e-01 : f32
    %mul3A_19 = vector.broadcast %mul3A_18 : f32 to vector<1000x64xf32>
    %mul3A_20 = arith.mulf %mul3A_19, %get3A_17 : vector<1000x64xf32>
    %add3A_21 = arith.addf %mul3A_14, %mul3A_20 : vector<1000x64xf32>
    %mul3A_22 = arith.constant 0.845849335 : f32
    %mul3A_23 = vector.broadcast %mul3A_22 : f32 to vector<1000x64xf32>
    %mul3A_24 = arith.mulf %mul3A_23, %add3A_21 : vector<1000x64xf32>
    %get3A_25 = arith.constant 0 : index
    %get3A_26 = arith.constant 0 : index
    %get3A_27 = vector.load %arg5[%get3A_25, %get3A_26] : memref<64x64xf32, #tpu.memory_space<vmem>>, vector<64x64xf32>
    %dot_general3A = arith.constant dense<0.000000e+00> : vector<1000x64xf32>
    %dot_general3A_28 = tpu.matmul %add3A_21, %get3A_27, %dot_general3A {dimension_numbers = #tpu.dot_dimension_numbers<[1], [0], [0], [1], [0, 0, 1, 1], [], []>, precision = #tpu.contract_precision<fp32>, transpose_lhs_hint = false} : vector<1000x64xf32>, vector<64x64xf32>, vector<1000x64xf32> -> vector<1000x64xf32>
    %mul3A_29 = arith.constant 0.15415068 : f32
    %mul3A_30 = vector.broadcast %mul3A_29 : f32 to vector<1000x64xf32>
    %mul3A_31 = arith.mulf %mul3A_30, %dot_general3A_28 : vector<1000x64xf32>
    %add3A_32 = arith.addf %mul3A_24, %mul3A_31 : vector<1000x64xf32>
    %get3A_33 = arith.constant 0 : index
    %get3A_34 = arith.constant 0 : index
    %get3A_35 = vector.load %arg6[%get3A_33, %get3A_34] : memref<1x64xf32, #tpu.memory_space<vmem>>, vector<1x64xf32>
    %get3A_36 = arith.constant 0 : index
    %get3A_37 = arith.constant 0 : index
    %get3A_38 = vector.load %arg9[%get3A_36, %get3A_37] : memref<1x64xf32, #tpu.memory_space<vmem>>, vector<1x64xf32>
    %add3A_39 = arith.constant 9.99999974E-6 : f32
    %add3A_40 = vector.broadcast %add3A_39 : f32 to vector<1x64xf32>
    %add3A_41 = arith.addf %get3A_38, %add3A_40 : vector<1x64xf32>
    %rsqrt3A_42 = math.rsqrt %add3A_41 : vector<1x64xf32>
    %mul3A_43 = arith.mulf %get3A_35, %rsqrt3A_42 : vector<1x64xf32>
    %get3A_44 = arith.constant 0 : index
    %get3A_45 = arith.constant 0 : index
    %get3A_46 = vector.load %arg8[%get3A_44, %get3A_45] : memref<1x64xf32, #tpu.memory_space<vmem>>, vector<1x64xf32>
    %sub3A = vector.broadcast %get3A_46 : vector<1x64xf32> to vector<1000x64xf32>
    %sub3A_47 = arith.subf %add3A_32, %sub3A : vector<1000x64xf32>
    %mul3A_48 = vector.broadcast %mul3A_43 : vector<1x64xf32> to vector<1000x64xf32>
    %mul3A_49 = arith.mulf %sub3A_47, %mul3A_48 : vector<1000x64xf32>
    %get3A_50 = arith.constant 0 : index
    %get3A_51 = arith.constant 0 : index
    %get3A_52 = vector.load %arg7[%get3A_50, %get3A_51] : memref<1x64xf32, #tpu.memory_space<vmem>>, vector<1x64xf32>
    %add3A_53 = vector.broadcast %get3A_52 : vector<1x64xf32> to vector<1000x64xf32>
    %add3A_54 = arith.addf %mul3A_49, %add3A_53 : vector<1000x64xf32>
    %max3A = arith.constant 0.000000e+00 : f32
    %max3A_55 = vector.broadcast %max3A : f32 to vector<1000x64xf32>
    %max3A_56 = arith.maximumf %add3A_54, %max3A_55 : vector<1000x64xf32>
    %swap3A = arith.constant 0 : index
    %swap3A_57 = arith.constant 0 : index
    %swap3A_58 = vector.load %arg10[%swap3A, %swap3A_57] : memref<1000x64xf32, #tpu.memory_space<vmem>>, vector<1000x64xf32>
    tpu.vector_store %arg10[%swap3A, %swap3A_57], %max3A_56 {strides = array<i32>} : memref<1000x64xf32, #tpu.memory_space<vmem>>, vector<1000x64xf32>,
    %mul3A_59 = vector.broadcast %rsqrt3A : vector<1000x1xf32> to vector<1000x64xf32>
    %mul3A_60 = arith.mulf %max3A_56, %mul3A_59 : vector<1000x64xf32>
    %swap3A_61 = arith.constant 0 : index
    %swap3A_62 = arith.constant 0 : index
    %swap3A_63 = vector.load %arg11[%swap3A_61, %swap3A_62] : memref<1000x64xf32, #tpu.memory_space<vmem>>, vector<1000x64xf32>
    tpu.vector_store %arg11[%swap3A_61, %swap3A_62], %mul3A_60 {strides = array<i32>} : memref<1000x64xf32, #tpu.memory_space<vmem>>, vector<1000x64xf32>,
    return
  }
  func.func @transform_0(%arg0: i32) -> (i32, i32) {
    %c0_i32 = arith.constant 0 : i32
    %c0_i32_0 = arith.constant 0 : i32
    return %arg0, %c0_i32 : i32, i32
  }
  func.func @transform_1(%arg0: i32) -> (i32, i32) {
    %c0_i32 = arith.constant 0 : i32
    %c0_i32_0 = arith.constant 0 : i32
    return %arg0, %c0_i32 : i32, i32
  }
  func.func @transform_2(%arg0: i32) -> (i32, i32) {
    %c0_i32 = arith.constant 0 : i32
    %c0_i32_0 = arith.constant 0 : i32
    return %arg0, %c0_i32 : i32, i32
  }
  func.func @transform_3(%arg0: i32) -> (i32, i32) {
    %c0_i32 = arith.constant 0 : i32
    %c0_i32_0 = arith.constant 0 : i32
    return %arg0, %c0_i32 : i32, i32
  }
  func.func @transform_4(%arg0: i32) -> (i32, i32) {
    %c0_i32 = arith.constant 0 : i32
    %c0_i32_0 = arith.constant 0 : i32
    %c0_i32_1 = arith.constant 0 : i32
    return %c0_i32, %c0_i32_0 : i32, i32
  }
  func.func @transform_5(%arg0: i32) -> (i32, i32) {
    %c0_i32 = arith.constant 0 : i32
    %c0_i32_0 = arith.constant 0 : i32
    %c0_i32_1 = arith.constant 0 : i32
    return %c0_i32, %c0_i32_0 : i32, i32
  }
  func.func @transform_6(%arg0: i32) -> (i32, i32) {
    %c0_i32 = arith.constant 0 : i32
    %c0_i32_0 = arith.constant 0 : i32
    %c0_i32_1 = arith.constant 0 : i32
    return %c0_i32, %c0_i32_0 : i32, i32
  }
  func.func @transform_7(%arg0: i32) -> (i32, i32) {
    %c0_i32 = arith.constant 0 : i32
    %c0_i32_0 = arith.constant 0 : i32
    %c0_i32_1 = arith.constant 0 : i32
    return %c0_i32, %c0_i32_0 : i32, i32
  }
  func.func @transform_8(%arg0: i32) -> (i32, i32) {
    %c0_i32 = arith.constant 0 : i32
    %c0_i32_0 = arith.constant 0 : i32
    %c0_i32_1 = arith.constant 0 : i32
    return %c0_i32, %c0_i32_0 : i32, i32
  }
  func.func @transform_9(%arg0: i32) -> (i32, i32) {
    %c0_i32 = arith.constant 0 : i32
    %c0_i32_0 = arith.constant 0 : i32
    return %arg0, %c0_i32 : i32, i32
  }
  func.func @transform_10(%arg0: i32) -> (i32, i32) {
    %c0_i32 = arith.constant 0 : i32
    %c0_i32_0 = arith.constant 0 : i32
    return %arg0, %c0_i32 : i32, i32
  }
}

module attributes {stable_mosaic.version = 14 : i64} {
  func.func @_tc_layer_body(%arg0: i32, %arg1: memref<1000x64xf32, #tpu.memory_space<vmem>>, %arg2: memref<1000x64xf32, #tpu.memory_space<vmem>>, %arg3: memref<1000x64xf32, #tpu.memory_space<vmem>>, %arg4: memref<1000x16xf32, #tpu.memory_space<vmem>>, %arg5: memref<64x64xf32, #tpu.memory_space<vmem>>, %arg6: memref<1x64xf32, #tpu.memory_space<vmem>>, %arg7: memref<1x64xf32, #tpu.memory_space<vmem>>, %arg8: memref<1x64xf32, #tpu.memory_space<vmem>>, %arg9: memref<1x64xf32, #tpu.memory_space<vmem>>, %arg10: memref<1000x64xf32, #tpu.memory_space<vmem>>, %arg11: memref<1000x64xf32, #tpu.memory_space<vmem>>) attributes {dimension_semantics = [#tpu.dimension_semantics<arbitrary>], iteration_bounds = array<i64: 50>, scalar_prefetch = 0 : i64, scratch_operands = 0 : i64, tpu.core_type = #tpu.core_type<tc>, window_params = [{transform_indices = @transform_0, window_bounds = array<i64: 1000, 64>}, {transform_indices = @transform_1, window_bounds = array<i64: 1000, 64>}, {transform_indices = @transform_2, window_bounds = array<i64: 1000, 64>}, {transform_indices = @transform_3, window_bounds = array<i64: 1000, 16>}, {pipeline_mode = #tpu.pipeline_mode<synchronous>, transform_indices = @transform_4, window_bounds = array<i64: 64, 64>}, {pipeline_mode = #tpu.pipeline_mode<synchronous>, transform_indices = @transform_5, window_bounds = array<i64: 1, 64>}, {pipeline_mode = #tpu.pipeline_mode<synchronous>, transform_indices = @transform_6, window_bounds = array<i64: 1, 64>}, {pipeline_mode = #tpu.pipeline_mode<synchronous>, transform_indices = @transform_7, window_bounds = array<i64: 1, 64>}, {pipeline_mode = #tpu.pipeline_mode<synchronous>, transform_indices = @transform_8, window_bounds = array<i64: 1, 64>}, {transform_indices = @transform_9, window_bounds = array<i64: 1000, 64>}, {transform_indices = @transform_10, window_bounds = array<i64: 1000, 64>}]} {
    %get3A = arith.constant 0 : index
    %get3A_0 = arith.constant 0 : index
    %get3A_1 = vector.load %arg4[%get3A, %get3A_0] : memref<1000x16xf32, #tpu.memory_space<vmem>>, vector<1000x1xf32>
    %add3A = arith.constant 1.000000e+00 : f32
    %add3A_2 = vector.broadcast %add3A : f32 to vector<1000x1xf32>
    %add3A_3 = arith.addf %get3A_1, %add3A_2 : vector<1000x1xf32>
    %rsqrt3A = math.rsqrt %add3A_3 : vector<1000x1xf32>
    %get3A_4 = arith.constant 0 : index
    %get3A_5 = arith.constant 0 : index
    %get3A_6 = vector.load %arg1[%get3A_4, %get3A_5] : memref<1000x64xf32, #tpu.memory_space<vmem>>, vector<1000x64xf32>
    %get3A_7 = arith.constant 0 : index
    %get3A_8 = arith.constant 0 : index
    %get3A_9 = vector.load %arg2[%get3A_7, %get3A_8] : memref<1000x64xf32, #tpu.memory_space<vmem>>, vector<1000x64xf32>
    %add3A_10 = arith.addf %get3A_6, %get3A_9 : vector<1000x64xf32>
    %mul3A = vector.broadcast %rsqrt3A : vector<1000x1xf32> to vector<1000x64xf32>
    %mul3A_11 = arith.mulf %mul3A, %add3A_10 : vector<1000x64xf32>
    %mul3A_12 = arith.constant 0.899999976 : f32
    %mul3A_13 = vector.broadcast %mul3A_12 : f32 to vector<1000x64xf32>
    %mul3A_14 = arith.mulf %mul3A_13, %mul3A_11 : vector<1000x64xf32>
    %get3A_15 = arith.constant 0 : index
    %get3A_16 = arith.constant 0 : index
    %get3A_17 = vector.load %arg3[%get3A_15, %get3A_16] : memref<1000x64xf32, #tpu.memory_space<vmem>>, vector<1000x64xf32>
    %mul3A_18 = arith.constant 1.000000e-01 : f32
    %mul3A_19 = vector.broadcast %mul3A_18 : f32 to vector<1000x64xf32>
    %mul3A_20 = arith.mulf %mul3A_19, %get3A_17 : vector<1000x64xf32>
    %add3A_21 = arith.addf %mul3A_14, %mul3A_20 : vector<1000x64xf32>
    %mul3A_22 = arith.constant 0.882216989 : f32
    %mul3A_23 = vector.broadcast %mul3A_22 : f32 to vector<1000x64xf32>
    %mul3A_24 = arith.mulf %mul3A_23, %add3A_21 : vector<1000x64xf32>
    %get3A_25 = arith.constant 0 : index
    %get3A_26 = arith.constant 0 : index
    %get3A_27 = vector.load %arg5[%get3A_25, %get3A_26] : memref<64x64xf32, #tpu.memory_space<vmem>>, vector<64x64xf32>
    %dot_general3A = arith.constant dense<0.000000e+00> : vector<1000x64xf32>
    %dot_general3A_28 = tpu.matmul %add3A_21, %get3A_27, %dot_general3A {dimension_numbers = #tpu.dot_dimension_numbers<[1], [0], [0], [1], [0, 0, 1, 1], [], []>, precision = #tpu.contract_precision<fp32>, transpose_lhs_hint = false} : vector<1000x64xf32>, vector<64x64xf32>, vector<1000x64xf32> -> vector<1000x64xf32>
    %mul3A_29 = arith.constant 0.117783032 : f32
    %mul3A_30 = vector.broadcast %mul3A_29 : f32 to vector<1000x64xf32>
    %mul3A_31 = arith.mulf %mul3A_30, %dot_general3A_28 : vector<1000x64xf32>
    %add3A_32 = arith.addf %mul3A_24, %mul3A_31 : vector<1000x64xf32>
    %get3A_33 = arith.constant 0 : index
    %get3A_34 = arith.constant 0 : index
    %get3A_35 = vector.load %arg6[%get3A_33, %get3A_34] : memref<1x64xf32, #tpu.memory_space<vmem>>, vector<1x64xf32>
    %get3A_36 = arith.constant 0 : index
    %get3A_37 = arith.constant 0 : index
    %get3A_38 = vector.load %arg9[%get3A_36, %get3A_37] : memref<1x64xf32, #tpu.memory_space<vmem>>, vector<1x64xf32>
    %add3A_39 = arith.constant 9.99999974E-6 : f32
    %add3A_40 = vector.broadcast %add3A_39 : f32 to vector<1x64xf32>
    %add3A_41 = arith.addf %get3A_38, %add3A_40 : vector<1x64xf32>
    %rsqrt3A_42 = math.rsqrt %add3A_41 : vector<1x64xf32>
    %mul3A_43 = arith.mulf %get3A_35, %rsqrt3A_42 : vector<1x64xf32>
    %get3A_44 = arith.constant 0 : index
    %get3A_45 = arith.constant 0 : index
    %get3A_46 = vector.load %arg8[%get3A_44, %get3A_45] : memref<1x64xf32, #tpu.memory_space<vmem>>, vector<1x64xf32>
    %sub3A = vector.broadcast %get3A_46 : vector<1x64xf32> to vector<1000x64xf32>
    %sub3A_47 = arith.subf %add3A_32, %sub3A : vector<1000x64xf32>
    %mul3A_48 = vector.broadcast %mul3A_43 : vector<1x64xf32> to vector<1000x64xf32>
    %mul3A_49 = arith.mulf %sub3A_47, %mul3A_48 : vector<1000x64xf32>
    %get3A_50 = arith.constant 0 : index
    %get3A_51 = arith.constant 0 : index
    %get3A_52 = vector.load %arg7[%get3A_50, %get3A_51] : memref<1x64xf32, #tpu.memory_space<vmem>>, vector<1x64xf32>
    %add3A_53 = vector.broadcast %get3A_52 : vector<1x64xf32> to vector<1000x64xf32>
    %add3A_54 = arith.addf %mul3A_49, %add3A_53 : vector<1000x64xf32>
    %max3A = arith.constant 0.000000e+00 : f32
    %max3A_55 = vector.broadcast %max3A : f32 to vector<1000x64xf32>
    %max3A_56 = arith.maximumf %add3A_54, %max3A_55 : vector<1000x64xf32>
    %swap3A = arith.constant 0 : index
    %swap3A_57 = arith.constant 0 : index
    %swap3A_58 = vector.load %arg10[%swap3A, %swap3A_57] : memref<1000x64xf32, #tpu.memory_space<vmem>>, vector<1000x64xf32>
    tpu.vector_store %arg10[%swap3A, %swap3A_57], %max3A_56 {strides = array<i32>} : memref<1000x64xf32, #tpu.memory_space<vmem>>, vector<1000x64xf32>,
    %mul3A_59 = vector.broadcast %rsqrt3A : vector<1000x1xf32> to vector<1000x64xf32>
    %mul3A_60 = arith.mulf %max3A_56, %mul3A_59 : vector<1000x64xf32>
    %swap3A_61 = arith.constant 0 : index
    %swap3A_62 = arith.constant 0 : index
    %swap3A_63 = vector.load %arg11[%swap3A_61, %swap3A_62] : memref<1000x64xf32, #tpu.memory_space<vmem>>, vector<1000x64xf32>
    tpu.vector_store %arg11[%swap3A_61, %swap3A_62], %mul3A_60 {strides = array<i32>} : memref<1000x64xf32, #tpu.memory_space<vmem>>, vector<1000x64xf32>,
    return
  }
  func.func @transform_0(%arg0: i32) -> (i32, i32) {
    %c0_i32 = arith.constant 0 : i32
    %c0_i32_0 = arith.constant 0 : i32
    return %arg0, %c0_i32 : i32, i32
  }
  func.func @transform_1(%arg0: i32) -> (i32, i32) {
    %c0_i32 = arith.constant 0 : i32
    %c0_i32_0 = arith.constant 0 : i32
    return %arg0, %c0_i32 : i32, i32
  }
  func.func @transform_2(%arg0: i32) -> (i32, i32) {
    %c0_i32 = arith.constant 0 : i32
    %c0_i32_0 = arith.constant 0 : i32
    return %arg0, %c0_i32 : i32, i32
  }
  func.func @transform_3(%arg0: i32) -> (i32, i32) {
    %c0_i32 = arith.constant 0 : i32
    %c0_i32_0 = arith.constant 0 : i32
    return %arg0, %c0_i32 : i32, i32
  }
  func.func @transform_4(%arg0: i32) -> (i32, i32) {
    %c0_i32 = arith.constant 0 : i32
    %c0_i32_0 = arith.constant 0 : i32
    %c0_i32_1 = arith.constant 0 : i32
    return %c0_i32, %c0_i32_0 : i32, i32
  }
  func.func @transform_5(%arg0: i32) -> (i32, i32) {
    %c0_i32 = arith.constant 0 : i32
    %c0_i32_0 = arith.constant 0 : i32
    %c0_i32_1 = arith.constant 0 : i32
    return %c0_i32, %c0_i32_0 : i32, i32
  }
  func.func @transform_6(%arg0: i32) -> (i32, i32) {
    %c0_i32 = arith.constant 0 : i32
    %c0_i32_0 = arith.constant 0 : i32
    %c0_i32_1 = arith.constant 0 : i32
    return %c0_i32, %c0_i32_0 : i32, i32
  }
  func.func @transform_7(%arg0: i32) -> (i32, i32) {
    %c0_i32 = arith.constant 0 : i32
    %c0_i32_0 = arith.constant 0 : i32
    %c0_i32_1 = arith.constant 0 : i32
    return %c0_i32, %c0_i32_0 : i32, i32
  }
  func.func @transform_8(%arg0: i32) -> (i32, i32) {
    %c0_i32 = arith.constant 0 : i32
    %c0_i32_0 = arith.constant 0 : i32
    %c0_i32_1 = arith.constant 0 : i32
    return %c0_i32, %c0_i32_0 : i32, i32
  }
  func.func @transform_9(%arg0: i32) -> (i32, i32) {
    %c0_i32 = arith.constant 0 : i32
    %c0_i32_0 = arith.constant 0 : i32
    return %arg0, %c0_i32 : i32, i32
  }
  func.func @transform_10(%arg0: i32) -> (i32, i32) {
    %c0_i32 = arith.constant 0 : i32
    %c0_i32_0 = arith.constant 0 : i32
    return %arg0, %c0_i32 : i32, i32
  }
}

module attributes {stable_mosaic.version = 14 : i64} {
  func.func @_tc_out_body(%arg0: i32, %arg1: memref<1000x64xf32, #tpu.memory_space<vmem>>, %arg2: memref<64x64xf32, #tpu.memory_space<vmem>>, %arg3: memref<1x64xf32, #tpu.memory_space<vmem>>, %arg4: memref<1000x64xf32, #tpu.memory_space<vmem>>) attributes {dimension_semantics = [#tpu.dimension_semantics<arbitrary>], iteration_bounds = array<i64: 50>, scalar_prefetch = 0 : i64, scratch_operands = 0 : i64, tpu.core_type = #tpu.core_type<tc>, window_params = [{transform_indices = @transform_0, window_bounds = array<i64: 1000, 64>}, {pipeline_mode = #tpu.pipeline_mode<synchronous>, transform_indices = @transform_1, window_bounds = array<i64: 64, 64>}, {pipeline_mode = #tpu.pipeline_mode<synchronous>, transform_indices = @transform_2, window_bounds = array<i64: 1, 64>}, {transform_indices = @transform_3, window_bounds = array<i64: 1000, 64>}]} {
    %get3A = arith.constant 0 : index
    %get3A_0 = arith.constant 0 : index
    %get3A_1 = vector.load %arg1[%get3A, %get3A_0] : memref<1000x64xf32, #tpu.memory_space<vmem>>, vector<1000x64xf32>
    %get3A_2 = arith.constant 0 : index
    %get3A_3 = arith.constant 0 : index
    %get3A_4 = vector.load %arg2[%get3A_2, %get3A_3] : memref<64x64xf32, #tpu.memory_space<vmem>>, vector<64x64xf32>
    %dot_general3A = arith.constant dense<0.000000e+00> : vector<1000x64xf32>
    %dot_general3A_5 = tpu.matmul %get3A_1, %get3A_4, %dot_general3A {dimension_numbers = #tpu.dot_dimension_numbers<[1], [0], [0], [1], [0, 0, 1, 1], [], []>, precision = #tpu.contract_precision<fp32>, transpose_lhs_hint = false} : vector<1000x64xf32>, vector<64x64xf32>, vector<1000x64xf32> -> vector<1000x64xf32>
    %get3A_6 = arith.constant 0 : index
    %get3A_7 = arith.constant 0 : index
    %get3A_8 = vector.load %arg3[%get3A_6, %get3A_7] : memref<1x64xf32, #tpu.memory_space<vmem>>, vector<1x64xf32>
    %add3A = vector.broadcast %get3A_8 : vector<1x64xf32> to vector<1000x64xf32>
    %add3A_9 = arith.addf %dot_general3A_5, %add3A : vector<1000x64xf32>
    %swap3A = arith.constant 0 : index
    %swap3A_10 = arith.constant 0 : index
    %swap3A_11 = vector.load %arg4[%swap3A, %swap3A_10] : memref<1000x64xf32, #tpu.memory_space<vmem>>, vector<1000x64xf32>
    tpu.vector_store %arg4[%swap3A, %swap3A_10], %add3A_9 {strides = array<i32>} : memref<1000x64xf32, #tpu.memory_space<vmem>>, vector<1000x64xf32>,
    return
  }
  func.func @transform_0(%arg0: i32) -> (i32, i32) {
    %c0_i32 = arith.constant 0 : i32
    %c0_i32_0 = arith.constant 0 : i32
    return %arg0, %c0_i32 : i32, i32
  }
  func.func @transform_1(%arg0: i32) -> (i32, i32) {
    %c0_i32 = arith.constant 0 : i32
    %c0_i32_0 = arith.constant 0 : i32
    %c0_i32_1 = arith.constant 0 : i32
    return %c0_i32, %c0_i32_0 : i32, i32
  }
  func.func @transform_2(%arg0: i32) -> (i32, i32) {
    %c0_i32 = arith.constant 0 : i32
    %c0_i32_0 = arith.constant 0 : i32
    %c0_i32_1 = arith.constant 0 : i32
    return %c0_i32, %c0_i32_0 : i32, i32
  }
  func.func @transform_3(%arg0: i32) -> (i32, i32) {
    %c0_i32 = arith.constant 0 : i32
    %c0_i32_0 = arith.constant 0 : i32
    return %arg0, %c0_i32 : i32, i32
  }
}

</mosaic_0001>

<sc_bundles>
// kernel: kernel.13.cloned.1.call-start
scs
__scs_entry_jumppad:
0x0: {  	(pc) =	sbr.rel $0x88, $3  }
0x1: {  	(tag) =	ssettag $0x0;
	lr =	simm.s32 $0x1  }
0x2: {  	[smem:$0x3F96] =	sst lr;
	_ =	strace $0xD0000000  }
0x3: {  	_ = 	snop  }
0x4: {  	_ = 	snop  }
0x5: {  	_ = 	snop  }
0x6: {  	_ = 	snop  }
0x7: {  	_ = 	snop  }
__scs_overlays_trampoline_lowered:
0x8: {  	[smem:$0x3FA5] =	sst s0  }
0x9: {  	[smem:$0x3FA6] =	sst s1  }
0xa: {  	[smem:$0x3FA7] =	sst s2  }
0xb: {  	[smem:$0x3FA8] =	sst s3  }
0xc: {  	[smem:$0x3FA9] =	sst s4  }
0xd: {  	[smem:$0x3FAA] =	sst s5  }
0xe: {  	[smem:$0x3FAB] =	sst s6  }
0xf: {  	[smem:$0x3FAC] =	sst s7  }
0x10: {  	[smem:$0x3FAD] =	sst s8  }
0x11: {  	[smem:$0x3FAE] =	sst s9;
	s0 =	simm.s32 @!p0 $0x0  }
0x12: {  	s1 =	sld [smem:$0x3F94];
	s0 =	simm.s32 @p0 $0x1  }
0x13: {  	[smem:$0x3FAF] =	sst s0;
	s0 =	simm.s32 @!p1 $0x0  }
0x14: {  	s2 =	sld [smem:$0x3F93];
	s0 =	simm.s32 @p1 $0x1  }
0x15: {  	[smem:$0x3FB0] =	sst s0;
	s0 =	simm.s32 @!p2 $0x0  }
0x16: {  	s3 =	sld [smem:$0x3FDB];
	s0 =	simm.s32 @p2 $0x1  }
0x17: {  	s4 =	simm.s32 $0x1BF5;
	[smem:$0x3FB2] =	sst s0  }
0x18: {  	s0 =	sld [smem:$0x3F95];
	_ =	swait.ge [sflag:s4], $0x0  }
0x19: {  	s7 =	sld [smem:$0x3F96]  }
0x1a: {  	s8 =	sadd.s32 $0xFFFFE003, lr  }
0x1b: {  	s9 =	sadd.s32 $0xFFFFFEF7, lr;
	s5 =	simm.s32 $0xFFFFFFFF;
	p2 =	slt.u32 s8, $0xFFFFF086  }
0x1c: {  	p1 =	slt.u32 s9, $0xF7A;
	s5 =	simm.s32 @!p2 $0x0  }
0x1d: {  	s5 =	simm.s32 @p1 $0x1;
	p0 =	seq.s32 s7, s2  }
0x1e: {  	s7 =	smul.u32 @!p0 $0xF7A, s2;
	p2 =	seq.s32 @!p0 s5, $0x0  }
0x1f: {  	s9 =	smul.u32 $0xF7A, s1;
	s8 =	simm.s32 @!p0 $0x1BF5;
	p2 =	por !p2, p0  }
0x20: {  	[sflag:s8] =	ssyncset.s32 @!p0 $0xFFFFF086;
	s6 =	sadd.s32 @!p0 s3, s7;
	s7 =	simm.s32 @!p0 $0x108  }
0x21: {  	s3 =	sadd.s32 s3, s9;
	s6 =	sadd.s32 @!p0 $0x88, s6;
	s7 =	simm.s32 @p2 $0x1082  }
0x22: {  	[simem:s7], [sflag:s8] =	dma.local @!p0 [hbm:s6], $0xF7A  }
0x23: {  	s9 =	sor.u32 $0xD0000000, s2;
	s6 =	simm.s32 $0x108;
	_ =	swait.ge @!p0 [sflag:s8], $0x0  }
0x24: {  	s3 =	sadd.s32 $0x88, s3;
	s6 =	simm.s32 @!p1 $0x1082;
	[sflag:s4] =	ssyncset.s32 $0xFFFFF086  }
0x25: {  	[simem:s6], [sflag:s4] =	dma.local [hbm:s3], $0xF7A  }
0x26: {  	[smem:$0x3F96] =	sst s1;
	(tag) =	ssettag s2;
	_ =	strace s9  }
0x27: {  	s1 =	sld [smem:$0x3FA6]  }
0x28: {  	s2 =	sld [smem:$0x3FA7]  }
0x29: {  	s4 =	sld [smem:$0x3FA9]  }
0x2a: {  	p0 =	seq.s32 s5, $0x0;
	s5 =	sld [smem:$0x3FAA]  }
0x2b: {  	s6 =	sld [smem:$0x3FAB]  }
0x2c: {  	s7 =	sld [smem:$0x3FAC]  }
0x2d: {  	s3 =	simm.s32 $0x108;
	s8 =	sld [smem:$0x3FAD]  }
0x2e: {  	s3 =	simm.s32 @!p0 $0x1082;
	s9 =	sld [smem:$0x3FAE]  }
0x2f: {  	lr =	sadd.s32 s0, s3;
	s0 =	sld [smem:$0x3FA5]  }
0x30: {  	s3 =	sld [smem:$0x3FA8]  }
0x31: {  	[smem:$0x3FB1] =	sst s10  }
0x32: {  	s10 =	sld [smem:$0x3FAF];
	_ =	sdelay $0x3  }
0x33: {  	p0 =	seq.s32 s10, $0x1;
	s10 =	sld [smem:$0x3FB1];
	_ =	sdelay $0x3  }
0x34: {  	[smem:$0x3FB1] =	sst s10  }
0x35: {  	s10 =	sld [smem:$0x3FB0];
	_ =	sdelay $0x3  }
0x36: {  	p1 =	seq.s32 s10, $0x1;
	s10 =	sld [smem:$0x3FB1];
	_ =	sdelay $0x3  }
0x37: {  	[smem:$0x3FB1] =	sst s10  }
0x38: {  	s10 =	sld [smem:$0x3FB2]  }
0x39: {  	_ = 	snop;
	(pc) =	sbr.ind lr, $3  }
0x3a: {  	_ = 	snop  }
0x3b: {  	_ = 	snop  }
0x3c: {  	p2 =	seq.s32 s10, $0x1;
	s10 =	sld [smem:$0x3FB1]  }
0x3d: {  	_ =	shalt  }
0x3e: {  	_ =	shalt  }
0x3f: {  	_ =	shalt  }
0x40: {  	_ =	shalt  }
0x41: {  	_ =	shalt  }
0x42: {  	_ =	shalt  }
0x43: {  	_ =	shalt  }
0x44: {  	_ =	shalt  }
0x45: {  	_ =	shalt  }
0x46: {  	_ =	shalt  }
0x47: {  	_ =	shalt  }
0x48: {  	_ =	shalt  }
0x49: {  	_ =	shalt  }
0x4a: {  	_ =	shalt  }
0x4b: {  	_ =	shalt  }
0x4c: {  	_ =	shalt  }
0x4d: {  	_ =	shalt  }
0x4e: {  	_ =	shalt  }
0x4f: {  	_ =	shalt  }
0x50: {  	_ =	shalt  }
0x51: {  	_ =	shalt  }
0x52: {  	_ =	shalt  }
0x53: {  	_ =	shalt  }
0x54: {  	_ =	shalt  }
0x55: {  	_ =	shalt  }
0x56: {  	_ =	shalt  }
0x57: {  	_ =	shalt  }
0x58: {  	_ =	shalt  }
0x59: {  	_ =	shalt  }
0x5a: {  	_ =	shalt  }
0x5b: {  	_ =	shalt  }
0x5c: {  	_ =	shalt  }
0x5d: {  	_ =	shalt  }
0x5e: {  	_ =	shalt  }
0x5f: {  	_ =	shalt  }
0x60: {  	_ =	shalt  }
0x61: {  	_ =	shalt  }
0x62: {  	_ =	shalt  }
0x63: {  	_ =	shalt  }
0x64: {  	_ =	shalt  }
0x65: {  	_ =	shalt  }
0x66: {  	_ =	shalt  }
0x67: {  	_ =	shalt  }
0x68: {  	_ =	shalt  }
0x69: {  	_ =	shalt  }
0x6a: {  	_ =	shalt  }
0x6b: {  	_ =	shalt  }
0x6c: {  	_ =	shalt  }
0x6d: {  	_ =	shalt  }
0x6e: {  	_ =	shalt  }
0x6f: {  	_ =	shalt  }
0x70: {  	_ =	shalt  }
0x71: {  	_ =	shalt  }
0x72: {  	_ =	shalt  }
0x73: {  	_ =	shalt  }
0x74: {  	_ =	shalt  }
0x75: {  	_ =	shalt  }
0x76: {  	_ =	shalt  }
0x77: {  	_ =	shalt  }
0x78: {  	_ =	shalt  }
0x79: {  	_ =	shalt  }
0x7a: {  	_ =	shalt  }
0x7b: {  	_ =	shalt  }
0x7c: {  	_ =	shalt  }
0x7d: {  	_ =	shalt  }
0x7e: {  	_ =	shalt  }
0x7f: {  	_ =	shalt  }
0x80: {  	_ =	shalt  }
0x81: {  	_ =	shalt  }
0x82: {  	_ =	shalt  }
0x83: {  	_ =	shalt  }
0x84: {  	_ =	shalt  }
0x85: {  	_ =	shalt  }
0x86: {  	_ =	shalt  }
0x87: {  	_ =	shalt  }
.Lfunc_end0:
.L_simem_size_0:
called_computation_lowered:
.L_overlay_start_0:
0x88: {  	s2 =	sld [smem:$0x3FD9]  }
0x89: {  	s3 =	sld [smem:$0x3FFE];
	_ =	sdelay $0x1  }
0x8a: {  	s1 =	srdreg.scid  }
0x8b: {  	s0 =	sand.u32 $0x1, s1  }
0x8c: {  	s17 =	sshll.u32 s0, $0xA;
	s2 =	sadd.s32 s3, s2  }
0x8d: {  	s2 =	sadd.s32 s2, s17  }
0x8e: {  	[smem:$0x3FBD] =	sst s2  }
0x8f: {  	_ = 	snop  }
0x90: {  	s2 =	sld [smem:$0x3FD0];
	(tm) =	ssettm $0x1  }
0x91: {  	s18 =	sld [smem:$0x3FFB];
	_ =	sdelay $0x3  }
0x92: {  	_ =	strace s18  }
0x93: {  	s3 =	sld [smem:$0x3FFC];
	_ =	sdelay $0x3  }
0x94: {  	_ =	strace s3  }
0x95: {  	s3 =	sld [smem:$0x3FFD];
	_ =	sdelay $0x3  }
0x96: {  	_ =	strace s3  }
0x97: {  	_ =	strace $0x8FFFFFFF  }
0x98: {  	s19 =	sld [smem:$0x3FDB];
	_ =	sdelay $0x1  }
0x99: {  	s4 =	simm.s32 $_scs_section_size  }
0x9a: {  	s5 =	simm.s32 $_size__tile_overlayer_lowered;
	s6 =	simm.s32 $_tile_overlayer_lowered  }
0x9b: {  	s22 =	simm.s32 $0x1BFF;
	s21 =	sshll.u32 s6, $0x1;
	s3 =	sadd.s32 s4, s19  }
0x9c: {  	s7 =	simm.s32 $0x0;
	s20 =	sshll.u32 s5, $0x1;
	s5 =	sadd.s32 s21, s3  }
0x9d: {  	[timem:s7], [sflag:s22] =	dma.local [hbm:s5], s20  }
0x9e: {  	_ =	swait.ge [sflag:s22], s20  }
0x9f: {  	s4 =	ssub.s32 $0x0, s20;
	[sflag:s22] =	ssyncset.done $0x0  }
0xa0: {  	[sflag:s22] =	ssyncadd.s32 s4;
	_ =	sdelay $0x1  }
0xa1: {  	s23 =	simm.s32 $0x1B8B  }
0xa2: {  	_ =	swait.ge [sflag:s23], $0x1  }
0xa3: {  	[sflag:s23] =	ssyncset.done $0x0  }
0xa4: {  	s25 =	simm.s32 $0x1B8E;
	s24 =	sld [smem:$0x3FFE];
	[sflag:s23] =	ssyncadd.s32 $0xFFFFFFFF  }
0xa5: {  	s26 =	simm.s32 $execute0_lowered;
	[smem:$0x3FD2] =	sst s25  }
0xa6: {  	s5 =	sshll.u32 s26, $0x1;
	_ =	strace $0x80000046;
	[dreg:$0x1] =	wrdreg $0xFFFFFFFF  }
0xa7: {  	s28 =	simm.s32 $_size_execute0_lowered;
	s3 =	sadd.s32 s3, s5;
	[dreg:$0x0] =	wrdreg $0x0  }
0xa8: {  	s5 =	sshll.u32 s28, $0x1;
	[dreg:$0x2] =	wrdreg s3  }
0xa9: {  	[dreg:$0x3] =	wrdreg s5  }
0xaa: {  	[dreg:$0x4] =	wrdreg $0xC0  }
0xab: {  	_ =	task [dreg:s7], $0x5FFFF  }
0xac: {  	[dreg:$0x1] =	wrdreg $0xFFFFFFFF  }
0xad: {  	[dreg:$0x0] =	wrdreg $0x60  }
0xae: {  	[dreg:$0x2] =	wrdreg s24  }
0xaf: {  	[dreg:$0x3] =	wrdreg s2  }
0xb0: {  	[dreg:$0x4] =	wrdreg $0x9000  }
0xb1: {  	[dreg:$0x5] =	wrdreg $0x9  }
0xb2: {  	_ =	task.clear_ibuf [dreg:s7], $0x6FFFF;
	_ =	strace $0x90000046  }
0xb3: {  	s29 =	simm.s32 $0x9;
	_ =	strace $0x80000048  }
0xb4: {  	_ =	swait.ge [sflag:s29], $0x1  }
0xb5: {  	[sflag:s29] =	ssyncadd.s32 $0xFFFFFFFF  }
0xb6: {  	_ =	strace $0x90000048  }
0xb7: {  	_ =	sfence  }
0xb8: {  	s30 =	sld [smem:$0x0];
	_ =	sdelay $0x2  }
0xb9: {  	s31 =	sshll.u32 s1, $0xD;
	s1 =	sshrl.u32 s1, $0x2  }
0xba: {  	s3 =	sand.u32 $0x4000, s31;
	s1 =	sadd.s32 s1, s30  }
0xbb: {  	s0 =	sor.u32 s3, s0;
	s1 =	sshll.u32 s1, $0x11  }
0xbc: {  	s0 =	sor.u32 s1, s0  }
0xbd: {  	s0 =	sadd.s32 $0x8F2B, s0  }
0xbe: {  	[sflag:s0] =	ssyncadd.remote.s32 $0x1  }
0xbf: {  	_ =	sfence.sel $0xFFFF  }
0xc0: {  	[dreg:$0x0] =	wrdreg $0xFFFFFFFF;
	(pc) =	sbr.abs _section_cstart, $3  }
0xc1: {  	[dreg:$0x1] =	wrdreg $0xFFFFFFFF  }
0xc2: {  	_ =	task.clear_ibuf [dreg:s7], $0x2FFFF;
	_ =	strace $0x9FFFFFFF  }
0xc3: {  	(tm) =	ssettm $0x7FFFFFFF  }
tec
execute0_lowered:
.L_overlay_start_1:
0x0: {  	(tag) =	ssettag $0x1  }
0x1: {  	s5 =	rddreg [dreg:$0x0]  }
0x2: {  	s10 =	rddreg [dreg:$0x1]  }
0x3: {  	s2 =	rddreg [dreg:$0x2]  }
0x4: {  	s0 =	rddreg [dreg:$0x3];
	s3 =	simm.s32 $0x0  }
0x5: {  	s1 =	stileid.u32;
	s6 =	srdreg.scid;
	s19 =	simm.s32 $0x61C0  }
0x6: {  	s14 =	simm.s32 $0x1;
	s15 =	simm.s32 $0x100;
	s4 =	smul.u32 $0x1870, s1  }
0x7: {  	s16 =	simm.s32 $0x80;
	[smem:$0x7FF] =	sst s3;
	s9 =	smul.u32 $0x6200, s1  }
0x8: {  	s13 =	sand.u32 $0x1, s6;
	s30 =	sshll.u32 s1, $0x6;
	s31 =	smul.u32 $0x6180, s1  }
0x9: {  	s8 =	smul.u32 $0x18600, s1;
	s17 =	sadd.s32 $0x5B680, s2;
	s22 =	sadd.s32 $0x5BE00, s2  }
0xa: {  	_ =	strace $0x80000047;
	s6 =	ssub.s32 $0x2, s13;
	p0 =	seq.s32 s13, $0x0  }
0xb: {  	s21 =	smul.u32 $0x61C0, s13;
	p3 =	sne.s32 s13, $0x0;
	s12 =	sadd.s32 s4, s5  }
0xc: {  	s4 =	sadd.s32 $0x1CA00, s5;
	s5 =	sadd.s32 $0x1CC00, s5;
	s7 =	sshrl.u32 s6, $0x1  }
0xd: {  	s20 =	sadd.s32 s9, s2;
	s19 =	simm.s32 @!p0 $0x6190;
	s8 =	sshrl.u32 s8, $0x2  }
0xe: {  	s9 =	sshrl.u32 s9, $0x3;
	p1 =	seq.s32 @p3 s1, $0xF;
	p4 =	seq.s32 @!p3 s1, $0xF  }
0xf: {  	s11 =	ssub.s32 s6, s7;
	s6 =	sor.u32 $0x1C01, s30;
	s7 =	sshrl.u32 s31, $0x3  }
0x10: {  	s18 =	sadd.s32 s8, s2;
	s8 =	sadd.s32 $0x17A50, s10;
	s9 =	sadd.s32 s10, s9  }
0x11: {  	s12 =	sadd.s32 $0x4200, s12;
	s13 =	sshrl.u32 s20, $0x3;
	p0 =	por !p1, !p3  }
0x12: {  	p1 =	por p1, !p3;
	p2 =	por !p4, p3;
	p3 =	por p4, p3  }
0x13: {  	v0 =	vmov s21;
	s21 =	simm.s32 $0x0;
	s7 =	sadd.s32 s10, s7;
	s10 =	sadd.s32 $0xB7C0, s10  }
0x14: {  	s11 =	smax.u32 s11, $0x1;
	s17 =	sshrl.u32 @!p0 s17, $0x3;
	s18 =	sshrl.u32 @!p1 s18, $0x3  }
0x15: {  	v1 =	vmov s19;
	s19 =	sshrl.u32 @!p2 s22, $0x3;
	s20 =	sshrl.u32 @!p3 s20, $0x3;
	s7 =	sadd.s32 $0xC380, s7  }
.LBB2_1:
0x16: {  	[spmem:s13], [sflag:s6] =	dma.local [hbm:s5], $0xC40  }
0x17: {  	_ =	swait.ge [sflag:s14], $0xC40  }
0x18: {  	[sflag:s14] =	ssyncset.done $0x0  }
0x19: {  	[sflag:s14] =	ssyncadd.s32 $0xFFFFF3C0  }
0x1a: {  	[tilespmem:s15], [sflag:$0x1] =	stream.linear.gather [hbm4b:s4+s3], $0x800, $0x38;
	[tilespmem:$0x6B00] =	vst v63  }
0x1b: {  	_ =	swait.ge [sflag:s14], $0x800  }
0x1c: {  	[sflag:s14] =	ssyncset.done $0x0  }
0x1d: {  	[sflag:s14] =	ssyncadd.s32 $0xFFFFF800  }
0x1e: {  	s22 =	sadd.s32 $0x0, s12;
	[bflag:$0x0] =	sbarrier.arrive $0xFFFF  }
0x1f: {  	[tilespmem:s3], [sflag:$0x1] =	stream.linear.gather [hbm4b:s22+s3], $0x80, $0x38;
	[tilespmem:$0x6B00] =	vst v63  }
0x20: {  	_ =	swait.ge [sflag:s14], $0x80  }
0x21: {  	[sflag:s14] =	ssyncset.done $0x0  }
0x22: {  	[sflag:s14] =	ssyncadd.s32 $0xFFFFFF80  }
0x23: {  	v2 =	vld [tilespmem:$0x70]  }
0x24: {  	v3 =	vld [tilespmem:$0x60]  }
0x25: {  	v4 =	vld [tilespmem:$0x30]  }
0x26: {  	v6 =	vld [tilespmem:$0x50]  }
0x27: {  	v9 =	vld [tilespmem:$0x10]  }
0x28: {  	v7 =	vld [tilespmem:$0x20];
	_ =	sdelay $0x2  }
0x29: {  	v5 =	vld [tilespmem:$0x0];
	v2 =	vsub.s32 v2, v0;
	v8 =	vsub.s32 v3, v0  }
0x2a: {  	v4 =	vsub.s32 v4, v0;
	v3 =	vsub.s32 v6, v0;
	v6 =	vsub.s32 v9, v0  }
0x2b: {  	v7 =	vsub.s32 v7, v0;
	vm0 =	vgt.s32 v2, $0xFFFFFFFF;
	vm1 =	vlt.s32 v2, v1  }
0x2c: {  	vm3 =	vgt.s32 v8, $0xFFFFFFFF;
	vm0 =	vmand vm0, vm1;
	vm1 =	vlt.s32 v8, v1  }
0x2d: {  	vm2 =	vgt.s32 v4, $0xFFFFFFFF;
	v10 =	vnsel vm0, $0x61C0, v2;
	vm3 =	vmand vm3, vm1  }
0x2e: {  	vm4 =	vlt.s32 v4, v1;
	v2 =	vsub.s32 v5, v0;
	v5 =	vld [tilespmem:$0x40];
	[tilespmem:$0xF0] =	vst v10;
	v8 =	vnsel vm3, $0x61C0, v8  }
0x2f: {  	s22 =	simm.s32 $0x10;
	vm0 =	vgt.s32 v2, $0xFFFFFFFF;
	vm1 =	vlt.s32 v2, v1;
	vm3 =	vlt.s32 v3, v1;
	[tilespmem:$0xE0] =	vst v8  }
.LBB2_2:
0x30: {  	p4 =	sne.s32 s22, $0x1860;
	vm5 =	vlt.s32 v6, v1;
	vm6 =	vgt.s32 v7, $0xFFFFFFFF;
	vm7 =	vlt.s32 v7, v1;
	s23 =	smov.u32 s22;
	s22 =	sadd.s32 $0x10, s22  }
0x31: {  	vm2 =	vmand vm2, vm4;
	vm4 =	vgt.s32 v3, $0xFFFFFFFF;
	vm6 =	vmand vm6, vm7  }
0x32: {  	vm7 =	vgt.s32 v6, $0xFFFFFFFF;
	v4 =	vnsel vm2, $0x61C0, v4;
	v7 =	vnsel vm6, $0x61C0, v7  }
0x33: {  	vm3 =	vmand vm4, vm3;
	vm2 =	vmand vm7, vm5;
	[tilespmem:$0xB0] =	vst v4;
	v4 =	vsub.s32 v5, v0  }
0x34: {  	v5 =	vnsel vm2, $0x61C0, v6;
	[tilespmem:$0xA0] =	vst v7;
	vm2 =	vgt.s32 v4, $0xFFFFFFFF;
	vm4 =	vlt.s32 v4, v1  }
0x35: {  	vm0 =	vmand vm0, vm1;
	v3 =	vnsel vm3, $0x61C0, v3;
	[tilespmem:$0x90] =	vst v5;
	vm1 =	vmand vm2, vm4  }
0x36: {  	v2 =	vnsel vm0, $0x61C0, v2;
	v4 =	vnsel vm1, $0x61C0, v4;
	[tilespmem:$0xD0] =	vst v3  }
0x37: {  	[tilespmem:$0x80] =	vst v2  }
0x38: {  	[tilespmem:$0xC0] =	vst v4  }
0x39: {  	[spmem:s2] =	stream.indirect.scatter.add.f32 [tilespmem:s15], [sflag:$0x1], $0x10, s16, s16, $0xb8;
	[tilespmem:$0x6B00] =	vst v63  }
0x3a: {  	_ =	swait.ge [sflag:s14], $0x800  }
0x3b: {  	[sflag:s14] =	ssyncset.done $0x0  }
0x3c: {  	s23 =	sadd.s32 s23, s12;
	[sflag:s14] =	ssyncadd.s32 $0xFFFFF800  }
0x3d: {  	[tilespmem:s3], [sflag:$0x1] =	stream.linear.gather [hbm4b:s23+s3], $0x80, $0x38;
	[tilespmem:$0x6B00] =	vst v63  }
0x3e: {  	_ =	swait.ge [sflag:s14], $0x80  }
0x3f: {  	[sflag:s14] =	ssyncset.done $0x0  }
0x40: {  	[sflag:s14] =	ssyncadd.s32 $0xFFFFFF80  }
0x41: {  	v2 =	vld [tilespmem:$0x70]  }
0x42: {  	v3 =	vld [tilespmem:$0x60]  }
0x43: {  	v4 =	vld [tilespmem:$0x30]  }
0x44: {  	v6 =	vld [tilespmem:$0x50]  }
0x45: {  	v7 =	vld [tilespmem:$0x0]  }
0x46: {  	v8 =	vld [tilespmem:$0x20];
	v2 =	vsub.s32 v2, v0  }
0x47: {  	v9 =	vld [tilespmem:$0x10];
	v10 =	vsub.s32 v3, v0;
	vm0 =	vgt.s32 v2, $0xFFFFFFFF;
	vm1 =	vlt.s32 v2, v1  }
0x48: {  	v4 =	vsub.s32 v4, v0;
	v5 =	vld [tilespmem:$0x40];
	vm0 =	vmand vm0, vm1  }
.Ltmp0:
0x49: {  	vm1 =	vlt.s32 v10, v1;
	vm2 =	vgt.s32 v4, $0xFFFFFFFF;
	v11 =	vnsel vm0, $0x61C0, v2;
	(pc) =	sbr.rel @p4 .LBB2_2-.Ltmp0, $4  }
0x4a: {  	vm3 =	vgt.s32 v10, $0xFFFFFFFF;
	v3 =	vsub.s32 v6, v0;
	v2 =	vsub.s32 v7, v0  }
0x4b: {  	vm4 =	vlt.s32 v4, v1;
	vm3 =	vmand vm3, vm1;
	vm0 =	vgt.s32 v2, $0xFFFFFFFF;
	[tilespmem:$0xF0] =	vst v11  }
0x4c: {  	v10 =	vnsel vm3, $0x61C0, v10;
	vm1 =	vlt.s32 v2, v1  }
0x4d: {  	vm3 =	vlt.s32 v3, v1;
	v7 =	vsub.s32 v8, v0;
	v6 =	vsub.s32 v9, v0;
	[tilespmem:$0xE0] =	vst v10  }
0x4e: {  	vm5 =	vgt.s32 v7, $0xFFFFFFFF;
	vm6 =	vlt.s32 v7, v1  }
0x4f: {  	vm7 =	vlt.s32 v6, v1;
	vm2 =	vmand vm2, vm4;
	vm10 =	vgt.s32 v3, $0xFFFFFFFF  }
0x50: {  	vm11 =	vgt.s32 v6, $0xFFFFFFFF;
	vm0 =	vmand vm0, vm1;
	v4 =	vnsel vm2, $0x61C0, v4  }
0x51: {  	v62 =	vsub.s32 v5, v0;
	vm5 =	vmand vm5, vm6;
	v2 =	vnsel vm0, $0x61C0, v2;
	[tilespmem:$0xB0] =	vst v4  }
0x52: {  	vm12 =	vmand vm11, vm7;
	vm3 =	vmand vm10, vm3;
	v61 =	vnsel vm5, $0x61C0, v7;
	[tilespmem:$0x80] =	vst v2  }
0x53: {  	vm13 =	vgt.s32 v62, $0xFFFFFFFF;
	vm14 =	vlt.s32 v62, v1;
	v63 =	vnsel vm12, $0x61C0, v6;
	[tilespmem:$0xA0] =	vst v61  }
0x54: {  	v3 =	vnsel vm3, $0x61C0, v3;
	vm15 =	vmand vm13, vm14;
	[tilespmem:$0x90] =	vst v63  }
0x55: {  	[tilespmem:$0xD0] =	vst v3;
	v3 =	vnsel vm15, $0x61C0, v62  }
0x56: {  	[tilespmem:$0xC0] =	vst v3  }
0x57: {  	[spmem:s2] =	stream.indirect.scatter.add.f32 [tilespmem:s15], [sflag:$0x1], $0x10, s16, s16, $0xb8;
	[tilespmem:$0x6B00] =	vst v63  }
0x58: {  	_ =	swait.ge [sflag:s14], $0x800  }
0x59: {  	[sflag:s14] =	ssyncset.done $0x0  }
0x5a: {  	[sflag:s14] =	ssyncadd.s32 $0xFFFFF800  }
0x5b: {  	s22 =	simm.s32 @!p0 $0x1;
	[bflag:$0x0] =	sbarrier.arrive $0xFFFF  }
0x5c: {  	[hbm:s8], [sflag:s6] =	dma.local @!p0 [spmem:s17], $0xC50  }
0x5d: {  	_ =	swait.ge @!p0 [sflag:s22], $0xC50  }
0x5e: {  	[sflag:s22] =	ssyncset.done @!p0 $0x0  }
0x5f: {  	[sflag:s22] =	ssyncadd.s32 @!p0 $0xFFFFF3B0;
	s22 =	simm.s32 @!p1 $0x1  }
0x60: {  	[hbm:s7], [sflag:s6] =	dma.local @!p1 [spmem:s18], $0xC30  }
0x61: {  	_ =	swait.ge @!p1 [sflag:s22], $0xC30  }
0x62: {  	[sflag:s22] =	ssyncset.done @!p1 $0x0  }
0x63: {  	[sflag:s22] =	ssyncadd.s32 @!p1 $0xFFFFF3D0;
	s22 =	simm.s32 @!p2 $0x1  }
0x64: {  	[hbm:s10], [sflag:s6] =	dma.local @!p2 [spmem:s19], $0xBC0  }
0x65: {  	s21 =	sadd.s32 $0x1, s21;
	_ =	swait.ge @!p2 [sflag:s22], $0xBC0  }
0x66: {  	p4 =	sne.s32 s21, s11;
	[sflag:s22] =	ssyncset.done @!p2 $0x0  }
.Ltmp1:
0x67: {  	[sflag:s22] =	ssyncadd.s32 @!p2 $0xFFFFF440;
	s22 =	simm.s32 @!p3 $0x1;
	(pc) =	sbr.rel @p4 .LBB2_1-.Ltmp1, $4  }
0x68: {  	[hbm:s9], [sflag:s6] =	dma.local @!p3 [spmem:s20], $0xC40  }
0x69: {  	_ =	swait.ge @!p3 [sflag:s22], $0xC40  }
0x6a: {  	[sflag:s22] =	ssyncset.done @!p3 $0x0  }
0x6b: {  	[sflag:s22] =	ssyncadd.s32 @!p3 $0xFFFFF3C0  }
0x6c: {  	_ =	sfence.sel $0x180000  }
0x6d: {  	[bflag:$0x0] =	sbarrier.arrive $0xFFFF  }
0x6e: {  	p0 =	sne.s32 s1, $0x0;
	_ =	strace $0x90000047  }
0x6f: {  	s0 =	sadd.s32 @!p0 $0x100000, s0;
	[bflag:$0x2] =	sbarrier.arrive $0xFFFF  }
0x70: {  	[sflag:s0] =	ssyncadd.tile.s32 @!p0 $0x1;
	_ =	shalt  }
.Lfunc_end2:
_tile_overlayer_lowered:
.L_overlay_start_2:
0x71: {  	(tag) =	ssettag $0x2  }
0x72: {  	s0 =	rddreg [dreg:$0x0];
	s2 =	stileid.u32  }
0x73: {  	s1 =	rddreg [dreg:$0x1];
	p0 =	sne.s32 s2, $0x0  }
0x74: {  	s3 =	rddreg [dreg:$0x2];
	[bflag:$0x3] =	sbarrier.arrive $0xFFFF;
	s2 =	simm.s32 @!p0 $0x1C01  }
0x75: {  	[timem:s3], [sflag:s2] =	dma.local @!p0 [hbm:s0], s1  }
0x76: {  	s0 =	simm.s32 @!p0 $0x1  }
0x77: {  	_ =	swait.ge @!p0 [sflag:s0], s1  }
0x78: {  	s1 =	ssub.s32 @!p0 $0x0, s1;
	[sflag:s0] =	ssyncset.done @!p0 $0x0  }
0x79: {  	[sflag:s0] =	ssyncadd.s32 @!p0 s1  }
0x7a: {  	[bflag:$0x3] =	sbarrier.arrive $0xFFFF  }
0x7b: {  	_ =	shalt  }

// kernel: kernel.16.cloned.1.call-start
scs
__scs_entry_jumppad:
0x0: {  	(pc) =	sbr.rel $0x88, $3  }
0x1: {  	(tag) =	ssettag $0x0;
	lr =	simm.s32 $0x1  }
0x2: {  	[smem:$0x3F96] =	sst lr;
	_ =	strace $0xD0000000  }
0x3: {  	_ = 	snop  }
0x4: {  	_ = 	snop  }
0x5: {  	_ = 	snop  }
0x6: {  	_ = 	snop  }
0x7: {  	_ = 	snop  }
__scs_overlays_trampoline_lowered:
0x8: {  	[smem:$0x3FA5] =	sst s0  }
0x9: {  	[smem:$0x3FA6] =	sst s1  }
0xa: {  	[smem:$0x3FA7] =	sst s2  }
0xb: {  	[smem:$0x3FA8] =	sst s3  }
0xc: {  	[smem:$0x3FA9] =	sst s4  }
0xd: {  	[smem:$0x3FAA] =	sst s5  }
0xe: {  	[smem:$0x3FAB] =	sst s6  }
0xf: {  	[smem:$0x3FAC] =	sst s7  }
0x10: {  	[smem:$0x3FAD] =	sst s8  }
0x11: {  	[smem:$0x3FAE] =	sst s9;
	s0 =	simm.s32 @!p0 $0x0  }
0x12: {  	s1 =	sld [smem:$0x3F94];
	s0 =	simm.s32 @p0 $0x1  }
0x13: {  	[smem:$0x3FAF] =	sst s0;
	s0 =	simm.s32 @!p1 $0x0  }
0x14: {  	s2 =	sld [smem:$0x3F93];
	s0 =	simm.s32 @p1 $0x1  }
0x15: {  	[smem:$0x3FB0] =	sst s0;
	s0 =	simm.s32 @!p2 $0x0  }
0x16: {  	s3 =	sld [smem:$0x3FDB];
	s0 =	simm.s32 @p2 $0x1  }
0x17: {  	s4 =	simm.s32 $0x1BF5;
	[smem:$0x3FB2] =	sst s0  }
0x18: {  	s0 =	sld [smem:$0x3F95];
	_ =	swait.ge [sflag:s4], $0x0  }
0x19: {  	s7 =	sld [smem:$0x3F96]  }
0x1a: {  	s8 =	sadd.s32 $0xFFFFE003, lr  }
0x1b: {  	s9 =	sadd.s32 $0xFFFFFEF7, lr;
	s5 =	simm.s32 $0xFFFFFFFF;
	p2 =	slt.u32 s8, $0xFFFFF086  }
0x1c: {  	p1 =	slt.u32 s9, $0xF7A;
	s5 =	simm.s32 @!p2 $0x0  }
0x1d: {  	s5 =	simm.s32 @p1 $0x1;
	p0 =	seq.s32 s7, s2  }
0x1e: {  	s7 =	smul.u32 @!p0 $0xF7A, s2;
	p2 =	seq.s32 @!p0 s5, $0x0  }
0x1f: {  	s9 =	smul.u32 $0xF7A, s1;
	s8 =	simm.s32 @!p0 $0x1BF5;
	p2 =	por !p2, p0  }
0x20: {  	[sflag:s8] =	ssyncset.s32 @!p0 $0xFFFFF086;
	s6 =	sadd.s32 @!p0 s3, s7;
	s7 =	simm.s32 @!p0 $0x108  }
0x21: {  	s3 =	sadd.s32 s3, s9;
	s6 =	sadd.s32 @!p0 $0x88, s6;
	s7 =	simm.s32 @p2 $0x1082  }
0x22: {  	[simem:s7], [sflag:s8] =	dma.local @!p0 [hbm:s6], $0xF7A  }
0x23: {  	s9 =	sor.u32 $0xD0000000, s2;
	s6 =	simm.s32 $0x108;
	_ =	swait.ge @!p0 [sflag:s8], $0x0  }
0x24: {  	s3 =	sadd.s32 $0x88, s3;
	s6 =	simm.s32 @!p1 $0x1082;
	[sflag:s4] =	ssyncset.s32 $0xFFFFF086  }
0x25: {  	[simem:s6], [sflag:s4] =	dma.local [hbm:s3], $0xF7A  }
0x26: {  	[smem:$0x3F96] =	sst s1;
	(tag) =	ssettag s2;
	_ =	strace s9  }
0x27: {  	s1 =	sld [smem:$0x3FA6]  }
0x28: {  	s2 =	sld [smem:$0x3FA7]  }
0x29: {  	s4 =	sld [smem:$0x3FA9]  }
0x2a: {  	p0 =	seq.s32 s5, $0x0;
	s5 =	sld [smem:$0x3FAA]  }
0x2b: {  	s6 =	sld [smem:$0x3FAB]  }
0x2c: {  	s7 =	sld [smem:$0x3FAC]  }
0x2d: {  	s3 =	simm.s32 $0x108;
	s8 =	sld [smem:$0x3FAD]  }
0x2e: {  	s3 =	simm.s32 @!p0 $0x1082;
	s9 =	sld [smem:$0x3FAE]  }
0x2f: {  	lr =	sadd.s32 s0, s3;
	s0 =	sld [smem:$0x3FA5]  }
0x30: {  	s3 =	sld [smem:$0x3FA8]  }
0x31: {  	[smem:$0x3FB1] =	sst s10  }
0x32: {  	s10 =	sld [smem:$0x3FAF];
	_ =	sdelay $0x3  }
0x33: {  	p0 =	seq.s32 s10, $0x1;
	s10 =	sld [smem:$0x3FB1];
	_ =	sdelay $0x3  }
0x34: {  	[smem:$0x3FB1] =	sst s10  }
0x35: {  	s10 =	sld [smem:$0x3FB0];
	_ =	sdelay $0x3  }
0x36: {  	p1 =	seq.s32 s10, $0x1;
	s10 =	sld [smem:$0x3FB1];
	_ =	sdelay $0x3  }
0x37: {  	[smem:$0x3FB1] =	sst s10  }
0x38: {  	s10 =	sld [smem:$0x3FB2]  }
0x39: {  	_ = 	snop;
	(pc) =	sbr.ind lr, $3  }
0x3a: {  	_ = 	snop  }
0x3b: {  	_ = 	snop  }
0x3c: {  	p2 =	seq.s32 s10, $0x1;
	s10 =	sld [smem:$0x3FB1]  }
0x3d: {  	_ =	shalt  }
0x3e: {  	_ =	shalt  }
0x3f: {  	_ =	shalt  }
0x40: {  	_ =	shalt  }
0x41: {  	_ =	shalt  }
0x42: {  	_ =	shalt  }
0x43: {  	_ =	shalt  }
0x44: {  	_ =	shalt  }
0x45: {  	_ =	shalt  }
0x46: {  	_ =	shalt  }
0x47: {  	_ =	shalt  }
0x48: {  	_ =	shalt  }
0x49: {  	_ =	shalt  }
0x4a: {  	_ =	shalt  }
0x4b: {  	_ =	shalt  }
0x4c: {  	_ =	shalt  }
0x4d: {  	_ =	shalt  }
0x4e: {  	_ =	shalt  }
0x4f: {  	_ =	shalt  }
0x50: {  	_ =	shalt  }
0x51: {  	_ =	shalt  }
0x52: {  	_ =	shalt  }
0x53: {  	_ =	shalt  }
0x54: {  	_ =	shalt  }
0x55: {  	_ =	shalt  }
0x56: {  	_ =	shalt  }
0x57: {  	_ =	shalt  }
0x58: {  	_ =	shalt  }
0x59: {  	_ =	shalt  }
0x5a: {  	_ =	shalt  }
0x5b: {  	_ =	shalt  }
0x5c: {  	_ =	shalt  }
0x5d: {  	_ =	shalt  }
0x5e: {  	_ =	shalt  }
0x5f: {  	_ =	shalt  }
0x60: {  	_ =	shalt  }
0x61: {  	_ =	shalt  }
0x62: {  	_ =	shalt  }
0x63: {  	_ =	shalt  }
0x64: {  	_ =	shalt  }
0x65: {  	_ =	shalt  }
0x66: {  	_ =	shalt  }
0x67: {  	_ =	shalt  }
0x68: {  	_ =	shalt  }
0x69: {  	_ =	shalt  }
0x6a: {  	_ =	shalt  }
0x6b: {  	_ =	shalt  }
0x6c: {  	_ =	shalt  }
0x6d: {  	_ =	shalt  }
0x6e: {  	_ =	shalt  }
0x6f: {  	_ =	shalt  }
0x70: {  	_ =	shalt  }
0x71: {  	_ =	shalt  }
0x72: {  	_ =	shalt  }
0x73: {  	_ =	shalt  }
0x74: {  	_ =	shalt  }
0x75: {  	_ =	shalt  }
0x76: {  	_ =	shalt  }
0x77: {  	_ =	shalt  }
0x78: {  	_ =	shalt  }
0x79: {  	_ =	shalt  }
0x7a: {  	_ =	shalt  }
0x7b: {  	_ =	shalt  }
0x7c: {  	_ =	shalt  }
0x7d: {  	_ =	shalt  }
0x7e: {  	_ =	shalt  }
0x7f: {  	_ =	shalt  }
0x80: {  	_ =	shalt  }
0x81: {  	_ =	shalt  }
0x82: {  	_ =	shalt  }
0x83: {  	_ =	shalt  }
0x84: {  	_ =	shalt  }
0x85: {  	_ =	shalt  }
0x86: {  	_ =	shalt  }
0x87: {  	_ =	shalt  }
.Lfunc_end0:
.L_simem_size_0:
called_computation.1_lowered:
.L_overlay_start_0:
0x88: {  	s2 =	sld [smem:$0x3FD9]  }
0x89: {  	s3 =	sld [smem:$0x3FFE];
	_ =	sdelay $0x1  }
0x8a: {  	s1 =	srdreg.scid  }
0x8b: {  	s0 =	sand.u32 $0x1, s1  }
0x8c: {  	s17 =	sshll.u32 s0, $0xA;
	s2 =	sadd.s32 s3, s2  }
0x8d: {  	s2 =	sadd.s32 s2, s17  }
0x8e: {  	[smem:$0x3FBD] =	sst s2  }
0x8f: {  	_ = 	snop  }
0x90: {  	s2 =	sld [smem:$0x3FD0];
	(tm) =	ssettm $0x1  }
0x91: {  	s18 =	sld [smem:$0x3FFB];
	_ =	sdelay $0x3  }
0x92: {  	_ =	strace s18  }
0x93: {  	s3 =	sld [smem:$0x3FFC];
	_ =	sdelay $0x3  }
0x94: {  	_ =	strace s3  }
0x95: {  	s3 =	sld [smem:$0x3FFD];
	_ =	sdelay $0x3  }
0x96: {  	_ =	strace s3  }
0x97: {  	_ =	strace $0x8FFFFFFF  }
0x98: {  	s19 =	sld [smem:$0x3FDB];
	_ =	sdelay $0x1  }
0x99: {  	s4 =	simm.s32 $_scs_section_size  }
0x9a: {  	s5 =	simm.s32 $_size__tile_overlayer_lowered;
	s6 =	simm.s32 $_tile_overlayer_lowered  }
0x9b: {  	s22 =	simm.s32 $0x1BFF;
	s21 =	sshll.u32 s6, $0x1;
	s3 =	sadd.s32 s4, s19  }
0x9c: {  	s7 =	simm.s32 $0x0;
	s20 =	sshll.u32 s5, $0x1;
	s5 =	sadd.s32 s21, s3  }
0x9d: {  	[timem:s7], [sflag:s22] =	dma.local [hbm:s5], s20  }
0x9e: {  	_ =	swait.ge [sflag:s22], s20  }
0x9f: {  	s4 =	ssub.s32 $0x0, s20;
	[sflag:s22] =	ssyncset.done $0x0  }
0xa0: {  	[sflag:s22] =	ssyncadd.s32 s4;
	_ =	sdelay $0x1  }
0xa1: {  	s23 =	simm.s32 $0x1B8B  }
0xa2: {  	_ =	swait.ge [sflag:s23], $0x1  }
0xa3: {  	[sflag:s23] =	ssyncset.done $0x0  }
0xa4: {  	s25 =	simm.s32 $0x1B8E;
	s24 =	sld [smem:$0x3FFE];
	[sflag:s23] =	ssyncadd.s32 $0xFFFFFFFF  }
0xa5: {  	s26 =	simm.s32 $execute0_lowered;
	[smem:$0x3FD2] =	sst s25  }
0xa6: {  	s5 =	sshll.u32 s26, $0x1;
	_ =	strace $0x80000049;
	[dreg:$0x1] =	wrdreg $0xFFFFFFFF  }
0xa7: {  	s28 =	simm.s32 $_size_execute0_lowered;
	s3 =	sadd.s32 s3, s5;
	[dreg:$0x0] =	wrdreg $0x0  }
0xa8: {  	s5 =	sshll.u32 s28, $0x1;
	[dreg:$0x2] =	wrdreg s3  }
0xa9: {  	[dreg:$0x3] =	wrdreg s5  }
0xaa: {  	[dreg:$0x4] =	wrdreg $0xC0  }
0xab: {  	_ =	task [dreg:s7], $0x5FFFF  }
0xac: {  	[dreg:$0x1] =	wrdreg $0xFFFFFFFF  }
0xad: {  	[dreg:$0x0] =	wrdreg $0x60  }
0xae: {  	[dreg:$0x2] =	wrdreg s2  }
0xaf: {  	[dreg:$0x3] =	wrdreg s24  }
0xb0: {  	[dreg:$0x4] =	wrdreg $0x21800  }
0xb1: {  	[dreg:$0x5] =	wrdreg $0x9  }
0xb2: {  	_ =	task.clear_ibuf [dreg:s7], $0x6FFFF;
	_ =	strace $0x90000049  }
0xb3: {  	s29 =	simm.s32 $0x9;
	_ =	strace $0x8000004B  }
0xb4: {  	_ =	swait.ge [sflag:s29], $0x1  }
0xb5: {  	[sflag:s29] =	ssyncadd.s32 $0xFFFFFFFF  }
0xb6: {  	_ =	strace $0x9000004B  }
0xb7: {  	_ =	sfence  }
0xb8: {  	s30 =	sld [smem:$0x0];
	_ =	sdelay $0x2  }
0xb9: {  	s31 =	sshll.u32 s1, $0xD;
	s1 =	sshrl.u32 s1, $0x2  }
0xba: {  	s3 =	sand.u32 $0x4000, s31;
	s1 =	sadd.s32 s1, s30  }
0xbb: {  	s0 =	sor.u32 s3, s0;
	s1 =	sshll.u32 s1, $0x11  }
0xbc: {  	s0 =	sor.u32 s1, s0  }
0xbd: {  	s0 =	sadd.s32 $0x8F2B, s0  }
0xbe: {  	[sflag:s0] =	ssyncadd.remote.s32 $0x1  }
0xbf: {  	_ =	sfence.sel $0xFFFF  }
0xc0: {  	[dreg:$0x0] =	wrdreg $0xFFFFFFFF;
	(pc) =	sbr.abs _section_cstart, $3  }
0xc1: {  	[dreg:$0x1] =	wrdreg $0xFFFFFFFF  }
0xc2: {  	_ =	task.clear_ibuf [dreg:s7], $0x2FFFF;
	_ =	strace $0x9FFFFFFF  }
0xc3: {  	(tm) =	ssettm $0x7FFFFFFF  }
tec
execute0_lowered:
.L_overlay_start_1:
0x0: {  	(tag) =	ssettag $0x1  }
0x1: {  	s1 =	rddreg [dreg:$0x0]  }
0x2: {  	s11 =	rddreg [dreg:$0x1]  }
0x3: {  	s3 =	rddreg [dreg:$0x2];
	s2 =	stileid.u32  }
0x4: {  	s0 =	rddreg [dreg:$0x3];
	s4 =	simm.s32 $0x0;
	s6 =	smul.u32 $0x1870, s2  }
0x5: {  	s5 =	srdreg.scid;
	s16 =	simm.s32 $0x2;
	s10 =	smul.u32 $0x18800, s2  }
0x6: {  	s24 =	simm.s32 $0x180;
	s25 =	simm.s32 $0x1;
	s8 =	smul.u32 $0x62000, s2  }
0x7: {  	[smem:$0x7FF] =	sst s4;
	s19 =	sand.u32 $0x1, s5;
	s9 =	smul.u32 $0x18600, s2  }
0x8: {  	s5 =	sadd.s32 $0x1CC00, s11;
	s12 =	sadd.s32 $0x280400, s11;
	s15 =	smul.u32 $0x61800, s2  }
0x9: {  	s29 =	sshll.u32 s2, $0x6;
	s21 =	sadd.s32 $0x16DA00, s3;
	s23 =	sadd.s32 $0x16F800, s3  }
0xa: {  	_ =	strace $0x8000004A;
	s7 =	ssub.s32 $0x2, s19;
	p0 =	seq.s32 s19, $0x0  }
0xb: {  	s28 =	smul.u32 $0x61C0, s19;
	p3 =	sne.s32 s19, $0x0;
	s14 =	sadd.s32 s6, s11  }
0xc: {  	s26 =	sshrl.u32 s7, $0x1;
	s6 =	sadd.s32 s10, s3;
	s8 =	sshrl.u32 s8, $0x2  }
0xd: {  	s9 =	sshrl.u32 s9, $0x3;
	s31 =	sshrl.u32 s15, $0x2;
	s10 =	sshrl.u32 s10, $0x3  }
0xe: {  	p1 =	seq.s32 @p3 s2, $0xF;
	p4 =	seq.s32 @!p3 s2, $0xF;
	s13 =	ssub.s32 s7, s26  }
0xf: {  	s7 =	sor.u32 $0x1C02, s29;
	s8 =	sadd.s32 s8, s3;
	s26 =	simm.s32 $0x61C0  }
0x10: {  	s30 =	sadd.s32 s12, s9;
	s22 =	sadd.s32 s31, s3;
	s9 =	sadd.s32 $0x2DED40, s11  }
0x11: {  	s10 =	sadd.s32 s12, s10;
	s11 =	sadd.s32 $0x2AE300, s11;
	s15 =	sshrl.u32 s6, $0x3  }
0x12: {  	p2 =	por !p4, p3;
	v0 =	vmov s28;
	s28 =	simm.s32 $0x0;
	s17 =	sadd.s32 $0x6200, s8  }
0x13: {  	s18 =	sadd.s32 $0xC400, s8;
	s20 =	sadd.s32 $0x12600, s8;
	s26 =	simm.s32 @!p0 $0x6190  }
0x14: {  	s8 =	sadd.s32 $0x30E00, s30;
	s12 =	smax.u32 s13, $0x1;
	s13 =	sadd.s32 $0x4200, s14  }
0x15: {  	s14 =	sadd.s32 $0x1DA00, s14;
	p0 =	por !p1, !p3;
	p1 =	por p1, !p3  }
0x16: {  	s23 =	sshrl.u32 @!p2 s23, $0x3;
	p3 =	por p4, p3;
	s17 =	sshrl.u32 s17, $0x3  }
0x17: {  	s18 =	sshrl.u32 s18, $0x3;
	s19 =	sshrl.u32 s20, $0x3;
	s20 =	simm.s32 $0x80  }
0x18: {  	s21 =	sshrl.u32 @!p0 s21, $0x3;
	s22 =	sshrl.u32 @!p1 s22, $0x3;
	v1 =	vmov s26;
	s26 =	simm.s32 $0x100  }
.LBB2_1:
0x19: {  	[spmem:s15], [sflag:s7] =	dma.local [hbm:s5], $0xC40  }
0x1a: {  	_ =	swait.ge [sflag:s16], $0xC40  }
0x1b: {  	[sflag:s16] =	ssyncset.done $0x0  }
0x1c: {  	[sflag:s16] =	ssyncadd.s32 $0xFFFFF3C0  }
0x1d: {  	[spmem:s17], [sflag:s7] =	dma.local [hbm:s5], $0xC40  }
0x1e: {  	_ =	swait.ge [sflag:s16], $0xC40  }
0x1f: {  	[sflag:s16] =	ssyncset.done $0x0  }
0x20: {  	[sflag:s16] =	ssyncadd.s32 $0xFFFFF3C0  }
0x21: {  	[spmem:s18], [sflag:s7] =	dma.local [hbm:s5], $0xC40  }
0x22: {  	_ =	swait.ge [sflag:s16], $0xC40  }
0x23: {  	[sflag:s16] =	ssyncset.done $0x0  }
0x24: {  	[sflag:s16] =	ssyncadd.s32 $0xFFFFF3C0  }
0x25: {  	[spmem:s19], [sflag:s7] =	dma.local [hbm:s5], $0xC40  }
0x26: {  	_ =	swait.ge [sflag:s16], $0xC40  }
0x27: {  	[sflag:s16] =	ssyncset.done $0x0  }
0x28: {  	[sflag:s16] =	ssyncadd.s32 $0xFFFFF3C0  }
0x29: {  	s29 =	sadd.s32 $0x0, s14;
	[bflag:$0x0] =	sbarrier.arrive $0xFFFF  }
0x2a: {  	[tilespmem:s20], [sflag:$0x2] =	stream.linear.gather [hbm4b:s29+s4], $0x80, $0x38;
	[tilespmem:$0x1A980] =	vst v63  }
0x2b: {  	_ =	swait.ge [sflag:s16], $0x80  }
0x2c: {  	[sflag:s16] =	ssyncset.done $0x0  }
0x2d: {  	[sflag:s16] =	ssyncadd.s32 $0xFFFFFF80  }
0x2e: {  	[tilespmem:s24], [sflag:$0x1] =	stream.indirect.gather [hbm4b:s1+s20], $0x40, s20, s20, $0xb8;
	[tilespmem:$0x1A980] =	vst v63  }
0x2f: {  	s29 =	sadd.s32 $0x0, s13  }
0x30: {  	[tilespmem:s4], [sflag:$0x2] =	stream.linear.gather [hbm4b:s29+s4], $0x80, $0x38;
	[tilespmem:$0x1A980] =	vst v63  }
0x31: {  	_ =	swait.ge [sflag:s16], $0x80  }
0x32: {  	[sflag:s16] =	ssyncset.done $0x0  }
0x33: {  	[sflag:s16] =	ssyncadd.s32 $0xFFFFFF80  }
0x34: {  	v2 =	vld [tilespmem:$0x70]  }
0x35: {  	v3 =	vld [tilespmem:$0x60]  }
0x36: {  	v4 =	vld [tilespmem:$0x20]  }
0x37: {  	v6 =	vld [tilespmem:$0x0]  }
0x38: {  	v5 =	vld [tilespmem:$0x10];
	_ =	sdelay $0x2  }
0x39: {  	v7 =	vsub.s32 v2, v0  }
0x3a: {  	v3 =	vsub.s32 v3, v0;
	v4 =	vsub.s32 v4, v0;
	v6 =	vsub.s32 v6, v0  }
0x3b: {  	v8 =	vld [tilespmem:$0x40];
	v2 =	vsub.s32 v5, v0;
	vm0 =	vgt.s32 v7, $0xFFFFFFFF;
	vm1 =	vlt.s32 v7, v1  }
0x3c: {  	vm2 =	vgt.s32 v3, $0xFFFFFFFF;
	vm3 =	vlt.s32 v3, v1;
	vm4 =	vgt.s32 v4, $0xFFFFFFFF  }
0x3d: {  	vm2 =	vmand vm2, vm3;
	vm0 =	vmand vm0, vm1;
	vm1 =	vgt.s32 v6, $0xFFFFFFFF  }
0x3e: {  	v9 =	vld [tilespmem:$0x30];
	vm3 =	vlt.s32 v4, v1;
	v7 =	vnsel vm0, $0x61C0, v7;
	vm0 =	vlt.s32 v6, v1  }
0x3f: {  	v5 =	vnsel vm2, $0x61C0, v3;
	vm0 =	vmand vm1, vm0;
	vm1 =	vmand vm4, vm3  }
0x40: {  	v3 =	vsub.s32 v8, v0;
	v8 =	vnsel vm0, $0x61C0, v6;
	v6 =	vnsel vm1, $0x61C0, v4;
	v4 =	vld [tilespmem:$0x50];
	_ =	sdelay $0x1  }
0x41: {  	vm2 =	vgt.s32 v2, $0xFFFFFFFF;
	vm4 =	vgt.s32 v3, $0xFFFFFFFF;
	[tilespmem:$0x160] =	vst v5;
	vm0 =	vlt.s32 v2, v1  }
0x42: {  	[tilespmem:$0x170] =	vst v7;
	v5 =	vsub.s32 v9, v0;
	vm1 =	vmand vm2, vm0;
	vm0 =	vlt.s32 v3, v1  }
0x43: {  	s29 =	simm.s32 $0x10;
	vm3 =	vlt.s32 v5, v1;
	[tilespmem:$0x100] =	vst v8;
	vm2 =	vgt.s32 v5, $0xFFFFFFFF;
	vm0 =	vmand vm4, vm0  }
.LBB2_2:
0x44: {  	p4 =	sne.s32 s29, $0x1860;
	v2 =	vnsel vm1, $0x61C0, v2;
	[tilespmem:$0x120] =	vst v6;
	vm1 =	vmand vm2, vm3;
	v4 =	vsub.s32 v4, v0;
	s30 =	smov.u32 s29;
	s29 =	sadd.s32 $0x10, s29  }
0x45: {  	v3 =	vnsel vm0, $0x61C0, v3;
	[tilespmem:$0x110] =	vst v2;
	v2 =	vnsel vm1, $0x61C0, v5;
	vm0 =	vgt.s32 v4, $0xFFFFFFFF  }
0x46: {  	vm1 =	vlt.s32 v4, v1;
	[tilespmem:$0x130] =	vst v2  }
0x47: {  	vm0 =	vmand vm0, vm1  }
0x48: {  	v2 =	vnsel vm0, $0x61C0, v4;
	[tilespmem:$0x140] =	vst v3  }
0x49: {  	[tilespmem:$0x150] =	vst v2  }
0x4a: {  	_ =	swait.ge [sflag:s25], $0x2000  }
0x4b: {  	[sflag:s25] =	ssyncset.done $0x0  }
0x4c: {  	[sflag:s25] =	ssyncadd.s32 $0xFFFFE000  }
0x4d: {  	[spmem:s3] =	stream.indirect.scatter.add.f32 [tilespmem:s24], [sflag:$0x2], $0x40, s26, s20, $0xb8;
	[tilespmem:$0x1A980] =	vst v63  }
0x4e: {  	_ =	swait.ge [sflag:s16], $0x2000  }
0x4f: {  	[sflag:s16] =	ssyncset.done $0x0  }
0x50: {  	s31 =	sadd.s32 s30, s14;
	[sflag:s16] =	ssyncadd.s32 $0xFFFFE000  }
0x51: {  	[tilespmem:s20], [sflag:$0x2] =	stream.linear.gather [hbm4b:s31+s4], $0x80, $0x38;
	[tilespmem:$0x1A980] =	vst v63  }
0x52: {  	_ =	swait.ge [sflag:s16], $0x80  }
0x53: {  	[sflag:s16] =	ssyncset.done $0x0  }
0x54: {  	[sflag:s16] =	ssyncadd.s32 $0xFFFFFF80  }
0x55: {  	[tilespmem:s24], [sflag:$0x1] =	stream.indirect.gather [hbm4b:s1+s20], $0x40, s20, s20, $0xb8;
	[tilespmem:$0x1A980] =	vst v63  }
0x56: {  	s30 =	sadd.s32 s30, s13  }
0x57: {  	[tilespmem:s4], [sflag:$0x2] =	stream.linear.gather [hbm4b:s30+s4], $0x80, $0x38;
	[tilespmem:$0x1A980] =	vst v63  }
0x58: {  	_ =	swait.ge [sflag:s16], $0x80  }
0x59: {  	[sflag:s16] =	ssyncset.done $0x0  }
0x5a: {  	[sflag:s16] =	ssyncadd.s32 $0xFFFFFF80  }
0x5b: {  	v2 =	vld [tilespmem:$0x70]  }
0x5c: {  	v3 =	vld [tilespmem:$0x60]  }
0x5d: {  	v4 =	vld [tilespmem:$0x20]  }
0x5e: {  	v5 =	vld [tilespmem:$0x10]  }
0x5f: {  	v6 =	vld [tilespmem:$0x0]  }
0x60: {  	v7 =	vld [tilespmem:$0x30];
	v8 =	vsub.s32 v2, v0  }
0x61: {  	v9 =	vld [tilespmem:$0x40];
	v3 =	vsub.s32 v3, v0;
	vm0 =	vgt.s32 v8, $0xFFFFFFFF;
	vm1 =	vlt.s32 v8, v1  }
0x62: {  	v10 =	vsub.s32 v4, v0;
	v4 =	vld [tilespmem:$0x50];
	vm2 =	vgt.s32 v3, $0xFFFFFFFF;
	vm3 =	vlt.s32 v3, v1  }
0x63: {  	vm0 =	vmand vm0, vm1;
	vm4 =	vgt.s32 v10, $0xFFFFFFFF;
	vm2 =	vmand vm2, vm3  }
0x64: {  	v2 =	vsub.s32 v5, v0;
	v6 =	vsub.s32 v6, v0;
	v3 =	vnsel vm2, $0x61C0, v3  }
0x65: {  	v5 =	vnsel vm0, $0x61C0, v8;
	vm2 =	vgt.s32 v2, $0xFFFFFFFF;
	vm1 =	vgt.s32 v6, $0xFFFFFFFF;
	[tilespmem:$0x160] =	vst v3  }
.Ltmp0:
0x66: {  	vm3 =	vlt.s32 v10, v1;
	vm0 =	vlt.s32 v6, v1;
	v3 =	vsub.s32 v9, v0;
	[tilespmem:$0x170] =	vst v5;
	(pc) =	sbr.rel @p4 .LBB2_2-.Ltmp0, $4  }
0x67: {  	vm0 =	vmand vm1, vm0;
	vm1 =	vmand vm4, vm3;
	vm4 =	vgt.s32 v3, $0xFFFFFFFF  }
0x68: {  	v8 =	vnsel vm0, $0x61C0, v6;
	vm0 =	vlt.s32 v2, v1;
	v6 =	vnsel vm1, $0x61C0, v10  }
0x69: {  	v5 =	vsub.s32 v7, v0;
	vm1 =	vmand vm2, vm0;
	vm0 =	vlt.s32 v3, v1  }
0x6a: {  	vm3 =	vlt.s32 v5, v1;
	vm2 =	vgt.s32 v5, $0xFFFFFFFF;
	vm0 =	vmand vm4, vm0;
	[tilespmem:$0x100] =	vst v8  }
0x6b: {  	v2 =	vnsel vm1, $0x61C0, v2;
	[tilespmem:$0x120] =	vst v6;
	vm12 =	vmand vm2, vm3;
	v4 =	vsub.s32 v4, v0  }
0x6c: {  	v3 =	vnsel vm0, $0x61C0, v3;
	[tilespmem:$0x110] =	vst v2;
	vm13 =	vgt.s32 v4, $0xFFFFFFFF;
	vm14 =	vlt.s32 v4, v1  }
0x6d: {  	v2 =	vnsel vm12, $0x61C0, v5;
	[tilespmem:$0x140] =	vst v3;
	vm15 =	vmand vm13, vm14  }
0x6e: {  	[tilespmem:$0x130] =	vst v2;
	v2 =	vnsel vm15, $0x61C0, v4  }
0x6f: {  	[tilespmem:$0x150] =	vst v2  }
0x70: {  	_ =	swait.ge [sflag:s25], $0x2000  }
0x71: {  	[sflag:s25] =	ssyncset.done $0x0  }
0x72: {  	[sflag:s25] =	ssyncadd.s32 $0xFFFFE000  }
0x73: {  	[spmem:s3] =	stream.indirect.scatter.add.f32 [tilespmem:s24], [sflag:$0x2], $0x40, s26, s20, $0xb8;
	[tilespmem:$0x1A980] =	vst v63  }
0x74: {  	_ =	swait.ge [sflag:s16], $0x2000  }
0x75: {  	[sflag:s16] =	ssyncset.done $0x0  }
0x76: {  	[sflag:s16] =	ssyncadd.s32 $0xFFFFE000  }
0x77: {  	s29 =	simm.s32 @!p0 $0x2;
	[bflag:$0x0] =	sbarrier.arrive $0xFFFF  }
0x78: {  	[hbm:s9], [sflag:s7] =	dma.local @!p0 [spmem:s21], $0x3140  }
0x79: {  	_ =	swait.ge @!p0 [sflag:s29], $0x3140  }
0x7a: {  	[sflag:s29] =	ssyncset.done @!p0 $0x0  }
0x7b: {  	[sflag:s29] =	ssyncadd.s32 @!p0 $0xFFFFCEC0;
	s29 =	simm.s32 @!p1 $0x2  }
0x7c: {  	[hbm:s8], [sflag:s7] =	dma.local @!p1 [spmem:s22], $0x30C0  }
0x7d: {  	_ =	swait.ge @!p1 [sflag:s29], $0x30C0  }
0x7e: {  	[sflag:s29] =	ssyncset.done @!p1 $0x0  }
0x7f: {  	[sflag:s29] =	ssyncadd.s32 @!p1 $0xFFFFCF40;
	s29 =	simm.s32 @!p2 $0x2  }
0x80: {  	[hbm:s11], [sflag:s7] =	dma.local @!p2 [spmem:s23], $0x2F00  }
0x81: {  	_ =	swait.ge @!p2 [sflag:s29], $0x2F00  }
0x82: {  	s28 =	sadd.s32 $0x1, s28;
	[sflag:s29] =	ssyncset.done @!p2 $0x0  }
0x83: {  	p4 =	sne.s32 s28, s12;
	[sflag:s29] =	ssyncadd.s32 @!p2 $0xFFFFD100;
	s29 =	sshrl.u32 @!p3 s6, $0x3  }
0x84: {  	[hbm:s10], [sflag:s7] =	dma.local @!p3 [spmem:s29], $0x3100  }
.Ltmp1:
0x85: {  	_ = 	snop;
	(pc) =	sbr.rel @p4 .LBB2_1-.Ltmp1, $4  }
0x86: {  	s29 =	simm.s32 @!p3 $0x2  }
0x87: {  	_ =	swait.ge @!p3 [sflag:s29], $0x3100  }
0x88: {  	[sflag:s29] =	ssyncset.done @!p3 $0x0  }
0x89: {  	[sflag:s29] =	ssyncadd.s32 @!p3 $0xFFFFCF00  }
0x8a: {  	_ =	sfence.sel $0x180000  }
0x8b: {  	[bflag:$0x0] =	sbarrier.arrive $0xFFFF  }
0x8c: {  	p0 =	sne.s32 s2, $0x0;
	_ =	strace $0x9000004A  }
0x8d: {  	s0 =	sadd.s32 @!p0 $0x100000, s0;
	[bflag:$0x2] =	sbarrier.arrive $0xFFFF  }
0x8e: {  	[sflag:s0] =	ssyncadd.tile.s32 @!p0 $0x1;
	_ =	shalt  }
.Lfunc_end2:
_tile_overlayer_lowered:
.L_overlay_start_2:
0x8f: {  	(tag) =	ssettag $0x2  }
0x90: {  	s0 =	rddreg [dreg:$0x0];
	s2 =	stileid.u32  }
0x91: {  	s1 =	rddreg [dreg:$0x1];
	p0 =	sne.s32 s2, $0x0  }
0x92: {  	s3 =	rddreg [dreg:$0x2];
	[bflag:$0x3] =	sbarrier.arrive $0xFFFF;
	s2 =	simm.s32 @!p0 $0x1C02  }
0x93: {  	[timem:s3], [sflag:s2] =	dma.local @!p0 [hbm:s0], s1  }
0x94: {  	s0 =	simm.s32 @!p0 $0x2  }
0x95: {  	_ =	swait.ge @!p0 [sflag:s0], s1  }
0x96: {  	s1 =	ssub.s32 @!p0 $0x0, s1;
	[sflag:s0] =	ssyncset.done @!p0 $0x0  }
0x97: {  	[sflag:s0] =	ssyncadd.s32 @!p0 s1  }
0x98: {  	[bflag:$0x3] =	sbarrier.arrive $0xFFFF  }
0x99: {  	_ =	shalt  }

// kernel: kernel.19.cloned.1.call-start
scs
__scs_entry_jumppad:
0x0: {  	(pc) =	sbr.rel $0x88, $3  }
0x1: {  	(tag) =	ssettag $0x0;
	lr =	simm.s32 $0x1  }
0x2: {  	[smem:$0x3F96] =	sst lr;
	_ =	strace $0xD0000000  }
0x3: {  	_ = 	snop  }
0x4: {  	_ = 	snop  }
0x5: {  	_ = 	snop  }
0x6: {  	_ = 	snop  }
0x7: {  	_ = 	snop  }
__scs_overlays_trampoline_lowered:
0x8: {  	[smem:$0x3FA5] =	sst s0  }
0x9: {  	[smem:$0x3FA6] =	sst s1  }
0xa: {  	[smem:$0x3FA7] =	sst s2  }
0xb: {  	[smem:$0x3FA8] =	sst s3  }
0xc: {  	[smem:$0x3FA9] =	sst s4  }
0xd: {  	[smem:$0x3FAA] =	sst s5  }
0xe: {  	[smem:$0x3FAB] =	sst s6  }
0xf: {  	[smem:$0x3FAC] =	sst s7  }
0x10: {  	[smem:$0x3FAD] =	sst s8  }
0x11: {  	[smem:$0x3FAE] =	sst s9;
	s0 =	simm.s32 @!p0 $0x0  }
0x12: {  	s1 =	sld [smem:$0x3F94];
	s0 =	simm.s32 @p0 $0x1  }
0x13: {  	[smem:$0x3FAF] =	sst s0;
	s0 =	simm.s32 @!p1 $0x0  }
0x14: {  	s2 =	sld [smem:$0x3F93];
	s0 =	simm.s32 @p1 $0x1  }
0x15: {  	[smem:$0x3FB0] =	sst s0;
	s0 =	simm.s32 @!p2 $0x0  }
0x16: {  	s3 =	sld [smem:$0x3FDB];
	s0 =	simm.s32 @p2 $0x1  }
0x17: {  	s4 =	simm.s32 $0x1BF5;
	[smem:$0x3FB2] =	sst s0  }
0x18: {  	s0 =	sld [smem:$0x3F95];
	_ =	swait.ge [sflag:s4], $0x0  }
0x19: {  	s7 =	sld [smem:$0x3F96]  }
0x1a: {  	s8 =	sadd.s32 $0xFFFFE003, lr  }
0x1b: {  	s9 =	sadd.s32 $0xFFFFFEF7, lr;
	s5 =	simm.s32 $0xFFFFFFFF;
	p2 =	slt.u32 s8, $0xFFFFF086  }
0x1c: {  	p1 =	slt.u32 s9, $0xF7A;
	s5 =	simm.s32 @!p2 $0x0  }
0x1d: {  	s5 =	simm.s32 @p1 $0x1;
	p0 =	seq.s32 s7, s2  }
0x1e: {  	s7 =	smul.u32 @!p0 $0xF7A, s2;
	p2 =	seq.s32 @!p0 s5, $0x0  }
0x1f: {  	s9 =	smul.u32 $0xF7A, s1;
	s8 =	simm.s32 @!p0 $0x1BF5;
	p2 =	por !p2, p0  }
0x20: {  	[sflag:s8] =	ssyncset.s32 @!p0 $0xFFFFF086;
	s6 =	sadd.s32 @!p0 s3, s7;
	s7 =	simm.s32 @!p0 $0x108  }
0x21: {  	s3 =	sadd.s32 s3, s9;
	s6 =	sadd.s32 @!p0 $0x88, s6;
	s7 =	simm.s32 @p2 $0x1082  }
0x22: {  	[simem:s7], [sflag:s8] =	dma.local @!p0 [hbm:s6], $0xF7A  }
0x23: {  	s9 =	sor.u32 $0xD0000000, s2;
	s6 =	simm.s32 $0x108;
	_ =	swait.ge @!p0 [sflag:s8], $0x0  }
0x24: {  	s3 =	sadd.s32 $0x88, s3;
	s6 =	simm.s32 @!p1 $0x1082;
	[sflag:s4] =	ssyncset.s32 $0xFFFFF086  }
0x25: {  	[simem:s6], [sflag:s4] =	dma.local [hbm:s3], $0xF7A  }
0x26: {  	[smem:$0x3F96] =	sst s1;
	(tag) =	ssettag s2;
	_ =	strace s9  }
0x27: {  	s1 =	sld [smem:$0x3FA6]  }
0x28: {  	s2 =	sld [smem:$0x3FA7]  }
0x29: {  	s4 =	sld [smem:$0x3FA9]  }
0x2a: {  	p0 =	seq.s32 s5, $0x0;
	s5 =	sld [smem:$0x3FAA]  }
0x2b: {  	s6 =	sld [smem:$0x3FAB]  }
0x2c: {  	s7 =	sld [smem:$0x3FAC]  }
0x2d: {  	s3 =	simm.s32 $0x108;
	s8 =	sld [smem:$0x3FAD]  }
0x2e: {  	s3 =	simm.s32 @!p0 $0x1082;
	s9 =	sld [smem:$0x3FAE]  }
0x2f: {  	lr =	sadd.s32 s0, s3;
	s0 =	sld [smem:$0x3FA5]  }
0x30: {  	s3 =	sld [smem:$0x3FA8]  }
0x31: {  	[smem:$0x3FB1] =	sst s10  }
0x32: {  	s10 =	sld [smem:$0x3FAF];
	_ =	sdelay $0x3  }
0x33: {  	p0 =	seq.s32 s10, $0x1;
	s10 =	sld [smem:$0x3FB1];
	_ =	sdelay $0x3  }
0x34: {  	[smem:$0x3FB1] =	sst s10  }
0x35: {  	s10 =	sld [smem:$0x3FB0];
	_ =	sdelay $0x3  }
0x36: {  	p1 =	seq.s32 s10, $0x1;
	s10 =	sld [smem:$0x3FB1];
	_ =	sdelay $0x3  }
0x37: {  	[smem:$0x3FB1] =	sst s10  }
0x38: {  	s10 =	sld [smem:$0x3FB2]  }
0x39: {  	_ = 	snop;
	(pc) =	sbr.ind lr, $3  }
0x3a: {  	_ = 	snop  }
0x3b: {  	_ = 	snop  }
0x3c: {  	p2 =	seq.s32 s10, $0x1;
	s10 =	sld [smem:$0x3FB1]  }
0x3d: {  	_ =	shalt  }
0x3e: {  	_ =	shalt  }
0x3f: {  	_ =	shalt  }
0x40: {  	_ =	shalt  }
0x41: {  	_ =	shalt  }
0x42: {  	_ =	shalt  }
0x43: {  	_ =	shalt  }
0x44: {  	_ =	shalt  }
0x45: {  	_ =	shalt  }
0x46: {  	_ =	shalt  }
0x47: {  	_ =	shalt  }
0x48: {  	_ =	shalt  }
0x49: {  	_ =	shalt  }
0x4a: {  	_ =	shalt  }
0x4b: {  	_ =	shalt  }
0x4c: {  	_ =	shalt  }
0x4d: {  	_ =	shalt  }
0x4e: {  	_ =	shalt  }
0x4f: {  	_ =	shalt  }
0x50: {  	_ =	shalt  }
0x51: {  	_ =	shalt  }
0x52: {  	_ =	shalt  }
0x53: {  	_ =	shalt  }
0x54: {  	_ =	shalt  }
0x55: {  	_ =	shalt  }
0x56: {  	_ =	shalt  }
0x57: {  	_ =	shalt  }
0x58: {  	_ =	shalt  }
0x59: {  	_ =	shalt  }
0x5a: {  	_ =	shalt  }
0x5b: {  	_ =	shalt  }
0x5c: {  	_ =	shalt  }
0x5d: {  	_ =	shalt  }
0x5e: {  	_ =	shalt  }
0x5f: {  	_ =	shalt  }
0x60: {  	_ =	shalt  }
0x61: {  	_ =	shalt  }
0x62: {  	_ =	shalt  }
0x63: {  	_ =	shalt  }
0x64: {  	_ =	shalt  }
0x65: {  	_ =	shalt  }
0x66: {  	_ =	shalt  }
0x67: {  	_ =	shalt  }
0x68: {  	_ =	shalt  }
0x69: {  	_ =	shalt  }
0x6a: {  	_ =	shalt  }
0x6b: {  	_ =	shalt  }
0x6c: {  	_ =	shalt  }
0x6d: {  	_ =	shalt  }
0x6e: {  	_ =	shalt  }
0x6f: {  	_ =	shalt  }
0x70: {  	_ =	shalt  }
0x71: {  	_ =	shalt  }
0x72: {  	_ =	shalt  }
0x73: {  	_ =	shalt  }
0x74: {  	_ =	shalt  }
0x75: {  	_ =	shalt  }
0x76: {  	_ =	shalt  }
0x77: {  	_ =	shalt  }
0x78: {  	_ =	shalt  }
0x79: {  	_ =	shalt  }
0x7a: {  	_ =	shalt  }
0x7b: {  	_ =	shalt  }
0x7c: {  	_ =	shalt  }
0x7d: {  	_ =	shalt  }
0x7e: {  	_ =	shalt  }
0x7f: {  	_ =	shalt  }
0x80: {  	_ =	shalt  }
0x81: {  	_ =	shalt  }
0x82: {  	_ =	shalt  }
0x83: {  	_ =	shalt  }
0x84: {  	_ =	shalt  }
0x85: {  	_ =	shalt  }
0x86: {  	_ =	shalt  }
0x87: {  	_ =	shalt  }
.Lfunc_end0:
.L_simem_size_0:
called_computation.2_lowered:
.L_overlay_start_0:
0x88: {  	s2 =	sld [smem:$0x3FD9]  }
0x89: {  	s3 =	sld [smem:$0x3FFE];
	_ =	sdelay $0x1  }
0x8a: {  	s1 =	srdreg.scid  }
0x8b: {  	s0 =	sand.u32 $0x1, s1  }
0x8c: {  	s17 =	sshll.u32 s0, $0xA;
	s2 =	sadd.s32 s3, s2  }
0x8d: {  	s2 =	sadd.s32 s2, s17  }
0x8e: {  	[smem:$0x3FBD] =	sst s2  }
0x8f: {  	_ = 	snop  }
0x90: {  	s2 =	sld [smem:$0x3FD0];
	(tm) =	ssettm $0x1  }
0x91: {  	s18 =	sld [smem:$0x3FFB];
	_ =	sdelay $0x3  }
0x92: {  	_ =	strace s18  }
0x93: {  	s3 =	sld [smem:$0x3FFC];
	_ =	sdelay $0x3  }
0x94: {  	_ =	strace s3  }
0x95: {  	s3 =	sld [smem:$0x3FFD];
	_ =	sdelay $0x3  }
0x96: {  	_ =	strace s3  }
0x97: {  	_ =	strace $0x8FFFFFFF  }
0x98: {  	s19 =	sld [smem:$0x3FDB];
	_ =	sdelay $0x1  }
0x99: {  	s4 =	simm.s32 $_scs_section_size  }
0x9a: {  	s5 =	simm.s32 $_size__tile_overlayer_lowered;
	s6 =	simm.s32 $_tile_overlayer_lowered  }
0x9b: {  	s22 =	simm.s32 $0x1BFF;
	s21 =	sshll.u32 s6, $0x1;
	s3 =	sadd.s32 s4, s19  }
0x9c: {  	s7 =	simm.s32 $0x0;
	s20 =	sshll.u32 s5, $0x1;
	s5 =	sadd.s32 s21, s3  }
0x9d: {  	[timem:s7], [sflag:s22] =	dma.local [hbm:s5], s20  }
0x9e: {  	_ =	swait.ge [sflag:s22], s20  }
0x9f: {  	s4 =	ssub.s32 $0x0, s20;
	[sflag:s22] =	ssyncset.done $0x0  }
0xa0: {  	[sflag:s22] =	ssyncadd.s32 s4;
	_ =	sdelay $0x1  }
0xa1: {  	s23 =	simm.s32 $0x1B8B  }
0xa2: {  	_ =	swait.ge [sflag:s23], $0x1  }
0xa3: {  	[sflag:s23] =	ssyncset.done $0x0  }
0xa4: {  	s25 =	simm.s32 $0x1B8E;
	s24 =	sld [smem:$0x3FFE];
	[sflag:s23] =	ssyncadd.s32 $0xFFFFFFFF  }
0xa5: {  	s26 =	simm.s32 $execute0_lowered;
	[smem:$0x3FD2] =	sst s25  }
0xa6: {  	s5 =	sshll.u32 s26, $0x1;
	_ =	strace $0x8000004C;
	[dreg:$0x1] =	wrdreg $0xFFFFFFFF  }
0xa7: {  	s28 =	simm.s32 $_size_execute0_lowered;
	s3 =	sadd.s32 s3, s5;
	[dreg:$0x0] =	wrdreg $0x0  }
0xa8: {  	s5 =	sshll.u32 s28, $0x1;
	[dreg:$0x2] =	wrdreg s3  }
0xa9: {  	[dreg:$0x3] =	wrdreg s5  }
0xaa: {  	[dreg:$0x4] =	wrdreg $0xC0  }
0xab: {  	_ =	task [dreg:s7], $0x5FFFF  }
0xac: {  	[dreg:$0x1] =	wrdreg $0xFFFFFFFF  }
0xad: {  	[dreg:$0x0] =	wrdreg $0x60  }
0xae: {  	[dreg:$0x2] =	wrdreg s2  }
0xaf: {  	[dreg:$0x3] =	wrdreg s24  }
0xb0: {  	[dreg:$0x4] =	wrdreg $0x21800  }
0xb1: {  	[dreg:$0x5] =	wrdreg $0x9  }
0xb2: {  	_ =	task.clear_ibuf [dreg:s7], $0x6FFFF;
	_ =	strace $0x9000004C  }
0xb3: {  	s29 =	simm.s32 $0x9;
	_ =	strace $0x8000004E  }
0xb4: {  	_ =	swait.ge [sflag:s29], $0x1  }
0xb5: {  	[sflag:s29] =	ssyncadd.s32 $0xFFFFFFFF  }
0xb6: {  	_ =	strace $0x9000004E  }
0xb7: {  	_ =	sfence  }
0xb8: {  	s30 =	sld [smem:$0x0];
	_ =	sdelay $0x2  }
0xb9: {  	s31 =	sshll.u32 s1, $0xD;
	s1 =	sshrl.u32 s1, $0x2  }
0xba: {  	s3 =	sand.u32 $0x4000, s31;
	s1 =	sadd.s32 s1, s30  }
0xbb: {  	s0 =	sor.u32 s3, s0;
	s1 =	sshll.u32 s1, $0x11  }
0xbc: {  	s0 =	sor.u32 s1, s0  }
0xbd: {  	s0 =	sadd.s32 $0x8F2B, s0  }
0xbe: {  	[sflag:s0] =	ssyncadd.remote.s32 $0x1  }
0xbf: {  	_ =	sfence.sel $0xFFFF  }
0xc0: {  	[dreg:$0x0] =	wrdreg $0xFFFFFFFF;
	(pc) =	sbr.abs _section_cstart, $3  }
0xc1: {  	[dreg:$0x1] =	wrdreg $0xFFFFFFFF  }
0xc2: {  	_ =	task.clear_ibuf [dreg:s7], $0x2FFFF;
	_ =	strace $0x9FFFFFFF  }
0xc3: {  	(tm) =	ssettm $0x7FFFFFFF  }
tec
execute0_lowered:
.L_overlay_start_1:
0x0: {  	(tag) =	ssettag $0x1  }
0x1: {  	s1 =	rddreg [dreg:$0x0]  }
0x2: {  	s11 =	rddreg [dreg:$0x1]  }
0x3: {  	s3 =	rddreg [dreg:$0x2];
	s2 =	stileid.u32  }
0x4: {  	s0 =	rddreg [dreg:$0x3];
	s4 =	simm.s32 $0x0;
	s6 =	smul.u32 $0x1870, s2  }
0x5: {  	s5 =	srdreg.scid;
	s16 =	simm.s32 $0x2;
	s10 =	smul.u32 $0x18800, s2  }
0x6: {  	s24 =	simm.s32 $0x180;
	s25 =	simm.s32 $0x1;
	s8 =	smul.u32 $0x62000, s2  }
0x7: {  	[smem:$0x7FF] =	sst s4;
	s19 =	sand.u32 $0x1, s5;
	s9 =	smul.u32 $0x18600, s2  }
0x8: {  	s5 =	sadd.s32 $0x1CC00, s11;
	s12 =	sadd.s32 $0x280400, s11;
	s15 =	smul.u32 $0x61800, s2  }
0x9: {  	s29 =	sshll.u32 s2, $0x6;
	s21 =	sadd.s32 $0x16DA00, s3;
	s23 =	sadd.s32 $0x16F800, s3  }
0xa: {  	_ =	strace $0x8000004D;
	s7 =	ssub.s32 $0x2, s19;
	p0 =	seq.s32 s19, $0x0  }
0xb: {  	s28 =	smul.u32 $0x61C0, s19;
	p3 =	sne.s32 s19, $0x0;
	s14 =	sadd.s32 s6, s11  }
0xc: {  	s26 =	sshrl.u32 s7, $0x1;
	s6 =	sadd.s32 s10, s3;
	s8 =	sshrl.u32 s8, $0x2  }
0xd: {  	s9 =	sshrl.u32 s9, $0x3;
	s31 =	sshrl.u32 s15, $0x2;
	s10 =	sshrl.u32 s10, $0x3  }
0xe: {  	p1 =	seq.s32 @p3 s2, $0xF;
	p4 =	seq.s32 @!p3 s2, $0xF;
	s13 =	ssub.s32 s7, s26  }
0xf: {  	s7 =	sor.u32 $0x1C02, s29;
	s8 =	sadd.s32 s8, s3;
	s26 =	simm.s32 $0x61C0  }
0x10: {  	s30 =	sadd.s32 s12, s9;
	s22 =	sadd.s32 s31, s3;
	s9 =	sadd.s32 $0x2DED40, s11  }
0x11: {  	s10 =	sadd.s32 s12, s10;
	s11 =	sadd.s32 $0x2AE300, s11;
	s15 =	sshrl.u32 s6, $0x3  }
0x12: {  	p2 =	por !p4, p3;
	v0 =	vmov s28;
	s28 =	simm.s32 $0x0;
	s17 =	sadd.s32 $0x6200, s8  }
0x13: {  	s18 =	sadd.s32 $0xC400, s8;
	s20 =	sadd.s32 $0x12600, s8;
	s26 =	simm.s32 @!p0 $0x6190  }
0x14: {  	s8 =	sadd.s32 $0x30E00, s30;
	s12 =	smax.u32 s13, $0x1;
	s13 =	sadd.s32 $0x4200, s14  }
0x15: {  	s14 =	sadd.s32 $0x1DA00, s14;
	p0 =	por !p1, !p3;
	p1 =	por p1, !p3  }
0x16: {  	s23 =	sshrl.u32 @!p2 s23, $0x3;
	p3 =	por p4, p3;
	s17 =	sshrl.u32 s17, $0x3  }
0x17: {  	s18 =	sshrl.u32 s18, $0x3;
	s19 =	sshrl.u32 s20, $0x3;
	s20 =	simm.s32 $0x80  }
0x18: {  	s21 =	sshrl.u32 @!p0 s21, $0x3;
	s22 =	sshrl.u32 @!p1 s22, $0x3;
	v1 =	vmov s26;
	s26 =	simm.s32 $0x100  }
.LBB2_1:
0x19: {  	[spmem:s15], [sflag:s7] =	dma.local [hbm:s5], $0xC40  }
0x1a: {  	_ =	swait.ge [sflag:s16], $0xC40  }
0x1b: {  	[sflag:s16] =	ssyncset.done $0x0  }
0x1c: {  	[sflag:s16] =	ssyncadd.s32 $0xFFFFF3C0  }
0x1d: {  	[spmem:s17], [sflag:s7] =	dma.local [hbm:s5], $0xC40  }
0x1e: {  	_ =	swait.ge [sflag:s16], $0xC40  }
0x1f: {  	[sflag:s16] =	ssyncset.done $0x0  }
0x20: {  	[sflag:s16] =	ssyncadd.s32 $0xFFFFF3C0  }
0x21: {  	[spmem:s18], [sflag:s7] =	dma.local [hbm:s5], $0xC40  }
0x22: {  	_ =	swait.ge [sflag:s16], $0xC40  }
0x23: {  	[sflag:s16] =	ssyncset.done $0x0  }
0x24: {  	[sflag:s16] =	ssyncadd.s32 $0xFFFFF3C0  }
0x25: {  	[spmem:s19], [sflag:s7] =	dma.local [hbm:s5], $0xC40  }
0x26: {  	_ =	swait.ge [sflag:s16], $0xC40  }
0x27: {  	[sflag:s16] =	ssyncset.done $0x0  }
0x28: {  	[sflag:s16] =	ssyncadd.s32 $0xFFFFF3C0  }
0x29: {  	s29 =	sadd.s32 $0x0, s14;
	[bflag:$0x0] =	sbarrier.arrive $0xFFFF  }
0x2a: {  	[tilespmem:s20], [sflag:$0x2] =	stream.linear.gather [hbm4b:s29+s4], $0x80, $0x38;
	[tilespmem:$0x1A980] =	vst v63  }
0x2b: {  	_ =	swait.ge [sflag:s16], $0x80  }
0x2c: {  	[sflag:s16] =	ssyncset.done $0x0  }
0x2d: {  	[sflag:s16] =	ssyncadd.s32 $0xFFFFFF80  }
0x2e: {  	[tilespmem:s24], [sflag:$0x1] =	stream.indirect.gather [hbm4b:s1+s20], $0x40, s20, s20, $0xb8;
	[tilespmem:$0x1A980] =	vst v63  }
0x2f: {  	s29 =	sadd.s32 $0x0, s13  }
0x30: {  	[tilespmem:s4], [sflag:$0x2] =	stream.linear.gather [hbm4b:s29+s4], $0x80, $0x38;
	[tilespmem:$0x1A980] =	vst v63  }
0x31: {  	_ =	swait.ge [sflag:s16], $0x80  }
0x32: {  	[sflag:s16] =	ssyncset.done $0x0  }
0x33: {  	[sflag:s16] =	ssyncadd.s32 $0xFFFFFF80  }
0x34: {  	v2 =	vld [tilespmem:$0x70]  }
0x35: {  	v3 =	vld [tilespmem:$0x60]  }
0x36: {  	v4 =	vld [tilespmem:$0x20]  }
0x37: {  	v6 =	vld [tilespmem:$0x0]  }
0x38: {  	v5 =	vld [tilespmem:$0x10];
	_ =	sdelay $0x2  }
0x39: {  	v7 =	vsub.s32 v2, v0  }
0x3a: {  	v3 =	vsub.s32 v3, v0;
	v4 =	vsub.s32 v4, v0;
	v6 =	vsub.s32 v6, v0  }
0x3b: {  	v8 =	vld [tilespmem:$0x40];
	v2 =	vsub.s32 v5, v0;
	vm0 =	vgt.s32 v7, $0xFFFFFFFF;
	vm1 =	vlt.s32 v7, v1  }
0x3c: {  	vm2 =	vgt.s32 v3, $0xFFFFFFFF;
	vm3 =	vlt.s32 v3, v1;
	vm4 =	vgt.s32 v4, $0xFFFFFFFF  }
0x3d: {  	vm2 =	vmand vm2, vm3;
	vm0 =	vmand vm0, vm1;
	vm1 =	vgt.s32 v6, $0xFFFFFFFF  }
0x3e: {  	v9 =	vld [tilespmem:$0x30];
	vm3 =	vlt.s32 v4, v1;
	v7 =	vnsel vm0, $0x61C0, v7;
	vm0 =	vlt.s32 v6, v1  }
0x3f: {  	v5 =	vnsel vm2, $0x61C0, v3;
	vm0 =	vmand vm1, vm0;
	vm1 =	vmand vm4, vm3  }
0x40: {  	v3 =	vsub.s32 v8, v0;
	v8 =	vnsel vm0, $0x61C0, v6;
	v6 =	vnsel vm1, $0x61C0, v4;
	v4 =	vld [tilespmem:$0x50];
	_ =	sdelay $0x1  }
0x41: {  	vm2 =	vgt.s32 v2, $0xFFFFFFFF;
	vm4 =	vgt.s32 v3, $0xFFFFFFFF;
	[tilespmem:$0x160] =	vst v5;
	vm0 =	vlt.s32 v2, v1  }
0x42: {  	[tilespmem:$0x170] =	vst v7;
	v5 =	vsub.s32 v9, v0;
	vm1 =	vmand vm2, vm0;
	vm0 =	vlt.s32 v3, v1  }
0x43: {  	s29 =	simm.s32 $0x10;
	vm3 =	vlt.s32 v5, v1;
	[tilespmem:$0x100] =	vst v8;
	vm2 =	vgt.s32 v5, $0xFFFFFFFF;
	vm0 =	vmand vm4, vm0  }
.LBB2_2:
0x44: {  	p4 =	sne.s32 s29, $0x1860;
	v2 =	vnsel vm1, $0x61C0, v2;
	[tilespmem:$0x120] =	vst v6;
	vm1 =	vmand vm2, vm3;
	v4 =	vsub.s32 v4, v0;
	s30 =	smov.u32 s29;
	s29 =	sadd.s32 $0x10, s29  }
0x45: {  	v3 =	vnsel vm0, $0x61C0, v3;
	[tilespmem:$0x110] =	vst v2;
	v2 =	vnsel vm1, $0x61C0, v5;
	vm0 =	vgt.s32 v4, $0xFFFFFFFF  }
0x46: {  	vm1 =	vlt.s32 v4, v1;
	[tilespmem:$0x130] =	vst v2  }
0x47: {  	vm0 =	vmand vm0, vm1  }
0x48: {  	v2 =	vnsel vm0, $0x61C0, v4;
	[tilespmem:$0x140] =	vst v3  }
0x49: {  	[tilespmem:$0x150] =	vst v2  }
0x4a: {  	_ =	swait.ge [sflag:s25], $0x2000  }
0x4b: {  	[sflag:s25] =	ssyncset.done $0x0  }
0x4c: {  	[sflag:s25] =	ssyncadd.s32 $0xFFFFE000  }
0x4d: {  	[spmem:s3] =	stream.indirect.scatter.add.f32 [tilespmem:s24], [sflag:$0x2], $0x40, s26, s20, $0xb8;
	[tilespmem:$0x1A980] =	vst v63  }
0x4e: {  	_ =	swait.ge [sflag:s16], $0x2000  }
0x4f: {  	[sflag:s16] =	ssyncset.done $0x0  }
0x50: {  	s31 =	sadd.s32 s30, s14;
	[sflag:s16] =	ssyncadd.s32 $0xFFFFE000  }
0x51: {  	[tilespmem:s20], [sflag:$0x2] =	stream.linear.gather [hbm4b:s31+s4], $0x80, $0x38;
	[tilespmem:$0x1A980] =	vst v63  }
0x52: {  	_ =	swait.ge [sflag:s16], $0x80  }
0x53: {  	[sflag:s16] =	ssyncset.done $0x0  }
0x54: {  	[sflag:s16] =	ssyncadd.s32 $0xFFFFFF80  }
0x55: {  	[tilespmem:s24], [sflag:$0x1] =	stream.indirect.gather [hbm4b:s1+s20], $0x40, s20, s20, $0xb8;
	[tilespmem:$0x1A980] =	vst v63  }
0x56: {  	s30 =	sadd.s32 s30, s13  }
0x57: {  	[tilespmem:s4], [sflag:$0x2] =	stream.linear.gather [hbm4b:s30+s4], $0x80, $0x38;
	[tilespmem:$0x1A980] =	vst v63  }
0x58: {  	_ =	swait.ge [sflag:s16], $0x80  }
0x59: {  	[sflag:s16] =	ssyncset.done $0x0  }
0x5a: {  	[sflag:s16] =	ssyncadd.s32 $0xFFFFFF80  }
0x5b: {  	v2 =	vld [tilespmem:$0x70]  }
0x5c: {  	v3 =	vld [tilespmem:$0x60]  }
0x5d: {  	v4 =	vld [tilespmem:$0x20]  }
0x5e: {  	v5 =	vld [tilespmem:$0x10]  }
0x5f: {  	v6 =	vld [tilespmem:$0x0]  }
0x60: {  	v7 =	vld [tilespmem:$0x30];
	v8 =	vsub.s32 v2, v0  }
0x61: {  	v9 =	vld [tilespmem:$0x40];
	v3 =	vsub.s32 v3, v0;
	vm0 =	vgt.s32 v8, $0xFFFFFFFF;
	vm1 =	vlt.s32 v8, v1  }
0x62: {  	v10 =	vsub.s32 v4, v0;
	v4 =	vld [tilespmem:$0x50];
	vm2 =	vgt.s32 v3, $0xFFFFFFFF;
	vm3 =	vlt.s32 v3, v1  }
0x63: {  	vm0 =	vmand vm0, vm1;
	vm4 =	vgt.s32 v10, $0xFFFFFFFF;
	vm2 =	vmand vm2, vm3  }
0x64: {  	v2 =	vsub.s32 v5, v0;
	v6 =	vsub.s32 v6, v0;
	v3 =	vnsel vm2, $0x61C0, v3  }
0x65: {  	v5 =	vnsel vm0, $0x61C0, v8;
	vm2 =	vgt.s32 v2, $0xFFFFFFFF;
	vm1 =	vgt.s32 v6, $0xFFFFFFFF;
	[tilespmem:$0x160] =	vst v3  }
.Ltmp0:
0x66: {  	vm3 =	vlt.s32 v10, v1;
	vm0 =	vlt.s32 v6, v1;
	v3 =	vsub.s32 v9, v0;
	[tilespmem:$0x170] =	vst v5;
	(pc) =	sbr.rel @p4 .LBB2_2-.Ltmp0, $4  }
0x67: {  	vm0 =	vmand vm1, vm0;
	vm1 =	vmand vm4, vm3;
	vm4 =	vgt.s32 v3, $0xFFFFFFFF  }
0x68: {  	v8 =	vnsel vm0, $0x61C0, v6;
	vm0 =	vlt.s32 v2, v1;
	v6 =	vnsel vm1, $0x61C0, v10  }
0x69: {  	v5 =	vsub.s32 v7, v0;
	vm1 =	vmand vm2, vm0;
	vm0 =	vlt.s32 v3, v1  }
0x6a: {  	vm3 =	vlt.s32 v5, v1;
	vm2 =	vgt.s32 v5, $0xFFFFFFFF;
	vm0 =	vmand vm4, vm0;
	[tilespmem:$0x100] =	vst v8  }
0x6b: {  	v2 =	vnsel vm1, $0x61C0, v2;
	[tilespmem:$0x120] =	vst v6;
	vm12 =	vmand vm2, vm3;
	v4 =	vsub.s32 v4, v0  }
0x6c: {  	v3 =	vnsel vm0, $0x61C0, v3;
	[tilespmem:$0x110] =	vst v2;
	vm13 =	vgt.s32 v4, $0xFFFFFFFF;
	vm14 =	vlt.s32 v4, v1  }
0x6d: {  	v2 =	vnsel vm12, $0x61C0, v5;
	[tilespmem:$0x140] =	vst v3;
	vm15 =	vmand vm13, vm14  }
0x6e: {  	[tilespmem:$0x130] =	vst v2;
	v2 =	vnsel vm15, $0x61C0, v4  }
0x6f: {  	[tilespmem:$0x150] =	vst v2  }
0x70: {  	_ =	swait.ge [sflag:s25], $0x2000  }
0x71: {  	[sflag:s25] =	ssyncset.done $0x0  }
0x72: {  	[sflag:s25] =	ssyncadd.s32 $0xFFFFE000  }
0x73: {  	[spmem:s3] =	stream.indirect.scatter.add.f32 [tilespmem:s24], [sflag:$0x2], $0x40, s26, s20, $0xb8;
	[tilespmem:$0x1A980] =	vst v63  }
0x74: {  	_ =	swait.ge [sflag:s16], $0x2000  }
0x75: {  	[sflag:s16] =	ssyncset.done $0x0  }
0x76: {  	[sflag:s16] =	ssyncadd.s32 $0xFFFFE000  }
0x77: {  	s29 =	simm.s32 @!p0 $0x2;
	[bflag:$0x0] =	sbarrier.arrive $0xFFFF  }
0x78: {  	[hbm:s9], [sflag:s7] =	dma.local @!p0 [spmem:s21], $0x3140  }
0x79: {  	_ =	swait.ge @!p0 [sflag:s29], $0x3140  }
0x7a: {  	[sflag:s29] =	ssyncset.done @!p0 $0x0  }
0x7b: {  	[sflag:s29] =	ssyncadd.s32 @!p0 $0xFFFFCEC0;
	s29 =	simm.s32 @!p1 $0x2  }
0x7c: {  	[hbm:s8], [sflag:s7] =	dma.local @!p1 [spmem:s22], $0x30C0  }
0x7d: {  	_ =	swait.ge @!p1 [sflag:s29], $0x30C0  }
0x7e: {  	[sflag:s29] =	ssyncset.done @!p1 $0x0  }
0x7f: {  	[sflag:s29] =	ssyncadd.s32 @!p1 $0xFFFFCF40;
	s29 =	simm.s32 @!p2 $0x2  }
0x80: {  	[hbm:s11], [sflag:s7] =	dma.local @!p2 [spmem:s23], $0x2F00  }
0x81: {  	_ =	swait.ge @!p2 [sflag:s29], $0x2F00  }
0x82: {  	s28 =	sadd.s32 $0x1, s28;
	[sflag:s29] =	ssyncset.done @!p2 $0x0  }
0x83: {  	p4 =	sne.s32 s28, s12;
	[sflag:s29] =	ssyncadd.s32 @!p2 $0xFFFFD100;
	s29 =	sshrl.u32 @!p3 s6, $0x3  }
0x84: {  	[hbm:s10], [sflag:s7] =	dma.local @!p3 [spmem:s29], $0x3100  }
.Ltmp1:
0x85: {  	_ = 	snop;
	(pc) =	sbr.rel @p4 .LBB2_1-.Ltmp1, $4  }
0x86: {  	s29 =	simm.s32 @!p3 $0x2  }
0x87: {  	_ =	swait.ge @!p3 [sflag:s29], $0x3100  }
0x88: {  	[sflag:s29] =	ssyncset.done @!p3 $0x0  }
0x89: {  	[sflag:s29] =	ssyncadd.s32 @!p3 $0xFFFFCF00  }
0x8a: {  	_ =	sfence.sel $0x180000  }
0x8b: {  	[bflag:$0x0] =	sbarrier.arrive $0xFFFF  }
0x8c: {  	p0 =	sne.s32 s2, $0x0;
	_ =	strace $0x9000004D  }
0x8d: {  	s0 =	sadd.s32 @!p0 $0x100000, s0;
	[bflag:$0x2] =	sbarrier.arrive $0xFFFF  }
0x8e: {  	[sflag:s0] =	ssyncadd.tile.s32 @!p0 $0x1;
	_ =	shalt  }
.Lfunc_end2:
_tile_overlayer_lowered:
.L_overlay_start_2:
0x8f: {  	(tag) =	ssettag $0x2  }
0x90: {  	s0 =	rddreg [dreg:$0x0];
	s2 =	stileid.u32  }
0x91: {  	s1 =	rddreg [dreg:$0x1];
	p0 =	sne.s32 s2, $0x0  }
0x92: {  	s3 =	rddreg [dreg:$0x2];
	[bflag:$0x3] =	sbarrier.arrive $0xFFFF;
	s2 =	simm.s32 @!p0 $0x1C02  }
0x93: {  	[timem:s3], [sflag:s2] =	dma.local @!p0 [hbm:s0], s1  }
0x94: {  	s0 =	simm.s32 @!p0 $0x2  }
0x95: {  	_ =	swait.ge @!p0 [sflag:s0], s1  }
0x96: {  	s1 =	ssub.s32 @!p0 $0x0, s1;
	[sflag:s0] =	ssyncset.done @!p0 $0x0  }
0x97: {  	[sflag:s0] =	ssyncadd.s32 @!p0 s1  }
0x98: {  	[bflag:$0x3] =	sbarrier.arrive $0xFFFF  }
0x99: {  	_ =	shalt  }

// kernel: kernel.22.cloned.1.call-start
scs
__scs_entry_jumppad:
0x0: {  	(pc) =	sbr.rel $0x88, $3  }
0x1: {  	(tag) =	ssettag $0x0;
	lr =	simm.s32 $0x1  }
0x2: {  	[smem:$0x3F96] =	sst lr;
	_ =	strace $0xD0000000  }
0x3: {  	_ = 	snop  }
0x4: {  	_ = 	snop  }
0x5: {  	_ = 	snop  }
0x6: {  	_ = 	snop  }
0x7: {  	_ = 	snop  }
__scs_overlays_trampoline_lowered:
0x8: {  	[smem:$0x3FA5] =	sst s0  }
0x9: {  	[smem:$0x3FA6] =	sst s1  }
0xa: {  	[smem:$0x3FA7] =	sst s2  }
0xb: {  	[smem:$0x3FA8] =	sst s3  }
0xc: {  	[smem:$0x3FA9] =	sst s4  }
0xd: {  	[smem:$0x3FAA] =	sst s5  }
0xe: {  	[smem:$0x3FAB] =	sst s6  }
0xf: {  	[smem:$0x3FAC] =	sst s7  }
0x10: {  	[smem:$0x3FAD] =	sst s8  }
0x11: {  	[smem:$0x3FAE] =	sst s9;
	s0 =	simm.s32 @!p0 $0x0  }
0x12: {  	s1 =	sld [smem:$0x3F94];
	s0 =	simm.s32 @p0 $0x1  }
0x13: {  	[smem:$0x3FAF] =	sst s0;
	s0 =	simm.s32 @!p1 $0x0  }
0x14: {  	s2 =	sld [smem:$0x3F93];
	s0 =	simm.s32 @p1 $0x1  }
0x15: {  	[smem:$0x3FB0] =	sst s0;
	s0 =	simm.s32 @!p2 $0x0  }
0x16: {  	s3 =	sld [smem:$0x3FDB];
	s0 =	simm.s32 @p2 $0x1  }
0x17: {  	s4 =	simm.s32 $0x1BF5;
	[smem:$0x3FB2] =	sst s0  }
0x18: {  	s0 =	sld [smem:$0x3F95];
	_ =	swait.ge [sflag:s4], $0x0  }
0x19: {  	s7 =	sld [smem:$0x3F96]  }
0x1a: {  	s8 =	sadd.s32 $0xFFFFE003, lr  }
0x1b: {  	s9 =	sadd.s32 $0xFFFFFEF7, lr;
	s5 =	simm.s32 $0xFFFFFFFF;
	p2 =	slt.u32 s8, $0xFFFFF086  }
0x1c: {  	p1 =	slt.u32 s9, $0xF7A;
	s5 =	simm.s32 @!p2 $0x0  }
0x1d: {  	s5 =	simm.s32 @p1 $0x1;
	p0 =	seq.s32 s7, s2  }
0x1e: {  	s7 =	smul.u32 @!p0 $0xF7A, s2;
	p2 =	seq.s32 @!p0 s5, $0x0  }
0x1f: {  	s9 =	smul.u32 $0xF7A, s1;
	s8 =	simm.s32 @!p0 $0x1BF5;
	p2 =	por !p2, p0  }
0x20: {  	[sflag:s8] =	ssyncset.s32 @!p0 $0xFFFFF086;
	s6 =	sadd.s32 @!p0 s3, s7;
	s7 =	simm.s32 @!p0 $0x108  }
0x21: {  	s3 =	sadd.s32 s3, s9;
	s6 =	sadd.s32 @!p0 $0x88, s6;
	s7 =	simm.s32 @p2 $0x1082  }
0x22: {  	[simem:s7], [sflag:s8] =	dma.local @!p0 [hbm:s6], $0xF7A  }
0x23: {  	s9 =	sor.u32 $0xD0000000, s2;
	s6 =	simm.s32 $0x108;
	_ =	swait.ge @!p0 [sflag:s8], $0x0  }
0x24: {  	s3 =	sadd.s32 $0x88, s3;
	s6 =	simm.s32 @!p1 $0x1082;
	[sflag:s4] =	ssyncset.s32 $0xFFFFF086  }
0x25: {  	[simem:s6], [sflag:s4] =	dma.local [hbm:s3], $0xF7A  }
0x26: {  	[smem:$0x3F96] =	sst s1;
	(tag) =	ssettag s2;
	_ =	strace s9  }
0x27: {  	s1 =	sld [smem:$0x3FA6]  }
0x28: {  	s2 =	sld [smem:$0x3FA7]  }
0x29: {  	s4 =	sld [smem:$0x3FA9]  }
0x2a: {  	p0 =	seq.s32 s5, $0x0;
	s5 =	sld [smem:$0x3FAA]  }
0x2b: {  	s6 =	sld [smem:$0x3FAB]  }
0x2c: {  	s7 =	sld [smem:$0x3FAC]  }
0x2d: {  	s3 =	simm.s32 $0x108;
	s8 =	sld [smem:$0x3FAD]  }
0x2e: {  	s3 =	simm.s32 @!p0 $0x1082;
	s9 =	sld [smem:$0x3FAE]  }
0x2f: {  	lr =	sadd.s32 s0, s3;
	s0 =	sld [smem:$0x3FA5]  }
0x30: {  	s3 =	sld [smem:$0x3FA8]  }
0x31: {  	[smem:$0x3FB1] =	sst s10  }
0x32: {  	s10 =	sld [smem:$0x3FAF];
	_ =	sdelay $0x3  }
0x33: {  	p0 =	seq.s32 s10, $0x1;
	s10 =	sld [smem:$0x3FB1];
	_ =	sdelay $0x3  }
0x34: {  	[smem:$0x3FB1] =	sst s10  }
0x35: {  	s10 =	sld [smem:$0x3FB0];
	_ =	sdelay $0x3  }
0x36: {  	p1 =	seq.s32 s10, $0x1;
	s10 =	sld [smem:$0x3FB1];
	_ =	sdelay $0x3  }
0x37: {  	[smem:$0x3FB1] =	sst s10  }
0x38: {  	s10 =	sld [smem:$0x3FB2]  }
0x39: {  	_ = 	snop;
	(pc) =	sbr.ind lr, $3  }
0x3a: {  	_ = 	snop  }
0x3b: {  	_ = 	snop  }
0x3c: {  	p2 =	seq.s32 s10, $0x1;
	s10 =	sld [smem:$0x3FB1]  }
0x3d: {  	_ =	shalt  }
0x3e: {  	_ =	shalt  }
0x3f: {  	_ =	shalt  }
0x40: {  	_ =	shalt  }
0x41: {  	_ =	shalt  }
0x42: {  	_ =	shalt  }
0x43: {  	_ =	shalt  }
0x44: {  	_ =	shalt  }
0x45: {  	_ =	shalt  }
0x46: {  	_ =	shalt  }
0x47: {  	_ =	shalt  }
0x48: {  	_ =	shalt  }
0x49: {  	_ =	shalt  }
0x4a: {  	_ =	shalt  }
0x4b: {  	_ =	shalt  }
0x4c: {  	_ =	shalt  }
0x4d: {  	_ =	shalt  }
0x4e: {  	_ =	shalt  }
0x4f: {  	_ =	shalt  }
0x50: {  	_ =	shalt  }
0x51: {  	_ =	shalt  }
0x52: {  	_ =	shalt  }
0x53: {  	_ =	shalt  }
0x54: {  	_ =	shalt  }
0x55: {  	_ =	shalt  }
0x56: {  	_ =	shalt  }
0x57: {  	_ =	shalt  }
0x58: {  	_ =	shalt  }
0x59: {  	_ =	shalt  }
0x5a: {  	_ =	shalt  }
0x5b: {  	_ =	shalt  }
0x5c: {  	_ =	shalt  }
0x5d: {  	_ =	shalt  }
0x5e: {  	_ =	shalt  }
0x5f: {  	_ =	shalt  }
0x60: {  	_ =	shalt  }
0x61: {  	_ =	shalt  }
0x62: {  	_ =	shalt  }
0x63: {  	_ =	shalt  }
0x64: {  	_ =	shalt  }
0x65: {  	_ =	shalt  }
0x66: {  	_ =	shalt  }
0x67: {  	_ =	shalt  }
0x68: {  	_ =	shalt  }
0x69: {  	_ =	shalt  }
0x6a: {  	_ =	shalt  }
0x6b: {  	_ =	shalt  }
0x6c: {  	_ =	shalt  }
0x6d: {  	_ =	shalt  }
0x6e: {  	_ =	shalt  }
0x6f: {  	_ =	shalt  }
0x70: {  	_ =	shalt  }
0x71: {  	_ =	shalt  }
0x72: {  	_ =	shalt  }
0x73: {  	_ =	shalt  }
0x74: {  	_ =	shalt  }
0x75: {  	_ =	shalt  }
0x76: {  	_ =	shalt  }
0x77: {  	_ =	shalt  }
0x78: {  	_ =	shalt  }
0x79: {  	_ =	shalt  }
0x7a: {  	_ =	shalt  }
0x7b: {  	_ =	shalt  }
0x7c: {  	_ =	shalt  }
0x7d: {  	_ =	shalt  }
0x7e: {  	_ =	shalt  }
0x7f: {  	_ =	shalt  }
0x80: {  	_ =	shalt  }
0x81: {  	_ =	shalt  }
0x82: {  	_ =	shalt  }
0x83: {  	_ =	shalt  }
0x84: {  	_ =	shalt  }
0x85: {  	_ =	shalt  }
0x86: {  	_ =	shalt  }
0x87: {  	_ =	shalt  }
.Lfunc_end0:
.L_simem_size_0:
called_computation.3_lowered:
.L_overlay_start_0:
0x88: {  	s2 =	sld [smem:$0x3FD9]  }
0x89: {  	s3 =	sld [smem:$0x3FFE];
	_ =	sdelay $0x1  }
0x8a: {  	s1 =	srdreg.scid  }
0x8b: {  	s0 =	sand.u32 $0x1, s1  }
0x8c: {  	s17 =	sshll.u32 s0, $0xA;
	s2 =	sadd.s32 s3, s2  }
0x8d: {  	s2 =	sadd.s32 s2, s17  }
0x8e: {  	[smem:$0x3FBD] =	sst s2  }
0x8f: {  	_ = 	snop  }
0x90: {  	s2 =	sld [smem:$0x3FD0];
	(tm) =	ssettm $0x1  }
0x91: {  	s18 =	sld [smem:$0x3FFB];
	_ =	sdelay $0x3  }
0x92: {  	_ =	strace s18  }
0x93: {  	s3 =	sld [smem:$0x3FFC];
	_ =	sdelay $0x3  }
0x94: {  	_ =	strace s3  }
0x95: {  	s3 =	sld [smem:$0x3FFD];
	_ =	sdelay $0x3  }
0x96: {  	_ =	strace s3  }
0x97: {  	_ =	strace $0x8FFFFFFF  }
0x98: {  	s19 =	sld [smem:$0x3FDB];
	_ =	sdelay $0x1  }
0x99: {  	s4 =	simm.s32 $_scs_section_size  }
0x9a: {  	s5 =	simm.s32 $_size__tile_overlayer_lowered;
	s6 =	simm.s32 $_tile_overlayer_lowered  }
0x9b: {  	s22 =	simm.s32 $0x1BFF;
	s21 =	sshll.u32 s6, $0x1;
	s3 =	sadd.s32 s4, s19  }
0x9c: {  	s7 =	simm.s32 $0x0;
	s20 =	sshll.u32 s5, $0x1;
	s5 =	sadd.s32 s21, s3  }
0x9d: {  	[timem:s7], [sflag:s22] =	dma.local [hbm:s5], s20  }
0x9e: {  	_ =	swait.ge [sflag:s22], s20  }
0x9f: {  	s4 =	ssub.s32 $0x0, s20;
	[sflag:s22] =	ssyncset.done $0x0  }
0xa0: {  	[sflag:s22] =	ssyncadd.s32 s4;
	_ =	sdelay $0x1  }
0xa1: {  	s23 =	simm.s32 $0x1B8B  }
0xa2: {  	_ =	swait.ge [sflag:s23], $0x1  }
0xa3: {  	[sflag:s23] =	ssyncset.done $0x0  }
0xa4: {  	s25 =	simm.s32 $0x1B8E;
	s24 =	sld [smem:$0x3FFE];
	[sflag:s23] =	ssyncadd.s32 $0xFFFFFFFF  }
0xa5: {  	s26 =	simm.s32 $execute0_lowered;
	[smem:$0x3FD2] =	sst s25  }
0xa6: {  	s5 =	sshll.u32 s26, $0x1;
	_ =	strace $0x8000004F;
	[dreg:$0x1] =	wrdreg $0xFFFFFFFF  }
0xa7: {  	s28 =	simm.s32 $_size_execute0_lowered;
	s3 =	sadd.s32 s3, s5;
	[dreg:$0x0] =	wrdreg $0x0  }
0xa8: {  	s5 =	sshll.u32 s28, $0x1;
	[dreg:$0x2] =	wrdreg s3  }
0xa9: {  	[dreg:$0x3] =	wrdreg s5  }
0xaa: {  	[dreg:$0x4] =	wrdreg $0xC0  }
0xab: {  	_ =	task [dreg:s7], $0x5FFFF  }
0xac: {  	[dreg:$0x1] =	wrdreg $0xFFFFFFFF  }
0xad: {  	[dreg:$0x0] =	wrdreg $0x60  }
0xae: {  	[dreg:$0x2] =	wrdreg s2  }
0xaf: {  	[dreg:$0x3] =	wrdreg s24  }
0xb0: {  	[dreg:$0x4] =	wrdreg $0x21800  }
0xb1: {  	[dreg:$0x5] =	wrdreg $0x9  }
0xb2: {  	_ =	task.clear_ibuf [dreg:s7], $0x6FFFF;
	_ =	strace $0x9000004F  }
0xb3: {  	s29 =	simm.s32 $0x9;
	_ =	strace $0x80000051  }
0xb4: {  	_ =	swait.ge [sflag:s29], $0x1  }
0xb5: {  	[sflag:s29] =	ssyncadd.s32 $0xFFFFFFFF  }
0xb6: {  	_ =	strace $0x90000051  }
0xb7: {  	_ =	sfence  }
0xb8: {  	s30 =	sld [smem:$0x0];
	_ =	sdelay $0x2  }
0xb9: {  	s31 =	sshll.u32 s1, $0xD;
	s1 =	sshrl.u32 s1, $0x2  }
0xba: {  	s3 =	sand.u32 $0x4000, s31;
	s1 =	sadd.s32 s1, s30  }
0xbb: {  	s0 =	sor.u32 s3, s0;
	s1 =	sshll.u32 s1, $0x11  }
0xbc: {  	s0 =	sor.u32 s1, s0  }
0xbd: {  	s0 =	sadd.s32 $0x8F2B, s0  }
0xbe: {  	[sflag:s0] =	ssyncadd.remote.s32 $0x1  }
0xbf: {  	_ =	sfence.sel $0xFFFF  }
0xc0: {  	[dreg:$0x0] =	wrdreg $0xFFFFFFFF;
	(pc) =	sbr.abs _section_cstart, $3  }
0xc1: {  	[dreg:$0x1] =	wrdreg $0xFFFFFFFF  }
0xc2: {  	_ =	task.clear_ibuf [dreg:s7], $0x2FFFF;
	_ =	strace $0x9FFFFFFF  }
0xc3: {  	(tm) =	ssettm $0x7FFFFFFF  }
tec
execute0_lowered:
.L_overlay_start_1:
0x0: {  	(tag) =	ssettag $0x1  }
0x1: {  	s1 =	rddreg [dreg:$0x0]  }
0x2: {  	s11 =	rddreg [dreg:$0x1]  }
0x3: {  	s3 =	rddreg [dreg:$0x2];
	s2 =	stileid.u32  }
0x4: {  	s0 =	rddreg [dreg:$0x3];
	s4 =	simm.s32 $0x0;
	s6 =	smul.u32 $0x1870, s2  }
0x5: {  	s5 =	srdreg.scid;
	s16 =	simm.s32 $0x2;
	s10 =	smul.u32 $0x18800, s2  }
0x6: {  	s24 =	simm.s32 $0x180;
	s25 =	simm.s32 $0x1;
	s8 =	smul.u32 $0x62000, s2  }
0x7: {  	[smem:$0x7FF] =	sst s4;
	s19 =	sand.u32 $0x1, s5;
	s9 =	smul.u32 $0x18600, s2  }
0x8: {  	s5 =	sadd.s32 $0x1CC00, s11;
	s12 =	sadd.s32 $0x280400, s11;
	s15 =	smul.u32 $0x61800, s2  }
0x9: {  	s29 =	sshll.u32 s2, $0x6;
	s21 =	sadd.s32 $0x16DA00, s3;
	s23 =	sadd.s32 $0x16F800, s3  }
0xa: {  	_ =	strace $0x80000050;
	s7 =	ssub.s32 $0x2, s19;
	p0 =	seq.s32 s19, $0x0  }
0xb: {  	s28 =	smul.u32 $0x61C0, s19;
	p3 =	sne.s32 s19, $0x0;
	s14 =	sadd.s32 s6, s11  }
0xc: {  	s26 =	sshrl.u32 s7, $0x1;
	s6 =	sadd.s32 s10, s3;
	s8 =	sshrl.u32 s8, $0x2  }
0xd: {  	s9 =	sshrl.u32 s9, $0x3;
	s31 =	sshrl.u32 s15, $0x2;
	s10 =	sshrl.u32 s10, $0x3  }
0xe: {  	p1 =	seq.s32 @p3 s2, $0xF;
	p4 =	seq.s32 @!p3 s2, $0xF;
	s13 =	ssub.s32 s7, s26  }
0xf: {  	s7 =	sor.u32 $0x1C02, s29;
	s8 =	sadd.s32 s8, s3;
	s26 =	simm.s32 $0x61C0  }
0x10: {  	s30 =	sadd.s32 s12, s9;
	s22 =	sadd.s32 s31, s3;
	s9 =	sadd.s32 $0x2DED40, s11  }
0x11: {  	s10 =	sadd.s32 s12, s10;
	s11 =	sadd.s32 $0x2AE300, s11;
	s15 =	sshrl.u32 s6, $0x3  }
0x12: {  	p2 =	por !p4, p3;
	v0 =	vmov s28;
	s28 =	simm.s32 $0x0;
	s17 =	sadd.s32 $0x6200, s8  }
0x13: {  	s18 =	sadd.s32 $0xC400, s8;
	s20 =	sadd.s32 $0x12600, s8;
	s26 =	simm.s32 @!p0 $0x6190  }
0x14: {  	s8 =	sadd.s32 $0x30E00, s30;
	s12 =	smax.u32 s13, $0x1;
	s13 =	sadd.s32 $0x4200, s14  }
0x15: {  	s14 =	sadd.s32 $0x1DA00, s14;
	p0 =	por !p1, !p3;
	p1 =	por p1, !p3  }
0x16: {  	s23 =	sshrl.u32 @!p2 s23, $0x3;
	p3 =	por p4, p3;
	s17 =	sshrl.u32 s17, $0x3  }
0x17: {  	s18 =	sshrl.u32 s18, $0x3;
	s19 =	sshrl.u32 s20, $0x3;
	s20 =	simm.s32 $0x80  }
0x18: {  	s21 =	sshrl.u32 @!p0 s21, $0x3;
	s22 =	sshrl.u32 @!p1 s22, $0x3;
	v1 =	vmov s26;
	s26 =	simm.s32 $0x100  }
.LBB2_1:
0x19: {  	[spmem:s15], [sflag:s7] =	dma.local [hbm:s5], $0xC40  }
0x1a: {  	_ =	swait.ge [sflag:s16], $0xC40  }
0x1b: {  	[sflag:s16] =	ssyncset.done $0x0  }
0x1c: {  	[sflag:s16] =	ssyncadd.s32 $0xFFFFF3C0  }
0x1d: {  	[spmem:s17], [sflag:s7] =	dma.local [hbm:s5], $0xC40  }
0x1e: {  	_ =	swait.ge [sflag:s16], $0xC40  }
0x1f: {  	[sflag:s16] =	ssyncset.done $0x0  }
0x20: {  	[sflag:s16] =	ssyncadd.s32 $0xFFFFF3C0  }
0x21: {  	[spmem:s18], [sflag:s7] =	dma.local [hbm:s5], $0xC40  }
0x22: {  	_ =	swait.ge [sflag:s16], $0xC40  }
0x23: {  	[sflag:s16] =	ssyncset.done $0x0  }
0x24: {  	[sflag:s16] =	ssyncadd.s32 $0xFFFFF3C0  }
0x25: {  	[spmem:s19], [sflag:s7] =	dma.local [hbm:s5], $0xC40  }
0x26: {  	_ =	swait.ge [sflag:s16], $0xC40  }
0x27: {  	[sflag:s16] =	ssyncset.done $0x0  }
0x28: {  	[sflag:s16] =	ssyncadd.s32 $0xFFFFF3C0  }
0x29: {  	s29 =	sadd.s32 $0x0, s14;
	[bflag:$0x0] =	sbarrier.arrive $0xFFFF  }
0x2a: {  	[tilespmem:s20], [sflag:$0x2] =	stream.linear.gather [hbm4b:s29+s4], $0x80, $0x38;
	[tilespmem:$0x1A980] =	vst v63  }
0x2b: {  	_ =	swait.ge [sflag:s16], $0x80  }
0x2c: {  	[sflag:s16] =	ssyncset.done $0x0  }
0x2d: {  	[sflag:s16] =	ssyncadd.s32 $0xFFFFFF80  }
0x2e: {  	[tilespmem:s24], [sflag:$0x1] =	stream.indirect.gather [hbm4b:s1+s20], $0x40, s20, s20, $0xb8;
	[tilespmem:$0x1A980] =	vst v63  }
0x2f: {  	s29 =	sadd.s32 $0x0, s13  }
0x30: {  	[tilespmem:s4], [sflag:$0x2] =	stream.linear.gather [hbm4b:s29+s4], $0x80, $0x38;
	[tilespmem:$0x1A980] =	vst v63  }
0x31: {  	_ =	swait.ge [sflag:s16], $0x80  }
0x32: {  	[sflag:s16] =	ssyncset.done $0x0  }
0x33: {  	[sflag:s16] =	ssyncadd.s32 $0xFFFFFF80  }
0x34: {  	v2 =	vld [tilespmem:$0x70]  }
0x35: {  	v3 =	vld [tilespmem:$0x60]  }
0x36: {  	v4 =	vld [tilespmem:$0x20]  }
0x37: {  	v6 =	vld [tilespmem:$0x0]  }
0x38: {  	v5 =	vld [tilespmem:$0x10];
	_ =	sdelay $0x2  }
0x39: {  	v7 =	vsub.s32 v2, v0  }
0x3a: {  	v3 =	vsub.s32 v3, v0;
	v4 =	vsub.s32 v4, v0;
	v6 =	vsub.s32 v6, v0  }
0x3b: {  	v8 =	vld [tilespmem:$0x40];
	v2 =	vsub.s32 v5, v0;
	vm0 =	vgt.s32 v7, $0xFFFFFFFF;
	vm1 =	vlt.s32 v7, v1  }
0x3c: {  	vm2 =	vgt.s32 v3, $0xFFFFFFFF;
	vm3 =	vlt.s32 v3, v1;
	vm4 =	vgt.s32 v4, $0xFFFFFFFF  }
0x3d: {  	vm2 =	vmand vm2, vm3;
	vm0 =	vmand vm0, vm1;
	vm1 =	vgt.s32 v6, $0xFFFFFFFF  }
0x3e: {  	v9 =	vld [tilespmem:$0x30];
	vm3 =	vlt.s32 v4, v1;
	v7 =	vnsel vm0, $0x61C0, v7;
	vm0 =	vlt.s32 v6, v1  }
0x3f: {  	v5 =	vnsel vm2, $0x61C0, v3;
	vm0 =	vmand vm1, vm0;
	vm1 =	vmand vm4, vm3  }
0x40: {  	v3 =	vsub.s32 v8, v0;
	v8 =	vnsel vm0, $0x61C0, v6;
	v6 =	vnsel vm1, $0x61C0, v4;
	v4 =	vld [tilespmem:$0x50];
	_ =	sdelay $0x1  }
0x41: {  	vm2 =	vgt.s32 v2, $0xFFFFFFFF;
	vm4 =	vgt.s32 v3, $0xFFFFFFFF;
	[tilespmem:$0x160] =	vst v5;
	vm0 =	vlt.s32 v2, v1  }
0x42: {  	[tilespmem:$0x170] =	vst v7;
	v5 =	vsub.s32 v9, v0;
	vm1 =	vmand vm2, vm0;
	vm0 =	vlt.s32 v3, v1  }
0x43: {  	s29 =	simm.s32 $0x10;
	vm3 =	vlt.s32 v5, v1;
	[tilespmem:$0x100] =	vst v8;
	vm2 =	vgt.s32 v5, $0xFFFFFFFF;
	vm0 =	vmand vm4, vm0  }
.LBB2_2:
0x44: {  	p4 =	sne.s32 s29, $0x1860;
	v2 =	vnsel vm1, $0x61C0, v2;
	[tilespmem:$0x120] =	vst v6;
	vm1 =	vmand vm2, vm3;
	v4 =	vsub.s32 v4, v0;
	s30 =	smov.u32 s29;
	s29 =	sadd.s32 $0x10, s29  }
0x45: {  	v3 =	vnsel vm0, $0x61C0, v3;
	[tilespmem:$0x110] =	vst v2;
	v2 =	vnsel vm1, $0x61C0, v5;
	vm0 =	vgt.s32 v4, $0xFFFFFFFF  }
0x46: {  	vm1 =	vlt.s32 v4, v1;
	[tilespmem:$0x130] =	vst v2  }
0x47: {  	vm0 =	vmand vm0, vm1  }
0x48: {  	v2 =	vnsel vm0, $0x61C0, v4;
	[tilespmem:$0x140] =	vst v3  }
0x49: {  	[tilespmem:$0x150] =	vst v2  }
0x4a: {  	_ =	swait.ge [sflag:s25], $0x2000  }
0x4b: {  	[sflag:s25] =	ssyncset.done $0x0  }
0x4c: {  	[sflag:s25] =	ssyncadd.s32 $0xFFFFE000  }
0x4d: {  	[spmem:s3] =	stream.indirect.scatter.add.f32 [tilespmem:s24], [sflag:$0x2], $0x40, s26, s20, $0xb8;
	[tilespmem:$0x1A980] =	vst v63  }
0x4e: {  	_ =	swait.ge [sflag:s16], $0x2000  }
0x4f: {  	[sflag:s16] =	ssyncset.done $0x0  }
0x50: {  	s31 =	sadd.s32 s30, s14;
	[sflag:s16] =	ssyncadd.s32 $0xFFFFE000  }
0x51: {  	[tilespmem:s20], [sflag:$0x2] =	stream.linear.gather [hbm4b:s31+s4], $0x80, $0x38;
	[tilespmem:$0x1A980] =	vst v63  }
0x52: {  	_ =	swait.ge [sflag:s16], $0x80  }
0x53: {  	[sflag:s16] =	ssyncset.done $0x0  }
0x54: {  	[sflag:s16] =	ssyncadd.s32 $0xFFFFFF80  }
0x55: {  	[tilespmem:s24], [sflag:$0x1] =	stream.indirect.gather [hbm4b:s1+s20], $0x40, s20, s20, $0xb8;
	[tilespmem:$0x1A980] =	vst v63  }
0x56: {  	s30 =	sadd.s32 s30, s13  }
0x57: {  	[tilespmem:s4], [sflag:$0x2] =	stream.linear.gather [hbm4b:s30+s4], $0x80, $0x38;
	[tilespmem:$0x1A980] =	vst v63  }
0x58: {  	_ =	swait.ge [sflag:s16], $0x80  }
0x59: {  	[sflag:s16] =	ssyncset.done $0x0  }
0x5a: {  	[sflag:s16] =	ssyncadd.s32 $0xFFFFFF80  }
0x5b: {  	v2 =	vld [tilespmem:$0x70]  }
0x5c: {  	v3 =	vld [tilespmem:$0x60]  }
0x5d: {  	v4 =	vld [tilespmem:$0x20]  }
0x5e: {  	v5 =	vld [tilespmem:$0x10]  }
0x5f: {  	v6 =	vld [tilespmem:$0x0]  }
0x60: {  	v7 =	vld [tilespmem:$0x30];
	v8 =	vsub.s32 v2, v0  }
0x61: {  	v9 =	vld [tilespmem:$0x40];
	v3 =	vsub.s32 v3, v0;
	vm0 =	vgt.s32 v8, $0xFFFFFFFF;
	vm1 =	vlt.s32 v8, v1  }
0x62: {  	v10 =	vsub.s32 v4, v0;
	v4 =	vld [tilespmem:$0x50];
	vm2 =	vgt.s32 v3, $0xFFFFFFFF;
	vm3 =	vlt.s32 v3, v1  }
0x63: {  	vm0 =	vmand vm0, vm1;
	vm4 =	vgt.s32 v10, $0xFFFFFFFF;
	vm2 =	vmand vm2, vm3  }
0x64: {  	v2 =	vsub.s32 v5, v0;
	v6 =	vsub.s32 v6, v0;
	v3 =	vnsel vm2, $0x61C0, v3  }
0x65: {  	v5 =	vnsel vm0, $0x61C0, v8;
	vm2 =	vgt.s32 v2, $0xFFFFFFFF;
	vm1 =	vgt.s32 v6, $0xFFFFFFFF;
	[tilespmem:$0x160] =	vst v3  }
.Ltmp0:
0x66: {  	vm3 =	vlt.s32 v10, v1;
	vm0 =	vlt.s32 v6, v1;
	v3 =	vsub.s32 v9, v0;
	[tilespmem:$0x170] =	vst v5;
	(pc) =	sbr.rel @p4 .LBB2_2-.Ltmp0, $4  }
0x67: {  	vm0 =	vmand vm1, vm0;
	vm1 =	vmand vm4, vm3;
	vm4 =	vgt.s32 v3, $0xFFFFFFFF  }
0x68: {  	v8 =	vnsel vm0, $0x61C0, v6;
	vm0 =	vlt.s32 v2, v1;
	v6 =	vnsel vm1, $0x61C0, v10  }
0x69: {  	v5 =	vsub.s32 v7, v0;
	vm1 =	vmand vm2, vm0;
	vm0 =	vlt.s32 v3, v1  }
0x6a: {  	vm3 =	vlt.s32 v5, v1;
	vm2 =	vgt.s32 v5, $0xFFFFFFFF;
	vm0 =	vmand vm4, vm0;
	[tilespmem:$0x100] =	vst v8  }
0x6b: {  	v2 =	vnsel vm1, $0x61C0, v2;
	[tilespmem:$0x120] =	vst v6;
	vm12 =	vmand vm2, vm3;
	v4 =	vsub.s32 v4, v0  }
0x6c: {  	v3 =	vnsel vm0, $0x61C0, v3;
	[tilespmem:$0x110] =	vst v2;
	vm13 =	vgt.s32 v4, $0xFFFFFFFF;
	vm14 =	vlt.s32 v4, v1  }
0x6d: {  	v2 =	vnsel vm12, $0x61C0, v5;
	[tilespmem:$0x140] =	vst v3;
	vm15 =	vmand vm13, vm14  }
0x6e: {  	[tilespmem:$0x130] =	vst v2;
	v2 =	vnsel vm15, $0x61C0, v4  }
0x6f: {  	[tilespmem:$0x150] =	vst v2  }
0x70: {  	_ =	swait.ge [sflag:s25], $0x2000  }
0x71: {  	[sflag:s25] =	ssyncset.done $0x0  }
0x72: {  	[sflag:s25] =	ssyncadd.s32 $0xFFFFE000  }
0x73: {  	[spmem:s3] =	stream.indirect.scatter.add.f32 [tilespmem:s24], [sflag:$0x2], $0x40, s26, s20, $0xb8;
	[tilespmem:$0x1A980] =	vst v63  }
0x74: {  	_ =	swait.ge [sflag:s16], $0x2000  }
0x75: {  	[sflag:s16] =	ssyncset.done $0x0  }
0x76: {  	[sflag:s16] =	ssyncadd.s32 $0xFFFFE000  }
0x77: {  	s29 =	simm.s32 @!p0 $0x2;
	[bflag:$0x0] =	sbarrier.arrive $0xFFFF  }
0x78: {  	[hbm:s9], [sflag:s7] =	dma.local @!p0 [spmem:s21], $0x3140  }
0x79: {  	_ =	swait.ge @!p0 [sflag:s29], $0x3140  }
0x7a: {  	[sflag:s29] =	ssyncset.done @!p0 $0x0  }
0x7b: {  	[sflag:s29] =	ssyncadd.s32 @!p0 $0xFFFFCEC0;
	s29 =	simm.s32 @!p1 $0x2  }
0x7c: {  	[hbm:s8], [sflag:s7] =	dma.local @!p1 [spmem:s22], $0x30C0  }
0x7d: {  	_ =	swait.ge @!p1 [sflag:s29], $0x30C0  }
0x7e: {  	[sflag:s29] =	ssyncset.done @!p1 $0x0  }
0x7f: {  	[sflag:s29] =	ssyncadd.s32 @!p1 $0xFFFFCF40;
	s29 =	simm.s32 @!p2 $0x2  }
0x80: {  	[hbm:s11], [sflag:s7] =	dma.local @!p2 [spmem:s23], $0x2F00  }
0x81: {  	_ =	swait.ge @!p2 [sflag:s29], $0x2F00  }
0x82: {  	s28 =	sadd.s32 $0x1, s28;
	[sflag:s29] =	ssyncset.done @!p2 $0x0  }
0x83: {  	p4 =	sne.s32 s28, s12;
	[sflag:s29] =	ssyncadd.s32 @!p2 $0xFFFFD100;
	s29 =	sshrl.u32 @!p3 s6, $0x3  }
0x84: {  	[hbm:s10], [sflag:s7] =	dma.local @!p3 [spmem:s29], $0x3100  }
.Ltmp1:
0x85: {  	_ = 	snop;
	(pc) =	sbr.rel @p4 .LBB2_1-.Ltmp1, $4  }
0x86: {  	s29 =	simm.s32 @!p3 $0x2  }
0x87: {  	_ =	swait.ge @!p3 [sflag:s29], $0x3100  }
0x88: {  	[sflag:s29] =	ssyncset.done @!p3 $0x0  }
0x89: {  	[sflag:s29] =	ssyncadd.s32 @!p3 $0xFFFFCF00  }
0x8a: {  	_ =	sfence.sel $0x180000  }
0x8b: {  	[bflag:$0x0] =	sbarrier.arrive $0xFFFF  }
0x8c: {  	p0 =	sne.s32 s2, $0x0;
	_ =	strace $0x90000050  }
0x8d: {  	s0 =	sadd.s32 @!p0 $0x100000, s0;
	[bflag:$0x2] =	sbarrier.arrive $0xFFFF  }
0x8e: {  	[sflag:s0] =	ssyncadd.tile.s32 @!p0 $0x1;
	_ =	shalt  }
.Lfunc_end2:
_tile_overlayer_lowered:
.L_overlay_start_2:
0x8f: {  	(tag) =	ssettag $0x2  }
0x90: {  	s0 =	rddreg [dreg:$0x0];
	s2 =	stileid.u32  }
0x91: {  	s1 =	rddreg [dreg:$0x1];
	p0 =	sne.s32 s2, $0x0  }
0x92: {  	s3 =	rddreg [dreg:$0x2];
	[bflag:$0x3] =	sbarrier.arrive $0xFFFF;
	s2 =	simm.s32 @!p0 $0x1C02  }
0x93: {  	[timem:s3], [sflag:s2] =	dma.local @!p0 [hbm:s0], s1  }
0x94: {  	s0 =	simm.s32 @!p0 $0x2  }
0x95: {  	_ =	swait.ge @!p0 [sflag:s0], s1  }
0x96: {  	s1 =	ssub.s32 @!p0 $0x0, s1;
	[sflag:s0] =	ssyncset.done @!p0 $0x0  }
0x97: {  	[sflag:s0] =	ssyncadd.s32 @!p0 s1  }
0x98: {  	[bflag:$0x3] =	sbarrier.arrive $0xFFFF  }
0x99: {  	_ =	shalt  }

// kernel: kernel.25.cloned.1.call-start
scs
__scs_entry_jumppad:
0x0: {  	(pc) =	sbr.rel $0x88, $3  }
0x1: {  	(tag) =	ssettag $0x0;
	lr =	simm.s32 $0x1  }
0x2: {  	[smem:$0x3F96] =	sst lr;
	_ =	strace $0xD0000000  }
0x3: {  	_ = 	snop  }
0x4: {  	_ = 	snop  }
0x5: {  	_ = 	snop  }
0x6: {  	_ = 	snop  }
0x7: {  	_ = 	snop  }
__scs_overlays_trampoline_lowered:
0x8: {  	[smem:$0x3FA5] =	sst s0  }
0x9: {  	[smem:$0x3FA6] =	sst s1  }
0xa: {  	[smem:$0x3FA7] =	sst s2  }
0xb: {  	[smem:$0x3FA8] =	sst s3  }
0xc: {  	[smem:$0x3FA9] =	sst s4  }
0xd: {  	[smem:$0x3FAA] =	sst s5  }
0xe: {  	[smem:$0x3FAB] =	sst s6  }
0xf: {  	[smem:$0x3FAC] =	sst s7  }
0x10: {  	[smem:$0x3FAD] =	sst s8  }
0x11: {  	[smem:$0x3FAE] =	sst s9;
	s0 =	simm.s32 @!p0 $0x0  }
0x12: {  	s1 =	sld [smem:$0x3F94];
	s0 =	simm.s32 @p0 $0x1  }
0x13: {  	[smem:$0x3FAF] =	sst s0;
	s0 =	simm.s32 @!p1 $0x0  }
0x14: {  	s2 =	sld [smem:$0x3F93];
	s0 =	simm.s32 @p1 $0x1  }
0x15: {  	[smem:$0x3FB0] =	sst s0;
	s0 =	simm.s32 @!p2 $0x0  }
0x16: {  	s3 =	sld [smem:$0x3FDB];
	s0 =	simm.s32 @p2 $0x1  }
0x17: {  	s4 =	simm.s32 $0x1BF5;
	[smem:$0x3FB2] =	sst s0  }
0x18: {  	s0 =	sld [smem:$0x3F95];
	_ =	swait.ge [sflag:s4], $0x0  }
0x19: {  	s7 =	sld [smem:$0x3F96]  }
0x1a: {  	s8 =	sadd.s32 $0xFFFFE003, lr  }
0x1b: {  	s9 =	sadd.s32 $0xFFFFFEF7, lr;
	s5 =	simm.s32 $0xFFFFFFFF;
	p2 =	slt.u32 s8, $0xFFFFF086  }
0x1c: {  	p1 =	slt.u32 s9, $0xF7A;
	s5 =	simm.s32 @!p2 $0x0  }
0x1d: {  	s5 =	simm.s32 @p1 $0x1;
	p0 =	seq.s32 s7, s2  }
0x1e: {  	s7 =	smul.u32 @!p0 $0xF7A, s2;
	p2 =	seq.s32 @!p0 s5, $0x0  }
0x1f: {  	s9 =	smul.u32 $0xF7A, s1;
	s8 =	simm.s32 @!p0 $0x1BF5;
	p2 =	por !p2, p0  }
0x20: {  	[sflag:s8] =	ssyncset.s32 @!p0 $0xFFFFF086;
	s6 =	sadd.s32 @!p0 s3, s7;
	s7 =	simm.s32 @!p0 $0x108  }
0x21: {  	s3 =	sadd.s32 s3, s9;
	s6 =	sadd.s32 @!p0 $0x88, s6;
	s7 =	simm.s32 @p2 $0x1082  }
0x22: {  	[simem:s7], [sflag:s8] =	dma.local @!p0 [hbm:s6], $0xF7A  }
0x23: {  	s9 =	sor.u32 $0xD0000000, s2;
	s6 =	simm.s32 $0x108;
	_ =	swait.ge @!p0 [sflag:s8], $0x0  }
0x24: {  	s3 =	sadd.s32 $0x88, s3;
	s6 =	simm.s32 @!p1 $0x1082;
	[sflag:s4] =	ssyncset.s32 $0xFFFFF086  }
0x25: {  	[simem:s6], [sflag:s4] =	dma.local [hbm:s3], $0xF7A  }
0x26: {  	[smem:$0x3F96] =	sst s1;
	(tag) =	ssettag s2;
	_ =	strace s9  }
0x27: {  	s1 =	sld [smem:$0x3FA6]  }
0x28: {  	s2 =	sld [smem:$0x3FA7]  }
0x29: {  	s4 =	sld [smem:$0x3FA9]  }
0x2a: {  	p0 =	seq.s32 s5, $0x0;
	s5 =	sld [smem:$0x3FAA]  }
0x2b: {  	s6 =	sld [smem:$0x3FAB]  }
0x2c: {  	s7 =	sld [smem:$0x3FAC]  }
0x2d: {  	s3 =	simm.s32 $0x108;
	s8 =	sld [smem:$0x3FAD]  }
0x2e: {  	s3 =	simm.s32 @!p0 $0x1082;
	s9 =	sld [smem:$0x3FAE]  }
0x2f: {  	lr =	sadd.s32 s0, s3;
	s0 =	sld [smem:$0x3FA5]  }
0x30: {  	s3 =	sld [smem:$0x3FA8]  }
0x31: {  	[smem:$0x3FB1] =	sst s10  }
0x32: {  	s10 =	sld [smem:$0x3FAF];
	_ =	sdelay $0x3  }
0x33: {  	p0 =	seq.s32 s10, $0x1;
	s10 =	sld [smem:$0x3FB1];
	_ =	sdelay $0x3  }
0x34: {  	[smem:$0x3FB1] =	sst s10  }
0x35: {  	s10 =	sld [smem:$0x3FB0];
	_ =	sdelay $0x3  }
0x36: {  	p1 =	seq.s32 s10, $0x1;
	s10 =	sld [smem:$0x3FB1];
	_ =	sdelay $0x3  }
0x37: {  	[smem:$0x3FB1] =	sst s10  }
0x38: {  	s10 =	sld [smem:$0x3FB2]  }
0x39: {  	_ = 	snop;
	(pc) =	sbr.ind lr, $3  }
0x3a: {  	_ = 	snop  }
0x3b: {  	_ = 	snop  }
0x3c: {  	p2 =	seq.s32 s10, $0x1;
	s10 =	sld [smem:$0x3FB1]  }
0x3d: {  	_ =	shalt  }
0x3e: {  	_ =	shalt  }
0x3f: {  	_ =	shalt  }
0x40: {  	_ =	shalt  }
0x41: {  	_ =	shalt  }
0x42: {  	_ =	shalt  }
0x43: {  	_ =	shalt  }
0x44: {  	_ =	shalt  }
0x45: {  	_ =	shalt  }
0x46: {  	_ =	shalt  }
0x47: {  	_ =	shalt  }
0x48: {  	_ =	shalt  }
0x49: {  	_ =	shalt  }
0x4a: {  	_ =	shalt  }
0x4b: {  	_ =	shalt  }
0x4c: {  	_ =	shalt  }
0x4d: {  	_ =	shalt  }
0x4e: {  	_ =	shalt  }
0x4f: {  	_ =	shalt  }
0x50: {  	_ =	shalt  }
0x51: {  	_ =	shalt  }
0x52: {  	_ =	shalt  }
0x53: {  	_ =	shalt  }
0x54: {  	_ =	shalt  }
0x55: {  	_ =	shalt  }
0x56: {  	_ =	shalt  }
0x57: {  	_ =	shalt  }
0x58: {  	_ =	shalt  }
0x59: {  	_ =	shalt  }
0x5a: {  	_ =	shalt  }
0x5b: {  	_ =	shalt  }
0x5c: {  	_ =	shalt  }
0x5d: {  	_ =	shalt  }
0x5e: {  	_ =	shalt  }
0x5f: {  	_ =	shalt  }
0x60: {  	_ =	shalt  }
0x61: {  	_ =	shalt  }
0x62: {  	_ =	shalt  }
0x63: {  	_ =	shalt  }
0x64: {  	_ =	shalt  }
0x65: {  	_ =	shalt  }
0x66: {  	_ =	shalt  }
0x67: {  	_ =	shalt  }
0x68: {  	_ =	shalt  }
0x69: {  	_ =	shalt  }
0x6a: {  	_ =	shalt  }
0x6b: {  	_ =	shalt  }
0x6c: {  	_ =	shalt  }
0x6d: {  	_ =	shalt  }
0x6e: {  	_ =	shalt  }
0x6f: {  	_ =	shalt  }
0x70: {  	_ =	shalt  }
0x71: {  	_ =	shalt  }
0x72: {  	_ =	shalt  }
0x73: {  	_ =	shalt  }
0x74: {  	_ =	shalt  }
0x75: {  	_ =	shalt  }
0x76: {  	_ =	shalt  }
0x77: {  	_ =	shalt  }
0x78: {  	_ =	shalt  }
0x79: {  	_ =	shalt  }
0x7a: {  	_ =	shalt  }
0x7b: {  	_ =	shalt  }
0x7c: {  	_ =	shalt  }
0x7d: {  	_ =	shalt  }
0x7e: {  	_ =	shalt  }
0x7f: {  	_ =	shalt  }
0x80: {  	_ =	shalt  }
0x81: {  	_ =	shalt  }
0x82: {  	_ =	shalt  }
0x83: {  	_ =	shalt  }
0x84: {  	_ =	shalt  }
0x85: {  	_ =	shalt  }
0x86: {  	_ =	shalt  }
0x87: {  	_ =	shalt  }
.Lfunc_end0:
.L_simem_size_0:
called_computation.4_lowered:
.L_overlay_start_0:
0x88: {  	s2 =	sld [smem:$0x3FD9]  }
0x89: {  	s3 =	sld [smem:$0x3FFE];
	_ =	sdelay $0x1  }
0x8a: {  	s1 =	srdreg.scid  }
0x8b: {  	s0 =	sand.u32 $0x1, s1  }
0x8c: {  	s17 =	sshll.u32 s0, $0xA;
	s2 =	sadd.s32 s3, s2  }
0x8d: {  	s2 =	sadd.s32 s2, s17  }
0x8e: {  	[smem:$0x3FBD] =	sst s2  }
0x8f: {  	_ = 	snop  }
0x90: {  	s2 =	sld [smem:$0x3FD0];
	(tm) =	ssettm $0x1  }
0x91: {  	s18 =	sld [smem:$0x3FFB];
	_ =	sdelay $0x3  }
0x92: {  	_ =	strace s18  }
0x93: {  	s3 =	sld [smem:$0x3FFC];
	_ =	sdelay $0x3  }
0x94: {  	_ =	strace s3  }
0x95: {  	s3 =	sld [smem:$0x3FFD];
	_ =	sdelay $0x3  }
0x96: {  	_ =	strace s3  }
0x97: {  	_ =	strace $0x8FFFFFFF  }
0x98: {  	s19 =	sld [smem:$0x3FDB];
	_ =	sdelay $0x1  }
0x99: {  	s4 =	simm.s32 $_scs_section_size  }
0x9a: {  	s5 =	simm.s32 $_size__tile_overlayer_lowered;
	s6 =	simm.s32 $_tile_overlayer_lowered  }
0x9b: {  	s22 =	simm.s32 $0x1BFF;
	s21 =	sshll.u32 s6, $0x1;
	s3 =	sadd.s32 s4, s19  }
0x9c: {  	s7 =	simm.s32 $0x0;
	s20 =	sshll.u32 s5, $0x1;
	s5 =	sadd.s32 s21, s3  }
0x9d: {  	[timem:s7], [sflag:s22] =	dma.local [hbm:s5], s20  }
0x9e: {  	_ =	swait.ge [sflag:s22], s20  }
0x9f: {  	s4 =	ssub.s32 $0x0, s20;
	[sflag:s22] =	ssyncset.done $0x0  }
0xa0: {  	[sflag:s22] =	ssyncadd.s32 s4;
	_ =	sdelay $0x1  }
0xa1: {  	s23 =	simm.s32 $0x1B8B  }
0xa2: {  	_ =	swait.ge [sflag:s23], $0x1  }
0xa3: {  	[sflag:s23] =	ssyncset.done $0x0  }
0xa4: {  	s25 =	simm.s32 $0x1B8E;
	s24 =	sld [smem:$0x3FFE];
	[sflag:s23] =	ssyncadd.s32 $0xFFFFFFFF  }
0xa5: {  	s26 =	simm.s32 $execute0_lowered;
	[smem:$0x3FD2] =	sst s25  }
0xa6: {  	s5 =	sshll.u32 s26, $0x1;
	_ =	strace $0x80000052;
	[dreg:$0x1] =	wrdreg $0xFFFFFFFF  }
0xa7: {  	s28 =	simm.s32 $_size_execute0_lowered;
	s3 =	sadd.s32 s3, s5;
	[dreg:$0x0] =	wrdreg $0x0  }
0xa8: {  	s5 =	sshll.u32 s28, $0x1;
	[dreg:$0x2] =	wrdreg s3  }
0xa9: {  	[dreg:$0x3] =	wrdreg s5  }
0xaa: {  	[dreg:$0x4] =	wrdreg $0xC0  }
0xab: {  	_ =	task [dreg:s7], $0x5FFFF  }
0xac: {  	[dreg:$0x1] =	wrdreg $0xFFFFFFFF  }
0xad: {  	[dreg:$0x0] =	wrdreg $0x60  }
0xae: {  	[dreg:$0x2] =	wrdreg s2  }
0xaf: {  	[dreg:$0x3] =	wrdreg s24  }
0xb0: {  	[dreg:$0x4] =	wrdreg $0x21800  }
0xb1: {  	[dreg:$0x5] =	wrdreg $0x9  }
0xb2: {  	_ =	task.clear_ibuf [dreg:s7], $0x6FFFF;
	_ =	strace $0x90000052  }
0xb3: {  	s29 =	simm.s32 $0x9;
	_ =	strace $0x80000054  }
0xb4: {  	_ =	swait.ge [sflag:s29], $0x1  }
0xb5: {  	[sflag:s29] =	ssyncadd.s32 $0xFFFFFFFF  }
0xb6: {  	_ =	strace $0x90000054  }
0xb7: {  	_ =	sfence  }
0xb8: {  	s30 =	sld [smem:$0x0];
	_ =	sdelay $0x2  }
0xb9: {  	s31 =	sshll.u32 s1, $0xD;
	s1 =	sshrl.u32 s1, $0x2  }
0xba: {  	s3 =	sand.u32 $0x4000, s31;
	s1 =	sadd.s32 s1, s30  }
0xbb: {  	s0 =	sor.u32 s3, s0;
	s1 =	sshll.u32 s1, $0x11  }
0xbc: {  	s0 =	sor.u32 s1, s0  }
0xbd: {  	s0 =	sadd.s32 $0x8F2B, s0  }
0xbe: {  	[sflag:s0] =	ssyncadd.remote.s32 $0x1  }
0xbf: {  	_ =	sfence.sel $0xFFFF  }
0xc0: {  	[dreg:$0x0] =	wrdreg $0xFFFFFFFF;
	(pc) =	sbr.abs _section_cstart, $3  }
0xc1: {  	[dreg:$0x1] =	wrdreg $0xFFFFFFFF  }
0xc2: {  	_ =	task.clear_ibuf [dreg:s7], $0x2FFFF;
	_ =	strace $0x9FFFFFFF  }
0xc3: {  	(tm) =	ssettm $0x7FFFFFFF  }
tec
execute0_lowered:
.L_overlay_start_1:
0x0: {  	(tag) =	ssettag $0x1  }
0x1: {  	s1 =	rddreg [dreg:$0x0]  }
0x2: {  	s11 =	rddreg [dreg:$0x1]  }
0x3: {  	s3 =	rddreg [dreg:$0x2];
	s2 =	stileid.u32  }
0x4: {  	s0 =	rddreg [dreg:$0x3];
	s4 =	simm.s32 $0x0;
	s6 =	smul.u32 $0x1870, s2  }
0x5: {  	s5 =	srdreg.scid;
	s16 =	simm.s32 $0x2;
	s10 =	smul.u32 $0x18800, s2  }
0x6: {  	s24 =	simm.s32 $0x180;
	s25 =	simm.s32 $0x1;
	s8 =	smul.u32 $0x62000, s2  }
0x7: {  	[smem:$0x7FF] =	sst s4;
	s19 =	sand.u32 $0x1, s5;
	s9 =	smul.u32 $0x18600, s2  }
0x8: {  	s5 =	sadd.s32 $0x1CC00, s11;
	s12 =	sadd.s32 $0x280400, s11;
	s15 =	smul.u32 $0x61800, s2  }
0x9: {  	s29 =	sshll.u32 s2, $0x6;
	s21 =	sadd.s32 $0x16DA00, s3;
	s23 =	sadd.s32 $0x16F800, s3  }
0xa: {  	_ =	strace $0x80000053;
	s7 =	ssub.s32 $0x2, s19;
	p0 =	seq.s32 s19, $0x0  }
0xb: {  	s28 =	smul.u32 $0x61C0, s19;
	p3 =	sne.s32 s19, $0x0;
	s14 =	sadd.s32 s6, s11  }
0xc: {  	s26 =	sshrl.u32 s7, $0x1;
	s6 =	sadd.s32 s10, s3;
	s8 =	sshrl.u32 s8, $0x2  }
0xd: {  	s9 =	sshrl.u32 s9, $0x3;
	s31 =	sshrl.u32 s15, $0x2;
	s10 =	sshrl.u32 s10, $0x3  }
0xe: {  	p1 =	seq.s32 @p3 s2, $0xF;
	p4 =	seq.s32 @!p3 s2, $0xF;
	s13 =	ssub.s32 s7, s26  }
0xf: {  	s7 =	sor.u32 $0x1C02, s29;
	s8 =	sadd.s32 s8, s3;
	s26 =	simm.s32 $0x61C0  }
0x10: {  	s30 =	sadd.s32 s12, s9;
	s22 =	sadd.s32 s31, s3;
	s9 =	sadd.s32 $0x2DED40, s11  }
0x11: {  	s10 =	sadd.s32 s12, s10;
	s11 =	sadd.s32 $0x2AE300, s11;
	s15 =	sshrl.u32 s6, $0x3  }
0x12: {  	p2 =	por !p4, p3;
	v0 =	vmov s28;
	s28 =	simm.s32 $0x0;
	s17 =	sadd.s32 $0x6200, s8  }
0x13: {  	s18 =	sadd.s32 $0xC400, s8;
	s20 =	sadd.s32 $0x12600, s8;
	s26 =	simm.s32 @!p0 $0x6190  }
0x14: {  	s8 =	sadd.s32 $0x30E00, s30;
	s12 =	smax.u32 s13, $0x1;
	s13 =	sadd.s32 $0x4200, s14  }
0x15: {  	s14 =	sadd.s32 $0x1DA00, s14;
	p0 =	por !p1, !p3;
	p1 =	por p1, !p3  }
0x16: {  	s23 =	sshrl.u32 @!p2 s23, $0x3;
	p3 =	por p4, p3;
	s17 =	sshrl.u32 s17, $0x3  }
0x17: {  	s18 =	sshrl.u32 s18, $0x3;
	s19 =	sshrl.u32 s20, $0x3;
	s20 =	simm.s32 $0x80  }
0x18: {  	s21 =	sshrl.u32 @!p0 s21, $0x3;
	s22 =	sshrl.u32 @!p1 s22, $0x3;
	v1 =	vmov s26;
	s26 =	simm.s32 $0x100  }
.LBB2_1:
0x19: {  	[spmem:s15], [sflag:s7] =	dma.local [hbm:s5], $0xC40  }
0x1a: {  	_ =	swait.ge [sflag:s16], $0xC40  }
0x1b: {  	[sflag:s16] =	ssyncset.done $0x0  }
0x1c: {  	[sflag:s16] =	ssyncadd.s32 $0xFFFFF3C0  }
0x1d: {  	[spmem:s17], [sflag:s7] =	dma.local [hbm:s5], $0xC40  }
0x1e: {  	_ =	swait.ge [sflag:s16], $0xC40  }
0x1f: {  	[sflag:s16] =	ssyncset.done $0x0  }
0x20: {  	[sflag:s16] =	ssyncadd.s32 $0xFFFFF3C0  }
0x21: {  	[spmem:s18], [sflag:s7] =	dma.local [hbm:s5], $0xC40  }
0x22: {  	_ =	swait.ge [sflag:s16], $0xC40  }
0x23: {  	[sflag:s16] =	ssyncset.done $0x0  }
0x24: {  	[sflag:s16] =	ssyncadd.s32 $0xFFFFF3C0  }
0x25: {  	[spmem:s19], [sflag:s7] =	dma.local [hbm:s5], $0xC40  }
0x26: {  	_ =	swait.ge [sflag:s16], $0xC40  }
0x27: {  	[sflag:s16] =	ssyncset.done $0x0  }
0x28: {  	[sflag:s16] =	ssyncadd.s32 $0xFFFFF3C0  }
0x29: {  	s29 =	sadd.s32 $0x0, s14;
	[bflag:$0x0] =	sbarrier.arrive $0xFFFF  }
0x2a: {  	[tilespmem:s20], [sflag:$0x2] =	stream.linear.gather [hbm4b:s29+s4], $0x80, $0x38;
	[tilespmem:$0x1A980] =	vst v63  }
0x2b: {  	_ =	swait.ge [sflag:s16], $0x80  }
0x2c: {  	[sflag:s16] =	ssyncset.done $0x0  }
0x2d: {  	[sflag:s16] =	ssyncadd.s32 $0xFFFFFF80  }
0x2e: {  	[tilespmem:s24], [sflag:$0x1] =	stream.indirect.gather [hbm4b:s1+s20], $0x40, s20, s20, $0xb8;
	[tilespmem:$0x1A980] =	vst v63  }
0x2f: {  	s29 =	sadd.s32 $0x0, s13  }
0x30: {  	[tilespmem:s4], [sflag:$0x2] =	stream.linear.gather [hbm4b:s29+s4], $0x80, $0x38;
	[tilespmem:$0x1A980] =	vst v63  }
0x31: {  	_ =	swait.ge [sflag:s16], $0x80  }
0x32: {  	[sflag:s16] =	ssyncset.done $0x0  }
0x33: {  	[sflag:s16] =	ssyncadd.s32 $0xFFFFFF80  }
0x34: {  	v2 =	vld [tilespmem:$0x70]  }
0x35: {  	v3 =	vld [tilespmem:$0x60]  }
0x36: {  	v4 =	vld [tilespmem:$0x20]  }
0x37: {  	v6 =	vld [tilespmem:$0x0]  }
0x38: {  	v5 =	vld [tilespmem:$0x10];
	_ =	sdelay $0x2  }
0x39: {  	v7 =	vsub.s32 v2, v0  }
0x3a: {  	v3 =	vsub.s32 v3, v0;
	v4 =	vsub.s32 v4, v0;
	v6 =	vsub.s32 v6, v0  }
0x3b: {  	v8 =	vld [tilespmem:$0x40];
	v2 =	vsub.s32 v5, v0;
	vm0 =	vgt.s32 v7, $0xFFFFFFFF;
	vm1 =	vlt.s32 v7, v1  }
0x3c: {  	vm2 =	vgt.s32 v3, $0xFFFFFFFF;
	vm3 =	vlt.s32 v3, v1;
	vm4 =	vgt.s32 v4, $0xFFFFFFFF  }
0x3d: {  	vm2 =	vmand vm2, vm3;
	vm0 =	vmand vm0, vm1;
	vm1 =	vgt.s32 v6, $0xFFFFFFFF  }
0x3e: {  	v9 =	vld [tilespmem:$0x30];
	vm3 =	vlt.s32 v4, v1;
	v7 =	vnsel vm0, $0x61C0, v7;
	vm0 =	vlt.s32 v6, v1  }
0x3f: {  	v5 =	vnsel vm2, $0x61C0, v3;
	vm0 =	vmand vm1, vm0;
	vm1 =	vmand vm4, vm3  }
0x40: {  	v3 =	vsub.s32 v8, v0;
	v8 =	vnsel vm0, $0x61C0, v6;
	v6 =	vnsel vm1, $0x61C0, v4;
	v4 =	vld [tilespmem:$0x50];
	_ =	sdelay $0x1  }
0x41: {  	vm2 =	vgt.s32 v2, $0xFFFFFFFF;
	vm4 =	vgt.s32 v3, $0xFFFFFFFF;
	[tilespmem:$0x160] =	vst v5;
	vm0 =	vlt.s32 v2, v1  }
0x42: {  	[tilespmem:$0x170] =	vst v7;
	v5 =	vsub.s32 v9, v0;
	vm1 =	vmand vm2, vm0;
	vm0 =	vlt.s32 v3, v1  }
0x43: {  	s29 =	simm.s32 $0x10;
	vm3 =	vlt.s32 v5, v1;
	[tilespmem:$0x100] =	vst v8;
	vm2 =	vgt.s32 v5, $0xFFFFFFFF;
	vm0 =	vmand vm4, vm0  }
.LBB2_2:
0x44: {  	p4 =	sne.s32 s29, $0x1860;
	v2 =	vnsel vm1, $0x61C0, v2;
	[tilespmem:$0x120] =	vst v6;
	vm1 =	vmand vm2, vm3;
	v4 =	vsub.s32 v4, v0;
	s30 =	smov.u32 s29;
	s29 =	sadd.s32 $0x10, s29  }
0x45: {  	v3 =	vnsel vm0, $0x61C0, v3;
	[tilespmem:$0x110] =	vst v2;
	v2 =	vnsel vm1, $0x61C0, v5;
	vm0 =	vgt.s32 v4, $0xFFFFFFFF  }
0x46: {  	vm1 =	vlt.s32 v4, v1;
	[tilespmem:$0x130] =	vst v2  }
0x47: {  	vm0 =	vmand vm0, vm1  }
0x48: {  	v2 =	vnsel vm0, $0x61C0, v4;
	[tilespmem:$0x140] =	vst v3  }
0x49: {  	[tilespmem:$0x150] =	vst v2  }
0x4a: {  	_ =	swait.ge [sflag:s25], $0x2000  }
0x4b: {  	[sflag:s25] =	ssyncset.done $0x0  }
0x4c: {  	[sflag:s25] =	ssyncadd.s32 $0xFFFFE000  }
0x4d: {  	[spmem:s3] =	stream.indirect.scatter.add.f32 [tilespmem:s24], [sflag:$0x2], $0x40, s26, s20, $0xb8;
	[tilespmem:$0x1A980] =	vst v63  }
0x4e: {  	_ =	swait.ge [sflag:s16], $0x2000  }
0x4f: {  	[sflag:s16] =	ssyncset.done $0x0  }
0x50: {  	s31 =	sadd.s32 s30, s14;
	[sflag:s16] =	ssyncadd.s32 $0xFFFFE000  }
0x51: {  	[tilespmem:s20], [sflag:$0x2] =	stream.linear.gather [hbm4b:s31+s4], $0x80, $0x38;
	[tilespmem:$0x1A980] =	vst v63  }
0x52: {  	_ =	swait.ge [sflag:s16], $0x80  }
0x53: {  	[sflag:s16] =	ssyncset.done $0x0  }
0x54: {  	[sflag:s16] =	ssyncadd.s32 $0xFFFFFF80  }
0x55: {  	[tilespmem:s24], [sflag:$0x1] =	stream.indirect.gather [hbm4b:s1+s20], $0x40, s20, s20, $0xb8;
	[tilespmem:$0x1A980] =	vst v63  }
0x56: {  	s30 =	sadd.s32 s30, s13  }
0x57: {  	[tilespmem:s4], [sflag:$0x2] =	stream.linear.gather [hbm4b:s30+s4], $0x80, $0x38;
	[tilespmem:$0x1A980] =	vst v63  }
0x58: {  	_ =	swait.ge [sflag:s16], $0x80  }
0x59: {  	[sflag:s16] =	ssyncset.done $0x0  }
0x5a: {  	[sflag:s16] =	ssyncadd.s32 $0xFFFFFF80  }
0x5b: {  	v2 =	vld [tilespmem:$0x70]  }
0x5c: {  	v3 =	vld [tilespmem:$0x60]  }
0x5d: {  	v4 =	vld [tilespmem:$0x20]  }
0x5e: {  	v5 =	vld [tilespmem:$0x10]  }
0x5f: {  	v6 =	vld [tilespmem:$0x0]  }
0x60: {  	v7 =	vld [tilespmem:$0x30];
	v8 =	vsub.s32 v2, v0  }
0x61: {  	v9 =	vld [tilespmem:$0x40];
	v3 =	vsub.s32 v3, v0;
	vm0 =	vgt.s32 v8, $0xFFFFFFFF;
	vm1 =	vlt.s32 v8, v1  }
0x62: {  	v10 =	vsub.s32 v4, v0;
	v4 =	vld [tilespmem:$0x50];
	vm2 =	vgt.s32 v3, $0xFFFFFFFF;
	vm3 =	vlt.s32 v3, v1  }
0x63: {  	vm0 =	vmand vm0, vm1;
	vm4 =	vgt.s32 v10, $0xFFFFFFFF;
	vm2 =	vmand vm2, vm3  }
0x64: {  	v2 =	vsub.s32 v5, v0;
	v6 =	vsub.s32 v6, v0;
	v3 =	vnsel vm2, $0x61C0, v3  }
0x65: {  	v5 =	vnsel vm0, $0x61C0, v8;
	vm2 =	vgt.s32 v2, $0xFFFFFFFF;
	vm1 =	vgt.s32 v6, $0xFFFFFFFF;
	[tilespmem:$0x160] =	vst v3  }
.Ltmp0:
0x66: {  	vm3 =	vlt.s32 v10, v1;
	vm0 =	vlt.s32 v6, v1;
	v3 =	vsub.s32 v9, v0;
	[tilespmem:$0x170] =	vst v5;
	(pc) =	sbr.rel @p4 .LBB2_2-.Ltmp0, $4  }
0x67: {  	vm0 =	vmand vm1, vm0;
	vm1 =	vmand vm4, vm3;
	vm4 =	vgt.s32 v3, $0xFFFFFFFF  }
0x68: {  	v8 =	vnsel vm0, $0x61C0, v6;
	vm0 =	vlt.s32 v2, v1;
	v6 =	vnsel vm1, $0x61C0, v10  }
0x69: {  	v5 =	vsub.s32 v7, v0;
	vm1 =	vmand vm2, vm0;
	vm0 =	vlt.s32 v3, v1  }
0x6a: {  	vm3 =	vlt.s32 v5, v1;
	vm2 =	vgt.s32 v5, $0xFFFFFFFF;
	vm0 =	vmand vm4, vm0;
	[tilespmem:$0x100] =	vst v8  }
0x6b: {  	v2 =	vnsel vm1, $0x61C0, v2;
	[tilespmem:$0x120] =	vst v6;
	vm12 =	vmand vm2, vm3;
	v4 =	vsub.s32 v4, v0  }
0x6c: {  	v3 =	vnsel vm0, $0x61C0, v3;
	[tilespmem:$0x110] =	vst v2;
	vm13 =	vgt.s32 v4, $0xFFFFFFFF;
	vm14 =	vlt.s32 v4, v1  }
0x6d: {  	v2 =	vnsel vm12, $0x61C0, v5;
	[tilespmem:$0x140] =	vst v3;
	vm15 =	vmand vm13, vm14  }
0x6e: {  	[tilespmem:$0x130] =	vst v2;
	v2 =	vnsel vm15, $0x61C0, v4  }
0x6f: {  	[tilespmem:$0x150] =	vst v2  }
0x70: {  	_ =	swait.ge [sflag:s25], $0x2000  }
0x71: {  	[sflag:s25] =	ssyncset.done $0x0  }
0x72: {  	[sflag:s25] =	ssyncadd.s32 $0xFFFFE000  }
0x73: {  	[spmem:s3] =	stream.indirect.scatter.add.f32 [tilespmem:s24], [sflag:$0x2], $0x40, s26, s20, $0xb8;
	[tilespmem:$0x1A980] =	vst v63  }
0x74: {  	_ =	swait.ge [sflag:s16], $0x2000  }
0x75: {  	[sflag:s16] =	ssyncset.done $0x0  }
0x76: {  	[sflag:s16] =	ssyncadd.s32 $0xFFFFE000  }
0x77: {  	s29 =	simm.s32 @!p0 $0x2;
	[bflag:$0x0] =	sbarrier.arrive $0xFFFF  }
0x78: {  	[hbm:s9], [sflag:s7] =	dma.local @!p0 [spmem:s21], $0x3140  }
0x79: {  	_ =	swait.ge @!p0 [sflag:s29], $0x3140  }
0x7a: {  	[sflag:s29] =	ssyncset.done @!p0 $0x0  }
0x7b: {  	[sflag:s29] =	ssyncadd.s32 @!p0 $0xFFFFCEC0;
	s29 =	simm.s32 @!p1 $0x2  }
0x7c: {  	[hbm:s8], [sflag:s7] =	dma.local @!p1 [spmem:s22], $0x30C0  }
0x7d: {  	_ =	swait.ge @!p1 [sflag:s29], $0x30C0  }
0x7e: {  	[sflag:s29] =	ssyncset.done @!p1 $0x0  }
0x7f: {  	[sflag:s29] =	ssyncadd.s32 @!p1 $0xFFFFCF40;
	s29 =	simm.s32 @!p2 $0x2  }
0x80: {  	[hbm:s11], [sflag:s7] =	dma.local @!p2 [spmem:s23], $0x2F00  }
0x81: {  	_ =	swait.ge @!p2 [sflag:s29], $0x2F00  }
0x82: {  	s28 =	sadd.s32 $0x1, s28;
	[sflag:s29] =	ssyncset.done @!p2 $0x0  }
0x83: {  	p4 =	sne.s32 s28, s12;
	[sflag:s29] =	ssyncadd.s32 @!p2 $0xFFFFD100;
	s29 =	sshrl.u32 @!p3 s6, $0x3  }
0x84: {  	[hbm:s10], [sflag:s7] =	dma.local @!p3 [spmem:s29], $0x3100  }
.Ltmp1:
0x85: {  	_ = 	snop;
	(pc) =	sbr.rel @p4 .LBB2_1-.Ltmp1, $4  }
0x86: {  	s29 =	simm.s32 @!p3 $0x2  }
0x87: {  	_ =	swait.ge @!p3 [sflag:s29], $0x3100  }
0x88: {  	[sflag:s29] =	ssyncset.done @!p3 $0x0  }
0x89: {  	[sflag:s29] =	ssyncadd.s32 @!p3 $0xFFFFCF00  }
0x8a: {  	_ =	sfence.sel $0x180000  }
0x8b: {  	[bflag:$0x0] =	sbarrier.arrive $0xFFFF  }
0x8c: {  	p0 =	sne.s32 s2, $0x0;
	_ =	strace $0x90000053  }
0x8d: {  	s0 =	sadd.s32 @!p0 $0x100000, s0;
	[bflag:$0x2] =	sbarrier.arrive $0xFFFF  }
0x8e: {  	[sflag:s0] =	ssyncadd.tile.s32 @!p0 $0x1;
	_ =	shalt  }
.Lfunc_end2:
_tile_overlayer_lowered:
.L_overlay_start_2:
0x8f: {  	(tag) =	ssettag $0x2  }
0x90: {  	s0 =	rddreg [dreg:$0x0];
	s2 =	stileid.u32  }
0x91: {  	s1 =	rddreg [dreg:$0x1];
	p0 =	sne.s32 s2, $0x0  }
0x92: {  	s3 =	rddreg [dreg:$0x2];
	[bflag:$0x3] =	sbarrier.arrive $0xFFFF;
	s2 =	simm.s32 @!p0 $0x1C02  }
0x93: {  	[timem:s3], [sflag:s2] =	dma.local @!p0 [hbm:s0], s1  }
0x94: {  	s0 =	simm.s32 @!p0 $0x2  }
0x95: {  	_ =	swait.ge @!p0 [sflag:s0], s1  }
0x96: {  	s1 =	ssub.s32 @!p0 $0x0, s1;
	[sflag:s0] =	ssyncset.done @!p0 $0x0  }
0x97: {  	[sflag:s0] =	ssyncadd.s32 @!p0 s1  }
0x98: {  	[bflag:$0x3] =	sbarrier.arrive $0xFFFF  }
0x99: {  	_ =	shalt  }

</sc_bundles>
